<compile_context>
chip_gen: v7x
topology: tpu7x:2x2x1
jax: 0.10.2.dev20260603
libtpu: 0.0.44.dev20260713+nightly
codegen_flags: <defaults>
</compile_context>

<pallas_src>
import jax
import jax.numpy as jnp
import numpy as np
from jax import lax
from jax.experimental import pallas as pl
from jax.experimental.pallas import tpu as pltpu
from jax.experimental.pallas import tpu_sc as plsc

_B = 16384
_C = 128
_K = 24
_DELTA_OMEGA = float(np.log(30.0) / 23.0)
_TAU_OFFSET = float(np.log(24.0))
_LN2 = float(np.log(2.0))

_P0 = -2.7941536765361863
_P1 = 5.069756316633883
_P2 = -3.5202188381464623
_P3 = 1.6101775468974928
_P4 = -0.40947558576670895
_P5 = 0.04392862784798757

_NC = 2
_NS = 16
_NW = _NC * _NS
_RPT = _B // _NW
_CHB = 128
_NCHB = _RPT // _CHB
_NG = _RPT // 16


def _log_poly(m):
    r = _P5
    r = r * m + _P4
    r = r * m + _P3
    r = r * m + _P2
    r = r * m + _P1
    return r * m + _P0


def _sc_body(tab, cellT, wf, bf, out,
             cbuf, albuf, ilo, ihi, dlo0, dhi0, dlo1, dhi1, wbuf, bbuf, obuf,
             sem0, sem1, sem2, sem3):
    wid = lax.axis_index("s") * _NC + lax.axis_index("c")
    base = wid * _RPT

    pltpu.sync_copy(cellT.at[:, pl.ds(base, _RPT)], cbuf)
    pltpu.sync_copy(wf, wbuf)
    pltpu.sync_copy(bf, bbuf)
    iota = lax.iota(jnp.int32, 16)

    wv = [[wbuf[pl.ds(o * _C + g * 16, 16)] for g in range(_C // 16)]
          for o in range(3)]
    zero = jnp.zeros((16,), jnp.float32)
    bvec = [jnp.where(iota == 0,
                      plsc.load_gather(bbuf, [jnp.full((16,), o, jnp.int32)]),
                      zero)
            for o in range(3)]

    def build(g, c):
        c0 = cbuf[0, pl.ds(g * 16, 16)]
        c1 = cbuf[1, pl.ds(g * 16, 16)]
        x = jnp.maximum(c0 * c1, 1e-20)
        bits = plsc.bitcast(x, jnp.int32)
        e = lax.shift_right_arithmetic(bits, 23) - 127
        mant = plsc.bitcast(
            jnp.bitwise_or(jnp.bitwise_and(bits, 0x7FFFFF), 0x3F800000),
            jnp.float32)
        lnx = (e.astype(jnp.float32) + _log_poly(mant)) * _LN2
        tau = (-0.5 * lnx - _TAU_OFFSET) * (1.0 / _DELTA_OMEGA)
        tcl = jnp.clip(tau, 0.0, float(_K - 2) + 0.999995)
        kl = tcl.astype(jnp.int32)
        al = jnp.clip(tau - kl.astype(jnp.float32), 0.0, 1.0)
        albuf[pl.ds(g * 16, 16)] = al
        idx = (base + g * 16 + iota) * _K + kl
        ilo[pl.ds(g * 16, 16)] = idx
        ihi[pl.ds(g * 16, 16)] = idx + 1
        return c

    lax.fori_loop(0, _NG, build, 0)

    bufs = [(dlo0, dhi0, sem0, sem1), (dlo1, dhi1, sem2, sem3)]

    def start(ch):
        dl, dh, sl, sh = bufs[ch % 2]
        pltpu.async_copy(tab.at[ilo.at[pl.ds(ch * _CHB, _CHB)]], dl, sl)
        pltpu.async_copy(tab.at[ihi.at[pl.ds(ch * _CHB, _CHB)]], dh, sh)

    def wait(ch):
        dl, dh, sl, sh = bufs[ch % 2]
        pltpu.make_async_copy(tab.at[ilo.at[pl.ds(0, _CHB)]], dl, sl).wait()
        pltpu.make_async_copy(tab.at[ihi.at[pl.ds(0, _CHB)]], dh, sh).wait()

    start(0)
    start(1)

    tau_init = (bvec[0], bvec[1], bvec[2])

    for ch in range(_NCHB):
        wait(ch)
        dl, dh, _, _ = bufs[ch % 2]

        def pair(j, ov):
            ov0, ov1, ov2 = ov
            sums = []
            for u in range(4):
                i = 4 * j + u
                a16 = plsc.load_gather(
                    albuf,
                    [jnp.full((16,), ch * _CHB, jnp.int32) + i])
                t0 = bvec[0]
                t1 = bvec[1]
                t2 = bvec[2]
                for g in range(_C // 16):
                    lo = dl[i, pl.ds(g * 16, 16)]
                    hi = dh[i, pl.ds(g * 16, 16)]
                    hr = lo + a16 * (hi - lo)
                    t0 = t0 + hr * wv[0][g]
                    t1 = t1 + hr * wv[1][g]
                    t2 = t2 + hr * wv[2][g]
                sums.append((jnp.sum(t0), jnp.sum(t1), jnp.sum(t2)))
            lane0 = jnp.bitwise_and(4 * j, 15)
            for u in range(4):
                su0, su1, su2 = sums[u]
                ov0 = jnp.where(iota == lane0 + u, su0, ov0)
                ov1 = jnp.where(iota == lane0 + u, su1, ov1)
                ov2 = jnp.where(iota == lane0 + u, su2, ov2)
            flush = lane0 == 12

            @pl.when(flush)
            def _():
                st = ch * _CHB + 4 * j - 12
                obuf[0, pl.ds(st, 16)] = ov0
                obuf[1, pl.ds(st, 16)] = ov1
                obuf[2, pl.ds(st, 16)] = ov2

            ov0 = jnp.where(flush, zero, ov0)
            ov1 = jnp.where(flush, zero, ov1)
            ov2 = jnp.where(flush, zero, ov2)
            return (ov0, ov1, ov2)

        lax.fori_loop(0, _CHB // 4, pair, tau_init)
        if ch + 2 < _NCHB:
            start(ch + 2)

    pltpu.sync_copy(obuf, out.at[:, pl.ds(base, _RPT)])


def _sc_call(tab, cellT, wf, bf):
    mesh = plsc.VectorSubcoreMesh(core_axis_name="c", subcore_axis_name="s")
    return pl.kernel(
        _sc_body,
        out_type=jax.ShapeDtypeStruct((3, _B), jnp.float32),
        mesh=mesh,
        compiler_params=pltpu.CompilerParams(use_tc_tiling_on_sc=False,
                                             needs_layout_passes=False),
        scratch_types=[
            pltpu.VMEM((2, _RPT), jnp.float32),
            pltpu.VMEM((_RPT,), jnp.float32),
            pltpu.VMEM((_RPT,), jnp.int32),
            pltpu.VMEM((_RPT,), jnp.int32),
            pltpu.VMEM((_CHB, _C), jnp.float32),
            pltpu.VMEM((_CHB, _C), jnp.float32),
            pltpu.VMEM((_CHB, _C), jnp.float32),
            pltpu.VMEM((_CHB, _C), jnp.float32),
            pltpu.VMEM((3 * _C,), jnp.float32),
            pltpu.VMEM((16,), jnp.float32),
            pltpu.VMEM((3, _RPT), jnp.float32),
            pltpu.SemaphoreType.DMA,
            pltpu.SemaphoreType.DMA,
            pltpu.SemaphoreType.DMA,
            pltpu.SemaphoreType.DMA,
        ],
    )(tab, cellT, wf, bf)


def kernel(h, cell, W, b):
    Bn, C_h, Kn = h.shape
    tab = jnp.transpose(h, (0, 2, 1)).reshape(Bn * Kn, C_h)
    cellT = cell.T
    wf = W.reshape(3 * C_h)
    bf = jnp.zeros((16,), jnp.float32).at[:3].set(b)
    o3 = _sc_call(tab, cellT, wf, bf)
    return o3.T

# --- scband reference (transcript-rebuilt; emitter-appended) ---
"""Pipeline reference for scband-scale-readout-index-10376640987212 (READ-ONLY COPY).

The authoritative reference and input builder live on the scoring server;
editing this copy changes nothing except your own understanding.
"""

import jax, jax.numpy as jnp
import numpy as np

B = 16384
C_H = 128
K = 24
DELTA_OMEGA = float(np.log(30.0) / 23.0)
TAU_OFFSET = float(np.log(24.0))


def setup_inputs(seed: int = 0) -> dict:
    key = jax.random.key(seed)
    k1, k2, k3, k4 = jax.random.split(key, 4)
    h = jax.random.normal(k1, (B, C_H, K), dtype=jnp.float32)
    cell = jax.random.uniform(k2, (B, 2), dtype=jnp.float32, minval=0.0, maxval=1.0)
    # nn.Linear(C_h, 3) parameters
    bound = 1.0 / np.sqrt(C_H)
    W = jax.random.uniform(k3, (3, C_H), dtype=jnp.float32, minval=-bound, maxval=bound)
    b = jax.random.uniform(k4, (3,), dtype=jnp.float32, minval=-bound, maxval=bound)
    return {"h": h, "cell": cell, "W": W, "b": b}


def reference(h, cell, W, b):
    Bn, C_h, Kn = h.shape
    # _compute_tau
    cell_geomean = jnp.clip(jnp.sqrt(cell[:, 0] * cell[:, 1]), 1e-10, None)
    log_cell_inv = -jnp.log(cell_geomean)
    tau = (log_cell_inv - TAU_OFFSET) / DELTA_OMEGA
    # index computation
    k_low = jnp.clip(jnp.floor(tau).astype(jnp.int32), 0, Kn - 2)
    k_high = jnp.minimum(k_low + 1, Kn - 1)
    alpha = jnp.clip(tau - k_low.astype(jnp.float32), 0.0, 1.0)
    # gather along frequency axis
    hp = jnp.transpose(h, (0, 2, 1))  # [B, K, C_h]
    idx_low = jnp.broadcast_to(k_low[:, None, None], (Bn, 1, C_h))
    idx_high = jnp.broadcast_to(k_high[:, None, None], (Bn, 1, C_h))
    h_low = jnp.take_along_axis(hp, idx_low, axis=1)[:, 0, :]
    h_high = jnp.take_along_axis(hp, idx_high, axis=1)[:, 0, :]
    h_read = (1.0 - alpha[:, None]) * h_low + alpha[:, None] * h_high
    # to_rgb linear
    return h_read @ W.T + b

if __name__ == "__main__":
    import jax
    _d = setup_inputs()
    print(jax.jit(kernel)(*tuple(_d.values())))

</pallas_src>

<mosaic_0001>
#map = affine_map<(d0, d1) -> (0, 0)>
#map1 = affine_map<(d0, d1) -> (0)>
module attributes {stable_mosaic.version = 14 : i64} {
  func.func @_sc_body(%arg0: i32, %arg1: i32, %arg2: memref<393216x128xf32, #tpu.memory_space<hbm>>, %arg3: memref<2x16384xf32, #tpu.memory_space<hbm>>, %arg4: memref<384xf32, #tpu.memory_space<hbm>>, %arg5: memref<16xf32, #tpu.memory_space<hbm>>, %arg6: memref<3x16384xf32, #tpu.memory_space<hbm>>, %arg7: memref<2x512xf32, #tpu.memory_space<vmem>>, %arg8: memref<512xf32, #tpu.memory_space<vmem>>, %arg9: memref<512xi32, #tpu.memory_space<vmem>>, %arg10: memref<512xi32, #tpu.memory_space<vmem>>, %arg11: memref<128x128xf32, #tpu.memory_space<vmem>>, %arg12: memref<128x128xf32, #tpu.memory_space<vmem>>, %arg13: memref<128x128xf32, #tpu.memory_space<vmem>>, %arg14: memref<128x128xf32, #tpu.memory_space<vmem>>, %arg15: memref<384xf32, #tpu.memory_space<vmem>>, %arg16: memref<16xf32, #tpu.memory_space<vmem>>, %arg17: memref<3x512xf32, #tpu.memory_space<vmem>>, %arg18: memref<!tpu.dma_semaphore, #tpu.memory_space<semaphore_mem>>, %arg19: memref<!tpu.dma_semaphore, #tpu.memory_space<semaphore_mem>>, %arg20: memref<!tpu.dma_semaphore, #tpu.memory_space<semaphore_mem>>, %arg21: memref<!tpu.dma_semaphore, #tpu.memory_space<semaphore_mem>>) attributes {dimension_semantics = [#tpu.dimension_semantics<core_parallel>, #tpu.dimension_semantics<subcore_parallel>], iteration_bounds = array<i64: 2, 16>, scalar_prefetch = 0 : i64, scratch_operands = 15 : i64, tpu.core_type = #tpu.core_type<sc_vector_subcore>, window_params = [{transform_indices = #map}, {transform_indices = #map}, {transform_indices = #map1}, {transform_indices = #map1}, {transform_indices = #map}]} {
    %mul3A = arith.constant 2 : i32
    %mul3A_0 = arith.muli %arg1, %mul3A : i32
    %add3A = arith.addi %mul3A_0, %arg0 : i32
    %mul3A_1 = arith.constant 512 : i32
    %mul3A_2 = arith.muli %add3A, %mul3A_1 : i32
    "tpu.region"() ({
      %run_scoped3A = tpu.sem_alloc : memref<!tpu.dma_semaphore, #tpu.memory_space<semaphore_mem>>
      %dma_start3A_176 = arith.constant 0 : i32
      %dma_start3A_177 = tpu.memref_slice %arg3[%dma_start3A_176, %mul3A_2] : memref<2x16384xf32, #tpu.memory_space<hbm>> -> memref<2x512xf32, #tpu.memory_space<hbm>>
      %dma_start3A_178 = arith.constant 0 : i32
      %dma_start3A_179 = tpu.memref_slice %arg3[%dma_start3A_178, %mul3A_2] : memref<2x16384xf32, #tpu.memory_space<hbm>> -> memref<2x512xf32, #tpu.memory_space<hbm>>
      tpu.enqueue_dma source(%dma_start3A_179 : memref<2x512xf32, #tpu.memory_space<hbm>>) target(%arg7 : memref<2x512xf32, #tpu.memory_space<vmem>>) target_semaphore(%run_scoped3A : memref<!tpu.dma_semaphore, #tpu.memory_space<semaphore_mem>>)
      %dma_wait3A_180 = arith.constant 0 : i32
      %dma_wait3A_181 = tpu.memref_slice %arg3[%dma_wait3A_180, %mul3A_2] : memref<2x16384xf32, #tpu.memory_space<hbm>> -> memref<2x512xf32, #tpu.memory_space<hbm>>
      %dma_wait3A_182 = arith.constant 0 : i32
      %dma_wait3A_183 = tpu.memref_slice %arg3[%dma_wait3A_182, %mul3A_2] : memref<2x16384xf32, #tpu.memory_space<hbm>> -> memref<2x512xf32, #tpu.memory_space<hbm>>
      tpu.wait_dma2 semaphore(%run_scoped3A : memref<!tpu.dma_semaphore, #tpu.memory_space<semaphore_mem>>) src(%dma_wait3A_183 : memref<2x512xf32, #tpu.memory_space<hbm>>) dst(%arg7 : memref<2x512xf32, #tpu.memory_space<vmem>>)
      tpu.yield
    }) : () -> ()
    "tpu.region"() ({
      %run_scoped3A = tpu.sem_alloc : memref<!tpu.dma_semaphore, #tpu.memory_space<semaphore_mem>>
      tpu.enqueue_dma source(%arg4 : memref<384xf32, #tpu.memory_space<hbm>>) target(%arg15 : memref<384xf32, #tpu.memory_space<vmem>>) target_semaphore(%run_scoped3A : memref<!tpu.dma_semaphore, #tpu.memory_space<semaphore_mem>>)
      tpu.wait_dma2 semaphore(%run_scoped3A : memref<!tpu.dma_semaphore, #tpu.memory_space<semaphore_mem>>) src(%arg4 : memref<384xf32, #tpu.memory_space<hbm>>) dst(%arg15 : memref<384xf32, #tpu.memory_space<vmem>>)
      tpu.yield
    }) : () -> ()
    "tpu.region"() ({
      %run_scoped3A = tpu.sem_alloc : memref<!tpu.dma_semaphore, #tpu.memory_space<semaphore_mem>>
      tpu.enqueue_dma source(%arg5 : memref<16xf32, #tpu.memory_space<hbm>>) target(%arg16 : memref<16xf32, #tpu.memory_space<vmem>>) target_semaphore(%run_scoped3A : memref<!tpu.dma_semaphore, #tpu.memory_space<semaphore_mem>>)
      tpu.wait_dma2 semaphore(%run_scoped3A : memref<!tpu.dma_semaphore, #tpu.memory_space<semaphore_mem>>) src(%arg5 : memref<16xf32, #tpu.memory_space<hbm>>) dst(%arg16 : memref<16xf32, #tpu.memory_space<vmem>>)
      tpu.yield
    }) : () -> ()
    %iota3A = tpu.iota {dimensions = array<i32: 0>} : vector<16xi32>
    %get3A = arith.constant 0 : index
    %get3A_3 = tpu.vector_load %arg15[%get3A] {strides = array<i32>} : memref<384xf32, #tpu.memory_space<vmem>>, vector<16xf32>,
    %get3A_4 = arith.constant 16 : index
    %get3A_5 = tpu.vector_load %arg15[%get3A_4] {strides = array<i32>} : memref<384xf32, #tpu.memory_space<vmem>>, vector<16xf32>,
    %get3A_6 = arith.constant 32 : index
    %get3A_7 = tpu.vector_load %arg15[%get3A_6] {strides = array<i32>} : memref<384xf32, #tpu.memory_space<vmem>>, vector<16xf32>,
    %get3A_8 = arith.constant 48 : index
    %get3A_9 = tpu.vector_load %arg15[%get3A_8] {strides = array<i32>} : memref<384xf32, #tpu.memory_space<vmem>>, vector<16xf32>,
    %get3A_10 = arith.constant 64 : index
    %get3A_11 = tpu.vector_load %arg15[%get3A_10] {strides = array<i32>} : memref<384xf32, #tpu.memory_space<vmem>>, vector<16xf32>,
    %get3A_12 = arith.constant 80 : index
    %get3A_13 = tpu.vector_load %arg15[%get3A_12] {strides = array<i32>} : memref<384xf32, #tpu.memory_space<vmem>>, vector<16xf32>,
    %get3A_14 = arith.constant 96 : index
    %get3A_15 = tpu.vector_load %arg15[%get3A_14] {strides = array<i32>} : memref<384xf32, #tpu.memory_space<vmem>>, vector<16xf32>,
    %get3A_16 = arith.constant 112 : index
    %get3A_17 = tpu.vector_load %arg15[%get3A_16] {strides = array<i32>} : memref<384xf32, #tpu.memory_space<vmem>>, vector<16xf32>,
    %get3A_18 = arith.constant 128 : index
    %get3A_19 = tpu.vector_load %arg15[%get3A_18] {strides = array<i32>} : memref<384xf32, #tpu.memory_space<vmem>>, vector<16xf32>,
    %get3A_20 = arith.constant 144 : index
    %get3A_21 = tpu.vector_load %arg15[%get3A_20] {strides = array<i32>} : memref<384xf32, #tpu.memory_space<vmem>>, vector<16xf32>,
    %get3A_22 = arith.constant 160 : index
    %get3A_23 = tpu.vector_load %arg15[%get3A_22] {strides = array<i32>} : memref<384xf32, #tpu.memory_space<vmem>>, vector<16xf32>,
    %get3A_24 = arith.constant 176 : index
    %get3A_25 = tpu.vector_load %arg15[%get3A_24] {strides = array<i32>} : memref<384xf32, #tpu.memory_space<vmem>>, vector<16xf32>,
    %get3A_26 = arith.constant 192 : index
    %get3A_27 = tpu.vector_load %arg15[%get3A_26] {strides = array<i32>} : memref<384xf32, #tpu.memory_space<vmem>>, vector<16xf32>,
    %get3A_28 = arith.constant 208 : index
    %get3A_29 = tpu.vector_load %arg15[%get3A_28] {strides = array<i32>} : memref<384xf32, #tpu.memory_space<vmem>>, vector<16xf32>,
    %get3A_30 = arith.constant 224 : index
    %get3A_31 = tpu.vector_load %arg15[%get3A_30] {strides = array<i32>} : memref<384xf32, #tpu.memory_space<vmem>>, vector<16xf32>,
    %get3A_32 = arith.constant 240 : index
    %get3A_33 = tpu.vector_load %arg15[%get3A_32] {strides = array<i32>} : memref<384xf32, #tpu.memory_space<vmem>>, vector<16xf32>,
    %get3A_34 = arith.constant 256 : index
    %get3A_35 = tpu.vector_load %arg15[%get3A_34] {strides = array<i32>} : memref<384xf32, #tpu.memory_space<vmem>>, vector<16xf32>,
    %get3A_36 = arith.constant 272 : index
    %get3A_37 = tpu.vector_load %arg15[%get3A_36] {strides = array<i32>} : memref<384xf32, #tpu.memory_space<vmem>>, vector<16xf32>,
    %get3A_38 = arith.constant 288 : index
    %get3A_39 = tpu.vector_load %arg15[%get3A_38] {strides = array<i32>} : memref<384xf32, #tpu.memory_space<vmem>>, vector<16xf32>,
    %get3A_40 = arith.constant 304 : index
    %get3A_41 = tpu.vector_load %arg15[%get3A_40] {strides = array<i32>} : memref<384xf32, #tpu.memory_space<vmem>>, vector<16xf32>,
    %get3A_42 = arith.constant 320 : index
    %get3A_43 = tpu.vector_load %arg15[%get3A_42] {strides = array<i32>} : memref<384xf32, #tpu.memory_space<vmem>>, vector<16xf32>,
    %get3A_44 = arith.constant 336 : index
    %get3A_45 = tpu.vector_load %arg15[%get3A_44] {strides = array<i32>} : memref<384xf32, #tpu.memory_space<vmem>>, vector<16xf32>,
    %get3A_46 = arith.constant 352 : index
    %get3A_47 = tpu.vector_load %arg15[%get3A_46] {strides = array<i32>} : memref<384xf32, #tpu.memory_space<vmem>>, vector<16xf32>,
    %get3A_48 = arith.constant 368 : index
    %get3A_49 = tpu.vector_load %arg15[%get3A_48] {strides = array<i32>} : memref<384xf32, #tpu.memory_space<vmem>>, vector<16xf32>,
    %broadcast_in_dim3A = arith.constant 0.000000e+00 : f32
    %broadcast_in_dim3A_50 = vector.broadcast %broadcast_in_dim3A : f32 to vector<16xf32>
    %eq3A = arith.constant 0 : i32
    %eq3A_51 = vector.broadcast %eq3A : i32 to vector<16xi32>
    %eq3A_52 = arith.cmpi eq, %iota3A, %eq3A_51 : vector<16xi32>
    %broadcast_in_dim3A_53 = arith.constant 0 : i32
    %broadcast_in_dim3A_54 = vector.broadcast %broadcast_in_dim3A_53 : i32 to vector<16xi32>
    %gather3A = tpu.vector_load_idx %arg16[%broadcast_in_dim3A_54] : memref<16xf32, #tpu.memory_space<vmem>>[vector<16xi32>], vector<16xf32>,
    %select_n3A = arith.select %eq3A_52, %gather3A, %broadcast_in_dim3A_50 : vector<16xi1>, vector<16xf32>
    %eq3A_55 = arith.constant 0 : i32
    %eq3A_56 = vector.broadcast %eq3A_55 : i32 to vector<16xi32>
    %eq3A_57 = arith.cmpi eq, %iota3A, %eq3A_56 : vector<16xi32>
    %broadcast_in_dim3A_58 = arith.constant 1 : i32
    %broadcast_in_dim3A_59 = vector.broadcast %broadcast_in_dim3A_58 : i32 to vector<16xi32>
    %gather3A_60 = tpu.vector_load_idx %arg16[%broadcast_in_dim3A_59] : memref<16xf32, #tpu.memory_space<vmem>>[vector<16xi32>], vector<16xf32>,
    %select_n3A_61 = arith.select %eq3A_57, %gather3A_60, %broadcast_in_dim3A_50 : vector<16xi1>, vector<16xf32>
    %eq3A_62 = arith.constant 0 : i32
    %eq3A_63 = vector.broadcast %eq3A_62 : i32 to vector<16xi32>
    %eq3A_64 = arith.cmpi eq, %iota3A, %eq3A_63 : vector<16xi32>
    %broadcast_in_dim3A_65 = arith.constant 2 : i32
    %broadcast_in_dim3A_66 = vector.broadcast %broadcast_in_dim3A_65 : i32 to vector<16xi32>
    %gather3A_67 = tpu.vector_load_idx %arg16[%broadcast_in_dim3A_66] : memref<16xf32, #tpu.memory_space<vmem>>[vector<16xi32>], vector<16xf32>,
    %select_n3A_68 = arith.select %eq3A_64, %gather3A_67, %broadcast_in_dim3A_50 : vector<16xi1>, vector<16xf32>
    %scan3A = arith.constant 0 : i32
    %scan3A_69 = arith.constant 0 : i32
    %scan3A_70 = arith.constant 32 : i32
    %scan3A_71 = arith.addi %scan3A_69, %scan3A_70 : i32
    %scan3A_72 = arith.constant 1 : i32
    scf.for %scan3A_176 = %scan3A_69 to %scan3A_71 step %scan3A_72  : i32 {
      %mul3A_177 = arith.constant 16 : i32
      %mul3A_178 = arith.muli %scan3A_176, %mul3A_177 : i32
      %get3A_179 = arith.constant 0 : i32
      %get3A_180 = arith.index_cast %get3A_179 : i32 to index
      %get3A_181 = arith.index_cast %mul3A_178 : i32 to index
      %get3A_182 = tpu.vector_load %arg7[%get3A_180, %get3A_181] {strides = array<i32>} : memref<2x512xf32, #tpu.memory_space<vmem>>, vector<16xf32>,
      %mul3A_183 = arith.constant 16 : i32
      %mul3A_184 = arith.muli %scan3A_176, %mul3A_183 : i32
      %get3A_185 = arith.constant 1 : i32
      %get3A_186 = arith.index_cast %get3A_185 : i32 to index
      %get3A_187 = arith.index_cast %mul3A_184 : i32 to index
      %get3A_188 = tpu.vector_load %arg7[%get3A_186, %get3A_187] {strides = array<i32>} : memref<2x512xf32, #tpu.memory_space<vmem>>, vector<16xf32>,
      %mul3A_189 = arith.mulf %get3A_182, %get3A_188 : vector<16xf32>
      %max3A = arith.constant 9.99999968E-21 : f32
      %max3A_190 = vector.broadcast %max3A : f32 to vector<16xf32>
      %max3A_191 = arith.maximumf %mul3A_189, %max3A_190 : vector<16xf32>
      %bitcast3A = vector.bitcast %max3A_191 : vector<16xf32> to vector<16xi32>
      %shift_right_arithmetic3A = arith.constant 23 : i32
      %shift_right_arithmetic3A_192 = vector.broadcast %shift_right_arithmetic3A : i32 to vector<16xi32>
      %shift_right_arithmetic3A_193 = arith.shrsi %bitcast3A, %shift_right_arithmetic3A_192 : vector<16xi32>
      %sub3A = arith.constant 127 : i32
      %sub3A_194 = vector.broadcast %sub3A : i32 to vector<16xi32>
      %sub3A_195 = arith.subi %shift_right_arithmetic3A_193, %sub3A_194 : vector<16xi32>
      %and3A = arith.constant 8388607 : i32
      %and3A_196 = vector.broadcast %and3A : i32 to vector<16xi32>
      %and3A_197 = arith.andi %bitcast3A, %and3A_196 : vector<16xi32>
      %or3A = arith.constant 1065353216 : i32
      %or3A_198 = vector.broadcast %or3A : i32 to vector<16xi32>
      %or3A_199 = arith.ori %and3A_197, %or3A_198 : vector<16xi32>
      %bitcast3A_200 = vector.bitcast %or3A_199 : vector<16xi32> to vector<16xf32>
      %convert_element_type3A = arith.sitofp %sub3A_195 : vector<16xi32> to vector<16xf32>
      %mul3A_201 = arith.constant 0.0439286269 : f32
      %mul3A_202 = vector.broadcast %mul3A_201 : f32 to vector<16xf32>
      %mul3A_203 = arith.mulf %mul3A_202, %bitcast3A_200 : vector<16xf32>
      %add3A_204 = arith.constant -0.409475595 : f32
      %add3A_205 = vector.broadcast %add3A_204 : f32 to vector<16xf32>
      %add3A_206 = arith.addf %mul3A_203, %add3A_205 : vector<16xf32>
      %mul3A_207 = arith.mulf %add3A_206, %bitcast3A_200 : vector<16xf32>
      %add3A_208 = arith.constant 1.61017752 : f32
      %add3A_209 = vector.broadcast %add3A_208 : f32 to vector<16xf32>
      %add3A_210 = arith.addf %mul3A_207, %add3A_209 : vector<16xf32>
      %mul3A_211 = arith.mulf %add3A_210, %bitcast3A_200 : vector<16xf32>
      %add3A_212 = arith.constant -3.52021885 : f32
      %add3A_213 = vector.broadcast %add3A_212 : f32 to vector<16xf32>
      %add3A_214 = arith.addf %mul3A_211, %add3A_213 : vector<16xf32>
      %mul3A_215 = arith.mulf %add3A_214, %bitcast3A_200 : vector<16xf32>
      %add3A_216 = arith.constant 5.06975651 : f32
      %add3A_217 = vector.broadcast %add3A_216 : f32 to vector<16xf32>
      %add3A_218 = arith.addf %mul3A_215, %add3A_217 : vector<16xf32>
      %mul3A_219 = arith.mulf %add3A_218, %bitcast3A_200 : vector<16xf32>
      %add3A_220 = arith.constant -2.79415369 : f32
      %add3A_221 = vector.broadcast %add3A_220 : f32 to vector<16xf32>
      %add3A_222 = arith.addf %mul3A_219, %add3A_221 : vector<16xf32>
      %add3A_223 = arith.addf %convert_element_type3A, %add3A_222 : vector<16xf32>
      %mul3A_224 = arith.constant 0.693147182 : f32
      %mul3A_225 = vector.broadcast %mul3A_224 : f32 to vector<16xf32>
      %mul3A_226 = arith.mulf %add3A_223, %mul3A_225 : vector<16xf32>
      %mul3A_227 = arith.constant -5.000000e-01 : f32
      %mul3A_228 = vector.broadcast %mul3A_227 : f32 to vector<16xf32>
      %mul3A_229 = arith.mulf %mul3A_228, %mul3A_226 : vector<16xf32>
      %sub3A_230 = arith.constant 3.17805386 : f32
      %sub3A_231 = vector.broadcast %sub3A_230 : f32 to vector<16xf32>
      %sub3A_232 = arith.subf %mul3A_229, %sub3A_231 : vector<16xf32>
      %mul3A_233 = arith.constant 6.76232433 : f32
      %mul3A_234 = vector.broadcast %mul3A_233 : f32 to vector<16xf32>
      %mul3A_235 = arith.mulf %sub3A_232, %mul3A_234 : vector<16xf32>
      %jit3A = arith.constant 0.000000e+00 : f32
      %jit3A_236 = arith.constant 22.9999943 : f32
      %max3A_237 = vector.broadcast %jit3A : f32 to vector<16xf32>
      %max3A_238 = arith.maximumf %max3A_237, %mul3A_235 : vector<16xf32>
      %min3A = vector.broadcast %jit3A_236 : f32 to vector<16xf32>
      %min3A_239 = arith.minimumf %min3A, %max3A_238 : vector<16xf32>
      %convert_element_type3A_240 = arith.fptosi %min3A_239 : vector<16xf32> to vector<16xi32>
      %convert_element_type3A_241 = arith.sitofp %convert_element_type3A_240 : vector<16xi32> to vector<16xf32>
      %sub3A_242 = arith.subf %mul3A_235, %convert_element_type3A_241 : vector<16xf32>
      %jit3A_243 = arith.constant 0.000000e+00 : f32
      %jit3A_244 = arith.constant 1.000000e+00 : f32
      %max3A_245 = vector.broadcast %jit3A_243 : f32 to vector<16xf32>
      %max3A_246 = arith.maximumf %max3A_245, %sub3A_242 : vector<16xf32>
      %min3A_247 = vector.broadcast %jit3A_244 : f32 to vector<16xf32>
      %min3A_248 = arith.minimumf %min3A_247, %max3A_246 : vector<16xf32>
      %mul3A_249 = arith.constant 16 : i32
      %mul3A_250 = arith.muli %scan3A_176, %mul3A_249 : i32
      %swap3A = arith.index_cast %mul3A_250 : i32 to index
      %swap3A_251 = tpu.vector_load %arg8[%swap3A] {strides = array<i32>} : memref<512xf32, #tpu.memory_space<vmem>>, vector<16xf32>,
      tpu.vector_store %arg8[%swap3A], %min3A_248 {strides = array<i32>} : memref<512xf32, #tpu.memory_space<vmem>>, vector<16xf32>,
      %mul3A_252 = arith.constant 16 : i32
      %mul3A_253 = arith.muli %scan3A_176, %mul3A_252 : i32
      %add3A_254 = arith.addi %mul3A_2, %mul3A_253 : i32
      %add3A_255 = vector.broadcast %add3A_254 : i32 to vector<16xi32>
      %add3A_256 = arith.addi %add3A_255, %iota3A : vector<16xi32>
      %mul3A_257 = arith.constant 24 : i32
      %mul3A_258 = vector.broadcast %mul3A_257 : i32 to vector<16xi32>
      %mul3A_259 = arith.muli %add3A_256, %mul3A_258 : vector<16xi32>
      %add3A_260 = arith.addi %mul3A_259, %convert_element_type3A_240 : vector<16xi32>
      %mul3A_261 = arith.constant 16 : i32
      %mul3A_262 = arith.muli %scan3A_176, %mul3A_261 : i32
      %swap3A_263 = arith.index_cast %mul3A_262 : i32 to index
      %swap3A_264 = tpu.vector_load %arg9[%swap3A_263] {strides = array<i32>} : memref<512xi32, #tpu.memory_space<vmem>>, vector<16xi32>,
      tpu.vector_store %arg9[%swap3A_263], %add3A_260 {strides = array<i32>} : memref<512xi32, #tpu.memory_space<vmem>>, vector<16xi32>,
      %add3A_265 = arith.constant 1 : i32
      %add3A_266 = vector.broadcast %add3A_265 : i32 to vector<16xi32>
      %add3A_267 = arith.addi %add3A_260, %add3A_266 : vector<16xi32>
      %mul3A_268 = arith.constant 16 : i32
      %mul3A_269 = arith.muli %scan3A_176, %mul3A_268 : i32
      %swap3A_270 = arith.index_cast %mul3A_269 : i32 to index
      %swap3A_271 = tpu.vector_load %arg10[%swap3A_270] {strides = array<i32>} : memref<512xi32, #tpu.memory_space<vmem>>, vector<16xi32>,
      tpu.vector_store %arg10[%swap3A_270], %add3A_267 {strides = array<i32>} : memref<512xi32, #tpu.memory_space<vmem>>, vector<16xi32>,
    }
    %scan3A_73 = arith.constant 32 : i32
    %dma_start3A = arith.constant 0 : i32
    %dma_start3A_74 = tpu.memref_slice %arg9[%dma_start3A] : memref<512xi32, #tpu.memory_space<vmem>> -> memref<128xi32, #tpu.memory_space<vmem>>
    %dma_start3A_75 = arith.constant 0 : i32
    %dma_start3A_76 = arith.constant 0 : i32
    %dma_start3A_77 = tpu.memref_slice %arg2[%dma_start3A_75, %dma_start3A_76] : memref<393216x128xf32, #tpu.memory_space<hbm>> -> memref<393216x128xf32, #tpu.memory_space<hbm>>
    tpu.enqueue_indirect_dma source(%dma_start3A_77 : memref<393216x128xf32, #tpu.memory_space<hbm>>) target(%arg11 : memref<128x128xf32, #tpu.memory_space<vmem>>) offsets(%dma_start3A_74 : memref<128xi32, #tpu.memory_space<vmem>>) semaphore(%arg18 : memref<!tpu.dma_semaphore, #tpu.memory_space<semaphore_mem>>)
    %dma_start3A_78 = arith.constant 0 : i32
    %dma_start3A_79 = tpu.memref_slice %arg10[%dma_start3A_78] : memref<512xi32, #tpu.memory_space<vmem>> -> memref<128xi32, #tpu.memory_space<vmem>>
    %dma_start3A_80 = arith.constant 0 : i32
    %dma_start3A_81 = arith.constant 0 : i32
    %dma_start3A_82 = tpu.memref_slice %arg2[%dma_start3A_80, %dma_start3A_81] : memref<393216x128xf32, #tpu.memory_space<hbm>> -> memref<393216x128xf32, #tpu.memory_space<hbm>>
    tpu.enqueue_indirect_dma source(%dma_start3A_82 : memref<393216x128xf32, #tpu.memory_space<hbm>>) target(%arg12 : memref<128x128xf32, #tpu.memory_space<vmem>>) offsets(%dma_start3A_79 : memref<128xi32, #tpu.memory_space<vmem>>) semaphore(%arg19 : memref<!tpu.dma_semaphore, #tpu.memory_space<semaphore_mem>>)
    %dma_start3A_83 = arith.constant 128 : i32
    %dma_start3A_84 = tpu.memref_slice %arg9[%dma_start3A_83] : memref<512xi32, #tpu.memory_space<vmem>> -> memref<128xi32, #tpu.memory_space<vmem>>
    %dma_start3A_85 = arith.constant 0 : i32
    %dma_start3A_86 = arith.constant 0 : i32
    %dma_start3A_87 = tpu.memref_slice %arg2[%dma_start3A_85, %dma_start3A_86] : memref<393216x128xf32, #tpu.memory_space<hbm>> -> memref<393216x128xf32, #tpu.memory_space<hbm>>
    tpu.enqueue_indirect_dma source(%dma_start3A_87 : memref<393216x128xf32, #tpu.memory_space<hbm>>) target(%arg13 : memref<128x128xf32, #tpu.memory_space<vmem>>) offsets(%dma_start3A_84 : memref<128xi32, #tpu.memory_space<vmem>>) semaphore(%arg20 : memref<!tpu.dma_semaphore, #tpu.memory_space<semaphore_mem>>)
    %dma_start3A_88 = arith.constant 128 : i32
    %dma_start3A_89 = tpu.memref_slice %arg10[%dma_start3A_88] : memref<512xi32, #tpu.memory_space<vmem>> -> memref<128xi32, #tpu.memory_space<vmem>>
    %dma_start3A_90 = arith.constant 0 : i32
    %dma_start3A_91 = arith.constant 0 : i32
    %dma_start3A_92 = tpu.memref_slice %arg2[%dma_start3A_90, %dma_start3A_91] : memref<393216x128xf32, #tpu.memory_space<hbm>> -> memref<393216x128xf32, #tpu.memory_space<hbm>>
    tpu.enqueue_indirect_dma source(%dma_start3A_92 : memref<393216x128xf32, #tpu.memory_space<hbm>>) target(%arg14 : memref<128x128xf32, #tpu.memory_space<vmem>>) offsets(%dma_start3A_89 : memref<128xi32, #tpu.memory_space<vmem>>) semaphore(%arg21 : memref<!tpu.dma_semaphore, #tpu.memory_space<semaphore_mem>>)
    %dma_wait3A = arith.constant 0 : i32
    %dma_wait3A_93 = tpu.memref_slice %arg9[%dma_wait3A] : memref<512xi32, #tpu.memory_space<vmem>> -> memref<128xi32, #tpu.memory_space<vmem>>
    %dma_wait3A_94 = arith.constant 0 : i32
    %dma_wait3A_95 = arith.constant 0 : i32
    %dma_wait3A_96 = tpu.memref_slice %arg2[%dma_wait3A_94, %dma_wait3A_95] : memref<393216x128xf32, #tpu.memory_space<hbm>> -> memref<393216x128xf32, #tpu.memory_space<hbm>>
    tpu.wait_indirect_dma semaphore(%arg18 : memref<!tpu.dma_semaphore, #tpu.memory_space<semaphore_mem>>) src(%dma_wait3A_96 : memref<393216x128xf32, #tpu.memory_space<hbm>>) dst(%arg11 : memref<128x128xf32, #tpu.memory_space<vmem>>)
    %dma_wait3A_97 = arith.constant 0 : i32
    %dma_wait3A_98 = tpu.memref_slice %arg10[%dma_wait3A_97] : memref<512xi32, #tpu.memory_space<vmem>> -> memref<128xi32, #tpu.memory_space<vmem>>
    %dma_wait3A_99 = arith.constant 0 : i32
    %dma_wait3A_100 = arith.constant 0 : i32
    %dma_wait3A_101 = tpu.memref_slice %arg2[%dma_wait3A_99, %dma_wait3A_100] : memref<393216x128xf32, #tpu.memory_space<hbm>> -> memref<393216x128xf32, #tpu.memory_space<hbm>>
    tpu.wait_indirect_dma semaphore(%arg19 : memref<!tpu.dma_semaphore, #tpu.memory_space<semaphore_mem>>) src(%dma_wait3A_101 : memref<393216x128xf32, #tpu.memory_space<hbm>>) dst(%arg12 : memref<128x128xf32, #tpu.memory_space<vmem>>)
    %scan3A_102 = arith.constant 0 : i32
    %scan3A_103 = arith.constant 32 : i32
    %scan3A_104 = arith.addi %scan3A_102, %scan3A_103 : i32
    %scan3A_105 = arith.constant 1 : i32
    %scan3A_106:3 = scf.for %scan3A_176 = %scan3A_102 to %scan3A_104 step %scan3A_105 iter_args(%scan3A_177 = %select_n3A, %scan3A_178 = %select_n3A_61, %scan3A_179 = %select_n3A_68) -> (vector<16xf32>, vector<16xf32>, vector<16xf32>)  : i32 {
      %mul3A_180 = arith.constant 4 : i32
      %mul3A_181 = arith.muli %mul3A_180, %scan3A_176 : i32
      %add3A_182 = arith.constant 0 : i32
      %add3A_183 = arith.addi %mul3A_181, %add3A_182 : i32
      %broadcast_in_dim3A_184 = arith.constant 0 : i32
      %broadcast_in_dim3A_185 = vector.broadcast %broadcast_in_dim3A_184 : i32 to vector<16xi32>
      %add3A_186 = vector.broadcast %add3A_183 : i32 to vector<16xi32>
      %add3A_187 = arith.addi %broadcast_in_dim3A_185, %add3A_186 : vector<16xi32>
      %gather3A_188 = tpu.vector_load_idx %arg8[%add3A_187] : memref<512xf32, #tpu.memory_space<vmem>>[vector<16xi32>], vector<16xf32>,
      %get3A_189 = arith.index_cast %add3A_183 : i32 to index
      %get3A_190 = arith.constant 0 : index
      %get3A_191 = tpu.vector_load %arg11[%get3A_189, %get3A_190] {strides = array<i32>} : memref<128x128xf32, #tpu.memory_space<vmem>>, vector<16xf32>,
      %get3A_192 = arith.index_cast %add3A_183 : i32 to index
      %get3A_193 = arith.constant 0 : index
      %get3A_194 = tpu.vector_load %arg12[%get3A_192, %get3A_193] {strides = array<i32>} : memref<128x128xf32, #tpu.memory_space<vmem>>, vector<16xf32>,
      %sub3A = arith.subf %get3A_194, %get3A_191 : vector<16xf32>
      %mul3A_195 = arith.mulf %gather3A_188, %sub3A : vector<16xf32>
      %add3A_196 = arith.addf %get3A_191, %mul3A_195 : vector<16xf32>
      %mul3A_197 = arith.mulf %add3A_196, %get3A_3 : vector<16xf32>
      %add3A_198 = arith.addf %select_n3A, %mul3A_197 : vector<16xf32>
      %mul3A_199 = arith.mulf %add3A_196, %get3A_19 : vector<16xf32>
      %add3A_200 = arith.addf %select_n3A_61, %mul3A_199 : vector<16xf32>
      %mul3A_201 = arith.mulf %add3A_196, %get3A_35 : vector<16xf32>
      %add3A_202 = arith.addf %select_n3A_68, %mul3A_201 : vector<16xf32>
      %get3A_203 = arith.index_cast %add3A_183 : i32 to index
      %get3A_204 = arith.constant 16 : index
      %get3A_205 = tpu.vector_load %arg11[%get3A_203, %get3A_204] {strides = array<i32>} : memref<128x128xf32, #tpu.memory_space<vmem>>, vector<16xf32>,
      %get3A_206 = arith.index_cast %add3A_183 : i32 to index
      %get3A_207 = arith.constant 16 : index
      %get3A_208 = tpu.vector_load %arg12[%get3A_206, %get3A_207] {strides = array<i32>} : memref<128x128xf32, #tpu.memory_space<vmem>>, vector<16xf32>,
      %sub3A_209 = arith.subf %get3A_208, %get3A_205 : vector<16xf32>
      %mul3A_210 = arith.mulf %gather3A_188, %sub3A_209 : vector<16xf32>
      %add3A_211 = arith.addf %get3A_205, %mul3A_210 : vector<16xf32>
      %mul3A_212 = arith.mulf %add3A_211, %get3A_5 : vector<16xf32>
      %add3A_213 = arith.addf %add3A_198, %mul3A_212 : vector<16xf32>
      %mul3A_214 = arith.mulf %add3A_211, %get3A_21 : vector<16xf32>
      %add3A_215 = arith.addf %add3A_200, %mul3A_214 : vector<16xf32>
      %mul3A_216 = arith.mulf %add3A_211, %get3A_37 : vector<16xf32>
      %add3A_217 = arith.addf %add3A_202, %mul3A_216 : vector<16xf32>
      %get3A_218 = arith.index_cast %add3A_183 : i32 to index
      %get3A_219 = arith.constant 32 : index
      %get3A_220 = tpu.vector_load %arg11[%get3A_218, %get3A_219] {strides = array<i32>} : memref<128x128xf32, #tpu.memory_space<vmem>>, vector<16xf32>,
      %get3A_221 = arith.index_cast %add3A_183 : i32 to index
      %get3A_222 = arith.constant 32 : index
      %get3A_223 = tpu.vector_load %arg12[%get3A_221, %get3A_222] {strides = array<i32>} : memref<128x128xf32, #tpu.memory_space<vmem>>, vector<16xf32>,
      %sub3A_224 = arith.subf %get3A_223, %get3A_220 : vector<16xf32>
      %mul3A_225 = arith.mulf %gather3A_188, %sub3A_224 : vector<16xf32>
      %add3A_226 = arith.addf %get3A_220, %mul3A_225 : vector<16xf32>
      %mul3A_227 = arith.mulf %add3A_226, %get3A_7 : vector<16xf32>
      %add3A_228 = arith.addf %add3A_213, %mul3A_227 : vector<16xf32>
      %mul3A_229 = arith.mulf %add3A_226, %get3A_23 : vector<16xf32>
      %add3A_230 = arith.addf %add3A_215, %mul3A_229 : vector<16xf32>
      %mul3A_231 = arith.mulf %add3A_226, %get3A_39 : vector<16xf32>
      %add3A_232 = arith.addf %add3A_217, %mul3A_231 : vector<16xf32>
      %get3A_233 = arith.index_cast %add3A_183 : i32 to index
      %get3A_234 = arith.constant 48 : index
      %get3A_235 = tpu.vector_load %arg11[%get3A_233, %get3A_234] {strides = array<i32>} : memref<128x128xf32, #tpu.memory_space<vmem>>, vector<16xf32>,
      %get3A_236 = arith.index_cast %add3A_183 : i32 to index
      %get3A_237 = arith.constant 48 : index
      %get3A_238 = tpu.vector_load %arg12[%get3A_236, %get3A_237] {strides = array<i32>} : memref<128x128xf32, #tpu.memory_space<vmem>>, vector<16xf32>,
      %sub3A_239 = arith.subf %get3A_238, %get3A_235 : vector<16xf32>
      %mul3A_240 = arith.mulf %gather3A_188, %sub3A_239 : vector<16xf32>
      %add3A_241 = arith.addf %get3A_235, %mul3A_240 : vector<16xf32>
      %mul3A_242 = arith.mulf %add3A_241, %get3A_9 : vector<16xf32>
      %add3A_243 = arith.addf %add3A_228, %mul3A_242 : vector<16xf32>
      %mul3A_244 = arith.mulf %add3A_241, %get3A_25 : vector<16xf32>
      %add3A_245 = arith.addf %add3A_230, %mul3A_244 : vector<16xf32>
      %mul3A_246 = arith.mulf %add3A_241, %get3A_41 : vector<16xf32>
      %add3A_247 = arith.addf %add3A_232, %mul3A_246 : vector<16xf32>
      %get3A_248 = arith.index_cast %add3A_183 : i32 to index
      %get3A_249 = arith.constant 64 : index
      %get3A_250 = tpu.vector_load %arg11[%get3A_248, %get3A_249] {strides = array<i32>} : memref<128x128xf32, #tpu.memory_space<vmem>>, vector<16xf32>,
      %get3A_251 = arith.index_cast %add3A_183 : i32 to index
      %get3A_252 = arith.constant 64 : index
      %get3A_253 = tpu.vector_load %arg12[%get3A_251, %get3A_252] {strides = array<i32>} : memref<128x128xf32, #tpu.memory_space<vmem>>, vector<16xf32>,
      %sub3A_254 = arith.subf %get3A_253, %get3A_250 : vector<16xf32>
      %mul3A_255 = arith.mulf %gather3A_188, %sub3A_254 : vector<16xf32>
      %add3A_256 = arith.addf %get3A_250, %mul3A_255 : vector<16xf32>
      %mul3A_257 = arith.mulf %add3A_256, %get3A_11 : vector<16xf32>
      %add3A_258 = arith.addf %add3A_243, %mul3A_257 : vector<16xf32>
      %mul3A_259 = arith.mulf %add3A_256, %get3A_27 : vector<16xf32>
      %add3A_260 = arith.addf %add3A_245, %mul3A_259 : vector<16xf32>
      %mul3A_261 = arith.mulf %add3A_256, %get3A_43 : vector<16xf32>
      %add3A_262 = arith.addf %add3A_247, %mul3A_261 : vector<16xf32>
      %get3A_263 = arith.index_cast %add3A_183 : i32 to index
      %get3A_264 = arith.constant 80 : index
      %get3A_265 = tpu.vector_load %arg11[%get3A_263, %get3A_264] {strides = array<i32>} : memref<128x128xf32, #tpu.memory_space<vmem>>, vector<16xf32>,
      %get3A_266 = arith.index_cast %add3A_183 : i32 to index
      %get3A_267 = arith.constant 80 : index
      %get3A_268 = tpu.vector_load %arg12[%get3A_266, %get3A_267] {strides = array<i32>} : memref<128x128xf32, #tpu.memory_space<vmem>>, vector<16xf32>,
      %sub3A_269 = arith.subf %get3A_268, %get3A_265 : vector<16xf32>
      %mul3A_270 = arith.mulf %gather3A_188, %sub3A_269 : vector<16xf32>
      %add3A_271 = arith.addf %get3A_265, %mul3A_270 : vector<16xf32>
      %mul3A_272 = arith.mulf %add3A_271, %get3A_13 : vector<16xf32>
      %add3A_273 = arith.addf %add3A_258, %mul3A_272 : vector<16xf32>
      %mul3A_274 = arith.mulf %add3A_271, %get3A_29 : vector<16xf32>
      %add3A_275 = arith.addf %add3A_260, %mul3A_274 : vector<16xf32>
      %mul3A_276 = arith.mulf %add3A_271, %get3A_45 : vector<16xf32>
      %add3A_277 = arith.addf %add3A_262, %mul3A_276 : vector<16xf32>
      %get3A_278 = arith.index_cast %add3A_183 : i32 to index
      %get3A_279 = arith.constant 96 : index
      %get3A_280 = tpu.vector_load %arg11[%get3A_278, %get3A_279] {strides = array<i32>} : memref<128x128xf32, #tpu.memory_space<vmem>>, vector<16xf32>,
      %get3A_281 = arith.index_cast %add3A_183 : i32 to index
      %get3A_282 = arith.constant 96 : index
      %get3A_283 = tpu.vector_load %arg12[%get3A_281, %get3A_282] {strides = array<i32>} : memref<128x128xf32, #tpu.memory_space<vmem>>, vector<16xf32>,
      %sub3A_284 = arith.subf %get3A_283, %get3A_280 : vector<16xf32>
      %mul3A_285 = arith.mulf %gather3A_188, %sub3A_284 : vector<16xf32>
      %add3A_286 = arith.addf %get3A_280, %mul3A_285 : vector<16xf32>
      %mul3A_287 = arith.mulf %add3A_286, %get3A_15 : vector<16xf32>
      %add3A_288 = arith.addf %add3A_273, %mul3A_287 : vector<16xf32>
      %mul3A_289 = arith.mulf %add3A_286, %get3A_31 : vector<16xf32>
      %add3A_290 = arith.addf %add3A_275, %mul3A_289 : vector<16xf32>
      %mul3A_291 = arith.mulf %add3A_286, %get3A_47 : vector<16xf32>
      %add3A_292 = arith.addf %add3A_277, %mul3A_291 : vector<16xf32>
      %get3A_293 = arith.index_cast %add3A_183 : i32 to index
      %get3A_294 = arith.constant 112 : index
      %get3A_295 = tpu.vector_load %arg11[%get3A_293, %get3A_294] {strides = array<i32>} : memref<128x128xf32, #tpu.memory_space<vmem>>, vector<16xf32>,
      %get3A_296 = arith.index_cast %add3A_183 : i32 to index
      %get3A_297 = arith.constant 112 : index
      %get3A_298 = tpu.vector_load %arg12[%get3A_296, %get3A_297] {strides = array<i32>} : memref<128x128xf32, #tpu.memory_space<vmem>>, vector<16xf32>,
      %sub3A_299 = arith.subf %get3A_298, %get3A_295 : vector<16xf32>
      %mul3A_300 = arith.mulf %gather3A_188, %sub3A_299 : vector<16xf32>
      %add3A_301 = arith.addf %get3A_295, %mul3A_300 : vector<16xf32>
      %mul3A_302 = arith.mulf %add3A_301, %get3A_17 : vector<16xf32>
      %add3A_303 = arith.addf %add3A_288, %mul3A_302 : vector<16xf32>
      %mul3A_304 = arith.mulf %add3A_301, %get3A_33 : vector<16xf32>
      %add3A_305 = arith.addf %add3A_290, %mul3A_304 : vector<16xf32>
      %mul3A_306 = arith.mulf %add3A_301, %get3A_49 : vector<16xf32>
      %add3A_307 = arith.addf %add3A_292, %mul3A_306 : vector<16xf32>
      %reduce_sum3A = arith.constant true
      %reduce_sum3A_308 = vector.broadcast %reduce_sum3A : i1 to vector<16xi1>
      %reduce_sum3A_309 = tpu.scan <sum>, %add3A_303 masked %reduce_sum3A_308 : vector<16xf32>, vector<16xi1> -> vector<16xf32>
      %reduce_sum3A_310 = vector.extract %reduce_sum3A_309[15] : f32 from vector<16xf32>
      %reduce_sum3A_311 = arith.constant true
      %reduce_sum3A_312 = vector.broadcast %reduce_sum3A_311 : i1 to vector<16xi1>
      %reduce_sum3A_313 = tpu.scan <sum>, %add3A_305 masked %reduce_sum3A_312 : vector<16xf32>, vector<16xi1> -> vector<16xf32>
      %reduce_sum3A_314 = vector.extract %reduce_sum3A_313[15] : f32 from vector<16xf32>
      %reduce_sum3A_315 = arith.constant true
      %reduce_sum3A_316 = vector.broadcast %reduce_sum3A_315 : i1 to vector<16xi1>
      %reduce_sum3A_317 = tpu.scan <sum>, %add3A_307 masked %reduce_sum3A_316 : vector<16xf32>, vector<16xi1> -> vector<16xf32>
      %reduce_sum3A_318 = vector.extract %reduce_sum3A_317[15] : f32 from vector<16xf32>
      %mul3A_319 = arith.constant 4 : i32
      %mul3A_320 = arith.muli %mul3A_319, %scan3A_176 : i32
      %add3A_321 = arith.constant 1 : i32
      %add3A_322 = arith.addi %mul3A_320, %add3A_321 : i32
      %broadcast_in_dim3A_323 = arith.constant 0 : i32
      %broadcast_in_dim3A_324 = vector.broadcast %broadcast_in_dim3A_323 : i32 to vector<16xi32>
      %add3A_325 = vector.broadcast %add3A_322 : i32 to vector<16xi32>
      %add3A_326 = arith.addi %broadcast_in_dim3A_324, %add3A_325 : vector<16xi32>
      %gather3A_327 = tpu.vector_load_idx %arg8[%add3A_326] : memref<512xf32, #tpu.memory_space<vmem>>[vector<16xi32>], vector<16xf32>,
      %get3A_328 = arith.index_cast %add3A_322 : i32 to index
      %get3A_329 = arith.constant 0 : index
      %get3A_330 = tpu.vector_load %arg11[%get3A_328, %get3A_329] {strides = array<i32>} : memref<128x128xf32, #tpu.memory_space<vmem>>, vector<16xf32>,
      %get3A_331 = arith.index_cast %add3A_322 : i32 to index
      %get3A_332 = arith.constant 0 : index
      %get3A_333 = tpu.vector_load %arg12[%get3A_331, %get3A_332] {strides = array<i32>} : memref<128x128xf32, #tpu.memory_space<vmem>>, vector<16xf32>,
      %sub3A_334 = arith.subf %get3A_333, %get3A_330 : vector<16xf32>
      %mul3A_335 = arith.mulf %gather3A_327, %sub3A_334 : vector<16xf32>
      %add3A_336 = arith.addf %get3A_330, %mul3A_335 : vector<16xf32>
      %mul3A_337 = arith.mulf %add3A_336, %get3A_3 : vector<16xf32>
      %add3A_338 = arith.addf %select_n3A, %mul3A_337 : vector<16xf32>
      %mul3A_339 = arith.mulf %add3A_336, %get3A_19 : vector<16xf32>
      %add3A_340 = arith.addf %select_n3A_61, %mul3A_339 : vector<16xf32>
      %mul3A_341 = arith.mulf %add3A_336, %get3A_35 : vector<16xf32>
      %add3A_342 = arith.addf %select_n3A_68, %mul3A_341 : vector<16xf32>
      %get3A_343 = arith.index_cast %add3A_322 : i32 to index
      %get3A_344 = arith.constant 16 : index
      %get3A_345 = tpu.vector_load %arg11[%get3A_343, %get3A_344] {strides = array<i32>} : memref<128x128xf32, #tpu.memory_space<vmem>>, vector<16xf32>,
      %get3A_346 = arith.index_cast %add3A_322 : i32 to index
      %get3A_347 = arith.constant 16 : index
      %get3A_348 = tpu.vector_load %arg12[%get3A_346, %get3A_347] {strides = array<i32>} : memref<128x128xf32, #tpu.memory_space<vmem>>, vector<16xf32>,
      %sub3A_349 = arith.subf %get3A_348, %get3A_345 : vector<16xf32>
      %mul3A_350 = arith.mulf %gather3A_327, %sub3A_349 : vector<16xf32>
      %add3A_351 = arith.addf %get3A_345, %mul3A_350 : vector<16xf32>
      %mul3A_352 = arith.mulf %add3A_351, %get3A_5 : vector<16xf32>
      %add3A_353 = arith.addf %add3A_338, %mul3A_352 : vector<16xf32>
      %mul3A_354 = arith.mulf %add3A_351, %get3A_21 : vector<16xf32>
      %add3A_355 = arith.addf %add3A_340, %mul3A_354 : vector<16xf32>
      %mul3A_356 = arith.mulf %add3A_351, %get3A_37 : vector<16xf32>
      %add3A_357 = arith.addf %add3A_342, %mul3A_356 : vector<16xf32>
      %get3A_358 = arith.index_cast %add3A_322 : i32 to index
      %get3A_359 = arith.constant 32 : index
      %get3A_360 = tpu.vector_load %arg11[%get3A_358, %get3A_359] {strides = array<i32>} : memref<128x128xf32, #tpu.memory_space<vmem>>, vector<16xf32>,
      %get3A_361 = arith.index_cast %add3A_322 : i32 to index
      %get3A_362 = arith.constant 32 : index
      %get3A_363 = tpu.vector_load %arg12[%get3A_361, %get3A_362] {strides = array<i32>} : memref<128x128xf32, #tpu.memory_space<vmem>>, vector<16xf32>,
      %sub3A_364 = arith.subf %get3A_363, %get3A_360 : vector<16xf32>
      %mul3A_365 = arith.mulf %gather3A_327, %sub3A_364 : vector<16xf32>
      %add3A_366 = arith.addf %get3A_360, %mul3A_365 : vector<16xf32>
      %mul3A_367 = arith.mulf %add3A_366, %get3A_7 : vector<16xf32>
      %add3A_368 = arith.addf %add3A_353, %mul3A_367 : vector<16xf32>
      %mul3A_369 = arith.mulf %add3A_366, %get3A_23 : vector<16xf32>
      %add3A_370 = arith.addf %add3A_355, %mul3A_369 : vector<16xf32>
      %mul3A_371 = arith.mulf %add3A_366, %get3A_39 : vector<16xf32>
      %add3A_372 = arith.addf %add3A_357, %mul3A_371 : vector<16xf32>
      %get3A_373 = arith.index_cast %add3A_322 : i32 to index
      %get3A_374 = arith.constant 48 : index
      %get3A_375 = tpu.vector_load %arg11[%get3A_373, %get3A_374] {strides = array<i32>} : memref<128x128xf32, #tpu.memory_space<vmem>>, vector<16xf32>,
      %get3A_376 = arith.index_cast %add3A_322 : i32 to index
      %get3A_377 = arith.constant 48 : index
      %get3A_378 = tpu.vector_load %arg12[%get3A_376, %get3A_377] {strides = array<i32>} : memref<128x128xf32, #tpu.memory_space<vmem>>, vector<16xf32>,
      %sub3A_379 = arith.subf %get3A_378, %get3A_375 : vector<16xf32>
      %mul3A_380 = arith.mulf %gather3A_327, %sub3A_379 : vector<16xf32>
      %add3A_381 = arith.addf %get3A_375, %mul3A_380 : vector<16xf32>
      %mul3A_382 = arith.mulf %add3A_381, %get3A_9 : vector<16xf32>
      %add3A_383 = arith.addf %add3A_368, %mul3A_382 : vector<16xf32>
      %mul3A_384 = arith.mulf %add3A_381, %get3A_25 : vector<16xf32>
      %add3A_385 = arith.addf %add3A_370, %mul3A_384 : vector<16xf32>
      %mul3A_386 = arith.mulf %add3A_381, %get3A_41 : vector<16xf32>
      %add3A_387 = arith.addf %add3A_372, %mul3A_386 : vector<16xf32>
      %get3A_388 = arith.index_cast %add3A_322 : i32 to index
      %get3A_389 = arith.constant 64 : index
      %get3A_390 = tpu.vector_load %arg11[%get3A_388, %get3A_389] {strides = array<i32>} : memref<128x128xf32, #tpu.memory_space<vmem>>, vector<16xf32>,
      %get3A_391 = arith.index_cast %add3A_322 : i32 to index
      %get3A_392 = arith.constant 64 : index
      %get3A_393 = tpu.vector_load %arg12[%get3A_391, %get3A_392] {strides = array<i32>} : memref<128x128xf32, #tpu.memory_space<vmem>>, vector<16xf32>,
      %sub3A_394 = arith.subf %get3A_393, %get3A_390 : vector<16xf32>
      %mul3A_395 = arith.mulf %gather3A_327, %sub3A_394 : vector<16xf32>
      %add3A_396 = arith.addf %get3A_390, %mul3A_395 : vector<16xf32>
      %mul3A_397 = arith.mulf %add3A_396, %get3A_11 : vector<16xf32>
      %add3A_398 = arith.addf %add3A_383, %mul3A_397 : vector<16xf32>
      %mul3A_399 = arith.mulf %add3A_396, %get3A_27 : vector<16xf32>
      %add3A_400 = arith.addf %add3A_385, %mul3A_399 : vector<16xf32>
      %mul3A_401 = arith.mulf %add3A_396, %get3A_43 : vector<16xf32>
      %add3A_402 = arith.addf %add3A_387, %mul3A_401 : vector<16xf32>
      %get3A_403 = arith.index_cast %add3A_322 : i32 to index
      %get3A_404 = arith.constant 80 : index
      %get3A_405 = tpu.vector_load %arg11[%get3A_403, %get3A_404] {strides = array<i32>} : memref<128x128xf32, #tpu.memory_space<vmem>>, vector<16xf32>,
      %get3A_406 = arith.index_cast %add3A_322 : i32 to index
      %get3A_407 = arith.constant 80 : index
      %get3A_408 = tpu.vector_load %arg12[%get3A_406, %get3A_407] {strides = array<i32>} : memref<128x128xf32, #tpu.memory_space<vmem>>, vector<16xf32>,
      %sub3A_409 = arith.subf %get3A_408, %get3A_405 : vector<16xf32>
      %mul3A_410 = arith.mulf %gather3A_327, %sub3A_409 : vector<16xf32>
      %add3A_411 = arith.addf %get3A_405, %mul3A_410 : vector<16xf32>
      %mul3A_412 = arith.mulf %add3A_411, %get3A_13 : vector<16xf32>
      %add3A_413 = arith.addf %add3A_398, %mul3A_412 : vector<16xf32>
      %mul3A_414 = arith.mulf %add3A_411, %get3A_29 : vector<16xf32>
      %add3A_415 = arith.addf %add3A_400, %mul3A_414 : vector<16xf32>
      %mul3A_416 = arith.mulf %add3A_411, %get3A_45 : vector<16xf32>
      %add3A_417 = arith.addf %add3A_402, %mul3A_416 : vector<16xf32>
      %get3A_418 = arith.index_cast %add3A_322 : i32 to index
      %get3A_419 = arith.constant 96 : index
      %get3A_420 = tpu.vector_load %arg11[%get3A_418, %get3A_419] {strides = array<i32>} : memref<128x128xf32, #tpu.memory_space<vmem>>, vector<16xf32>,
      %get3A_421 = arith.index_cast %add3A_322 : i32 to index
      %get3A_422 = arith.constant 96 : index
      %get3A_423 = tpu.vector_load %arg12[%get3A_421, %get3A_422] {strides = array<i32>} : memref<128x128xf32, #tpu.memory_space<vmem>>, vector<16xf32>,
      %sub3A_424 = arith.subf %get3A_423, %get3A_420 : vector<16xf32>
      %mul3A_425 = arith.mulf %gather3A_327, %sub3A_424 : vector<16xf32>
      %add3A_426 = arith.addf %get3A_420, %mul3A_425 : vector<16xf32>
      %mul3A_427 = arith.mulf %add3A_426, %get3A_15 : vector<16xf32>
      %add3A_428 = arith.addf %add3A_413, %mul3A_427 : vector<16xf32>
      %mul3A_429 = arith.mulf %add3A_426, %get3A_31 : vector<16xf32>
      %add3A_430 = arith.addf %add3A_415, %mul3A_429 : vector<16xf32>
      %mul3A_431 = arith.mulf %add3A_426, %get3A_47 : vector<16xf32>
      %add3A_432 = arith.addf %add3A_417, %mul3A_431 : vector<16xf32>
      %get3A_433 = arith.index_cast %add3A_322 : i32 to index
      %get3A_434 = arith.constant 112 : index
      %get3A_435 = tpu.vector_load %arg11[%get3A_433, %get3A_434] {strides = array<i32>} : memref<128x128xf32, #tpu.memory_space<vmem>>, vector<16xf32>,
      %get3A_436 = arith.index_cast %add3A_322 : i32 to index
      %get3A_437 = arith.constant 112 : index
      %get3A_438 = tpu.vector_load %arg12[%get3A_436, %get3A_437] {strides = array<i32>} : memref<128x128xf32, #tpu.memory_space<vmem>>, vector<16xf32>,
      %sub3A_439 = arith.subf %get3A_438, %get3A_435 : vector<16xf32>
      %mul3A_440 = arith.mulf %gather3A_327, %sub3A_439 : vector<16xf32>
      %add3A_441 = arith.addf %get3A_435, %mul3A_440 : vector<16xf32>
      %mul3A_442 = arith.mulf %add3A_441, %get3A_17 : vector<16xf32>
      %add3A_443 = arith.addf %add3A_428, %mul3A_442 : vector<16xf32>
      %mul3A_444 = arith.mulf %add3A_441, %get3A_33 : vector<16xf32>
      %add3A_445 = arith.addf %add3A_430, %mul3A_444 : vector<16xf32>
      %mul3A_446 = arith.mulf %add3A_441, %get3A_49 : vector<16xf32>
      %add3A_447 = arith.addf %add3A_432, %mul3A_446 : vector<16xf32>
      %reduce_sum3A_448 = arith.constant true
      %reduce_sum3A_449 = vector.broadcast %reduce_sum3A_448 : i1 to vector<16xi1>
      %reduce_sum3A_450 = tpu.scan <sum>, %add3A_443 masked %reduce_sum3A_449 : vector<16xf32>, vector<16xi1> -> vector<16xf32>
      %reduce_sum3A_451 = vector.extract %reduce_sum3A_450[15] : f32 from vector<16xf32>
      %reduce_sum3A_452 = arith.constant true
      %reduce_sum3A_453 = vector.broadcast %reduce_sum3A_452 : i1 to vector<16xi1>
      %reduce_sum3A_454 = tpu.scan <sum>, %add3A_445 masked %reduce_sum3A_453 : vector<16xf32>, vector<16xi1> -> vector<16xf32>
      %reduce_sum3A_455 = vector.extract %reduce_sum3A_454[15] : f32 from vector<16xf32>
      %reduce_sum3A_456 = arith.constant true
      %reduce_sum3A_457 = vector.broadcast %reduce_sum3A_456 : i1 to vector<16xi1>
      %reduce_sum3A_458 = tpu.scan <sum>, %add3A_447 masked %reduce_sum3A_457 : vector<16xf32>, vector<16xi1> -> vector<16xf32>
      %reduce_sum3A_459 = vector.extract %reduce_sum3A_458[15] : f32 from vector<16xf32>
      %mul3A_460 = arith.constant 4 : i32
      %mul3A_461 = arith.muli %mul3A_460, %scan3A_176 : i32
      %add3A_462 = arith.constant 2 : i32
      %add3A_463 = arith.addi %mul3A_461, %add3A_462 : i32
      %broadcast_in_dim3A_464 = arith.constant 0 : i32
      %broadcast_in_dim3A_465 = vector.broadcast %broadcast_in_dim3A_464 : i32 to vector<16xi32>
      %add3A_466 = vector.broadcast %add3A_463 : i32 to vector<16xi32>
      %add3A_467 = arith.addi %broadcast_in_dim3A_465, %add3A_466 : vector<16xi32>
      %gather3A_468 = tpu.vector_load_idx %arg8[%add3A_467] : memref<512xf32, #tpu.memory_space<vmem>>[vector<16xi32>], vector<16xf32>,
      %get3A_469 = arith.index_cast %add3A_463 : i32 to index
      %get3A_470 = arith.constant 0 : index
      %get3A_471 = tpu.vector_load %arg11[%get3A_469, %get3A_470] {strides = array<i32>} : memref<128x128xf32, #tpu.memory_space<vmem>>, vector<16xf32>,
      %get3A_472 = arith.index_cast %add3A_463 : i32 to index
      %get3A_473 = arith.constant 0 : index
      %get3A_474 = tpu.vector_load %arg12[%get3A_472, %get3A_473] {strides = array<i32>} : memref<128x128xf32, #tpu.memory_space<vmem>>, vector<16xf32>,
      %sub3A_475 = arith.subf %get3A_474, %get3A_471 : vector<16xf32>
      %mul3A_476 = arith.mulf %gather3A_468, %sub3A_475 : vector<16xf32>
      %add3A_477 = arith.addf %get3A_471, %mul3A_476 : vector<16xf32>
      %mul3A_478 = arith.mulf %add3A_477, %get3A_3 : vector<16xf32>
      %add3A_479 = arith.addf %select_n3A, %mul3A_478 : vector<16xf32>
      %mul3A_480 = arith.mulf %add3A_477, %get3A_19 : vector<16xf32>
      %add3A_481 = arith.addf %select_n3A_61, %mul3A_480 : vector<16xf32>
      %mul3A_482 = arith.mulf %add3A_477, %get3A_35 : vector<16xf32>
      %add3A_483 = arith.addf %select_n3A_68, %mul3A_482 : vector<16xf32>
      %get3A_484 = arith.index_cast %add3A_463 : i32 to index
      %get3A_485 = arith.constant 16 : index
      %get3A_486 = tpu.vector_load %arg11[%get3A_484, %get3A_485] {strides = array<i32>} : memref<128x128xf32, #tpu.memory_space<vmem>>, vector<16xf32>,
      %get3A_487 = arith.index_cast %add3A_463 : i32 to index
      %get3A_488 = arith.constant 16 : index
      %get3A_489 = tpu.vector_load %arg12[%get3A_487, %get3A_488] {strides = array<i32>} : memref<128x128xf32, #tpu.memory_space<vmem>>, vector<16xf32>,
      %sub3A_490 = arith.subf %get3A_489, %get3A_486 : vector<16xf32>
      %mul3A_491 = arith.mulf %gather3A_468, %sub3A_490 : vector<16xf32>
      %add3A_492 = arith.addf %get3A_486, %mul3A_491 : vector<16xf32>
      %mul3A_493 = arith.mulf %add3A_492, %get3A_5 : vector<16xf32>
      %add3A_494 = arith.addf %add3A_479, %mul3A_493 : vector<16xf32>
      %mul3A_495 = arith.mulf %add3A_492, %get3A_21 : vector<16xf32>
      %add3A_496 = arith.addf %add3A_481, %mul3A_495 : vector<16xf32>
      %mul3A_497 = arith.mulf %add3A_492, %get3A_37 : vector<16xf32>
      %add3A_498 = arith.addf %add3A_483, %mul3A_497 : vector<16xf32>
      %get3A_499 = arith.index_cast %add3A_463 : i32 to index
      %get3A_500 = arith.constant 32 : index
      %get3A_501 = tpu.vector_load %arg11[%get3A_499, %get3A_500] {strides = array<i32>} : memref<128x128xf32, #tpu.memory_space<vmem>>, vector<16xf32>,
      %get3A_502 = arith.index_cast %add3A_463 : i32 to index
      %get3A_503 = arith.constant 32 : index
      %get3A_504 = tpu.vector_load %arg12[%get3A_502, %get3A_503] {strides = array<i32>} : memref<128x128xf32, #tpu.memory_space<vmem>>, vector<16xf32>,
      %sub3A_505 = arith.subf %get3A_504, %get3A_501 : vector<16xf32>
      %mul3A_506 = arith.mulf %gather3A_468, %sub3A_505 : vector<16xf32>
      %add3A_507 = arith.addf %get3A_501, %mul3A_506 : vector<16xf32>
      %mul3A_508 = arith.mulf %add3A_507, %get3A_7 : vector<16xf32>
      %add3A_509 = arith.addf %add3A_494, %mul3A_508 : vector<16xf32>
      %mul3A_510 = arith.mulf %add3A_507, %get3A_23 : vector<16xf32>
      %add3A_511 = arith.addf %add3A_496, %mul3A_510 : vector<16xf32>
      %mul3A_512 = arith.mulf %add3A_507, %get3A_39 : vector<16xf32>
      %add3A_513 = arith.addf %add3A_498, %mul3A_512 : vector<16xf32>
      %get3A_514 = arith.index_cast %add3A_463 : i32 to index
      %get3A_515 = arith.constant 48 : index
      %get3A_516 = tpu.vector_load %arg11[%get3A_514, %get3A_515] {strides = array<i32>} : memref<128x128xf32, #tpu.memory_space<vmem>>, vector<16xf32>,
      %get3A_517 = arith.index_cast %add3A_463 : i32 to index
      %get3A_518 = arith.constant 48 : index
      %get3A_519 = tpu.vector_load %arg12[%get3A_517, %get3A_518] {strides = array<i32>} : memref<128x128xf32, #tpu.memory_space<vmem>>, vector<16xf32>,
      %sub3A_520 = arith.subf %get3A_519, %get3A_516 : vector<16xf32>
      %mul3A_521 = arith.mulf %gather3A_468, %sub3A_520 : vector<16xf32>
      %add3A_522 = arith.addf %get3A_516, %mul3A_521 : vector<16xf32>
      %mul3A_523 = arith.mulf %add3A_522, %get3A_9 : vector<16xf32>
      %add3A_524 = arith.addf %add3A_509, %mul3A_523 : vector<16xf32>
      %mul3A_525 = arith.mulf %add3A_522, %get3A_25 : vector<16xf32>
      %add3A_526 = arith.addf %add3A_511, %mul3A_525 : vector<16xf32>
      %mul3A_527 = arith.mulf %add3A_522, %get3A_41 : vector<16xf32>
      %add3A_528 = arith.addf %add3A_513, %mul3A_527 : vector<16xf32>
      %get3A_529 = arith.index_cast %add3A_463 : i32 to index
      %get3A_530 = arith.constant 64 : index
      %get3A_531 = tpu.vector_load %arg11[%get3A_529, %get3A_530] {strides = array<i32>} : memref<128x128xf32, #tpu.memory_space<vmem>>, vector<16xf32>,
      %get3A_532 = arith.index_cast %add3A_463 : i32 to index
      %get3A_533 = arith.constant 64 : index
      %get3A_534 = tpu.vector_load %arg12[%get3A_532, %get3A_533] {strides = array<i32>} : memref<128x128xf32, #tpu.memory_space<vmem>>, vector<16xf32>,
      %sub3A_535 = arith.subf %get3A_534, %get3A_531 : vector<16xf32>
      %mul3A_536 = arith.mulf %gather3A_468, %sub3A_535 : vector<16xf32>
      %add3A_537 = arith.addf %get3A_531, %mul3A_536 : vector<16xf32>
      %mul3A_538 = arith.mulf %add3A_537, %get3A_11 : vector<16xf32>
      %add3A_539 = arith.addf %add3A_524, %mul3A_538 : vector<16xf32>
      %mul3A_540 = arith.mulf %add3A_537, %get3A_27 : vector<16xf32>
      %add3A_541 = arith.addf %add3A_526, %mul3A_540 : vector<16xf32>
      %mul3A_542 = arith.mulf %add3A_537, %get3A_43 : vector<16xf32>
      %add3A_543 = arith.addf %add3A_528, %mul3A_542 : vector<16xf32>
      %get3A_544 = arith.index_cast %add3A_463 : i32 to index
      %get3A_545 = arith.constant 80 : index
      %get3A_546 = tpu.vector_load %arg11[%get3A_544, %get3A_545] {strides = array<i32>} : memref<128x128xf32, #tpu.memory_space<vmem>>, vector<16xf32>,
      %get3A_547 = arith.index_cast %add3A_463 : i32 to index
      %get3A_548 = arith.constant 80 : index
      %get3A_549 = tpu.vector_load %arg12[%get3A_547, %get3A_548] {strides = array<i32>} : memref<128x128xf32, #tpu.memory_space<vmem>>, vector<16xf32>,
      %sub3A_550 = arith.subf %get3A_549, %get3A_546 : vector<16xf32>
      %mul3A_551 = arith.mulf %gather3A_468, %sub3A_550 : vector<16xf32>
      %add3A_552 = arith.addf %get3A_546, %mul3A_551 : vector<16xf32>
      %mul3A_553 = arith.mulf %add3A_552, %get3A_13 : vector<16xf32>
      %add3A_554 = arith.addf %add3A_539, %mul3A_553 : vector<16xf32>
      %mul3A_555 = arith.mulf %add3A_552, %get3A_29 : vector<16xf32>
      %add3A_556 = arith.addf %add3A_541, %mul3A_555 : vector<16xf32>
      %mul3A_557 = arith.mulf %add3A_552, %get3A_45 : vector<16xf32>
      %add3A_558 = arith.addf %add3A_543, %mul3A_557 : vector<16xf32>
      %get3A_559 = arith.index_cast %add3A_463 : i32 to index
      %get3A_560 = arith.constant 96 : index
      %get3A_561 = tpu.vector_load %arg11[%get3A_559, %get3A_560] {strides = array<i32>} : memref<128x128xf32, #tpu.memory_space<vmem>>, vector<16xf32>,
      %get3A_562 = arith.index_cast %add3A_463 : i32 to index
      %get3A_563 = arith.constant 96 : index
      %get3A_564 = tpu.vector_load %arg12[%get3A_562, %get3A_563] {strides = array<i32>} : memref<128x128xf32, #tpu.memory_space<vmem>>, vector<16xf32>,
      %sub3A_565 = arith.subf %get3A_564, %get3A_561 : vector<16xf32>
      %mul3A_566 = arith.mulf %gather3A_468, %sub3A_565 : vector<16xf32>
      %add3A_567 = arith.addf %get3A_561, %mul3A_566 : vector<16xf32>
      %mul3A_568 = arith.mulf %add3A_567, %get3A_15 : vector<16xf32>
      %add3A_569 = arith.addf %add3A_554, %mul3A_568 : vector<16xf32>
      %mul3A_570 = arith.mulf %add3A_567, %get3A_31 : vector<16xf32>
      %add3A_571 = arith.addf %add3A_556, %mul3A_570 : vector<16xf32>
      %mul3A_572 = arith.mulf %add3A_567, %get3A_47 : vector<16xf32>
      %add3A_573 = arith.addf %add3A_558, %mul3A_572 : vector<16xf32>
      %get3A_574 = arith.index_cast %add3A_463 : i32 to index
      %get3A_575 = arith.constant 112 : index
      %get3A_576 = tpu.vector_load %arg11[%get3A_574, %get3A_575] {strides = array<i32>} : memref<128x128xf32, #tpu.memory_space<vmem>>, vector<16xf32>,
      %get3A_577 = arith.index_cast %add3A_463 : i32 to index
      %get3A_578 = arith.constant 112 : index
      %get3A_579 = tpu.vector_load %arg12[%get3A_577, %get3A_578] {strides = array<i32>} : memref<128x128xf32, #tpu.memory_space<vmem>>, vector<16xf32>,
      %sub3A_580 = arith.subf %get3A_579, %get3A_576 : vector<16xf32>
      %mul3A_581 = arith.mulf %gather3A_468, %sub3A_580 : vector<16xf32>
      %add3A_582 = arith.addf %get3A_576, %mul3A_581 : vector<16xf32>
      %mul3A_583 = arith.mulf %add3A_582, %get3A_17 : vector<16xf32>
      %add3A_584 = arith.addf %add3A_569, %mul3A_583 : vector<16xf32>
      %mul3A_585 = arith.mulf %add3A_582, %get3A_33 : vector<16xf32>
      %add3A_586 = arith.addf %add3A_571, %mul3A_585 : vector<16xf32>
      %mul3A_587 = arith.mulf %add3A_582, %get3A_49 : vector<16xf32>
      %add3A_588 = arith.addf %add3A_573, %mul3A_587 : vector<16xf32>
      %reduce_sum3A_589 = arith.constant true
      %reduce_sum3A_590 = vector.broadcast %reduce_sum3A_589 : i1 to vector<16xi1>
      %reduce_sum3A_591 = tpu.scan <sum>, %add3A_584 masked %reduce_sum3A_590 : vector<16xf32>, vector<16xi1> -> vector<16xf32>
      %reduce_sum3A_592 = vector.extract %reduce_sum3A_591[15] : f32 from vector<16xf32>
      %reduce_sum3A_593 = arith.constant true
      %reduce_sum3A_594 = vector.broadcast %reduce_sum3A_593 : i1 to vector<16xi1>
      %reduce_sum3A_595 = tpu.scan <sum>, %add3A_586 masked %reduce_sum3A_594 : vector<16xf32>, vector<16xi1> -> vector<16xf32>
      %reduce_sum3A_596 = vector.extract %reduce_sum3A_595[15] : f32 from vector<16xf32>
      %reduce_sum3A_597 = arith.constant true
      %reduce_sum3A_598 = vector.broadcast %reduce_sum3A_597 : i1 to vector<16xi1>
      %reduce_sum3A_599 = tpu.scan <sum>, %add3A_588 masked %reduce_sum3A_598 : vector<16xf32>, vector<16xi1> -> vector<16xf32>
      %reduce_sum3A_600 = vector.extract %reduce_sum3A_599[15] : f32 from vector<16xf32>
      %mul3A_601 = arith.constant 4 : i32
      %mul3A_602 = arith.muli %mul3A_601, %scan3A_176 : i32
      %add3A_603 = arith.constant 3 : i32
      %add3A_604 = arith.addi %mul3A_602, %add3A_603 : i32
      %broadcast_in_dim3A_605 = arith.constant 0 : i32
      %broadcast_in_dim3A_606 = vector.broadcast %broadcast_in_dim3A_605 : i32 to vector<16xi32>
      %add3A_607 = vector.broadcast %add3A_604 : i32 to vector<16xi32>
      %add3A_608 = arith.addi %broadcast_in_dim3A_606, %add3A_607 : vector<16xi32>
      %gather3A_609 = tpu.vector_load_idx %arg8[%add3A_608] : memref<512xf32, #tpu.memory_space<vmem>>[vector<16xi32>], vector<16xf32>,
      %get3A_610 = arith.index_cast %add3A_604 : i32 to index
      %get3A_611 = arith.constant 0 : index
      %get3A_612 = tpu.vector_load %arg11[%get3A_610, %get3A_611] {strides = array<i32>} : memref<128x128xf32, #tpu.memory_space<vmem>>, vector<16xf32>,
      %get3A_613 = arith.index_cast %add3A_604 : i32 to index
      %get3A_614 = arith.constant 0 : index
      %get3A_615 = tpu.vector_load %arg12[%get3A_613, %get3A_614] {strides = array<i32>} : memref<128x128xf32, #tpu.memory_space<vmem>>, vector<16xf32>,
      %sub3A_616 = arith.subf %get3A_615, %get3A_612 : vector<16xf32>
      %mul3A_617 = arith.mulf %gather3A_609, %sub3A_616 : vector<16xf32>
      %add3A_618 = arith.addf %get3A_612, %mul3A_617 : vector<16xf32>
      %mul3A_619 = arith.mulf %add3A_618, %get3A_3 : vector<16xf32>
      %add3A_620 = arith.addf %select_n3A, %mul3A_619 : vector<16xf32>
      %mul3A_621 = arith.mulf %add3A_618, %get3A_19 : vector<16xf32>
      %add3A_622 = arith.addf %select_n3A_61, %mul3A_621 : vector<16xf32>
      %mul3A_623 = arith.mulf %add3A_618, %get3A_35 : vector<16xf32>
      %add3A_624 = arith.addf %select_n3A_68, %mul3A_623 : vector<16xf32>
      %get3A_625 = arith.index_cast %add3A_604 : i32 to index
      %get3A_626 = arith.constant 16 : index
      %get3A_627 = tpu.vector_load %arg11[%get3A_625, %get3A_626] {strides = array<i32>} : memref<128x128xf32, #tpu.memory_space<vmem>>, vector<16xf32>,
      %get3A_628 = arith.index_cast %add3A_604 : i32 to index
      %get3A_629 = arith.constant 16 : index
      %get3A_630 = tpu.vector_load %arg12[%get3A_628, %get3A_629] {strides = array<i32>} : memref<128x128xf32, #tpu.memory_space<vmem>>, vector<16xf32>,
      %sub3A_631 = arith.subf %get3A_630, %get3A_627 : vector<16xf32>
      %mul3A_632 = arith.mulf %gather3A_609, %sub3A_631 : vector<16xf32>
      %add3A_633 = arith.addf %get3A_627, %mul3A_632 : vector<16xf32>
      %mul3A_634 = arith.mulf %add3A_633, %get3A_5 : vector<16xf32>
      %add3A_635 = arith.addf %add3A_620, %mul3A_634 : vector<16xf32>
      %mul3A_636 = arith.mulf %add3A_633, %get3A_21 : vector<16xf32>
      %add3A_637 = arith.addf %add3A_622, %mul3A_636 : vector<16xf32>
      %mul3A_638 = arith.mulf %add3A_633, %get3A_37 : vector<16xf32>
      %add3A_639 = arith.addf %add3A_624, %mul3A_638 : vector<16xf32>
      %get3A_640 = arith.index_cast %add3A_604 : i32 to index
      %get3A_641 = arith.constant 32 : index
      %get3A_642 = tpu.vector_load %arg11[%get3A_640, %get3A_641] {strides = array<i32>} : memref<128x128xf32, #tpu.memory_space<vmem>>, vector<16xf32>,
      %get3A_643 = arith.index_cast %add3A_604 : i32 to index
      %get3A_644 = arith.constant 32 : index
      %get3A_645 = tpu.vector_load %arg12[%get3A_643, %get3A_644] {strides = array<i32>} : memref<128x128xf32, #tpu.memory_space<vmem>>, vector<16xf32>,
      %sub3A_646 = arith.subf %get3A_645, %get3A_642 : vector<16xf32>
      %mul3A_647 = arith.mulf %gather3A_609, %sub3A_646 : vector<16xf32>
      %add3A_648 = arith.addf %get3A_642, %mul3A_647 : vector<16xf32>
      %mul3A_649 = arith.mulf %add3A_648, %get3A_7 : vector<16xf32>
      %add3A_650 = arith.addf %add3A_635, %mul3A_649 : vector<16xf32>
      %mul3A_651 = arith.mulf %add3A_648, %get3A_23 : vector<16xf32>
      %add3A_652 = arith.addf %add3A_637, %mul3A_651 : vector<16xf32>
      %mul3A_653 = arith.mulf %add3A_648, %get3A_39 : vector<16xf32>
      %add3A_654 = arith.addf %add3A_639, %mul3A_653 : vector<16xf32>
      %get3A_655 = arith.index_cast %add3A_604 : i32 to index
      %get3A_656 = arith.constant 48 : index
      %get3A_657 = tpu.vector_load %arg11[%get3A_655, %get3A_656] {strides = array<i32>} : memref<128x128xf32, #tpu.memory_space<vmem>>, vector<16xf32>,
      %get3A_658 = arith.index_cast %add3A_604 : i32 to index
      %get3A_659 = arith.constant 48 : index
      %get3A_660 = tpu.vector_load %arg12[%get3A_658, %get3A_659] {strides = array<i32>} : memref<128x128xf32, #tpu.memory_space<vmem>>, vector<16xf32>,
      %sub3A_661 = arith.subf %get3A_660, %get3A_657 : vector<16xf32>
      %mul3A_662 = arith.mulf %gather3A_609, %sub3A_661 : vector<16xf32>
      %add3A_663 = arith.addf %get3A_657, %mul3A_662 : vector<16xf32>
      %mul3A_664 = arith.mulf %add3A_663, %get3A_9 : vector<16xf32>
      %add3A_665 = arith.addf %add3A_650, %mul3A_664 : vector<16xf32>
      %mul3A_666 = arith.mulf %add3A_663, %get3A_25 : vector<16xf32>
      %add3A_667 = arith.addf %add3A_652, %mul3A_666 : vector<16xf32>
      %mul3A_668 = arith.mulf %add3A_663, %get3A_41 : vector<16xf32>
      %add3A_669 = arith.addf %add3A_654, %mul3A_668 : vector<16xf32>
      %get3A_670 = arith.index_cast %add3A_604 : i32 to index
      %get3A_671 = arith.constant 64 : index
      %get3A_672 = tpu.vector_load %arg11[%get3A_670, %get3A_671] {strides = array<i32>} : memref<128x128xf32, #tpu.memory_space<vmem>>, vector<16xf32>,
      %get3A_673 = arith.index_cast %add3A_604 : i32 to index
      %get3A_674 = arith.constant 64 : index
      %get3A_675 = tpu.vector_load %arg12[%get3A_673, %get3A_674] {strides = array<i32>} : memref<128x128xf32, #tpu.memory_space<vmem>>, vector<16xf32>,
      %sub3A_676 = arith.subf %get3A_675, %get3A_672 : vector<16xf32>
      %mul3A_677 = arith.mulf %gather3A_609, %sub3A_676 : vector<16xf32>
      %add3A_678 = arith.addf %get3A_672, %mul3A_677 : vector<16xf32>
      %mul3A_679 = arith.mulf %add3A_678, %get3A_11 : vector<16xf32>
      %add3A_680 = arith.addf %add3A_665, %mul3A_679 : vector<16xf32>
      %mul3A_681 = arith.mulf %add3A_678, %get3A_27 : vector<16xf32>
      %add3A_682 = arith.addf %add3A_667, %mul3A_681 : vector<16xf32>
      %mul3A_683 = arith.mulf %add3A_678, %get3A_43 : vector<16xf32>
      %add3A_684 = arith.addf %add3A_669, %mul3A_683 : vector<16xf32>
      %get3A_685 = arith.index_cast %add3A_604 : i32 to index
      %get3A_686 = arith.constant 80 : index
      %get3A_687 = tpu.vector_load %arg11[%get3A_685, %get3A_686] {strides = array<i32>} : memref<128x128xf32, #tpu.memory_space<vmem>>, vector<16xf32>,
      %get3A_688 = arith.index_cast %add3A_604 : i32 to index
      %get3A_689 = arith.constant 80 : index
      %get3A_690 = tpu.vector_load %arg12[%get3A_688, %get3A_689] {strides = array<i32>} : memref<128x128xf32, #tpu.memory_space<vmem>>, vector<16xf32>,
      %sub3A_691 = arith.subf %get3A_690, %get3A_687 : vector<16xf32>
      %mul3A_692 = arith.mulf %gather3A_609, %sub3A_691 : vector<16xf32>
      %add3A_693 = arith.addf %get3A_687, %mul3A_692 : vector<16xf32>
      %mul3A_694 = arith.mulf %add3A_693, %get3A_13 : vector<16xf32>
      %add3A_695 = arith.addf %add3A_680, %mul3A_694 : vector<16xf32>
      %mul3A_696 = arith.mulf %add3A_693, %get3A_29 : vector<16xf32>
      %add3A_697 = arith.addf %add3A_682, %mul3A_696 : vector<16xf32>
      %mul3A_698 = arith.mulf %add3A_693, %get3A_45 : vector<16xf32>
      %add3A_699 = arith.addf %add3A_684, %mul3A_698 : vector<16xf32>
      %get3A_700 = arith.index_cast %add3A_604 : i32 to index
      %get3A_701 = arith.constant 96 : index
      %get3A_702 = tpu.vector_load %arg11[%get3A_700, %get3A_701] {strides = array<i32>} : memref<128x128xf32, #tpu.memory_space<vmem>>, vector<16xf32>,
      %get3A_703 = arith.index_cast %add3A_604 : i32 to index
      %get3A_704 = arith.constant 96 : index
      %get3A_705 = tpu.vector_load %arg12[%get3A_703, %get3A_704] {strides = array<i32>} : memref<128x128xf32, #tpu.memory_space<vmem>>, vector<16xf32>,
      %sub3A_706 = arith.subf %get3A_705, %get3A_702 : vector<16xf32>
      %mul3A_707 = arith.mulf %gather3A_609, %sub3A_706 : vector<16xf32>
      %add3A_708 = arith.addf %get3A_702, %mul3A_707 : vector<16xf32>
      %mul3A_709 = arith.mulf %add3A_708, %get3A_15 : vector<16xf32>
      %add3A_710 = arith.addf %add3A_695, %mul3A_709 : vector<16xf32>
      %mul3A_711 = arith.mulf %add3A_708, %get3A_31 : vector<16xf32>
      %add3A_712 = arith.addf %add3A_697, %mul3A_711 : vector<16xf32>
      %mul3A_713 = arith.mulf %add3A_708, %get3A_47 : vector<16xf32>
      %add3A_714 = arith.addf %add3A_699, %mul3A_713 : vector<16xf32>
      %get3A_715 = arith.index_cast %add3A_604 : i32 to index
      %get3A_716 = arith.constant 112 : index
      %get3A_717 = tpu.vector_load %arg11[%get3A_715, %get3A_716] {strides = array<i32>} : memref<128x128xf32, #tpu.memory_space<vmem>>, vector<16xf32>,
      %get3A_718 = arith.index_cast %add3A_604 : i32 to index
      %get3A_719 = arith.constant 112 : index
      %get3A_720 = tpu.vector_load %arg12[%get3A_718, %get3A_719] {strides = array<i32>} : memref<128x128xf32, #tpu.memory_space<vmem>>, vector<16xf32>,
      %sub3A_721 = arith.subf %get3A_720, %get3A_717 : vector<16xf32>
      %mul3A_722 = arith.mulf %gather3A_609, %sub3A_721 : vector<16xf32>
      %add3A_723 = arith.addf %get3A_717, %mul3A_722 : vector<16xf32>
      %mul3A_724 = arith.mulf %add3A_723, %get3A_17 : vector<16xf32>
      %add3A_725 = arith.addf %add3A_710, %mul3A_724 : vector<16xf32>
      %mul3A_726 = arith.mulf %add3A_723, %get3A_33 : vector<16xf32>
      %add3A_727 = arith.addf %add3A_712, %mul3A_726 : vector<16xf32>
      %mul3A_728 = arith.mulf %add3A_723, %get3A_49 : vector<16xf32>
      %add3A_729 = arith.addf %add3A_714, %mul3A_728 : vector<16xf32>
      %reduce_sum3A_730 = arith.constant true
      %reduce_sum3A_731 = vector.broadcast %reduce_sum3A_730 : i1 to vector<16xi1>
      %reduce_sum3A_732 = tpu.scan <sum>, %add3A_725 masked %reduce_sum3A_731 : vector<16xf32>, vector<16xi1> -> vector<16xf32>
      %reduce_sum3A_733 = vector.extract %reduce_sum3A_732[15] : f32 from vector<16xf32>
      %reduce_sum3A_734 = arith.constant true
      %reduce_sum3A_735 = vector.broadcast %reduce_sum3A_734 : i1 to vector<16xi1>
      %reduce_sum3A_736 = tpu.scan <sum>, %add3A_727 masked %reduce_sum3A_735 : vector<16xf32>, vector<16xi1> -> vector<16xf32>
      %reduce_sum3A_737 = vector.extract %reduce_sum3A_736[15] : f32 from vector<16xf32>
      %reduce_sum3A_738 = arith.constant true
      %reduce_sum3A_739 = vector.broadcast %reduce_sum3A_738 : i1 to vector<16xi1>
      %reduce_sum3A_740 = tpu.scan <sum>, %add3A_729 masked %reduce_sum3A_739 : vector<16xf32>, vector<16xi1> -> vector<16xf32>
      %reduce_sum3A_741 = vector.extract %reduce_sum3A_740[15] : f32 from vector<16xf32>
      %mul3A_742 = arith.constant 4 : i32
      %mul3A_743 = arith.muli %mul3A_742, %scan3A_176 : i32
      %and3A = arith.constant 15 : i32
      %and3A_744 = arith.andi %mul3A_743, %and3A : i32
      %add3A_745 = arith.constant 0 : i32
      %add3A_746 = arith.addi %and3A_744, %add3A_745 : i32
      %eq3A_747 = vector.broadcast %add3A_746 : i32 to vector<16xi32>
      %eq3A_748 = arith.cmpi eq, %iota3A, %eq3A_747 : vector<16xi32>
      %broadcast_in_dim3A_749 = vector.broadcast %reduce_sum3A_310 : f32 to vector<16xf32>
      %select_n3A_750 = arith.select %eq3A_748, %broadcast_in_dim3A_749, %scan3A_177 : vector<16xi1>, vector<16xf32>
      %add3A_751 = arith.constant 0 : i32
      %add3A_752 = arith.addi %and3A_744, %add3A_751 : i32
      %eq3A_753 = vector.broadcast %add3A_752 : i32 to vector<16xi32>
      %eq3A_754 = arith.cmpi eq, %iota3A, %eq3A_753 : vector<16xi32>
      %broadcast_in_dim3A_755 = vector.broadcast %reduce_sum3A_314 : f32 to vector<16xf32>
      %select_n3A_756 = arith.select %eq3A_754, %broadcast_in_dim3A_755, %scan3A_178 : vector<16xi1>, vector<16xf32>
      %add3A_757 = arith.constant 0 : i32
      %add3A_758 = arith.addi %and3A_744, %add3A_757 : i32
      %eq3A_759 = vector.broadcast %add3A_758 : i32 to vector<16xi32>
      %eq3A_760 = arith.cmpi eq, %iota3A, %eq3A_759 : vector<16xi32>
      %broadcast_in_dim3A_761 = vector.broadcast %reduce_sum3A_318 : f32 to vector<16xf32>
      %select_n3A_762 = arith.select %eq3A_760, %broadcast_in_dim3A_761, %scan3A_179 : vector<16xi1>, vector<16xf32>
      %add3A_763 = arith.constant 1 : i32
      %add3A_764 = arith.addi %and3A_744, %add3A_763 : i32
      %eq3A_765 = vector.broadcast %add3A_764 : i32 to vector<16xi32>
      %eq3A_766 = arith.cmpi eq, %iota3A, %eq3A_765 : vector<16xi32>
      %broadcast_in_dim3A_767 = vector.broadcast %reduce_sum3A_451 : f32 to vector<16xf32>
      %select_n3A_768 = arith.select %eq3A_766, %broadcast_in_dim3A_767, %select_n3A_750 : vector<16xi1>, vector<16xf32>
      %add3A_769 = arith.constant 1 : i32
      %add3A_770 = arith.addi %and3A_744, %add3A_769 : i32
      %eq3A_771 = vector.broadcast %add3A_770 : i32 to vector<16xi32>
      %eq3A_772 = arith.cmpi eq, %iota3A, %eq3A_771 : vector<16xi32>
      %broadcast_in_dim3A_773 = vector.broadcast %reduce_sum3A_455 : f32 to vector<16xf32>
      %select_n3A_774 = arith.select %eq3A_772, %broadcast_in_dim3A_773, %select_n3A_756 : vector<16xi1>, vector<16xf32>
      %add3A_775 = arith.constant 1 : i32
      %add3A_776 = arith.addi %and3A_744, %add3A_775 : i32
      %eq3A_777 = vector.broadcast %add3A_776 : i32 to vector<16xi32>
      %eq3A_778 = arith.cmpi eq, %iota3A, %eq3A_777 : vector<16xi32>
      %broadcast_in_dim3A_779 = vector.broadcast %reduce_sum3A_459 : f32 to vector<16xf32>
      %select_n3A_780 = arith.select %eq3A_778, %broadcast_in_dim3A_779, %select_n3A_762 : vector<16xi1>, vector<16xf32>
      %add3A_781 = arith.constant 2 : i32
      %add3A_782 = arith.addi %and3A_744, %add3A_781 : i32
      %eq3A_783 = vector.broadcast %add3A_782 : i32 to vector<16xi32>
      %eq3A_784 = arith.cmpi eq, %iota3A, %eq3A_783 : vector<16xi32>
      %broadcast_in_dim3A_785 = vector.broadcast %reduce_sum3A_592 : f32 to vector<16xf32>
      %select_n3A_786 = arith.select %eq3A_784, %broadcast_in_dim3A_785, %select_n3A_768 : vector<16xi1>, vector<16xf32>
      %add3A_787 = arith.constant 2 : i32
      %add3A_788 = arith.addi %and3A_744, %add3A_787 : i32
      %eq3A_789 = vector.broadcast %add3A_788 : i32 to vector<16xi32>
      %eq3A_790 = arith.cmpi eq, %iota3A, %eq3A_789 : vector<16xi32>
      %broadcast_in_dim3A_791 = vector.broadcast %reduce_sum3A_596 : f32 to vector<16xf32>
      %select_n3A_792 = arith.select %eq3A_790, %broadcast_in_dim3A_791, %select_n3A_774 : vector<16xi1>, vector<16xf32>
      %add3A_793 = arith.constant 2 : i32
      %add3A_794 = arith.addi %and3A_744, %add3A_793 : i32
      %eq3A_795 = vector.broadcast %add3A_794 : i32 to vector<16xi32>
      %eq3A_796 = arith.cmpi eq, %iota3A, %eq3A_795 : vector<16xi32>
      %broadcast_in_dim3A_797 = vector.broadcast %reduce_sum3A_600 : f32 to vector<16xf32>
      %select_n3A_798 = arith.select %eq3A_796, %broadcast_in_dim3A_797, %select_n3A_780 : vector<16xi1>, vector<16xf32>
      %add3A_799 = arith.constant 3 : i32
      %add3A_800 = arith.addi %and3A_744, %add3A_799 : i32
      %eq3A_801 = vector.broadcast %add3A_800 : i32 to vector<16xi32>
      %eq3A_802 = arith.cmpi eq, %iota3A, %eq3A_801 : vector<16xi32>
      %broadcast_in_dim3A_803 = vector.broadcast %reduce_sum3A_733 : f32 to vector<16xf32>
      %select_n3A_804 = arith.select %eq3A_802, %broadcast_in_dim3A_803, %select_n3A_786 : vector<16xi1>, vector<16xf32>
      %add3A_805 = arith.constant 3 : i32
      %add3A_806 = arith.addi %and3A_744, %add3A_805 : i32
      %eq3A_807 = vector.broadcast %add3A_806 : i32 to vector<16xi32>
      %eq3A_808 = arith.cmpi eq, %iota3A, %eq3A_807 : vector<16xi32>
      %broadcast_in_dim3A_809 = vector.broadcast %reduce_sum3A_737 : f32 to vector<16xf32>
      %select_n3A_810 = arith.select %eq3A_808, %broadcast_in_dim3A_809, %select_n3A_792 : vector<16xi1>, vector<16xf32>
      %add3A_811 = arith.constant 3 : i32
      %add3A_812 = arith.addi %and3A_744, %add3A_811 : i32
      %eq3A_813 = vector.broadcast %add3A_812 : i32 to vector<16xi32>
      %eq3A_814 = arith.cmpi eq, %iota3A, %eq3A_813 : vector<16xi32>
      %broadcast_in_dim3A_815 = vector.broadcast %reduce_sum3A_741 : f32 to vector<16xf32>
      %select_n3A_816 = arith.select %eq3A_814, %broadcast_in_dim3A_815, %select_n3A_798 : vector<16xi1>, vector<16xf32>
      %eq3A_817 = arith.constant 12 : i32
      %eq3A_818 = arith.cmpi eq, %and3A_744, %eq3A_817 : i32
      %convert_element_type3A = arith.extui %eq3A_818 : i1 to i32
      %cond3A = arith.constant 0 : i32
      %cond3A_819 = arith.cmpi ne, %convert_element_type3A, %cond3A : i32
      scf.if %cond3A_819 {
        %mul3A_823 = arith.constant 4 : i32
        %mul3A_824 = arith.muli %mul3A_823, %scan3A_176 : i32
        %add3A_825 = arith.constant 0 : i32
        %add3A_826 = arith.addi %add3A_825, %mul3A_824 : i32
        %sub3A_827 = arith.constant 12 : i32
        %sub3A_828 = arith.subi %add3A_826, %sub3A_827 : i32
        %swap3A = arith.constant 0 : i32
        %swap3A_829 = arith.index_cast %swap3A : i32 to index
        %swap3A_830 = arith.index_cast %sub3A_828 : i32 to index
        %swap3A_831 = tpu.vector_load %arg17[%swap3A_829, %swap3A_830] {strides = array<i32>} : memref<3x512xf32, #tpu.memory_space<vmem>>, vector<16xf32>,
        tpu.vector_store %arg17[%swap3A_829, %swap3A_830], %select_n3A_804 {strides = array<i32>} : memref<3x512xf32, #tpu.memory_space<vmem>>, vector<16xf32>,
        %swap3A_832 = arith.constant 1 : i32
        %swap3A_833 = arith.index_cast %swap3A_832 : i32 to index
        %swap3A_834 = arith.index_cast %sub3A_828 : i32 to index
        %swap3A_835 = tpu.vector_load %arg17[%swap3A_833, %swap3A_834] {strides = array<i32>} : memref<3x512xf32, #tpu.memory_space<vmem>>, vector<16xf32>,
        tpu.vector_store %arg17[%swap3A_833, %swap3A_834], %select_n3A_810 {strides = array<i32>} : memref<3x512xf32, #tpu.memory_space<vmem>>, vector<16xf32>,
        %swap3A_836 = arith.constant 2 : i32
        %swap3A_837 = arith.index_cast %swap3A_836 : i32 to index
        %swap3A_838 = arith.index_cast %sub3A_828 : i32 to index
        %swap3A_839 = tpu.vector_load %arg17[%swap3A_837, %swap3A_838] {strides = array<i32>} : memref<3x512xf32, #tpu.memory_space<vmem>>, vector<16xf32>,
        tpu.vector_store %arg17[%swap3A_837, %swap3A_838], %select_n3A_816 {strides = array<i32>} : memref<3x512xf32, #tpu.memory_space<vmem>>, vector<16xf32>,
      } else {
      }
      %select_n3A_820 = arith.select %eq3A_818, %broadcast_in_dim3A_50, %select_n3A_804 : vector<16xf32>
      %select_n3A_821 = arith.select %eq3A_818, %broadcast_in_dim3A_50, %select_n3A_810 : vector<16xf32>
      %select_n3A_822 = arith.select %eq3A_818, %broadcast_in_dim3A_50, %select_n3A_816 : vector<16xf32>
      scf.yield %select_n3A_820, %select_n3A_821, %select_n3A_822 : vector<16xf32>, vector<16xf32>, vector<16xf32>
    }
    %scan3A_107 = arith.constant 32 : i32
    %dma_start3A_108 = arith.constant 256 : i32
    %dma_start3A_109 = tpu.memref_slice %arg9[%dma_start3A_108] : memref<512xi32, #tpu.memory_space<vmem>> -> memref<128xi32, #tpu.memory_space<vmem>>
    %dma_start3A_110 = arith.constant 0 : i32
    %dma_start3A_111 = arith.constant 0 : i32
    %dma_start3A_112 = tpu.memref_slice %arg2[%dma_start3A_110, %dma_start3A_111] : memref<393216x128xf32, #tpu.memory_space<hbm>> -> memref<393216x128xf32, #tpu.memory_space<hbm>>
    tpu.enqueue_indirect_dma source(%dma_start3A_112 : memref<393216x128xf32, #tpu.memory_space<hbm>>) target(%arg11 : memref<128x128xf32, #tpu.memory_space<vmem>>) offsets(%dma_start3A_109 : memref<128xi32, #tpu.memory_space<vmem>>) semaphore(%arg18 : memref<!tpu.dma_semaphore, #tpu.memory_space<semaphore_mem>>)
    %dma_start3A_113 = arith.constant 256 : i32
    %dma_start3A_114 = tpu.memref_slice %arg10[%dma_start3A_113] : memref<512xi32, #tpu.memory_space<vmem>> -> memref<128xi32, #tpu.memory_space<vmem>>
    %dma_start3A_115 = arith.constant 0 : i32
    %dma_start3A_116 = arith.constant 0 : i32
    %dma_start3A_117 = tpu.memref_slice %arg2[%dma_start3A_115, %dma_start3A_116] : memref<393216x128xf32, #tpu.memory_space<hbm>> -> memref<393216x128xf32, #tpu.memory_space<hbm>>
    tpu.enqueue_indirect_dma source(%dma_start3A_117 : memref<393216x128xf32, #tpu.memory_space<hbm>>) target(%arg12 : memref<128x128xf32, #tpu.memory_space<vmem>>) offsets(%dma_start3A_114 : memref<128xi32, #tpu.memory_space<vmem>>) semaphore(%arg19 : memref<!tpu.dma_semaphore, #tpu.memory_space<semaphore_mem>>)
    %dma_wait3A_118 = arith.constant 0 : i32
    %dma_wait3A_119 = tpu.memref_slice %arg9[%dma_wait3A_118] : memref<512xi32, #tpu.memory_space<vmem>> -> memref<128xi32, #tpu.memory_space<vmem>>
    %dma_wait3A_120 = arith.constant 0 : i32
    %dma_wait3A_121 = arith.constant 0 : i32
    %dma_wait3A_122 = tpu.memref_slice %arg2[%dma_wait3A_120, %dma_wait3A_121] : memref<393216x128xf32, #tpu.memory_space<hbm>> -> memref<393216x128xf32, #tpu.memory_space<hbm>>
    tpu.wait_indirect_dma semaphore(%arg20 : memref<!tpu.dma_semaphore, #tpu.memory_space<semaphore_mem>>) src(%dma_wait3A_122 : memref<393216x128xf32, #tpu.memory_space<hbm>>) dst(%arg13 : memref<128x128xf32, #tpu.memory_space<vmem>>)
    %dma_wait3A_123 = arith.constant 0 : i32
    %dma_wait3A_124 = tpu.memref_slice %arg10[%dma_wait3A_123] : memref<512xi32, #tpu.memory_space<vmem>> -> memref<128xi32, #tpu.memory_space<vmem>>
    %dma_wait3A_125 = arith.constant 0 : i32
    %dma_wait3A_126 = arith.constant 0 : i32
    %dma_wait3A_127 = tpu.memref_slice %arg2[%dma_wait3A_125, %dma_wait3A_126] : memref<393216x128xf32, #tpu.memory_space<hbm>> -> memref<393216x128xf32, #tpu.memory_space<hbm>>
    tpu.wait_indirect_dma semaphore(%arg21 : memref<!tpu.dma_semaphore, #tpu.memory_space<semaphore_mem>>) src(%dma_wait3A_127 : memref<393216x128xf32, #tpu.memory_space<hbm>>) dst(%arg14 : memref<128x128xf32, #tpu.memory_space<vmem>>)
    %scan3A_128 = arith.constant 0 : i32
    %scan3A_129 = arith.constant 32 : i32
    %scan3A_130 = arith.addi %scan3A_128, %scan3A_129 : i32
    %scan3A_131 = arith.constant 1 : i32
    %scan3A_132:3 = scf.for %scan3A_176 = %scan3A_128 to %scan3A_130 step %scan3A_131 iter_args(%scan3A_177 = %select_n3A, %scan3A_178 = %select_n3A_61, %scan3A_179 = %select_n3A_68) -> (vector<16xf32>, vector<16xf32>, vector<16xf32>)  : i32 {
      %mul3A_180 = arith.constant 4 : i32
      %mul3A_181 = arith.muli %mul3A_180, %scan3A_176 : i32
      %add3A_182 = arith.constant 0 : i32
      %add3A_183 = arith.addi %mul3A_181, %add3A_182 : i32
      %broadcast_in_dim3A_184 = arith.constant 128 : i32
      %broadcast_in_dim3A_185 = vector.broadcast %broadcast_in_dim3A_184 : i32 to vector<16xi32>
      %add3A_186 = vector.broadcast %add3A_183 : i32 to vector<16xi32>
      %add3A_187 = arith.addi %broadcast_in_dim3A_185, %add3A_186 : vector<16xi32>
      %gather3A_188 = tpu.vector_load_idx %arg8[%add3A_187] : memref<512xf32, #tpu.memory_space<vmem>>[vector<16xi32>], vector<16xf32>,
      %get3A_189 = arith.index_cast %add3A_183 : i32 to index
      %get3A_190 = arith.constant 0 : index
      %get3A_191 = tpu.vector_load %arg13[%get3A_189, %get3A_190] {strides = array<i32>} : memref<128x128xf32, #tpu.memory_space<vmem>>, vector<16xf32>,
      %get3A_192 = arith.index_cast %add3A_183 : i32 to index
      %get3A_193 = arith.constant 0 : index
      %get3A_194 = tpu.vector_load %arg14[%get3A_192, %get3A_193] {strides = array<i32>} : memref<128x128xf32, #tpu.memory_space<vmem>>, vector<16xf32>,
      %sub3A = arith.subf %get3A_194, %get3A_191 : vector<16xf32>
      %mul3A_195 = arith.mulf %gather3A_188, %sub3A : vector<16xf32>
      %add3A_196 = arith.addf %get3A_191, %mul3A_195 : vector<16xf32>
      %mul3A_197 = arith.mulf %add3A_196, %get3A_3 : vector<16xf32>
      %add3A_198 = arith.addf %select_n3A, %mul3A_197 : vector<16xf32>
      %mul3A_199 = arith.mulf %add3A_196, %get3A_19 : vector<16xf32>
      %add3A_200 = arith.addf %select_n3A_61, %mul3A_199 : vector<16xf32>
      %mul3A_201 = arith.mulf %add3A_196, %get3A_35 : vector<16xf32>
      %add3A_202 = arith.addf %select_n3A_68, %mul3A_201 : vector<16xf32>
      %get3A_203 = arith.index_cast %add3A_183 : i32 to index
      %get3A_204 = arith.constant 16 : index
      %get3A_205 = tpu.vector_load %arg13[%get3A_203, %get3A_204] {strides = array<i32>} : memref<128x128xf32, #tpu.memory_space<vmem>>, vector<16xf32>,
      %get3A_206 = arith.index_cast %add3A_183 : i32 to index
      %get3A_207 = arith.constant 16 : index
      %get3A_208 = tpu.vector_load %arg14[%get3A_206, %get3A_207] {strides = array<i32>} : memref<128x128xf32, #tpu.memory_space<vmem>>, vector<16xf32>,
      %sub3A_209 = arith.subf %get3A_208, %get3A_205 : vector<16xf32>
      %mul3A_210 = arith.mulf %gather3A_188, %sub3A_209 : vector<16xf32>
      %add3A_211 = arith.addf %get3A_205, %mul3A_210 : vector<16xf32>
      %mul3A_212 = arith.mulf %add3A_211, %get3A_5 : vector<16xf32>
      %add3A_213 = arith.addf %add3A_198, %mul3A_212 : vector<16xf32>
      %mul3A_214 = arith.mulf %add3A_211, %get3A_21 : vector<16xf32>
      %add3A_215 = arith.addf %add3A_200, %mul3A_214 : vector<16xf32>
      %mul3A_216 = arith.mulf %add3A_211, %get3A_37 : vector<16xf32>
      %add3A_217 = arith.addf %add3A_202, %mul3A_216 : vector<16xf32>
      %get3A_218 = arith.index_cast %add3A_183 : i32 to index
      %get3A_219 = arith.constant 32 : index
      %get3A_220 = tpu.vector_load %arg13[%get3A_218, %get3A_219] {strides = array<i32>} : memref<128x128xf32, #tpu.memory_space<vmem>>, vector<16xf32>,
      %get3A_221 = arith.index_cast %add3A_183 : i32 to index
      %get3A_222 = arith.constant 32 : index
      %get3A_223 = tpu.vector_load %arg14[%get3A_221, %get3A_222] {strides = array<i32>} : memref<128x128xf32, #tpu.memory_space<vmem>>, vector<16xf32>,
      %sub3A_224 = arith.subf %get3A_223, %get3A_220 : vector<16xf32>
      %mul3A_225 = arith.mulf %gather3A_188, %sub3A_224 : vector<16xf32>
      %add3A_226 = arith.addf %get3A_220, %mul3A_225 : vector<16xf32>
      %mul3A_227 = arith.mulf %add3A_226, %get3A_7 : vector<16xf32>
      %add3A_228 = arith.addf %add3A_213, %mul3A_227 : vector<16xf32>
      %mul3A_229 = arith.mulf %add3A_226, %get3A_23 : vector<16xf32>
      %add3A_230 = arith.addf %add3A_215, %mul3A_229 : vector<16xf32>
      %mul3A_231 = arith.mulf %add3A_226, %get3A_39 : vector<16xf32>
      %add3A_232 = arith.addf %add3A_217, %mul3A_231 : vector<16xf32>
      %get3A_233 = arith.index_cast %add3A_183 : i32 to index
      %get3A_234 = arith.constant 48 : index
      %get3A_235 = tpu.vector_load %arg13[%get3A_233, %get3A_234] {strides = array<i32>} : memref<128x128xf32, #tpu.memory_space<vmem>>, vector<16xf32>,
      %get3A_236 = arith.index_cast %add3A_183 : i32 to index
      %get3A_237 = arith.constant 48 : index
      %get3A_238 = tpu.vector_load %arg14[%get3A_236, %get3A_237] {strides = array<i32>} : memref<128x128xf32, #tpu.memory_space<vmem>>, vector<16xf32>,
      %sub3A_239 = arith.subf %get3A_238, %get3A_235 : vector<16xf32>
      %mul3A_240 = arith.mulf %gather3A_188, %sub3A_239 : vector<16xf32>
      %add3A_241 = arith.addf %get3A_235, %mul3A_240 : vector<16xf32>
      %mul3A_242 = arith.mulf %add3A_241, %get3A_9 : vector<16xf32>
      %add3A_243 = arith.addf %add3A_228, %mul3A_242 : vector<16xf32>
      %mul3A_244 = arith.mulf %add3A_241, %get3A_25 : vector<16xf32>
      %add3A_245 = arith.addf %add3A_230, %mul3A_244 : vector<16xf32>
      %mul3A_246 = arith.mulf %add3A_241, %get3A_41 : vector<16xf32>
      %add3A_247 = arith.addf %add3A_232, %mul3A_246 : vector<16xf32>
      %get3A_248 = arith.index_cast %add3A_183 : i32 to index
      %get3A_249 = arith.constant 64 : index
      %get3A_250 = tpu.vector_load %arg13[%get3A_248, %get3A_249] {strides = array<i32>} : memref<128x128xf32, #tpu.memory_space<vmem>>, vector<16xf32>,
      %get3A_251 = arith.index_cast %add3A_183 : i32 to index
      %get3A_252 = arith.constant 64 : index
      %get3A_253 = tpu.vector_load %arg14[%get3A_251, %get3A_252] {strides = array<i32>} : memref<128x128xf32, #tpu.memory_space<vmem>>, vector<16xf32>,
      %sub3A_254 = arith.subf %get3A_253, %get3A_250 : vector<16xf32>
      %mul3A_255 = arith.mulf %gather3A_188, %sub3A_254 : vector<16xf32>
      %add3A_256 = arith.addf %get3A_250, %mul3A_255 : vector<16xf32>
      %mul3A_257 = arith.mulf %add3A_256, %get3A_11 : vector<16xf32>
      %add3A_258 = arith.addf %add3A_243, %mul3A_257 : vector<16xf32>
      %mul3A_259 = arith.mulf %add3A_256, %get3A_27 : vector<16xf32>
      %add3A_260 = arith.addf %add3A_245, %mul3A_259 : vector<16xf32>
      %mul3A_261 = arith.mulf %add3A_256, %get3A_43 : vector<16xf32>
      %add3A_262 = arith.addf %add3A_247, %mul3A_261 : vector<16xf32>
      %get3A_263 = arith.index_cast %add3A_183 : i32 to index
      %get3A_264 = arith.constant 80 : index
      %get3A_265 = tpu.vector_load %arg13[%get3A_263, %get3A_264] {strides = array<i32>} : memref<128x128xf32, #tpu.memory_space<vmem>>, vector<16xf32>,
      %get3A_266 = arith.index_cast %add3A_183 : i32 to index
      %get3A_267 = arith.constant 80 : index
      %get3A_268 = tpu.vector_load %arg14[%get3A_266, %get3A_267] {strides = array<i32>} : memref<128x128xf32, #tpu.memory_space<vmem>>, vector<16xf32>,
      %sub3A_269 = arith.subf %get3A_268, %get3A_265 : vector<16xf32>
      %mul3A_270 = arith.mulf %gather3A_188, %sub3A_269 : vector<16xf32>
      %add3A_271 = arith.addf %get3A_265, %mul3A_270 : vector<16xf32>
      %mul3A_272 = arith.mulf %add3A_271, %get3A_13 : vector<16xf32>
      %add3A_273 = arith.addf %add3A_258, %mul3A_272 : vector<16xf32>
      %mul3A_274 = arith.mulf %add3A_271, %get3A_29 : vector<16xf32>
      %add3A_275 = arith.addf %add3A_260, %mul3A_274 : vector<16xf32>
      %mul3A_276 = arith.mulf %add3A_271, %get3A_45 : vector<16xf32>
      %add3A_277 = arith.addf %add3A_262, %mul3A_276 : vector<16xf32>
      %get3A_278 = arith.index_cast %add3A_183 : i32 to index
      %get3A_279 = arith.constant 96 : index
      %get3A_280 = tpu.vector_load %arg13[%get3A_278, %get3A_279] {strides = array<i32>} : memref<128x128xf32, #tpu.memory_space<vmem>>, vector<16xf32>,
      %get3A_281 = arith.index_cast %add3A_183 : i32 to index
      %get3A_282 = arith.constant 96 : index
      %get3A_283 = tpu.vector_load %arg14[%get3A_281, %get3A_282] {strides = array<i32>} : memref<128x128xf32, #tpu.memory_space<vmem>>, vector<16xf32>,
      %sub3A_284 = arith.subf %get3A_283, %get3A_280 : vector<16xf32>
      %mul3A_285 = arith.mulf %gather3A_188, %sub3A_284 : vector<16xf32>
      %add3A_286 = arith.addf %get3A_280, %mul3A_285 : vector<16xf32>
      %mul3A_287 = arith.mulf %add3A_286, %get3A_15 : vector<16xf32>
      %add3A_288 = arith.addf %add3A_273, %mul3A_287 : vector<16xf32>
      %mul3A_289 = arith.mulf %add3A_286, %get3A_31 : vector<16xf32>
      %add3A_290 = arith.addf %add3A_275, %mul3A_289 : vector<16xf32>
      %mul3A_291 = arith.mulf %add3A_286, %get3A_47 : vector<16xf32>
      %add3A_292 = arith.addf %add3A_277, %mul3A_291 : vector<16xf32>
      %get3A_293 = arith.index_cast %add3A_183 : i32 to index
      %get3A_294 = arith.constant 112 : index
      %get3A_295 = tpu.vector_load %arg13[%get3A_293, %get3A_294] {strides = array<i32>} : memref<128x128xf32, #tpu.memory_space<vmem>>, vector<16xf32>,
      %get3A_296 = arith.index_cast %add3A_183 : i32 to index
      %get3A_297 = arith.constant 112 : index
      %get3A_298 = tpu.vector_load %arg14[%get3A_296, %get3A_297] {strides = array<i32>} : memref<128x128xf32, #tpu.memory_space<vmem>>, vector<16xf32>,
      %sub3A_299 = arith.subf %get3A_298, %get3A_295 : vector<16xf32>
      %mul3A_300 = arith.mulf %gather3A_188, %sub3A_299 : vector<16xf32>
      %add3A_301 = arith.addf %get3A_295, %mul3A_300 : vector<16xf32>
      %mul3A_302 = arith.mulf %add3A_301, %get3A_17 : vector<16xf32>
      %add3A_303 = arith.addf %add3A_288, %mul3A_302 : vector<16xf32>
      %mul3A_304 = arith.mulf %add3A_301, %get3A_33 : vector<16xf32>
      %add3A_305 = arith.addf %add3A_290, %mul3A_304 : vector<16xf32>
      %mul3A_306 = arith.mulf %add3A_301, %get3A_49 : vector<16xf32>
      %add3A_307 = arith.addf %add3A_292, %mul3A_306 : vector<16xf32>
      %reduce_sum3A = arith.constant true
      %reduce_sum3A_308 = vector.broadcast %reduce_sum3A : i1 to vector<16xi1>
      %reduce_sum3A_309 = tpu.scan <sum>, %add3A_303 masked %reduce_sum3A_308 : vector<16xf32>, vector<16xi1> -> vector<16xf32>
      %reduce_sum3A_310 = vector.extract %reduce_sum3A_309[15] : f32 from vector<16xf32>
      %reduce_sum3A_311 = arith.constant true
      %reduce_sum3A_312 = vector.broadcast %reduce_sum3A_311 : i1 to vector<16xi1>
      %reduce_sum3A_313 = tpu.scan <sum>, %add3A_305 masked %reduce_sum3A_312 : vector<16xf32>, vector<16xi1> -> vector<16xf32>
      %reduce_sum3A_314 = vector.extract %reduce_sum3A_313[15] : f32 from vector<16xf32>
      %reduce_sum3A_315 = arith.constant true
      %reduce_sum3A_316 = vector.broadcast %reduce_sum3A_315 : i1 to vector<16xi1>
      %reduce_sum3A_317 = tpu.scan <sum>, %add3A_307 masked %reduce_sum3A_316 : vector<16xf32>, vector<16xi1> -> vector<16xf32>
      %reduce_sum3A_318 = vector.extract %reduce_sum3A_317[15] : f32 from vector<16xf32>
      %mul3A_319 = arith.constant 4 : i32
      %mul3A_320 = arith.muli %mul3A_319, %scan3A_176 : i32
      %add3A_321 = arith.constant 1 : i32
      %add3A_322 = arith.addi %mul3A_320, %add3A_321 : i32
      %broadcast_in_dim3A_323 = arith.constant 128 : i32
      %broadcast_in_dim3A_324 = vector.broadcast %broadcast_in_dim3A_323 : i32 to vector<16xi32>
      %add3A_325 = vector.broadcast %add3A_322 : i32 to vector<16xi32>
      %add3A_326 = arith.addi %broadcast_in_dim3A_324, %add3A_325 : vector<16xi32>
      %gather3A_327 = tpu.vector_load_idx %arg8[%add3A_326] : memref<512xf32, #tpu.memory_space<vmem>>[vector<16xi32>], vector<16xf32>,
      %get3A_328 = arith.index_cast %add3A_322 : i32 to index
      %get3A_329 = arith.constant 0 : index
      %get3A_330 = tpu.vector_load %arg13[%get3A_328, %get3A_329] {strides = array<i32>} : memref<128x128xf32, #tpu.memory_space<vmem>>, vector<16xf32>,
      %get3A_331 = arith.index_cast %add3A_322 : i32 to index
      %get3A_332 = arith.constant 0 : index
      %get3A_333 = tpu.vector_load %arg14[%get3A_331, %get3A_332] {strides = array<i32>} : memref<128x128xf32, #tpu.memory_space<vmem>>, vector<16xf32>,
      %sub3A_334 = arith.subf %get3A_333, %get3A_330 : vector<16xf32>
      %mul3A_335 = arith.mulf %gather3A_327, %sub3A_334 : vector<16xf32>
      %add3A_336 = arith.addf %get3A_330, %mul3A_335 : vector<16xf32>
      %mul3A_337 = arith.mulf %add3A_336, %get3A_3 : vector<16xf32>
      %add3A_338 = arith.addf %select_n3A, %mul3A_337 : vector<16xf32>
      %mul3A_339 = arith.mulf %add3A_336, %get3A_19 : vector<16xf32>
      %add3A_340 = arith.addf %select_n3A_61, %mul3A_339 : vector<16xf32>
      %mul3A_341 = arith.mulf %add3A_336, %get3A_35 : vector<16xf32>
      %add3A_342 = arith.addf %select_n3A_68, %mul3A_341 : vector<16xf32>
      %get3A_343 = arith.index_cast %add3A_322 : i32 to index
      %get3A_344 = arith.constant 16 : index
      %get3A_345 = tpu.vector_load %arg13[%get3A_343, %get3A_344] {strides = array<i32>} : memref<128x128xf32, #tpu.memory_space<vmem>>, vector<16xf32>,
      %get3A_346 = arith.index_cast %add3A_322 : i32 to index
      %get3A_347 = arith.constant 16 : index
      %get3A_348 = tpu.vector_load %arg14[%get3A_346, %get3A_347] {strides = array<i32>} : memref<128x128xf32, #tpu.memory_space<vmem>>, vector<16xf32>,
      %sub3A_349 = arith.subf %get3A_348, %get3A_345 : vector<16xf32>
      %mul3A_350 = arith.mulf %gather3A_327, %sub3A_349 : vector<16xf32>
      %add3A_351 = arith.addf %get3A_345, %mul3A_350 : vector<16xf32>
      %mul3A_352 = arith.mulf %add3A_351, %get3A_5 : vector<16xf32>
      %add3A_353 = arith.addf %add3A_338, %mul3A_352 : vector<16xf32>
      %mul3A_354 = arith.mulf %add3A_351, %get3A_21 : vector<16xf32>
      %add3A_355 = arith.addf %add3A_340, %mul3A_354 : vector<16xf32>
      %mul3A_356 = arith.mulf %add3A_351, %get3A_37 : vector<16xf32>
      %add3A_357 = arith.addf %add3A_342, %mul3A_356 : vector<16xf32>
      %get3A_358 = arith.index_cast %add3A_322 : i32 to index
      %get3A_359 = arith.constant 32 : index
      %get3A_360 = tpu.vector_load %arg13[%get3A_358, %get3A_359] {strides = array<i32>} : memref<128x128xf32, #tpu.memory_space<vmem>>, vector<16xf32>,
      %get3A_361 = arith.index_cast %add3A_322 : i32 to index
      %get3A_362 = arith.constant 32 : index
      %get3A_363 = tpu.vector_load %arg14[%get3A_361, %get3A_362] {strides = array<i32>} : memref<128x128xf32, #tpu.memory_space<vmem>>, vector<16xf32>,
      %sub3A_364 = arith.subf %get3A_363, %get3A_360 : vector<16xf32>
      %mul3A_365 = arith.mulf %gather3A_327, %sub3A_364 : vector<16xf32>
      %add3A_366 = arith.addf %get3A_360, %mul3A_365 : vector<16xf32>
      %mul3A_367 = arith.mulf %add3A_366, %get3A_7 : vector<16xf32>
      %add3A_368 = arith.addf %add3A_353, %mul3A_367 : vector<16xf32>
      %mul3A_369 = arith.mulf %add3A_366, %get3A_23 : vector<16xf32>
      %add3A_370 = arith.addf %add3A_355, %mul3A_369 : vector<16xf32>
      %mul3A_371 = arith.mulf %add3A_366, %get3A_39 : vector<16xf32>
      %add3A_372 = arith.addf %add3A_357, %mul3A_371 : vector<16xf32>
      %get3A_373 = arith.index_cast %add3A_322 : i32 to index
      %get3A_374 = arith.constant 48 : index
      %get3A_375 = tpu.vector_load %arg13[%get3A_373, %get3A_374] {strides = array<i32>} : memref<128x128xf32, #tpu.memory_space<vmem>>, vector<16xf32>,
      %get3A_376 = arith.index_cast %add3A_322 : i32 to index
      %get3A_377 = arith.constant 48 : index
      %get3A_378 = tpu.vector_load %arg14[%get3A_376, %get3A_377] {strides = array<i32>} : memref<128x128xf32, #tpu.memory_space<vmem>>, vector<16xf32>,
      %sub3A_379 = arith.subf %get3A_378, %get3A_375 : vector<16xf32>
      %mul3A_380 = arith.mulf %gather3A_327, %sub3A_379 : vector<16xf32>
      %add3A_381 = arith.addf %get3A_375, %mul3A_380 : vector<16xf32>
      %mul3A_382 = arith.mulf %add3A_381, %get3A_9 : vector<16xf32>
      %add3A_383 = arith.addf %add3A_368, %mul3A_382 : vector<16xf32>
      %mul3A_384 = arith.mulf %add3A_381, %get3A_25 : vector<16xf32>
      %add3A_385 = arith.addf %add3A_370, %mul3A_384 : vector<16xf32>
      %mul3A_386 = arith.mulf %add3A_381, %get3A_41 : vector<16xf32>
      %add3A_387 = arith.addf %add3A_372, %mul3A_386 : vector<16xf32>
      %get3A_388 = arith.index_cast %add3A_322 : i32 to index
      %get3A_389 = arith.constant 64 : index
      %get3A_390 = tpu.vector_load %arg13[%get3A_388, %get3A_389] {strides = array<i32>} : memref<128x128xf32, #tpu.memory_space<vmem>>, vector<16xf32>,
      %get3A_391 = arith.index_cast %add3A_322 : i32 to index
      %get3A_392 = arith.constant 64 : index
      %get3A_393 = tpu.vector_load %arg14[%get3A_391, %get3A_392] {strides = array<i32>} : memref<128x128xf32, #tpu.memory_space<vmem>>, vector<16xf32>,
      %sub3A_394 = arith.subf %get3A_393, %get3A_390 : vector<16xf32>
      %mul3A_395 = arith.mulf %gather3A_327, %sub3A_394 : vector<16xf32>
      %add3A_396 = arith.addf %get3A_390, %mul3A_395 : vector<16xf32>
      %mul3A_397 = arith.mulf %add3A_396, %get3A_11 : vector<16xf32>
      %add3A_398 = arith.addf %add3A_383, %mul3A_397 : vector<16xf32>
      %mul3A_399 = arith.mulf %add3A_396, %get3A_27 : vector<16xf32>
      %add3A_400 = arith.addf %add3A_385, %mul3A_399 : vector<16xf32>
      %mul3A_401 = arith.mulf %add3A_396, %get3A_43 : vector<16xf32>
      %add3A_402 = arith.addf %add3A_387, %mul3A_401 : vector<16xf32>
      %get3A_403 = arith.index_cast %add3A_322 : i32 to index
      %get3A_404 = arith.constant 80 : index
      %get3A_405 = tpu.vector_load %arg13[%get3A_403, %get3A_404] {strides = array<i32>} : memref<128x128xf32, #tpu.memory_space<vmem>>, vector<16xf32>,
      %get3A_406 = arith.index_cast %add3A_322 : i32 to index
      %get3A_407 = arith.constant 80 : index
      %get3A_408 = tpu.vector_load %arg14[%get3A_406, %get3A_407] {strides = array<i32>} : memref<128x128xf32, #tpu.memory_space<vmem>>, vector<16xf32>,
      %sub3A_409 = arith.subf %get3A_408, %get3A_405 : vector<16xf32>
      %mul3A_410 = arith.mulf %gather3A_327, %sub3A_409 : vector<16xf32>
      %add3A_411 = arith.addf %get3A_405, %mul3A_410 : vector<16xf32>
      %mul3A_412 = arith.mulf %add3A_411, %get3A_13 : vector<16xf32>
      %add3A_413 = arith.addf %add3A_398, %mul3A_412 : vector<16xf32>
      %mul3A_414 = arith.mulf %add3A_411, %get3A_29 : vector<16xf32>
      %add3A_415 = arith.addf %add3A_400, %mul3A_414 : vector<16xf32>
      %mul3A_416 = arith.mulf %add3A_411, %get3A_45 : vector<16xf32>
      %add3A_417 = arith.addf %add3A_402, %mul3A_416 : vector<16xf32>
      %get3A_418 = arith.index_cast %add3A_322 : i32 to index
      %get3A_419 = arith.constant 96 : index
      %get3A_420 = tpu.vector_load %arg13[%get3A_418, %get3A_419] {strides = array<i32>} : memref<128x128xf32, #tpu.memory_space<vmem>>, vector<16xf32>,
      %get3A_421 = arith.index_cast %add3A_322 : i32 to index
      %get3A_422 = arith.constant 96 : index
      %get3A_423 = tpu.vector_load %arg14[%get3A_421, %get3A_422] {strides = array<i32>} : memref<128x128xf32, #tpu.memory_space<vmem>>, vector<16xf32>,
      %sub3A_424 = arith.subf %get3A_423, %get3A_420 : vector<16xf32>
      %mul3A_425 = arith.mulf %gather3A_327, %sub3A_424 : vector<16xf32>
      %add3A_426 = arith.addf %get3A_420, %mul3A_425 : vector<16xf32>
      %mul3A_427 = arith.mulf %add3A_426, %get3A_15 : vector<16xf32>
      %add3A_428 = arith.addf %add3A_413, %mul3A_427 : vector<16xf32>
      %mul3A_429 = arith.mulf %add3A_426, %get3A_31 : vector<16xf32>
      %add3A_430 = arith.addf %add3A_415, %mul3A_429 : vector<16xf32>
      %mul3A_431 = arith.mulf %add3A_426, %get3A_47 : vector<16xf32>
      %add3A_432 = arith.addf %add3A_417, %mul3A_431 : vector<16xf32>
      %get3A_433 = arith.index_cast %add3A_322 : i32 to index
      %get3A_434 = arith.constant 112 : index
      %get3A_435 = tpu.vector_load %arg13[%get3A_433, %get3A_434] {strides = array<i32>} : memref<128x128xf32, #tpu.memory_space<vmem>>, vector<16xf32>,
      %get3A_436 = arith.index_cast %add3A_322 : i32 to index
      %get3A_437 = arith.constant 112 : index
      %get3A_438 = tpu.vector_load %arg14[%get3A_436, %get3A_437] {strides = array<i32>} : memref<128x128xf32, #tpu.memory_space<vmem>>, vector<16xf32>,
      %sub3A_439 = arith.subf %get3A_438, %get3A_435 : vector<16xf32>
      %mul3A_440 = arith.mulf %gather3A_327, %sub3A_439 : vector<16xf32>
      %add3A_441 = arith.addf %get3A_435, %mul3A_440 : vector<16xf32>
      %mul3A_442 = arith.mulf %add3A_441, %get3A_17 : vector<16xf32>
      %add3A_443 = arith.addf %add3A_428, %mul3A_442 : vector<16xf32>
      %mul3A_444 = arith.mulf %add3A_441, %get3A_33 : vector<16xf32>
      %add3A_445 = arith.addf %add3A_430, %mul3A_444 : vector<16xf32>
      %mul3A_446 = arith.mulf %add3A_441, %get3A_49 : vector<16xf32>
      %add3A_447 = arith.addf %add3A_432, %mul3A_446 : vector<16xf32>
      %reduce_sum3A_448 = arith.constant true
      %reduce_sum3A_449 = vector.broadcast %reduce_sum3A_448 : i1 to vector<16xi1>
      %reduce_sum3A_450 = tpu.scan <sum>, %add3A_443 masked %reduce_sum3A_449 : vector<16xf32>, vector<16xi1> -> vector<16xf32>
      %reduce_sum3A_451 = vector.extract %reduce_sum3A_450[15] : f32 from vector<16xf32>
      %reduce_sum3A_452 = arith.constant true
      %reduce_sum3A_453 = vector.broadcast %reduce_sum3A_452 : i1 to vector<16xi1>
      %reduce_sum3A_454 = tpu.scan <sum>, %add3A_445 masked %reduce_sum3A_453 : vector<16xf32>, vector<16xi1> -> vector<16xf32>
      %reduce_sum3A_455 = vector.extract %reduce_sum3A_454[15] : f32 from vector<16xf32>
      %reduce_sum3A_456 = arith.constant true
      %reduce_sum3A_457 = vector.broadcast %reduce_sum3A_456 : i1 to vector<16xi1>
      %reduce_sum3A_458 = tpu.scan <sum>, %add3A_447 masked %reduce_sum3A_457 : vector<16xf32>, vector<16xi1> -> vector<16xf32>
      %reduce_sum3A_459 = vector.extract %reduce_sum3A_458[15] : f32 from vector<16xf32>
      %mul3A_460 = arith.constant 4 : i32
      %mul3A_461 = arith.muli %mul3A_460, %scan3A_176 : i32
      %add3A_462 = arith.constant 2 : i32
      %add3A_463 = arith.addi %mul3A_461, %add3A_462 : i32
      %broadcast_in_dim3A_464 = arith.constant 128 : i32
      %broadcast_in_dim3A_465 = vector.broadcast %broadcast_in_dim3A_464 : i32 to vector<16xi32>
      %add3A_466 = vector.broadcast %add3A_463 : i32 to vector<16xi32>
      %add3A_467 = arith.addi %broadcast_in_dim3A_465, %add3A_466 : vector<16xi32>
      %gather3A_468 = tpu.vector_load_idx %arg8[%add3A_467] : memref<512xf32, #tpu.memory_space<vmem>>[vector<16xi32>], vector<16xf32>,
      %get3A_469 = arith.index_cast %add3A_463 : i32 to index
      %get3A_470 = arith.constant 0 : index
      %get3A_471 = tpu.vector_load %arg13[%get3A_469, %get3A_470] {strides = array<i32>} : memref<128x128xf32, #tpu.memory_space<vmem>>, vector<16xf32>,
      %get3A_472 = arith.index_cast %add3A_463 : i32 to index
      %get3A_473 = arith.constant 0 : index
      %get3A_474 = tpu.vector_load %arg14[%get3A_472, %get3A_473] {strides = array<i32>} : memref<128x128xf32, #tpu.memory_space<vmem>>, vector<16xf32>,
      %sub3A_475 = arith.subf %get3A_474, %get3A_471 : vector<16xf32>
      %mul3A_476 = arith.mulf %gather3A_468, %sub3A_475 : vector<16xf32>
      %add3A_477 = arith.addf %get3A_471, %mul3A_476 : vector<16xf32>
      %mul3A_478 = arith.mulf %add3A_477, %get3A_3 : vector<16xf32>
      %add3A_479 = arith.addf %select_n3A, %mul3A_478 : vector<16xf32>
      %mul3A_480 = arith.mulf %add3A_477, %get3A_19 : vector<16xf32>
      %add3A_481 = arith.addf %select_n3A_61, %mul3A_480 : vector<16xf32>
      %mul3A_482 = arith.mulf %add3A_477, %get3A_35 : vector<16xf32>
      %add3A_483 = arith.addf %select_n3A_68, %mul3A_482 : vector<16xf32>
      %get3A_484 = arith.index_cast %add3A_463 : i32 to index
      %get3A_485 = arith.constant 16 : index
      %get3A_486 = tpu.vector_load %arg13[%get3A_484, %get3A_485] {strides = array<i32>} : memref<128x128xf32, #tpu.memory_space<vmem>>, vector<16xf32>,
      %get3A_487 = arith.index_cast %add3A_463 : i32 to index
      %get3A_488 = arith.constant 16 : index
      %get3A_489 = tpu.vector_load %arg14[%get3A_487, %get3A_488] {strides = array<i32>} : memref<128x128xf32, #tpu.memory_space<vmem>>, vector<16xf32>,
      %sub3A_490 = arith.subf %get3A_489, %get3A_486 : vector<16xf32>
      %mul3A_491 = arith.mulf %gather3A_468, %sub3A_490 : vector<16xf32>
      %add3A_492 = arith.addf %get3A_486, %mul3A_491 : vector<16xf32>
      %mul3A_493 = arith.mulf %add3A_492, %get3A_5 : vector<16xf32>
      %add3A_494 = arith.addf %add3A_479, %mul3A_493 : vector<16xf32>
      %mul3A_495 = arith.mulf %add3A_492, %get3A_21 : vector<16xf32>
      %add3A_496 = arith.addf %add3A_481, %mul3A_495 : vector<16xf32>
      %mul3A_497 = arith.mulf %add3A_492, %get3A_37 : vector<16xf32>
      %add3A_498 = arith.addf %add3A_483, %mul3A_497 : vector<16xf32>
      %get3A_499 = arith.index_cast %add3A_463 : i32 to index
      %get3A_500 = arith.constant 32 : index
      %get3A_501 = tpu.vector_load %arg13[%get3A_499, %get3A_500] {strides = array<i32>} : memref<128x128xf32, #tpu.memory_space<vmem>>, vector<16xf32>,
      %get3A_502 = arith.index_cast %add3A_463 : i32 to index
      %get3A_503 = arith.constant 32 : index
      %get3A_504 = tpu.vector_load %arg14[%get3A_502, %get3A_503] {strides = array<i32>} : memref<128x128xf32, #tpu.memory_space<vmem>>, vector<16xf32>,
      %sub3A_505 = arith.subf %get3A_504, %get3A_501 : vector<16xf32>
      %mul3A_506 = arith.mulf %gather3A_468, %sub3A_505 : vector<16xf32>
      %add3A_507 = arith.addf %get3A_501, %mul3A_506 : vector<16xf32>
      %mul3A_508 = arith.mulf %add3A_507, %get3A_7 : vector<16xf32>
      %add3A_509 = arith.addf %add3A_494, %mul3A_508 : vector<16xf32>
      %mul3A_510 = arith.mulf %add3A_507, %get3A_23 : vector<16xf32>
      %add3A_511 = arith.addf %add3A_496, %mul3A_510 : vector<16xf32>
      %mul3A_512 = arith.mulf %add3A_507, %get3A_39 : vector<16xf32>
      %add3A_513 = arith.addf %add3A_498, %mul3A_512 : vector<16xf32>
      %get3A_514 = arith.index_cast %add3A_463 : i32 to index
      %get3A_515 = arith.constant 48 : index
      %get3A_516 = tpu.vector_load %arg13[%get3A_514, %get3A_515] {strides = array<i32>} : memref<128x128xf32, #tpu.memory_space<vmem>>, vector<16xf32>,
      %get3A_517 = arith.index_cast %add3A_463 : i32 to index
      %get3A_518 = arith.constant 48 : index
      %get3A_519 = tpu.vector_load %arg14[%get3A_517, %get3A_518] {strides = array<i32>} : memref<128x128xf32, #tpu.memory_space<vmem>>, vector<16xf32>,
      %sub3A_520 = arith.subf %get3A_519, %get3A_516 : vector<16xf32>
      %mul3A_521 = arith.mulf %gather3A_468, %sub3A_520 : vector<16xf32>
      %add3A_522 = arith.addf %get3A_516, %mul3A_521 : vector<16xf32>
      %mul3A_523 = arith.mulf %add3A_522, %get3A_9 : vector<16xf32>
      %add3A_524 = arith.addf %add3A_509, %mul3A_523 : vector<16xf32>
      %mul3A_525 = arith.mulf %add3A_522, %get3A_25 : vector<16xf32>
      %add3A_526 = arith.addf %add3A_511, %mul3A_525 : vector<16xf32>
      %mul3A_527 = arith.mulf %add3A_522, %get3A_41 : vector<16xf32>
      %add3A_528 = arith.addf %add3A_513, %mul3A_527 : vector<16xf32>
      %get3A_529 = arith.index_cast %add3A_463 : i32 to index
      %get3A_530 = arith.constant 64 : index
      %get3A_531 = tpu.vector_load %arg13[%get3A_529, %get3A_530] {strides = array<i32>} : memref<128x128xf32, #tpu.memory_space<vmem>>, vector<16xf32>,
      %get3A_532 = arith.index_cast %add3A_463 : i32 to index
      %get3A_533 = arith.constant 64 : index
      %get3A_534 = tpu.vector_load %arg14[%get3A_532, %get3A_533] {strides = array<i32>} : memref<128x128xf32, #tpu.memory_space<vmem>>, vector<16xf32>,
      %sub3A_535 = arith.subf %get3A_534, %get3A_531 : vector<16xf32>
      %mul3A_536 = arith.mulf %gather3A_468, %sub3A_535 : vector<16xf32>
      %add3A_537 = arith.addf %get3A_531, %mul3A_536 : vector<16xf32>
      %mul3A_538 = arith.mulf %add3A_537, %get3A_11 : vector<16xf32>
      %add3A_539 = arith.addf %add3A_524, %mul3A_538 : vector<16xf32>
      %mul3A_540 = arith.mulf %add3A_537, %get3A_27 : vector<16xf32>
      %add3A_541 = arith.addf %add3A_526, %mul3A_540 : vector<16xf32>
      %mul3A_542 = arith.mulf %add3A_537, %get3A_43 : vector<16xf32>
      %add3A_543 = arith.addf %add3A_528, %mul3A_542 : vector<16xf32>
      %get3A_544 = arith.index_cast %add3A_463 : i32 to index
      %get3A_545 = arith.constant 80 : index
      %get3A_546 = tpu.vector_load %arg13[%get3A_544, %get3A_545] {strides = array<i32>} : memref<128x128xf32, #tpu.memory_space<vmem>>, vector<16xf32>,
      %get3A_547 = arith.index_cast %add3A_463 : i32 to index
      %get3A_548 = arith.constant 80 : index
      %get3A_549 = tpu.vector_load %arg14[%get3A_547, %get3A_548] {strides = array<i32>} : memref<128x128xf32, #tpu.memory_space<vmem>>, vector<16xf32>,
      %sub3A_550 = arith.subf %get3A_549, %get3A_546 : vector<16xf32>
      %mul3A_551 = arith.mulf %gather3A_468, %sub3A_550 : vector<16xf32>
      %add3A_552 = arith.addf %get3A_546, %mul3A_551 : vector<16xf32>
      %mul3A_553 = arith.mulf %add3A_552, %get3A_13 : vector<16xf32>
      %add3A_554 = arith.addf %add3A_539, %mul3A_553 : vector<16xf32>
      %mul3A_555 = arith.mulf %add3A_552, %get3A_29 : vector<16xf32>
      %add3A_556 = arith.addf %add3A_541, %mul3A_555 : vector<16xf32>
      %mul3A_557 = arith.mulf %add3A_552, %get3A_45 : vector<16xf32>
      %add3A_558 = arith.addf %add3A_543, %mul3A_557 : vector<16xf32>
      %get3A_559 = arith.index_cast %add3A_463 : i32 to index
      %get3A_560 = arith.constant 96 : index
      %get3A_561 = tpu.vector_load %arg13[%get3A_559, %get3A_560] {strides = array<i32>} : memref<128x128xf32, #tpu.memory_space<vmem>>, vector<16xf32>,
      %get3A_562 = arith.index_cast %add3A_463 : i32 to index
      %get3A_563 = arith.constant 96 : index
      %get3A_564 = tpu.vector_load %arg14[%get3A_562, %get3A_563] {strides = array<i32>} : memref<128x128xf32, #tpu.memory_space<vmem>>, vector<16xf32>,
      %sub3A_565 = arith.subf %get3A_564, %get3A_561 : vector<16xf32>
      %mul3A_566 = arith.mulf %gather3A_468, %sub3A_565 : vector<16xf32>
      %add3A_567 = arith.addf %get3A_561, %mul3A_566 : vector<16xf32>
      %mul3A_568 = arith.mulf %add3A_567, %get3A_15 : vector<16xf32>
      %add3A_569 = arith.addf %add3A_554, %mul3A_568 : vector<16xf32>
      %mul3A_570 = arith.mulf %add3A_567, %get3A_31 : vector<16xf32>
      %add3A_571 = arith.addf %add3A_556, %mul3A_570 : vector<16xf32>
      %mul3A_572 = arith.mulf %add3A_567, %get3A_47 : vector<16xf32>
      %add3A_573 = arith.addf %add3A_558, %mul3A_572 : vector<16xf32>
      %get3A_574 = arith.index_cast %add3A_463 : i32 to index
      %get3A_575 = arith.constant 112 : index
      %get3A_576 = tpu.vector_load %arg13[%get3A_574, %get3A_575] {strides = array<i32>} : memref<128x128xf32, #tpu.memory_space<vmem>>, vector<16xf32>,
      %get3A_577 = arith.index_cast %add3A_463 : i32 to index
      %get3A_578 = arith.constant 112 : index
      %get3A_579 = tpu.vector_load %arg14[%get3A_577, %get3A_578] {strides = array<i32>} : memref<128x128xf32, #tpu.memory_space<vmem>>, vector<16xf32>,
      %sub3A_580 = arith.subf %get3A_579, %get3A_576 : vector<16xf32>
      %mul3A_581 = arith.mulf %gather3A_468, %sub3A_580 : vector<16xf32>
      %add3A_582 = arith.addf %get3A_576, %mul3A_581 : vector<16xf32>
      %mul3A_583 = arith.mulf %add3A_582, %get3A_17 : vector<16xf32>
      %add3A_584 = arith.addf %add3A_569, %mul3A_583 : vector<16xf32>
      %mul3A_585 = arith.mulf %add3A_582, %get3A_33 : vector<16xf32>
      %add3A_586 = arith.addf %add3A_571, %mul3A_585 : vector<16xf32>
      %mul3A_587 = arith.mulf %add3A_582, %get3A_49 : vector<16xf32>
      %add3A_588 = arith.addf %add3A_573, %mul3A_587 : vector<16xf32>
      %reduce_sum3A_589 = arith.constant true
      %reduce_sum3A_590 = vector.broadcast %reduce_sum3A_589 : i1 to vector<16xi1>
      %reduce_sum3A_591 = tpu.scan <sum>, %add3A_584 masked %reduce_sum3A_590 : vector<16xf32>, vector<16xi1> -> vector<16xf32>
      %reduce_sum3A_592 = vector.extract %reduce_sum3A_591[15] : f32 from vector<16xf32>
      %reduce_sum3A_593 = arith.constant true
      %reduce_sum3A_594 = vector.broadcast %reduce_sum3A_593 : i1 to vector<16xi1>
      %reduce_sum3A_595 = tpu.scan <sum>, %add3A_586 masked %reduce_sum3A_594 : vector<16xf32>, vector<16xi1> -> vector<16xf32>
      %reduce_sum3A_596 = vector.extract %reduce_sum3A_595[15] : f32 from vector<16xf32>
      %reduce_sum3A_597 = arith.constant true
      %reduce_sum3A_598 = vector.broadcast %reduce_sum3A_597 : i1 to vector<16xi1>
      %reduce_sum3A_599 = tpu.scan <sum>, %add3A_588 masked %reduce_sum3A_598 : vector<16xf32>, vector<16xi1> -> vector<16xf32>
      %reduce_sum3A_600 = vector.extract %reduce_sum3A_599[15] : f32 from vector<16xf32>
      %mul3A_601 = arith.constant 4 : i32
      %mul3A_602 = arith.muli %mul3A_601, %scan3A_176 : i32
      %add3A_603 = arith.constant 3 : i32
      %add3A_604 = arith.addi %mul3A_602, %add3A_603 : i32
      %broadcast_in_dim3A_605 = arith.constant 128 : i32
      %broadcast_in_dim3A_606 = vector.broadcast %broadcast_in_dim3A_605 : i32 to vector<16xi32>
      %add3A_607 = vector.broadcast %add3A_604 : i32 to vector<16xi32>
      %add3A_608 = arith.addi %broadcast_in_dim3A_606, %add3A_607 : vector<16xi32>
      %gather3A_609 = tpu.vector_load_idx %arg8[%add3A_608] : memref<512xf32, #tpu.memory_space<vmem>>[vector<16xi32>], vector<16xf32>,
      %get3A_610 = arith.index_cast %add3A_604 : i32 to index
      %get3A_611 = arith.constant 0 : index
      %get3A_612 = tpu.vector_load %arg13[%get3A_610, %get3A_611] {strides = array<i32>} : memref<128x128xf32, #tpu.memory_space<vmem>>, vector<16xf32>,
      %get3A_613 = arith.index_cast %add3A_604 : i32 to index
      %get3A_614 = arith.constant 0 : index
      %get3A_615 = tpu.vector_load %arg14[%get3A_613, %get3A_614] {strides = array<i32>} : memref<128x128xf32, #tpu.memory_space<vmem>>, vector<16xf32>,
      %sub3A_616 = arith.subf %get3A_615, %get3A_612 : vector<16xf32>
      %mul3A_617 = arith.mulf %gather3A_609, %sub3A_616 : vector<16xf32>
      %add3A_618 = arith.addf %get3A_612, %mul3A_617 : vector<16xf32>
      %mul3A_619 = arith.mulf %add3A_618, %get3A_3 : vector<16xf32>
      %add3A_620 = arith.addf %select_n3A, %mul3A_619 : vector<16xf32>
      %mul3A_621 = arith.mulf %add3A_618, %get3A_19 : vector<16xf32>
      %add3A_622 = arith.addf %select_n3A_61, %mul3A_621 : vector<16xf32>
      %mul3A_623 = arith.mulf %add3A_618, %get3A_35 : vector<16xf32>
      %add3A_624 = arith.addf %select_n3A_68, %mul3A_623 : vector<16xf32>
      %get3A_625 = arith.index_cast %add3A_604 : i32 to index
      %get3A_626 = arith.constant 16 : index
      %get3A_627 = tpu.vector_load %arg13[%get3A_625, %get3A_626] {strides = array<i32>} : memref<128x128xf32, #tpu.memory_space<vmem>>, vector<16xf32>,
      %get3A_628 = arith.index_cast %add3A_604 : i32 to index
      %get3A_629 = arith.constant 16 : index
      %get3A_630 = tpu.vector_load %arg14[%get3A_628, %get3A_629] {strides = array<i32>} : memref<128x128xf32, #tpu.memory_space<vmem>>, vector<16xf32>,
      %sub3A_631 = arith.subf %get3A_630, %get3A_627 : vector<16xf32>
      %mul3A_632 = arith.mulf %gather3A_609, %sub3A_631 : vector<16xf32>
      %add3A_633 = arith.addf %get3A_627, %mul3A_632 : vector<16xf32>
      %mul3A_634 = arith.mulf %add3A_633, %get3A_5 : vector<16xf32>
      %add3A_635 = arith.addf %add3A_620, %mul3A_634 : vector<16xf32>
      %mul3A_636 = arith.mulf %add3A_633, %get3A_21 : vector<16xf32>
      %add3A_637 = arith.addf %add3A_622, %mul3A_636 : vector<16xf32>
      %mul3A_638 = arith.mulf %add3A_633, %get3A_37 : vector<16xf32>
      %add3A_639 = arith.addf %add3A_624, %mul3A_638 : vector<16xf32>
      %get3A_640 = arith.index_cast %add3A_604 : i32 to index
      %get3A_641 = arith.constant 32 : index
      %get3A_642 = tpu.vector_load %arg13[%get3A_640, %get3A_641] {strides = array<i32>} : memref<128x128xf32, #tpu.memory_space<vmem>>, vector<16xf32>,
      %get3A_643 = arith.index_cast %add3A_604 : i32 to index
      %get3A_644 = arith.constant 32 : index
      %get3A_645 = tpu.vector_load %arg14[%get3A_643, %get3A_644] {strides = array<i32>} : memref<128x128xf32, #tpu.memory_space<vmem>>, vector<16xf32>,
      %sub3A_646 = arith.subf %get3A_645, %get3A_642 : vector<16xf32>
      %mul3A_647 = arith.mulf %gather3A_609, %sub3A_646 : vector<16xf32>
      %add3A_648 = arith.addf %get3A_642, %mul3A_647 : vector<16xf32>
      %mul3A_649 = arith.mulf %add3A_648, %get3A_7 : vector<16xf32>
      %add3A_650 = arith.addf %add3A_635, %mul3A_649 : vector<16xf32>
      %mul3A_651 = arith.mulf %add3A_648, %get3A_23 : vector<16xf32>
      %add3A_652 = arith.addf %add3A_637, %mul3A_651 : vector<16xf32>
      %mul3A_653 = arith.mulf %add3A_648, %get3A_39 : vector<16xf32>
      %add3A_654 = arith.addf %add3A_639, %mul3A_653 : vector<16xf32>
      %get3A_655 = arith.index_cast %add3A_604 : i32 to index
      %get3A_656 = arith.constant 48 : index
      %get3A_657 = tpu.vector_load %arg13[%get3A_655, %get3A_656] {strides = array<i32>} : memref<128x128xf32, #tpu.memory_space<vmem>>, vector<16xf32>,
      %get3A_658 = arith.index_cast %add3A_604 : i32 to index
      %get3A_659 = arith.constant 48 : index
      %get3A_660 = tpu.vector_load %arg14[%get3A_658, %get3A_659] {strides = array<i32>} : memref<128x128xf32, #tpu.memory_space<vmem>>, vector<16xf32>,
      %sub3A_661 = arith.subf %get3A_660, %get3A_657 : vector<16xf32>
      %mul3A_662 = arith.mulf %gather3A_609, %sub3A_661 : vector<16xf32>
      %add3A_663 = arith.addf %get3A_657, %mul3A_662 : vector<16xf32>
      %mul3A_664 = arith.mulf %add3A_663, %get3A_9 : vector<16xf32>
      %add3A_665 = arith.addf %add3A_650, %mul3A_664 : vector<16xf32>
      %mul3A_666 = arith.mulf %add3A_663, %get3A_25 : vector<16xf32>
      %add3A_667 = arith.addf %add3A_652, %mul3A_666 : vector<16xf32>
      %mul3A_668 = arith.mulf %add3A_663, %get3A_41 : vector<16xf32>
      %add3A_669 = arith.addf %add3A_654, %mul3A_668 : vector<16xf32>
      %get3A_670 = arith.index_cast %add3A_604 : i32 to index
      %get3A_671 = arith.constant 64 : index
      %get3A_672 = tpu.vector_load %arg13[%get3A_670, %get3A_671] {strides = array<i32>} : memref<128x128xf32, #tpu.memory_space<vmem>>, vector<16xf32>,
      %get3A_673 = arith.index_cast %add3A_604 : i32 to index
      %get3A_674 = arith.constant 64 : index
      %get3A_675 = tpu.vector_load %arg14[%get3A_673, %get3A_674] {strides = array<i32>} : memref<128x128xf32, #tpu.memory_space<vmem>>, vector<16xf32>,
      %sub3A_676 = arith.subf %get3A_675, %get3A_672 : vector<16xf32>
      %mul3A_677 = arith.mulf %gather3A_609, %sub3A_676 : vector<16xf32>
      %add3A_678 = arith.addf %get3A_672, %mul3A_677 : vector<16xf32>
      %mul3A_679 = arith.mulf %add3A_678, %get3A_11 : vector<16xf32>
      %add3A_680 = arith.addf %add3A_665, %mul3A_679 : vector<16xf32>
      %mul3A_681 = arith.mulf %add3A_678, %get3A_27 : vector<16xf32>
      %add3A_682 = arith.addf %add3A_667, %mul3A_681 : vector<16xf32>
      %mul3A_683 = arith.mulf %add3A_678, %get3A_43 : vector<16xf32>
      %add3A_684 = arith.addf %add3A_669, %mul3A_683 : vector<16xf32>
      %get3A_685 = arith.index_cast %add3A_604 : i32 to index
      %get3A_686 = arith.constant 80 : index
      %get3A_687 = tpu.vector_load %arg13[%get3A_685, %get3A_686] {strides = array<i32>} : memref<128x128xf32, #tpu.memory_space<vmem>>, vector<16xf32>,
      %get3A_688 = arith.index_cast %add3A_604 : i32 to index
      %get3A_689 = arith.constant 80 : index
      %get3A_690 = tpu.vector_load %arg14[%get3A_688, %get3A_689] {strides = array<i32>} : memref<128x128xf32, #tpu.memory_space<vmem>>, vector<16xf32>,
      %sub3A_691 = arith.subf %get3A_690, %get3A_687 : vector<16xf32>
      %mul3A_692 = arith.mulf %gather3A_609, %sub3A_691 : vector<16xf32>
      %add3A_693 = arith.addf %get3A_687, %mul3A_692 : vector<16xf32>
      %mul3A_694 = arith.mulf %add3A_693, %get3A_13 : vector<16xf32>
      %add3A_695 = arith.addf %add3A_680, %mul3A_694 : vector<16xf32>
      %mul3A_696 = arith.mulf %add3A_693, %get3A_29 : vector<16xf32>
      %add3A_697 = arith.addf %add3A_682, %mul3A_696 : vector<16xf32>
      %mul3A_698 = arith.mulf %add3A_693, %get3A_45 : vector<16xf32>
      %add3A_699 = arith.addf %add3A_684, %mul3A_698 : vector<16xf32>
      %get3A_700 = arith.index_cast %add3A_604 : i32 to index
      %get3A_701 = arith.constant 96 : index
      %get3A_702 = tpu.vector_load %arg13[%get3A_700, %get3A_701] {strides = array<i32>} : memref<128x128xf32, #tpu.memory_space<vmem>>, vector<16xf32>,
      %get3A_703 = arith.index_cast %add3A_604 : i32 to index
      %get3A_704 = arith.constant 96 : index
      %get3A_705 = tpu.vector_load %arg14[%get3A_703, %get3A_704] {strides = array<i32>} : memref<128x128xf32, #tpu.memory_space<vmem>>, vector<16xf32>,
      %sub3A_706 = arith.subf %get3A_705, %get3A_702 : vector<16xf32>
      %mul3A_707 = arith.mulf %gather3A_609, %sub3A_706 : vector<16xf32>
      %add3A_708 = arith.addf %get3A_702, %mul3A_707 : vector<16xf32>
      %mul3A_709 = arith.mulf %add3A_708, %get3A_15 : vector<16xf32>
      %add3A_710 = arith.addf %add3A_695, %mul3A_709 : vector<16xf32>
      %mul3A_711 = arith.mulf %add3A_708, %get3A_31 : vector<16xf32>
      %add3A_712 = arith.addf %add3A_697, %mul3A_711 : vector<16xf32>
      %mul3A_713 = arith.mulf %add3A_708, %get3A_47 : vector<16xf32>
      %add3A_714 = arith.addf %add3A_699, %mul3A_713 : vector<16xf32>
      %get3A_715 = arith.index_cast %add3A_604 : i32 to index
      %get3A_716 = arith.constant 112 : index
      %get3A_717 = tpu.vector_load %arg13[%get3A_715, %get3A_716] {strides = array<i32>} : memref<128x128xf32, #tpu.memory_space<vmem>>, vector<16xf32>,
      %get3A_718 = arith.index_cast %add3A_604 : i32 to index
      %get3A_719 = arith.constant 112 : index
      %get3A_720 = tpu.vector_load %arg14[%get3A_718, %get3A_719] {strides = array<i32>} : memref<128x128xf32, #tpu.memory_space<vmem>>, vector<16xf32>,
      %sub3A_721 = arith.subf %get3A_720, %get3A_717 : vector<16xf32>
      %mul3A_722 = arith.mulf %gather3A_609, %sub3A_721 : vector<16xf32>
      %add3A_723 = arith.addf %get3A_717, %mul3A_722 : vector<16xf32>
      %mul3A_724 = arith.mulf %add3A_723, %get3A_17 : vector<16xf32>
      %add3A_725 = arith.addf %add3A_710, %mul3A_724 : vector<16xf32>
      %mul3A_726 = arith.mulf %add3A_723, %get3A_33 : vector<16xf32>
      %add3A_727 = arith.addf %add3A_712, %mul3A_726 : vector<16xf32>
      %mul3A_728 = arith.mulf %add3A_723, %get3A_49 : vector<16xf32>
      %add3A_729 = arith.addf %add3A_714, %mul3A_728 : vector<16xf32>
      %reduce_sum3A_730 = arith.constant true
      %reduce_sum3A_731 = vector.broadcast %reduce_sum3A_730 : i1 to vector<16xi1>
      %reduce_sum3A_732 = tpu.scan <sum>, %add3A_725 masked %reduce_sum3A_731 : vector<16xf32>, vector<16xi1> -> vector<16xf32>
      %reduce_sum3A_733 = vector.extract %reduce_sum3A_732[15] : f32 from vector<16xf32>
      %reduce_sum3A_734 = arith.constant true
      %reduce_sum3A_735 = vector.broadcast %reduce_sum3A_734 : i1 to vector<16xi1>
      %reduce_sum3A_736 = tpu.scan <sum>, %add3A_727 masked %reduce_sum3A_735 : vector<16xf32>, vector<16xi1> -> vector<16xf32>
      %reduce_sum3A_737 = vector.extract %reduce_sum3A_736[15] : f32 from vector<16xf32>
      %reduce_sum3A_738 = arith.constant true
      %reduce_sum3A_739 = vector.broadcast %reduce_sum3A_738 : i1 to vector<16xi1>
      %reduce_sum3A_740 = tpu.scan <sum>, %add3A_729 masked %reduce_sum3A_739 : vector<16xf32>, vector<16xi1> -> vector<16xf32>
      %reduce_sum3A_741 = vector.extract %reduce_sum3A_740[15] : f32 from vector<16xf32>
      %mul3A_742 = arith.constant 4 : i32
      %mul3A_743 = arith.muli %mul3A_742, %scan3A_176 : i32
      %and3A = arith.constant 15 : i32
      %and3A_744 = arith.andi %mul3A_743, %and3A : i32
      %add3A_745 = arith.constant 0 : i32
      %add3A_746 = arith.addi %and3A_744, %add3A_745 : i32
      %eq3A_747 = vector.broadcast %add3A_746 : i32 to vector<16xi32>
      %eq3A_748 = arith.cmpi eq, %iota3A, %eq3A_747 : vector<16xi32>
      %broadcast_in_dim3A_749 = vector.broadcast %reduce_sum3A_310 : f32 to vector<16xf32>
      %select_n3A_750 = arith.select %eq3A_748, %broadcast_in_dim3A_749, %scan3A_177 : vector<16xi1>, vector<16xf32>
      %add3A_751 = arith.constant 0 : i32
      %add3A_752 = arith.addi %and3A_744, %add3A_751 : i32
      %eq3A_753 = vector.broadcast %add3A_752 : i32 to vector<16xi32>
      %eq3A_754 = arith.cmpi eq, %iota3A, %eq3A_753 : vector<16xi32>
      %broadcast_in_dim3A_755 = vector.broadcast %reduce_sum3A_314 : f32 to vector<16xf32>
      %select_n3A_756 = arith.select %eq3A_754, %broadcast_in_dim3A_755, %scan3A_178 : vector<16xi1>, vector<16xf32>
      %add3A_757 = arith.constant 0 : i32
      %add3A_758 = arith.addi %and3A_744, %add3A_757 : i32
      %eq3A_759 = vector.broadcast %add3A_758 : i32 to vector<16xi32>
      %eq3A_760 = arith.cmpi eq, %iota3A, %eq3A_759 : vector<16xi32>
      %broadcast_in_dim3A_761 = vector.broadcast %reduce_sum3A_318 : f32 to vector<16xf32>
      %select_n3A_762 = arith.select %eq3A_760, %broadcast_in_dim3A_761, %scan3A_179 : vector<16xi1>, vector<16xf32>
      %add3A_763 = arith.constant 1 : i32
      %add3A_764 = arith.addi %and3A_744, %add3A_763 : i32
      %eq3A_765 = vector.broadcast %add3A_764 : i32 to vector<16xi32>
      %eq3A_766 = arith.cmpi eq, %iota3A, %eq3A_765 : vector<16xi32>
      %broadcast_in_dim3A_767 = vector.broadcast %reduce_sum3A_451 : f32 to vector<16xf32>
      %select_n3A_768 = arith.select %eq3A_766, %broadcast_in_dim3A_767, %select_n3A_750 : vector<16xi1>, vector<16xf32>
      %add3A_769 = arith.constant 1 : i32
      %add3A_770 = arith.addi %and3A_744, %add3A_769 : i32
      %eq3A_771 = vector.broadcast %add3A_770 : i32 to vector<16xi32>
      %eq3A_772 = arith.cmpi eq, %iota3A, %eq3A_771 : vector<16xi32>
      %broadcast_in_dim3A_773 = vector.broadcast %reduce_sum3A_455 : f32 to vector<16xf32>
      %select_n3A_774 = arith.select %eq3A_772, %broadcast_in_dim3A_773, %select_n3A_756 : vector<16xi1>, vector<16xf32>
      %add3A_775 = arith.constant 1 : i32
      %add3A_776 = arith.addi %and3A_744, %add3A_775 : i32
      %eq3A_777 = vector.broadcast %add3A_776 : i32 to vector<16xi32>
      %eq3A_778 = arith.cmpi eq, %iota3A, %eq3A_777 : vector<16xi32>
      %broadcast_in_dim3A_779 = vector.broadcast %reduce_sum3A_459 : f32 to vector<16xf32>
      %select_n3A_780 = arith.select %eq3A_778, %broadcast_in_dim3A_779, %select_n3A_762 : vector<16xi1>, vector<16xf32>
      %add3A_781 = arith.constant 2 : i32
      %add3A_782 = arith.addi %and3A_744, %add3A_781 : i32
      %eq3A_783 = vector.broadcast %add3A_782 : i32 to vector<16xi32>
      %eq3A_784 = arith.cmpi eq, %iota3A, %eq3A_783 : vector<16xi32>
      %broadcast_in_dim3A_785 = vector.broadcast %reduce_sum3A_592 : f32 to vector<16xf32>
      %select_n3A_786 = arith.select %eq3A_784, %broadcast_in_dim3A_785, %select_n3A_768 : vector<16xi1>, vector<16xf32>
      %add3A_787 = arith.constant 2 : i32
      %add3A_788 = arith.addi %and3A_744, %add3A_787 : i32
      %eq3A_789 = vector.broadcast %add3A_788 : i32 to vector<16xi32>
      %eq3A_790 = arith.cmpi eq, %iota3A, %eq3A_789 : vector<16xi32>
      %broadcast_in_dim3A_791 = vector.broadcast %reduce_sum3A_596 : f32 to vector<16xf32>
      %select_n3A_792 = arith.select %eq3A_790, %broadcast_in_dim3A_791, %select_n3A_774 : vector<16xi1>, vector<16xf32>
      %add3A_793 = arith.constant 2 : i32
      %add3A_794 = arith.addi %and3A_744, %add3A_793 : i32
      %eq3A_795 = vector.broadcast %add3A_794 : i32 to vector<16xi32>
      %eq3A_796 = arith.cmpi eq, %iota3A, %eq3A_795 : vector<16xi32>
      %broadcast_in_dim3A_797 = vector.broadcast %reduce_sum3A_600 : f32 to vector<16xf32>
      %select_n3A_798 = arith.select %eq3A_796, %broadcast_in_dim3A_797, %select_n3A_780 : vector<16xi1>, vector<16xf32>
      %add3A_799 = arith.constant 3 : i32
      %add3A_800 = arith.addi %and3A_744, %add3A_799 : i32
      %eq3A_801 = vector.broadcast %add3A_800 : i32 to vector<16xi32>
      %eq3A_802 = arith.cmpi eq, %iota3A, %eq3A_801 : vector<16xi32>
      %broadcast_in_dim3A_803 = vector.broadcast %reduce_sum3A_733 : f32 to vector<16xf32>
      %select_n3A_804 = arith.select %eq3A_802, %broadcast_in_dim3A_803, %select_n3A_786 : vector<16xi1>, vector<16xf32>
      %add3A_805 = arith.constant 3 : i32
      %add3A_806 = arith.addi %and3A_744, %add3A_805 : i32
      %eq3A_807 = vector.broadcast %add3A_806 : i32 to vector<16xi32>
      %eq3A_808 = arith.cmpi eq, %iota3A, %eq3A_807 : vector<16xi32>
      %broadcast_in_dim3A_809 = vector.broadcast %reduce_sum3A_737 : f32 to vector<16xf32>
      %select_n3A_810 = arith.select %eq3A_808, %broadcast_in_dim3A_809, %select_n3A_792 : vector<16xi1>, vector<16xf32>
      %add3A_811 = arith.constant 3 : i32
      %add3A_812 = arith.addi %and3A_744, %add3A_811 : i32
      %eq3A_813 = vector.broadcast %add3A_812 : i32 to vector<16xi32>
      %eq3A_814 = arith.cmpi eq, %iota3A, %eq3A_813 : vector<16xi32>
      %broadcast_in_dim3A_815 = vector.broadcast %reduce_sum3A_741 : f32 to vector<16xf32>
      %select_n3A_816 = arith.select %eq3A_814, %broadcast_in_dim3A_815, %select_n3A_798 : vector<16xi1>, vector<16xf32>
      %eq3A_817 = arith.constant 12 : i32
      %eq3A_818 = arith.cmpi eq, %and3A_744, %eq3A_817 : i32
      %convert_element_type3A = arith.extui %eq3A_818 : i1 to i32
      %cond3A = arith.constant 0 : i32
      %cond3A_819 = arith.cmpi ne, %convert_element_type3A, %cond3A : i32
      scf.if %cond3A_819 {
        %mul3A_823 = arith.constant 4 : i32
        %mul3A_824 = arith.muli %mul3A_823, %scan3A_176 : i32
        %add3A_825 = arith.constant 128 : i32
        %add3A_826 = arith.addi %add3A_825, %mul3A_824 : i32
        %sub3A_827 = arith.constant 12 : i32
        %sub3A_828 = arith.subi %add3A_826, %sub3A_827 : i32
        %swap3A = arith.constant 0 : i32
        %swap3A_829 = arith.index_cast %swap3A : i32 to index
        %swap3A_830 = arith.index_cast %sub3A_828 : i32 to index
        %swap3A_831 = tpu.vector_load %arg17[%swap3A_829, %swap3A_830] {strides = array<i32>} : memref<3x512xf32, #tpu.memory_space<vmem>>, vector<16xf32>,
        tpu.vector_store %arg17[%swap3A_829, %swap3A_830], %select_n3A_804 {strides = array<i32>} : memref<3x512xf32, #tpu.memory_space<vmem>>, vector<16xf32>,
        %swap3A_832 = arith.constant 1 : i32
        %swap3A_833 = arith.index_cast %swap3A_832 : i32 to index
        %swap3A_834 = arith.index_cast %sub3A_828 : i32 to index
        %swap3A_835 = tpu.vector_load %arg17[%swap3A_833, %swap3A_834] {strides = array<i32>} : memref<3x512xf32, #tpu.memory_space<vmem>>, vector<16xf32>,
        tpu.vector_store %arg17[%swap3A_833, %swap3A_834], %select_n3A_810 {strides = array<i32>} : memref<3x512xf32, #tpu.memory_space<vmem>>, vector<16xf32>,
        %swap3A_836 = arith.constant 2 : i32
        %swap3A_837 = arith.index_cast %swap3A_836 : i32 to index
        %swap3A_838 = arith.index_cast %sub3A_828 : i32 to index
        %swap3A_839 = tpu.vector_load %arg17[%swap3A_837, %swap3A_838] {strides = array<i32>} : memref<3x512xf32, #tpu.memory_space<vmem>>, vector<16xf32>,
        tpu.vector_store %arg17[%swap3A_837, %swap3A_838], %select_n3A_816 {strides = array<i32>} : memref<3x512xf32, #tpu.memory_space<vmem>>, vector<16xf32>,
      } else {
      }
      %select_n3A_820 = arith.select %eq3A_818, %broadcast_in_dim3A_50, %select_n3A_804 : vector<16xf32>
      %select_n3A_821 = arith.select %eq3A_818, %broadcast_in_dim3A_50, %select_n3A_810 : vector<16xf32>
      %select_n3A_822 = arith.select %eq3A_818, %broadcast_in_dim3A_50, %select_n3A_816 : vector<16xf32>
      scf.yield %select_n3A_820, %select_n3A_821, %select_n3A_822 : vector<16xf32>, vector<16xf32>, vector<16xf32>
    }
    %scan3A_133 = arith.constant 32 : i32
    %dma_start3A_134 = arith.constant 384 : i32
    %dma_start3A_135 = tpu.memref_slice %arg9[%dma_start3A_134] : memref<512xi32, #tpu.memory_space<vmem>> -> memref<128xi32, #tpu.memory_space<vmem>>
    %dma_start3A_136 = arith.constant 0 : i32
    %dma_start3A_137 = arith.constant 0 : i32
    %dma_start3A_138 = tpu.memref_slice %arg2[%dma_start3A_136, %dma_start3A_137] : memref<393216x128xf32, #tpu.memory_space<hbm>> -> memref<393216x128xf32, #tpu.memory_space<hbm>>
    tpu.enqueue_indirect_dma source(%dma_start3A_138 : memref<393216x128xf32, #tpu.memory_space<hbm>>) target(%arg13 : memref<128x128xf32, #tpu.memory_space<vmem>>) offsets(%dma_start3A_135 : memref<128xi32, #tpu.memory_space<vmem>>) semaphore(%arg20 : memref<!tpu.dma_semaphore, #tpu.memory_space<semaphore_mem>>)
    %dma_start3A_139 = arith.constant 384 : i32
    %dma_start3A_140 = tpu.memref_slice %arg10[%dma_start3A_139] : memref<512xi32, #tpu.memory_space<vmem>> -> memref<128xi32, #tpu.memory_space<vmem>>
    %dma_start3A_141 = arith.constant 0 : i32
    %dma_start3A_142 = arith.constant 0 : i32
    %dma_start3A_143 = tpu.memref_slice %arg2[%dma_start3A_141, %dma_start3A_142] : memref<393216x128xf32, #tpu.memory_space<hbm>> -> memref<393216x128xf32, #tpu.memory_space<hbm>>
    tpu.enqueue_indirect_dma source(%dma_start3A_143 : memref<393216x128xf32, #tpu.memory_space<hbm>>) target(%arg14 : memref<128x128xf32, #tpu.memory_space<vmem>>) offsets(%dma_start3A_140 : memref<128xi32, #tpu.memory_space<vmem>>) semaphore(%arg21 : memref<!tpu.dma_semaphore, #tpu.memory_space<semaphore_mem>>)
    %dma_wait3A_144 = arith.constant 0 : i32
    %dma_wait3A_145 = tpu.memref_slice %arg9[%dma_wait3A_144] : memref<512xi32, #tpu.memory_space<vmem>> -> memref<128xi32, #tpu.memory_space<vmem>>
    %dma_wait3A_146 = arith.constant 0 : i32
    %dma_wait3A_147 = arith.constant 0 : i32
    %dma_wait3A_148 = tpu.memref_slice %arg2[%dma_wait3A_146, %dma_wait3A_147] : memref<393216x128xf32, #tpu.memory_space<hbm>> -> memref<393216x128xf32, #tpu.memory_space<hbm>>
    tpu.wait_indirect_dma semaphore(%arg18 : memref<!tpu.dma_semaphore, #tpu.memory_space<semaphore_mem>>) src(%dma_wait3A_148 : memref<393216x128xf32, #tpu.memory_space<hbm>>) dst(%arg11 : memref<128x128xf32, #tpu.memory_space<vmem>>)
    %dma_wait3A_149 = arith.constant 0 : i32
    %dma_wait3A_150 = tpu.memref_slice %arg10[%dma_wait3A_149] : memref<512xi32, #tpu.memory_space<vmem>> -> memref<128xi32, #tpu.memory_space<vmem>>
    %dma_wait3A_151 = arith.constant 0 : i32
    %dma_wait3A_152 = arith.constant 0 : i32
    %dma_wait3A_153 = tpu.memref_slice %arg2[%dma_wait3A_151, %dma_wait3A_152] : memref<393216x128xf32, #tpu.memory_space<hbm>> -> memref<393216x128xf32, #tpu.memory_space<hbm>>
    tpu.wait_indirect_dma semaphore(%arg19 : memref<!tpu.dma_semaphore, #tpu.memory_space<semaphore_mem>>) src(%dma_wait3A_153 : memref<393216x128xf32, #tpu.memory_space<hbm>>) dst(%arg12 : memref<128x128xf32, #tpu.memory_space<vmem>>)
    %scan3A_154 = arith.constant 0 : i32
    %scan3A_155 = arith.constant 32 : i32
    %scan3A_156 = arith.addi %scan3A_154, %scan3A_155 : i32
    %scan3A_157 = arith.constant 1 : i32
    %scan3A_158:3 = scf.for %scan3A_176 = %scan3A_154 to %scan3A_156 step %scan3A_157 iter_args(%scan3A_177 = %select_n3A, %scan3A_178 = %select_n3A_61, %scan3A_179 = %select_n3A_68) -> (vector<16xf32>, vector<16xf32>, vector<16xf32>)  : i32 {
      %mul3A_180 = arith.constant 4 : i32
      %mul3A_181 = arith.muli %mul3A_180, %scan3A_176 : i32
      %add3A_182 = arith.constant 0 : i32
      %add3A_183 = arith.addi %mul3A_181, %add3A_182 : i32
      %broadcast_in_dim3A_184 = arith.constant 256 : i32
      %broadcast_in_dim3A_185 = vector.broadcast %broadcast_in_dim3A_184 : i32 to vector<16xi32>
      %add3A_186 = vector.broadcast %add3A_183 : i32 to vector<16xi32>
      %add3A_187 = arith.addi %broadcast_in_dim3A_185, %add3A_186 : vector<16xi32>
      %gather3A_188 = tpu.vector_load_idx %arg8[%add3A_187] : memref<512xf32, #tpu.memory_space<vmem>>[vector<16xi32>], vector<16xf32>,
      %get3A_189 = arith.index_cast %add3A_183 : i32 to index
      %get3A_190 = arith.constant 0 : index
      %get3A_191 = tpu.vector_load %arg11[%get3A_189, %get3A_190] {strides = array<i32>} : memref<128x128xf32, #tpu.memory_space<vmem>>, vector<16xf32>,
      %get3A_192 = arith.index_cast %add3A_183 : i32 to index
      %get3A_193 = arith.constant 0 : index
      %get3A_194 = tpu.vector_load %arg12[%get3A_192, %get3A_193] {strides = array<i32>} : memref<128x128xf32, #tpu.memory_space<vmem>>, vector<16xf32>,
      %sub3A = arith.subf %get3A_194, %get3A_191 : vector<16xf32>
      %mul3A_195 = arith.mulf %gather3A_188, %sub3A : vector<16xf32>
      %add3A_196 = arith.addf %get3A_191, %mul3A_195 : vector<16xf32>
      %mul3A_197 = arith.mulf %add3A_196, %get3A_3 : vector<16xf32>
      %add3A_198 = arith.addf %select_n3A, %mul3A_197 : vector<16xf32>
      %mul3A_199 = arith.mulf %add3A_196, %get3A_19 : vector<16xf32>
      %add3A_200 = arith.addf %select_n3A_61, %mul3A_199 : vector<16xf32>
      %mul3A_201 = arith.mulf %add3A_196, %get3A_35 : vector<16xf32>
      %add3A_202 = arith.addf %select_n3A_68, %mul3A_201 : vector<16xf32>
      %get3A_203 = arith.index_cast %add3A_183 : i32 to index
      %get3A_204 = arith.constant 16 : index
      %get3A_205 = tpu.vector_load %arg11[%get3A_203, %get3A_204] {strides = array<i32>} : memref<128x128xf32, #tpu.memory_space<vmem>>, vector<16xf32>,
      %get3A_206 = arith.index_cast %add3A_183 : i32 to index
      %get3A_207 = arith.constant 16 : index
      %get3A_208 = tpu.vector_load %arg12[%get3A_206, %get3A_207] {strides = array<i32>} : memref<128x128xf32, #tpu.memory_space<vmem>>, vector<16xf32>,
      %sub3A_209 = arith.subf %get3A_208, %get3A_205 : vector<16xf32>
      %mul3A_210 = arith.mulf %gather3A_188, %sub3A_209 : vector<16xf32>
      %add3A_211 = arith.addf %get3A_205, %mul3A_210 : vector<16xf32>
      %mul3A_212 = arith.mulf %add3A_211, %get3A_5 : vector<16xf32>
      %add3A_213 = arith.addf %add3A_198, %mul3A_212 : vector<16xf32>
      %mul3A_214 = arith.mulf %add3A_211, %get3A_21 : vector<16xf32>
      %add3A_215 = arith.addf %add3A_200, %mul3A_214 : vector<16xf32>
      %mul3A_216 = arith.mulf %add3A_211, %get3A_37 : vector<16xf32>
      %add3A_217 = arith.addf %add3A_202, %mul3A_216 : vector<16xf32>
      %get3A_218 = arith.index_cast %add3A_183 : i32 to index
      %get3A_219 = arith.constant 32 : index
      %get3A_220 = tpu.vector_load %arg11[%get3A_218, %get3A_219] {strides = array<i32>} : memref<128x128xf32, #tpu.memory_space<vmem>>, vector<16xf32>,
      %get3A_221 = arith.index_cast %add3A_183 : i32 to index
      %get3A_222 = arith.constant 32 : index
      %get3A_223 = tpu.vector_load %arg12[%get3A_221, %get3A_222] {strides = array<i32>} : memref<128x128xf32, #tpu.memory_space<vmem>>, vector<16xf32>,
      %sub3A_224 = arith.subf %get3A_223, %get3A_220 : vector<16xf32>
      %mul3A_225 = arith.mulf %gather3A_188, %sub3A_224 : vector<16xf32>
      %add3A_226 = arith.addf %get3A_220, %mul3A_225 : vector<16xf32>
      %mul3A_227 = arith.mulf %add3A_226, %get3A_7 : vector<16xf32>
      %add3A_228 = arith.addf %add3A_213, %mul3A_227 : vector<16xf32>
      %mul3A_229 = arith.mulf %add3A_226, %get3A_23 : vector<16xf32>
      %add3A_230 = arith.addf %add3A_215, %mul3A_229 : vector<16xf32>
      %mul3A_231 = arith.mulf %add3A_226, %get3A_39 : vector<16xf32>
      %add3A_232 = arith.addf %add3A_217, %mul3A_231 : vector<16xf32>
      %get3A_233 = arith.index_cast %add3A_183 : i32 to index
      %get3A_234 = arith.constant 48 : index
      %get3A_235 = tpu.vector_load %arg11[%get3A_233, %get3A_234] {strides = array<i32>} : memref<128x128xf32, #tpu.memory_space<vmem>>, vector<16xf32>,
      %get3A_236 = arith.index_cast %add3A_183 : i32 to index
      %get3A_237 = arith.constant 48 : index
      %get3A_238 = tpu.vector_load %arg12[%get3A_236, %get3A_237] {strides = array<i32>} : memref<128x128xf32, #tpu.memory_space<vmem>>, vector<16xf32>,
      %sub3A_239 = arith.subf %get3A_238, %get3A_235 : vector<16xf32>
      %mul3A_240 = arith.mulf %gather3A_188, %sub3A_239 : vector<16xf32>
      %add3A_241 = arith.addf %get3A_235, %mul3A_240 : vector<16xf32>
      %mul3A_242 = arith.mulf %add3A_241, %get3A_9 : vector<16xf32>
      %add3A_243 = arith.addf %add3A_228, %mul3A_242 : vector<16xf32>
      %mul3A_244 = arith.mulf %add3A_241, %get3A_25 : vector<16xf32>
      %add3A_245 = arith.addf %add3A_230, %mul3A_244 : vector<16xf32>
      %mul3A_246 = arith.mulf %add3A_241, %get3A_41 : vector<16xf32>
      %add3A_247 = arith.addf %add3A_232, %mul3A_246 : vector<16xf32>
      %get3A_248 = arith.index_cast %add3A_183 : i32 to index
      %get3A_249 = arith.constant 64 : index
      %get3A_250 = tpu.vector_load %arg11[%get3A_248, %get3A_249] {strides = array<i32>} : memref<128x128xf32, #tpu.memory_space<vmem>>, vector<16xf32>,
      %get3A_251 = arith.index_cast %add3A_183 : i32 to index
      %get3A_252 = arith.constant 64 : index
      %get3A_253 = tpu.vector_load %arg12[%get3A_251, %get3A_252] {strides = array<i32>} : memref<128x128xf32, #tpu.memory_space<vmem>>, vector<16xf32>,
      %sub3A_254 = arith.subf %get3A_253, %get3A_250 : vector<16xf32>
      %mul3A_255 = arith.mulf %gather3A_188, %sub3A_254 : vector<16xf32>
      %add3A_256 = arith.addf %get3A_250, %mul3A_255 : vector<16xf32>
      %mul3A_257 = arith.mulf %add3A_256, %get3A_11 : vector<16xf32>
      %add3A_258 = arith.addf %add3A_243, %mul3A_257 : vector<16xf32>
      %mul3A_259 = arith.mulf %add3A_256, %get3A_27 : vector<16xf32>
      %add3A_260 = arith.addf %add3A_245, %mul3A_259 : vector<16xf32>
      %mul3A_261 = arith.mulf %add3A_256, %get3A_43 : vector<16xf32>
      %add3A_262 = arith.addf %add3A_247, %mul3A_261 : vector<16xf32>
      %get3A_263 = arith.index_cast %add3A_183 : i32 to index
      %get3A_264 = arith.constant 80 : index
      %get3A_265 = tpu.vector_load %arg11[%get3A_263, %get3A_264] {strides = array<i32>} : memref<128x128xf32, #tpu.memory_space<vmem>>, vector<16xf32>,
      %get3A_266 = arith.index_cast %add3A_183 : i32 to index
      %get3A_267 = arith.constant 80 : index
      %get3A_268 = tpu.vector_load %arg12[%get3A_266, %get3A_267] {strides = array<i32>} : memref<128x128xf32, #tpu.memory_space<vmem>>, vector<16xf32>,
      %sub3A_269 = arith.subf %get3A_268, %get3A_265 : vector<16xf32>
      %mul3A_270 = arith.mulf %gather3A_188, %sub3A_269 : vector<16xf32>
      %add3A_271 = arith.addf %get3A_265, %mul3A_270 : vector<16xf32>
      %mul3A_272 = arith.mulf %add3A_271, %get3A_13 : vector<16xf32>
      %add3A_273 = arith.addf %add3A_258, %mul3A_272 : vector<16xf32>
      %mul3A_274 = arith.mulf %add3A_271, %get3A_29 : vector<16xf32>
      %add3A_275 = arith.addf %add3A_260, %mul3A_274 : vector<16xf32>
      %mul3A_276 = arith.mulf %add3A_271, %get3A_45 : vector<16xf32>
      %add3A_277 = arith.addf %add3A_262, %mul3A_276 : vector<16xf32>
      %get3A_278 = arith.index_cast %add3A_183 : i32 to index
      %get3A_279 = arith.constant 96 : index
      %get3A_280 = tpu.vector_load %arg11[%get3A_278, %get3A_279] {strides = array<i32>} : memref<128x128xf32, #tpu.memory_space<vmem>>, vector<16xf32>,
      %get3A_281 = arith.index_cast %add3A_183 : i32 to index
      %get3A_282 = arith.constant 96 : index
      %get3A_283 = tpu.vector_load %arg12[%get3A_281, %get3A_282] {strides = array<i32>} : memref<128x128xf32, #tpu.memory_space<vmem>>, vector<16xf32>,
      %sub3A_284 = arith.subf %get3A_283, %get3A_280 : vector<16xf32>
      %mul3A_285 = arith.mulf %gather3A_188, %sub3A_284 : vector<16xf32>
      %add3A_286 = arith.addf %get3A_280, %mul3A_285 : vector<16xf32>
      %mul3A_287 = arith.mulf %add3A_286, %get3A_15 : vector<16xf32>
      %add3A_288 = arith.addf %add3A_273, %mul3A_287 : vector<16xf32>
      %mul3A_289 = arith.mulf %add3A_286, %get3A_31 : vector<16xf32>
      %add3A_290 = arith.addf %add3A_275, %mul3A_289 : vector<16xf32>
      %mul3A_291 = arith.mulf %add3A_286, %get3A_47 : vector<16xf32>
      %add3A_292 = arith.addf %add3A_277, %mul3A_291 : vector<16xf32>
      %get3A_293 = arith.index_cast %add3A_183 : i32 to index
      %get3A_294 = arith.constant 112 : index
      %get3A_295 = tpu.vector_load %arg11[%get3A_293, %get3A_294] {strides = array<i32>} : memref<128x128xf32, #tpu.memory_space<vmem>>, vector<16xf32>,
      %get3A_296 = arith.index_cast %add3A_183 : i32 to index
      %get3A_297 = arith.constant 112 : index
      %get3A_298 = tpu.vector_load %arg12[%get3A_296, %get3A_297] {strides = array<i32>} : memref<128x128xf32, #tpu.memory_space<vmem>>, vector<16xf32>,
      %sub3A_299 = arith.subf %get3A_298, %get3A_295 : vector<16xf32>
      %mul3A_300 = arith.mulf %gather3A_188, %sub3A_299 : vector<16xf32>
      %add3A_301 = arith.addf %get3A_295, %mul3A_300 : vector<16xf32>
      %mul3A_302 = arith.mulf %add3A_301, %get3A_17 : vector<16xf32>
      %add3A_303 = arith.addf %add3A_288, %mul3A_302 : vector<16xf32>
      %mul3A_304 = arith.mulf %add3A_301, %get3A_33 : vector<16xf32>
      %add3A_305 = arith.addf %add3A_290, %mul3A_304 : vector<16xf32>
      %mul3A_306 = arith.mulf %add3A_301, %get3A_49 : vector<16xf32>
      %add3A_307 = arith.addf %add3A_292, %mul3A_306 : vector<16xf32>
      %reduce_sum3A = arith.constant true
      %reduce_sum3A_308 = vector.broadcast %reduce_sum3A : i1 to vector<16xi1>
      %reduce_sum3A_309 = tpu.scan <sum>, %add3A_303 masked %reduce_sum3A_308 : vector<16xf32>, vector<16xi1> -> vector<16xf32>
      %reduce_sum3A_310 = vector.extract %reduce_sum3A_309[15] : f32 from vector<16xf32>
      %reduce_sum3A_311 = arith.constant true
      %reduce_sum3A_312 = vector.broadcast %reduce_sum3A_311 : i1 to vector<16xi1>
      %reduce_sum3A_313 = tpu.scan <sum>, %add3A_305 masked %reduce_sum3A_312 : vector<16xf32>, vector<16xi1> -> vector<16xf32>
      %reduce_sum3A_314 = vector.extract %reduce_sum3A_313[15] : f32 from vector<16xf32>
      %reduce_sum3A_315 = arith.constant true
      %reduce_sum3A_316 = vector.broadcast %reduce_sum3A_315 : i1 to vector<16xi1>
      %reduce_sum3A_317 = tpu.scan <sum>, %add3A_307 masked %reduce_sum3A_316 : vector<16xf32>, vector<16xi1> -> vector<16xf32>
      %reduce_sum3A_318 = vector.extract %reduce_sum3A_317[15] : f32 from vector<16xf32>
      %mul3A_319 = arith.constant 4 : i32
      %mul3A_320 = arith.muli %mul3A_319, %scan3A_176 : i32
      %add3A_321 = arith.constant 1 : i32
      %add3A_322 = arith.addi %mul3A_320, %add3A_321 : i32
      %broadcast_in_dim3A_323 = arith.constant 256 : i32
      %broadcast_in_dim3A_324 = vector.broadcast %broadcast_in_dim3A_323 : i32 to vector<16xi32>
      %add3A_325 = vector.broadcast %add3A_322 : i32 to vector<16xi32>
      %add3A_326 = arith.addi %broadcast_in_dim3A_324, %add3A_325 : vector<16xi32>
      %gather3A_327 = tpu.vector_load_idx %arg8[%add3A_326] : memref<512xf32, #tpu.memory_space<vmem>>[vector<16xi32>], vector<16xf32>,
      %get3A_328 = arith.index_cast %add3A_322 : i32 to index
      %get3A_329 = arith.constant 0 : index
      %get3A_330 = tpu.vector_load %arg11[%get3A_328, %get3A_329] {strides = array<i32>} : memref<128x128xf32, #tpu.memory_space<vmem>>, vector<16xf32>,
      %get3A_331 = arith.index_cast %add3A_322 : i32 to index
      %get3A_332 = arith.constant 0 : index
      %get3A_333 = tpu.vector_load %arg12[%get3A_331, %get3A_332] {strides = array<i32>} : memref<128x128xf32, #tpu.memory_space<vmem>>, vector<16xf32>,
      %sub3A_334 = arith.subf %get3A_333, %get3A_330 : vector<16xf32>
      %mul3A_335 = arith.mulf %gather3A_327, %sub3A_334 : vector<16xf32>
      %add3A_336 = arith.addf %get3A_330, %mul3A_335 : vector<16xf32>
      %mul3A_337 = arith.mulf %add3A_336, %get3A_3 : vector<16xf32>
      %add3A_338 = arith.addf %select_n3A, %mul3A_337 : vector<16xf32>
      %mul3A_339 = arith.mulf %add3A_336, %get3A_19 : vector<16xf32>
      %add3A_340 = arith.addf %select_n3A_61, %mul3A_339 : vector<16xf32>
      %mul3A_341 = arith.mulf %add3A_336, %get3A_35 : vector<16xf32>
      %add3A_342 = arith.addf %select_n3A_68, %mul3A_341 : vector<16xf32>
      %get3A_343 = arith.index_cast %add3A_322 : i32 to index
      %get3A_344 = arith.constant 16 : index
      %get3A_345 = tpu.vector_load %arg11[%get3A_343, %get3A_344] {strides = array<i32>} : memref<128x128xf32, #tpu.memory_space<vmem>>, vector<16xf32>,
      %get3A_346 = arith.index_cast %add3A_322 : i32 to index
      %get3A_347 = arith.constant 16 : index
      %get3A_348 = tpu.vector_load %arg12[%get3A_346, %get3A_347] {strides = array<i32>} : memref<128x128xf32, #tpu.memory_space<vmem>>, vector<16xf32>,
      %sub3A_349 = arith.subf %get3A_348, %get3A_345 : vector<16xf32>
      %mul3A_350 = arith.mulf %gather3A_327, %sub3A_349 : vector<16xf32>
      %add3A_351 = arith.addf %get3A_345, %mul3A_350 : vector<16xf32>
      %mul3A_352 = arith.mulf %add3A_351, %get3A_5 : vector<16xf32>
      %add3A_353 = arith.addf %add3A_338, %mul3A_352 : vector<16xf32>
      %mul3A_354 = arith.mulf %add3A_351, %get3A_21 : vector<16xf32>
      %add3A_355 = arith.addf %add3A_340, %mul3A_354 : vector<16xf32>
      %mul3A_356 = arith.mulf %add3A_351, %get3A_37 : vector<16xf32>
      %add3A_357 = arith.addf %add3A_342, %mul3A_356 : vector<16xf32>
      %get3A_358 = arith.index_cast %add3A_322 : i32 to index
      %get3A_359 = arith.constant 32 : index
      %get3A_360 = tpu.vector_load %arg11[%get3A_358, %get3A_359] {strides = array<i32>} : memref<128x128xf32, #tpu.memory_space<vmem>>, vector<16xf32>,
      %get3A_361 = arith.index_cast %add3A_322 : i32 to index
      %get3A_362 = arith.constant 32 : index
      %get3A_363 = tpu.vector_load %arg12[%get3A_361, %get3A_362] {strides = array<i32>} : memref<128x128xf32, #tpu.memory_space<vmem>>, vector<16xf32>,
      %sub3A_364 = arith.subf %get3A_363, %get3A_360 : vector<16xf32>
      %mul3A_365 = arith.mulf %gather3A_327, %sub3A_364 : vector<16xf32>
      %add3A_366 = arith.addf %get3A_360, %mul3A_365 : vector<16xf32>
      %mul3A_367 = arith.mulf %add3A_366, %get3A_7 : vector<16xf32>
      %add3A_368 = arith.addf %add3A_353, %mul3A_367 : vector<16xf32>
      %mul3A_369 = arith.mulf %add3A_366, %get3A_23 : vector<16xf32>
      %add3A_370 = arith.addf %add3A_355, %mul3A_369 : vector<16xf32>
      %mul3A_371 = arith.mulf %add3A_366, %get3A_39 : vector<16xf32>
      %add3A_372 = arith.addf %add3A_357, %mul3A_371 : vector<16xf32>
      %get3A_373 = arith.index_cast %add3A_322 : i32 to index
      %get3A_374 = arith.constant 48 : index
      %get3A_375 = tpu.vector_load %arg11[%get3A_373, %get3A_374] {strides = array<i32>} : memref<128x128xf32, #tpu.memory_space<vmem>>, vector<16xf32>,
      %get3A_376 = arith.index_cast %add3A_322 : i32 to index
      %get3A_377 = arith.constant 48 : index
      %get3A_378 = tpu.vector_load %arg12[%get3A_376, %get3A_377] {strides = array<i32>} : memref<128x128xf32, #tpu.memory_space<vmem>>, vector<16xf32>,
      %sub3A_379 = arith.subf %get3A_378, %get3A_375 : vector<16xf32>
      %mul3A_380 = arith.mulf %gather3A_327, %sub3A_379 : vector<16xf32>
      %add3A_381 = arith.addf %get3A_375, %mul3A_380 : vector<16xf32>
      %mul3A_382 = arith.mulf %add3A_381, %get3A_9 : vector<16xf32>
      %add3A_383 = arith.addf %add3A_368, %mul3A_382 : vector<16xf32>
      %mul3A_384 = arith.mulf %add3A_381, %get3A_25 : vector<16xf32>
      %add3A_385 = arith.addf %add3A_370, %mul3A_384 : vector<16xf32>
      %mul3A_386 = arith.mulf %add3A_381, %get3A_41 : vector<16xf32>
      %add3A_387 = arith.addf %add3A_372, %mul3A_386 : vector<16xf32>
      %get3A_388 = arith.index_cast %add3A_322 : i32 to index
      %get3A_389 = arith.constant 64 : index
      %get3A_390 = tpu.vector_load %arg11[%get3A_388, %get3A_389] {strides = array<i32>} : memref<128x128xf32, #tpu.memory_space<vmem>>, vector<16xf32>,
      %get3A_391 = arith.index_cast %add3A_322 : i32 to index
      %get3A_392 = arith.constant 64 : index
      %get3A_393 = tpu.vector_load %arg12[%get3A_391, %get3A_392] {strides = array<i32>} : memref<128x128xf32, #tpu.memory_space<vmem>>, vector<16xf32>,
      %sub3A_394 = arith.subf %get3A_393, %get3A_390 : vector<16xf32>
      %mul3A_395 = arith.mulf %gather3A_327, %sub3A_394 : vector<16xf32>
      %add3A_396 = arith.addf %get3A_390, %mul3A_395 : vector<16xf32>
      %mul3A_397 = arith.mulf %add3A_396, %get3A_11 : vector<16xf32>
      %add3A_398 = arith.addf %add3A_383, %mul3A_397 : vector<16xf32>
      %mul3A_399 = arith.mulf %add3A_396, %get3A_27 : vector<16xf32>
      %add3A_400 = arith.addf %add3A_385, %mul3A_399 : vector<16xf32>
      %mul3A_401 = arith.mulf %add3A_396, %get3A_43 : vector<16xf32>
      %add3A_402 = arith.addf %add3A_387, %mul3A_401 : vector<16xf32>
      %get3A_403 = arith.index_cast %add3A_322 : i32 to index
      %get3A_404 = arith.constant 80 : index
      %get3A_405 = tpu.vector_load %arg11[%get3A_403, %get3A_404] {strides = array<i32>} : memref<128x128xf32, #tpu.memory_space<vmem>>, vector<16xf32>,
      %get3A_406 = arith.index_cast %add3A_322 : i32 to index
      %get3A_407 = arith.constant 80 : index
      %get3A_408 = tpu.vector_load %arg12[%get3A_406, %get3A_407] {strides = array<i32>} : memref<128x128xf32, #tpu.memory_space<vmem>>, vector<16xf32>,
      %sub3A_409 = arith.subf %get3A_408, %get3A_405 : vector<16xf32>
      %mul3A_410 = arith.mulf %gather3A_327, %sub3A_409 : vector<16xf32>
      %add3A_411 = arith.addf %get3A_405, %mul3A_410 : vector<16xf32>
      %mul3A_412 = arith.mulf %add3A_411, %get3A_13 : vector<16xf32>
      %add3A_413 = arith.addf %add3A_398, %mul3A_412 : vector<16xf32>
      %mul3A_414 = arith.mulf %add3A_411, %get3A_29 : vector<16xf32>
      %add3A_415 = arith.addf %add3A_400, %mul3A_414 : vector<16xf32>
      %mul3A_416 = arith.mulf %add3A_411, %get3A_45 : vector<16xf32>
      %add3A_417 = arith.addf %add3A_402, %mul3A_416 : vector<16xf32>
      %get3A_418 = arith.index_cast %add3A_322 : i32 to index
      %get3A_419 = arith.constant 96 : index
      %get3A_420 = tpu.vector_load %arg11[%get3A_418, %get3A_419] {strides = array<i32>} : memref<128x128xf32, #tpu.memory_space<vmem>>, vector<16xf32>,
      %get3A_421 = arith.index_cast %add3A_322 : i32 to index
      %get3A_422 = arith.constant 96 : index
      %get3A_423 = tpu.vector_load %arg12[%get3A_421, %get3A_422] {strides = array<i32>} : memref<128x128xf32, #tpu.memory_space<vmem>>, vector<16xf32>,
      %sub3A_424 = arith.subf %get3A_423, %get3A_420 : vector<16xf32>
      %mul3A_425 = arith.mulf %gather3A_327, %sub3A_424 : vector<16xf32>
      %add3A_426 = arith.addf %get3A_420, %mul3A_425 : vector<16xf32>
      %mul3A_427 = arith.mulf %add3A_426, %get3A_15 : vector<16xf32>
      %add3A_428 = arith.addf %add3A_413, %mul3A_427 : vector<16xf32>
      %mul3A_429 = arith.mulf %add3A_426, %get3A_31 : vector<16xf32>
      %add3A_430 = arith.addf %add3A_415, %mul3A_429 : vector<16xf32>
      %mul3A_431 = arith.mulf %add3A_426, %get3A_47 : vector<16xf32>
      %add3A_432 = arith.addf %add3A_417, %mul3A_431 : vector<16xf32>
      %get3A_433 = arith.index_cast %add3A_322 : i32 to index
      %get3A_434 = arith.constant 112 : index
      %get3A_435 = tpu.vector_load %arg11[%get3A_433, %get3A_434] {strides = array<i32>} : memref<128x128xf32, #tpu.memory_space<vmem>>, vector<16xf32>,
      %get3A_436 = arith.index_cast %add3A_322 : i32 to index
      %get3A_437 = arith.constant 112 : index
      %get3A_438 = tpu.vector_load %arg12[%get3A_436, %get3A_437] {strides = array<i32>} : memref<128x128xf32, #tpu.memory_space<vmem>>, vector<16xf32>,
      %sub3A_439 = arith.subf %get3A_438, %get3A_435 : vector<16xf32>
      %mul3A_440 = arith.mulf %gather3A_327, %sub3A_439 : vector<16xf32>
      %add3A_441 = arith.addf %get3A_435, %mul3A_440 : vector<16xf32>
      %mul3A_442 = arith.mulf %add3A_441, %get3A_17 : vector<16xf32>
      %add3A_443 = arith.addf %add3A_428, %mul3A_442 : vector<16xf32>
      %mul3A_444 = arith.mulf %add3A_441, %get3A_33 : vector<16xf32>
      %add3A_445 = arith.addf %add3A_430, %mul3A_444 : vector<16xf32>
      %mul3A_446 = arith.mulf %add3A_441, %get3A_49 : vector<16xf32>
      %add3A_447 = arith.addf %add3A_432, %mul3A_446 : vector<16xf32>
      %reduce_sum3A_448 = arith.constant true
      %reduce_sum3A_449 = vector.broadcast %reduce_sum3A_448 : i1 to vector<16xi1>
      %reduce_sum3A_450 = tpu.scan <sum>, %add3A_443 masked %reduce_sum3A_449 : vector<16xf32>, vector<16xi1> -> vector<16xf32>
      %reduce_sum3A_451 = vector.extract %reduce_sum3A_450[15] : f32 from vector<16xf32>
      %reduce_sum3A_452 = arith.constant true
      %reduce_sum3A_453 = vector.broadcast %reduce_sum3A_452 : i1 to vector<16xi1>
      %reduce_sum3A_454 = tpu.scan <sum>, %add3A_445 masked %reduce_sum3A_453 : vector<16xf32>, vector<16xi1> -> vector<16xf32>
      %reduce_sum3A_455 = vector.extract %reduce_sum3A_454[15] : f32 from vector<16xf32>
      %reduce_sum3A_456 = arith.constant true
      %reduce_sum3A_457 = vector.broadcast %reduce_sum3A_456 : i1 to vector<16xi1>
      %reduce_sum3A_458 = tpu.scan <sum>, %add3A_447 masked %reduce_sum3A_457 : vector<16xf32>, vector<16xi1> -> vector<16xf32>
      %reduce_sum3A_459 = vector.extract %reduce_sum3A_458[15] : f32 from vector<16xf32>
      %mul3A_460 = arith.constant 4 : i32
      %mul3A_461 = arith.muli %mul3A_460, %scan3A_176 : i32
      %add3A_462 = arith.constant 2 : i32
      %add3A_463 = arith.addi %mul3A_461, %add3A_462 : i32
      %broadcast_in_dim3A_464 = arith.constant 256 : i32
      %broadcast_in_dim3A_465 = vector.broadcast %broadcast_in_dim3A_464 : i32 to vector<16xi32>
      %add3A_466 = vector.broadcast %add3A_463 : i32 to vector<16xi32>
      %add3A_467 = arith.addi %broadcast_in_dim3A_465, %add3A_466 : vector<16xi32>
      %gather3A_468 = tpu.vector_load_idx %arg8[%add3A_467] : memref<512xf32, #tpu.memory_space<vmem>>[vector<16xi32>], vector<16xf32>,
      %get3A_469 = arith.index_cast %add3A_463 : i32 to index
      %get3A_470 = arith.constant 0 : index
      %get3A_471 = tpu.vector_load %arg11[%get3A_469, %get3A_470] {strides = array<i32>} : memref<128x128xf32, #tpu.memory_space<vmem>>, vector<16xf32>,
      %get3A_472 = arith.index_cast %add3A_463 : i32 to index
      %get3A_473 = arith.constant 0 : index
      %get3A_474 = tpu.vector_load %arg12[%get3A_472, %get3A_473] {strides = array<i32>} : memref<128x128xf32, #tpu.memory_space<vmem>>, vector<16xf32>,
      %sub3A_475 = arith.subf %get3A_474, %get3A_471 : vector<16xf32>
      %mul3A_476 = arith.mulf %gather3A_468, %sub3A_475 : vector<16xf32>
      %add3A_477 = arith.addf %get3A_471, %mul3A_476 : vector<16xf32>
      %mul3A_478 = arith.mulf %add3A_477, %get3A_3 : vector<16xf32>
      %add3A_479 = arith.addf %select_n3A, %mul3A_478 : vector<16xf32>
      %mul3A_480 = arith.mulf %add3A_477, %get3A_19 : vector<16xf32>
      %add3A_481 = arith.addf %select_n3A_61, %mul3A_480 : vector<16xf32>
      %mul3A_482 = arith.mulf %add3A_477, %get3A_35 : vector<16xf32>
      %add3A_483 = arith.addf %select_n3A_68, %mul3A_482 : vector<16xf32>
      %get3A_484 = arith.index_cast %add3A_463 : i32 to index
      %get3A_485 = arith.constant 16 : index
      %get3A_486 = tpu.vector_load %arg11[%get3A_484, %get3A_485] {strides = array<i32>} : memref<128x128xf32, #tpu.memory_space<vmem>>, vector<16xf32>,
      %get3A_487 = arith.index_cast %add3A_463 : i32 to index
      %get3A_488 = arith.constant 16 : index
      %get3A_489 = tpu.vector_load %arg12[%get3A_487, %get3A_488] {strides = array<i32>} : memref<128x128xf32, #tpu.memory_space<vmem>>, vector<16xf32>,
      %sub3A_490 = arith.subf %get3A_489, %get3A_486 : vector<16xf32>
      %mul3A_491 = arith.mulf %gather3A_468, %sub3A_490 : vector<16xf32>
      %add3A_492 = arith.addf %get3A_486, %mul3A_491 : vector<16xf32>
      %mul3A_493 = arith.mulf %add3A_492, %get3A_5 : vector<16xf32>
      %add3A_494 = arith.addf %add3A_479, %mul3A_493 : vector<16xf32>
      %mul3A_495 = arith.mulf %add3A_492, %get3A_21 : vector<16xf32>
      %add3A_496 = arith.addf %add3A_481, %mul3A_495 : vector<16xf32>
      %mul3A_497 = arith.mulf %add3A_492, %get3A_37 : vector<16xf32>
      %add3A_498 = arith.addf %add3A_483, %mul3A_497 : vector<16xf32>
      %get3A_499 = arith.index_cast %add3A_463 : i32 to index
      %get3A_500 = arith.constant 32 : index
      %get3A_501 = tpu.vector_load %arg11[%get3A_499, %get3A_500] {strides = array<i32>} : memref<128x128xf32, #tpu.memory_space<vmem>>, vector<16xf32>,
      %get3A_502 = arith.index_cast %add3A_463 : i32 to index
      %get3A_503 = arith.constant 32 : index
      %get3A_504 = tpu.vector_load %arg12[%get3A_502, %get3A_503] {strides = array<i32>} : memref<128x128xf32, #tpu.memory_space<vmem>>, vector<16xf32>,
      %sub3A_505 = arith.subf %get3A_504, %get3A_501 : vector<16xf32>
      %mul3A_506 = arith.mulf %gather3A_468, %sub3A_505 : vector<16xf32>
      %add3A_507 = arith.addf %get3A_501, %mul3A_506 : vector<16xf32>
      %mul3A_508 = arith.mulf %add3A_507, %get3A_7 : vector<16xf32>
      %add3A_509 = arith.addf %add3A_494, %mul3A_508 : vector<16xf32>
      %mul3A_510 = arith.mulf %add3A_507, %get3A_23 : vector<16xf32>
      %add3A_511 = arith.addf %add3A_496, %mul3A_510 : vector<16xf32>
      %mul3A_512 = arith.mulf %add3A_507, %get3A_39 : vector<16xf32>
      %add3A_513 = arith.addf %add3A_498, %mul3A_512 : vector<16xf32>
      %get3A_514 = arith.index_cast %add3A_463 : i32 to index
      %get3A_515 = arith.constant 48 : index
      %get3A_516 = tpu.vector_load %arg11[%get3A_514, %get3A_515] {strides = array<i32>} : memref<128x128xf32, #tpu.memory_space<vmem>>, vector<16xf32>,
      %get3A_517 = arith.index_cast %add3A_463 : i32 to index
      %get3A_518 = arith.constant 48 : index
      %get3A_519 = tpu.vector_load %arg12[%get3A_517, %get3A_518] {strides = array<i32>} : memref<128x128xf32, #tpu.memory_space<vmem>>, vector<16xf32>,
      %sub3A_520 = arith.subf %get3A_519, %get3A_516 : vector<16xf32>
      %mul3A_521 = arith.mulf %gather3A_468, %sub3A_520 : vector<16xf32>
      %add3A_522 = arith.addf %get3A_516, %mul3A_521 : vector<16xf32>
      %mul3A_523 = arith.mulf %add3A_522, %get3A_9 : vector<16xf32>
      %add3A_524 = arith.addf %add3A_509, %mul3A_523 : vector<16xf32>
      %mul3A_525 = arith.mulf %add3A_522, %get3A_25 : vector<16xf32>
      %add3A_526 = arith.addf %add3A_511, %mul3A_525 : vector<16xf32>
      %mul3A_527 = arith.mulf %add3A_522, %get3A_41 : vector<16xf32>
      %add3A_528 = arith.addf %add3A_513, %mul3A_527 : vector<16xf32>
      %get3A_529 = arith.index_cast %add3A_463 : i32 to index
      %get3A_530 = arith.constant 64 : index
      %get3A_531 = tpu.vector_load %arg11[%get3A_529, %get3A_530] {strides = array<i32>} : memref<128x128xf32, #tpu.memory_space<vmem>>, vector<16xf32>,
      %get3A_532 = arith.index_cast %add3A_463 : i32 to index
      %get3A_533 = arith.constant 64 : index
      %get3A_534 = tpu.vector_load %arg12[%get3A_532, %get3A_533] {strides = array<i32>} : memref<128x128xf32, #tpu.memory_space<vmem>>, vector<16xf32>,
      %sub3A_535 = arith.subf %get3A_534, %get3A_531 : vector<16xf32>
      %mul3A_536 = arith.mulf %gather3A_468, %sub3A_535 : vector<16xf32>
      %add3A_537 = arith.addf %get3A_531, %mul3A_536 : vector<16xf32>
      %mul3A_538 = arith.mulf %add3A_537, %get3A_11 : vector<16xf32>
      %add3A_539 = arith.addf %add3A_524, %mul3A_538 : vector<16xf32>
      %mul3A_540 = arith.mulf %add3A_537, %get3A_27 : vector<16xf32>
      %add3A_541 = arith.addf %add3A_526, %mul3A_540 : vector<16xf32>
      %mul3A_542 = arith.mulf %add3A_537, %get3A_43 : vector<16xf32>
      %add3A_543 = arith.addf %add3A_528, %mul3A_542 : vector<16xf32>
      %get3A_544 = arith.index_cast %add3A_463 : i32 to index
      %get3A_545 = arith.constant 80 : index
      %get3A_546 = tpu.vector_load %arg11[%get3A_544, %get3A_545] {strides = array<i32>} : memref<128x128xf32, #tpu.memory_space<vmem>>, vector<16xf32>,
      %get3A_547 = arith.index_cast %add3A_463 : i32 to index
      %get3A_548 = arith.constant 80 : index
      %get3A_549 = tpu.vector_load %arg12[%get3A_547, %get3A_548] {strides = array<i32>} : memref<128x128xf32, #tpu.memory_space<vmem>>, vector<16xf32>,
      %sub3A_550 = arith.subf %get3A_549, %get3A_546 : vector<16xf32>
      %mul3A_551 = arith.mulf %gather3A_468, %sub3A_550 : vector<16xf32>
      %add3A_552 = arith.addf %get3A_546, %mul3A_551 : vector<16xf32>
      %mul3A_553 = arith.mulf %add3A_552, %get3A_13 : vector<16xf32>
      %add3A_554 = arith.addf %add3A_539, %mul3A_553 : vector<16xf32>
      %mul3A_555 = arith.mulf %add3A_552, %get3A_29 : vector<16xf32>
      %add3A_556 = arith.addf %add3A_541, %mul3A_555 : vector<16xf32>
      %mul3A_557 = arith.mulf %add3A_552, %get3A_45 : vector<16xf32>
      %add3A_558 = arith.addf %add3A_543, %mul3A_557 : vector<16xf32>
      %get3A_559 = arith.index_cast %add3A_463 : i32 to index
      %get3A_560 = arith.constant 96 : index
      %get3A_561 = tpu.vector_load %arg11[%get3A_559, %get3A_560] {strides = array<i32>} : memref<128x128xf32, #tpu.memory_space<vmem>>, vector<16xf32>,
      %get3A_562 = arith.index_cast %add3A_463 : i32 to index
      %get3A_563 = arith.constant 96 : index
      %get3A_564 = tpu.vector_load %arg12[%get3A_562, %get3A_563] {strides = array<i32>} : memref<128x128xf32, #tpu.memory_space<vmem>>, vector<16xf32>,
      %sub3A_565 = arith.subf %get3A_564, %get3A_561 : vector<16xf32>
      %mul3A_566 = arith.mulf %gather3A_468, %sub3A_565 : vector<16xf32>
      %add3A_567 = arith.addf %get3A_561, %mul3A_566 : vector<16xf32>
      %mul3A_568 = arith.mulf %add3A_567, %get3A_15 : vector<16xf32>
      %add3A_569 = arith.addf %add3A_554, %mul3A_568 : vector<16xf32>
      %mul3A_570 = arith.mulf %add3A_567, %get3A_31 : vector<16xf32>
      %add3A_571 = arith.addf %add3A_556, %mul3A_570 : vector<16xf32>
      %mul3A_572 = arith.mulf %add3A_567, %get3A_47 : vector<16xf32>
      %add3A_573 = arith.addf %add3A_558, %mul3A_572 : vector<16xf32>
      %get3A_574 = arith.index_cast %add3A_463 : i32 to index
      %get3A_575 = arith.constant 112 : index
      %get3A_576 = tpu.vector_load %arg11[%get3A_574, %get3A_575] {strides = array<i32>} : memref<128x128xf32, #tpu.memory_space<vmem>>, vector<16xf32>,
      %get3A_577 = arith.index_cast %add3A_463 : i32 to index
      %get3A_578 = arith.constant 112 : index
      %get3A_579 = tpu.vector_load %arg12[%get3A_577, %get3A_578] {strides = array<i32>} : memref<128x128xf32, #tpu.memory_space<vmem>>, vector<16xf32>,
      %sub3A_580 = arith.subf %get3A_579, %get3A_576 : vector<16xf32>
      %mul3A_581 = arith.mulf %gather3A_468, %sub3A_580 : vector<16xf32>
      %add3A_582 = arith.addf %get3A_576, %mul3A_581 : vector<16xf32>
      %mul3A_583 = arith.mulf %add3A_582, %get3A_17 : vector<16xf32>
      %add3A_584 = arith.addf %add3A_569, %mul3A_583 : vector<16xf32>
      %mul3A_585 = arith.mulf %add3A_582, %get3A_33 : vector<16xf32>
      %add3A_586 = arith.addf %add3A_571, %mul3A_585 : vector<16xf32>
      %mul3A_587 = arith.mulf %add3A_582, %get3A_49 : vector<16xf32>
      %add3A_588 = arith.addf %add3A_573, %mul3A_587 : vector<16xf32>
      %reduce_sum3A_589 = arith.constant true
      %reduce_sum3A_590 = vector.broadcast %reduce_sum3A_589 : i1 to vector<16xi1>
      %reduce_sum3A_591 = tpu.scan <sum>, %add3A_584 masked %reduce_sum3A_590 : vector<16xf32>, vector<16xi1> -> vector<16xf32>
      %reduce_sum3A_592 = vector.extract %reduce_sum3A_591[15] : f32 from vector<16xf32>
      %reduce_sum3A_593 = arith.constant true
      %reduce_sum3A_594 = vector.broadcast %reduce_sum3A_593 : i1 to vector<16xi1>
      %reduce_sum3A_595 = tpu.scan <sum>, %add3A_586 masked %reduce_sum3A_594 : vector<16xf32>, vector<16xi1> -> vector<16xf32>
      %reduce_sum3A_596 = vector.extract %reduce_sum3A_595[15] : f32 from vector<16xf32>
      %reduce_sum3A_597 = arith.constant true
      %reduce_sum3A_598 = vector.broadcast %reduce_sum3A_597 : i1 to vector<16xi1>
      %reduce_sum3A_599 = tpu.scan <sum>, %add3A_588 masked %reduce_sum3A_598 : vector<16xf32>, vector<16xi1> -> vector<16xf32>
      %reduce_sum3A_600 = vector.extract %reduce_sum3A_599[15] : f32 from vector<16xf32>
      %mul3A_601 = arith.constant 4 : i32
      %mul3A_602 = arith.muli %mul3A_601, %scan3A_176 : i32
      %add3A_603 = arith.constant 3 : i32
      %add3A_604 = arith.addi %mul3A_602, %add3A_603 : i32
      %broadcast_in_dim3A_605 = arith.constant 256 : i32
      %broadcast_in_dim3A_606 = vector.broadcast %broadcast_in_dim3A_605 : i32 to vector<16xi32>
      %add3A_607 = vector.broadcast %add3A_604 : i32 to vector<16xi32>
      %add3A_608 = arith.addi %broadcast_in_dim3A_606, %add3A_607 : vector<16xi32>
      %gather3A_609 = tpu.vector_load_idx %arg8[%add3A_608] : memref<512xf32, #tpu.memory_space<vmem>>[vector<16xi32>], vector<16xf32>,
      %get3A_610 = arith.index_cast %add3A_604 : i32 to index
      %get3A_611 = arith.constant 0 : index
      %get3A_612 = tpu.vector_load %arg11[%get3A_610, %get3A_611] {strides = array<i32>} : memref<128x128xf32, #tpu.memory_space<vmem>>, vector<16xf32>,
      %get3A_613 = arith.index_cast %add3A_604 : i32 to index
      %get3A_614 = arith.constant 0 : index
      %get3A_615 = tpu.vector_load %arg12[%get3A_613, %get3A_614] {strides = array<i32>} : memref<128x128xf32, #tpu.memory_space<vmem>>, vector<16xf32>,
      %sub3A_616 = arith.subf %get3A_615, %get3A_612 : vector<16xf32>
      %mul3A_617 = arith.mulf %gather3A_609, %sub3A_616 : vector<16xf32>
      %add3A_618 = arith.addf %get3A_612, %mul3A_617 : vector<16xf32>
      %mul3A_619 = arith.mulf %add3A_618, %get3A_3 : vector<16xf32>
      %add3A_620 = arith.addf %select_n3A, %mul3A_619 : vector<16xf32>
      %mul3A_621 = arith.mulf %add3A_618, %get3A_19 : vector<16xf32>
      %add3A_622 = arith.addf %select_n3A_61, %mul3A_621 : vector<16xf32>
      %mul3A_623 = arith.mulf %add3A_618, %get3A_35 : vector<16xf32>
      %add3A_624 = arith.addf %select_n3A_68, %mul3A_623 : vector<16xf32>
      %get3A_625 = arith.index_cast %add3A_604 : i32 to index
      %get3A_626 = arith.constant 16 : index
      %get3A_627 = tpu.vector_load %arg11[%get3A_625, %get3A_626] {strides = array<i32>} : memref<128x128xf32, #tpu.memory_space<vmem>>, vector<16xf32>,
      %get3A_628 = arith.index_cast %add3A_604 : i32 to index
      %get3A_629 = arith.constant 16 : index
      %get3A_630 = tpu.vector_load %arg12[%get3A_628, %get3A_629] {strides = array<i32>} : memref<128x128xf32, #tpu.memory_space<vmem>>, vector<16xf32>,
      %sub3A_631 = arith.subf %get3A_630, %get3A_627 : vector<16xf32>
      %mul3A_632 = arith.mulf %gather3A_609, %sub3A_631 : vector<16xf32>
      %add3A_633 = arith.addf %get3A_627, %mul3A_632 : vector<16xf32>
      %mul3A_634 = arith.mulf %add3A_633, %get3A_5 : vector<16xf32>
      %add3A_635 = arith.addf %add3A_620, %mul3A_634 : vector<16xf32>
      %mul3A_636 = arith.mulf %add3A_633, %get3A_21 : vector<16xf32>
      %add3A_637 = arith.addf %add3A_622, %mul3A_636 : vector<16xf32>
      %mul3A_638 = arith.mulf %add3A_633, %get3A_37 : vector<16xf32>
      %add3A_639 = arith.addf %add3A_624, %mul3A_638 : vector<16xf32>
      %get3A_640 = arith.index_cast %add3A_604 : i32 to index
      %get3A_641 = arith.constant 32 : index
      %get3A_642 = tpu.vector_load %arg11[%get3A_640, %get3A_641] {strides = array<i32>} : memref<128x128xf32, #tpu.memory_space<vmem>>, vector<16xf32>,
      %get3A_643 = arith.index_cast %add3A_604 : i32 to index
      %get3A_644 = arith.constant 32 : index
      %get3A_645 = tpu.vector_load %arg12[%get3A_643, %get3A_644] {strides = array<i32>} : memref<128x128xf32, #tpu.memory_space<vmem>>, vector<16xf32>,
      %sub3A_646 = arith.subf %get3A_645, %get3A_642 : vector<16xf32>
      %mul3A_647 = arith.mulf %gather3A_609, %sub3A_646 : vector<16xf32>
      %add3A_648 = arith.addf %get3A_642, %mul3A_647 : vector<16xf32>
      %mul3A_649 = arith.mulf %add3A_648, %get3A_7 : vector<16xf32>
      %add3A_650 = arith.addf %add3A_635, %mul3A_649 : vector<16xf32>
      %mul3A_651 = arith.mulf %add3A_648, %get3A_23 : vector<16xf32>
      %add3A_652 = arith.addf %add3A_637, %mul3A_651 : vector<16xf32>
      %mul3A_653 = arith.mulf %add3A_648, %get3A_39 : vector<16xf32>
      %add3A_654 = arith.addf %add3A_639, %mul3A_653 : vector<16xf32>
      %get3A_655 = arith.index_cast %add3A_604 : i32 to index
      %get3A_656 = arith.constant 48 : index
      %get3A_657 = tpu.vector_load %arg11[%get3A_655, %get3A_656] {strides = array<i32>} : memref<128x128xf32, #tpu.memory_space<vmem>>, vector<16xf32>,
      %get3A_658 = arith.index_cast %add3A_604 : i32 to index
      %get3A_659 = arith.constant 48 : index
      %get3A_660 = tpu.vector_load %arg12[%get3A_658, %get3A_659] {strides = array<i32>} : memref<128x128xf32, #tpu.memory_space<vmem>>, vector<16xf32>,
      %sub3A_661 = arith.subf %get3A_660, %get3A_657 : vector<16xf32>
      %mul3A_662 = arith.mulf %gather3A_609, %sub3A_661 : vector<16xf32>
      %add3A_663 = arith.addf %get3A_657, %mul3A_662 : vector<16xf32>
      %mul3A_664 = arith.mulf %add3A_663, %get3A_9 : vector<16xf32>
      %add3A_665 = arith.addf %add3A_650, %mul3A_664 : vector<16xf32>
      %mul3A_666 = arith.mulf %add3A_663, %get3A_25 : vector<16xf32>
      %add3A_667 = arith.addf %add3A_652, %mul3A_666 : vector<16xf32>
      %mul3A_668 = arith.mulf %add3A_663, %get3A_41 : vector<16xf32>
      %add3A_669 = arith.addf %add3A_654, %mul3A_668 : vector<16xf32>
      %get3A_670 = arith.index_cast %add3A_604 : i32 to index
      %get3A_671 = arith.constant 64 : index
      %get3A_672 = tpu.vector_load %arg11[%get3A_670, %get3A_671] {strides = array<i32>} : memref<128x128xf32, #tpu.memory_space<vmem>>, vector<16xf32>,
      %get3A_673 = arith.index_cast %add3A_604 : i32 to index
      %get3A_674 = arith.constant 64 : index
      %get3A_675 = tpu.vector_load %arg12[%get3A_673, %get3A_674] {strides = array<i32>} : memref<128x128xf32, #tpu.memory_space<vmem>>, vector<16xf32>,
      %sub3A_676 = arith.subf %get3A_675, %get3A_672 : vector<16xf32>
      %mul3A_677 = arith.mulf %gather3A_609, %sub3A_676 : vector<16xf32>
      %add3A_678 = arith.addf %get3A_672, %mul3A_677 : vector<16xf32>
      %mul3A_679 = arith.mulf %add3A_678, %get3A_11 : vector<16xf32>
      %add3A_680 = arith.addf %add3A_665, %mul3A_679 : vector<16xf32>
      %mul3A_681 = arith.mulf %add3A_678, %get3A_27 : vector<16xf32>
      %add3A_682 = arith.addf %add3A_667, %mul3A_681 : vector<16xf32>
      %mul3A_683 = arith.mulf %add3A_678, %get3A_43 : vector<16xf32>
      %add3A_684 = arith.addf %add3A_669, %mul3A_683 : vector<16xf32>
      %get3A_685 = arith.index_cast %add3A_604 : i32 to index
      %get3A_686 = arith.constant 80 : index
      %get3A_687 = tpu.vector_load %arg11[%get3A_685, %get3A_686] {strides = array<i32>} : memref<128x128xf32, #tpu.memory_space<vmem>>, vector<16xf32>,
      %get3A_688 = arith.index_cast %add3A_604 : i32 to index
      %get3A_689 = arith.constant 80 : index
      %get3A_690 = tpu.vector_load %arg12[%get3A_688, %get3A_689] {strides = array<i32>} : memref<128x128xf32, #tpu.memory_space<vmem>>, vector<16xf32>,
      %sub3A_691 = arith.subf %get3A_690, %get3A_687 : vector<16xf32>
      %mul3A_692 = arith.mulf %gather3A_609, %sub3A_691 : vector<16xf32>
      %add3A_693 = arith.addf %get3A_687, %mul3A_692 : vector<16xf32>
      %mul3A_694 = arith.mulf %add3A_693, %get3A_13 : vector<16xf32>
      %add3A_695 = arith.addf %add3A_680, %mul3A_694 : vector<16xf32>
      %mul3A_696 = arith.mulf %add3A_693, %get3A_29 : vector<16xf32>
      %add3A_697 = arith.addf %add3A_682, %mul3A_696 : vector<16xf32>
      %mul3A_698 = arith.mulf %add3A_693, %get3A_45 : vector<16xf32>
      %add3A_699 = arith.addf %add3A_684, %mul3A_698 : vector<16xf32>
      %get3A_700 = arith.index_cast %add3A_604 : i32 to index
      %get3A_701 = arith.constant 96 : index
      %get3A_702 = tpu.vector_load %arg11[%get3A_700, %get3A_701] {strides = array<i32>} : memref<128x128xf32, #tpu.memory_space<vmem>>, vector<16xf32>,
      %get3A_703 = arith.index_cast %add3A_604 : i32 to index
      %get3A_704 = arith.constant 96 : index
      %get3A_705 = tpu.vector_load %arg12[%get3A_703, %get3A_704] {strides = array<i32>} : memref<128x128xf32, #tpu.memory_space<vmem>>, vector<16xf32>,
      %sub3A_706 = arith.subf %get3A_705, %get3A_702 : vector<16xf32>
      %mul3A_707 = arith.mulf %gather3A_609, %sub3A_706 : vector<16xf32>
      %add3A_708 = arith.addf %get3A_702, %mul3A_707 : vector<16xf32>
      %mul3A_709 = arith.mulf %add3A_708, %get3A_15 : vector<16xf32>
      %add3A_710 = arith.addf %add3A_695, %mul3A_709 : vector<16xf32>
      %mul3A_711 = arith.mulf %add3A_708, %get3A_31 : vector<16xf32>
      %add3A_712 = arith.addf %add3A_697, %mul3A_711 : vector<16xf32>
      %mul3A_713 = arith.mulf %add3A_708, %get3A_47 : vector<16xf32>
      %add3A_714 = arith.addf %add3A_699, %mul3A_713 : vector<16xf32>
      %get3A_715 = arith.index_cast %add3A_604 : i32 to index
      %get3A_716 = arith.constant 112 : index
      %get3A_717 = tpu.vector_load %arg11[%get3A_715, %get3A_716] {strides = array<i32>} : memref<128x128xf32, #tpu.memory_space<vmem>>, vector<16xf32>,
      %get3A_718 = arith.index_cast %add3A_604 : i32 to index
      %get3A_719 = arith.constant 112 : index
      %get3A_720 = tpu.vector_load %arg12[%get3A_718, %get3A_719] {strides = array<i32>} : memref<128x128xf32, #tpu.memory_space<vmem>>, vector<16xf32>,
      %sub3A_721 = arith.subf %get3A_720, %get3A_717 : vector<16xf32>
      %mul3A_722 = arith.mulf %gather3A_609, %sub3A_721 : vector<16xf32>
      %add3A_723 = arith.addf %get3A_717, %mul3A_722 : vector<16xf32>
      %mul3A_724 = arith.mulf %add3A_723, %get3A_17 : vector<16xf32>
      %add3A_725 = arith.addf %add3A_710, %mul3A_724 : vector<16xf32>
      %mul3A_726 = arith.mulf %add3A_723, %get3A_33 : vector<16xf32>
      %add3A_727 = arith.addf %add3A_712, %mul3A_726 : vector<16xf32>
      %mul3A_728 = arith.mulf %add3A_723, %get3A_49 : vector<16xf32>
      %add3A_729 = arith.addf %add3A_714, %mul3A_728 : vector<16xf32>
      %reduce_sum3A_730 = arith.constant true
      %reduce_sum3A_731 = vector.broadcast %reduce_sum3A_730 : i1 to vector<16xi1>
      %reduce_sum3A_732 = tpu.scan <sum>, %add3A_725 masked %reduce_sum3A_731 : vector<16xf32>, vector<16xi1> -> vector<16xf32>
      %reduce_sum3A_733 = vector.extract %reduce_sum3A_732[15] : f32 from vector<16xf32>
      %reduce_sum3A_734 = arith.constant true
      %reduce_sum3A_735 = vector.broadcast %reduce_sum3A_734 : i1 to vector<16xi1>
      %reduce_sum3A_736 = tpu.scan <sum>, %add3A_727 masked %reduce_sum3A_735 : vector<16xf32>, vector<16xi1> -> vector<16xf32>
      %reduce_sum3A_737 = vector.extract %reduce_sum3A_736[15] : f32 from vector<16xf32>
      %reduce_sum3A_738 = arith.constant true
      %reduce_sum3A_739 = vector.broadcast %reduce_sum3A_738 : i1 to vector<16xi1>
      %reduce_sum3A_740 = tpu.scan <sum>, %add3A_729 masked %reduce_sum3A_739 : vector<16xf32>, vector<16xi1> -> vector<16xf32>
      %reduce_sum3A_741 = vector.extract %reduce_sum3A_740[15] : f32 from vector<16xf32>
      %mul3A_742 = arith.constant 4 : i32
      %mul3A_743 = arith.muli %mul3A_742, %scan3A_176 : i32
      %and3A = arith.constant 15 : i32
      %and3A_744 = arith.andi %mul3A_743, %and3A : i32
      %add3A_745 = arith.constant 0 : i32
      %add3A_746 = arith.addi %and3A_744, %add3A_745 : i32
      %eq3A_747 = vector.broadcast %add3A_746 : i32 to vector<16xi32>
      %eq3A_748 = arith.cmpi eq, %iota3A, %eq3A_747 : vector<16xi32>
      %broadcast_in_dim3A_749 = vector.broadcast %reduce_sum3A_310 : f32 to vector<16xf32>
      %select_n3A_750 = arith.select %eq3A_748, %broadcast_in_dim3A_749, %scan3A_177 : vector<16xi1>, vector<16xf32>
      %add3A_751 = arith.constant 0 : i32
      %add3A_752 = arith.addi %and3A_744, %add3A_751 : i32
      %eq3A_753 = vector.broadcast %add3A_752 : i32 to vector<16xi32>
      %eq3A_754 = arith.cmpi eq, %iota3A, %eq3A_753 : vector<16xi32>
      %broadcast_in_dim3A_755 = vector.broadcast %reduce_sum3A_314 : f32 to vector<16xf32>
      %select_n3A_756 = arith.select %eq3A_754, %broadcast_in_dim3A_755, %scan3A_178 : vector<16xi1>, vector<16xf32>
      %add3A_757 = arith.constant 0 : i32
      %add3A_758 = arith.addi %and3A_744, %add3A_757 : i32
      %eq3A_759 = vector.broadcast %add3A_758 : i32 to vector<16xi32>
      %eq3A_760 = arith.cmpi eq, %iota3A, %eq3A_759 : vector<16xi32>
      %broadcast_in_dim3A_761 = vector.broadcast %reduce_sum3A_318 : f32 to vector<16xf32>
      %select_n3A_762 = arith.select %eq3A_760, %broadcast_in_dim3A_761, %scan3A_179 : vector<16xi1>, vector<16xf32>
      %add3A_763 = arith.constant 1 : i32
      %add3A_764 = arith.addi %and3A_744, %add3A_763 : i32
      %eq3A_765 = vector.broadcast %add3A_764 : i32 to vector<16xi32>
      %eq3A_766 = arith.cmpi eq, %iota3A, %eq3A_765 : vector<16xi32>
      %broadcast_in_dim3A_767 = vector.broadcast %reduce_sum3A_451 : f32 to vector<16xf32>
      %select_n3A_768 = arith.select %eq3A_766, %broadcast_in_dim3A_767, %select_n3A_750 : vector<16xi1>, vector<16xf32>
      %add3A_769 = arith.constant 1 : i32
      %add3A_770 = arith.addi %and3A_744, %add3A_769 : i32
      %eq3A_771 = vector.broadcast %add3A_770 : i32 to vector<16xi32>
      %eq3A_772 = arith.cmpi eq, %iota3A, %eq3A_771 : vector<16xi32>
      %broadcast_in_dim3A_773 = vector.broadcast %reduce_sum3A_455 : f32 to vector<16xf32>
      %select_n3A_774 = arith.select %eq3A_772, %broadcast_in_dim3A_773, %select_n3A_756 : vector<16xi1>, vector<16xf32>
      %add3A_775 = arith.constant 1 : i32
      %add3A_776 = arith.addi %and3A_744, %add3A_775 : i32
      %eq3A_777 = vector.broadcast %add3A_776 : i32 to vector<16xi32>
      %eq3A_778 = arith.cmpi eq, %iota3A, %eq3A_777 : vector<16xi32>
      %broadcast_in_dim3A_779 = vector.broadcast %reduce_sum3A_459 : f32 to vector<16xf32>
      %select_n3A_780 = arith.select %eq3A_778, %broadcast_in_dim3A_779, %select_n3A_762 : vector<16xi1>, vector<16xf32>
      %add3A_781 = arith.constant 2 : i32
      %add3A_782 = arith.addi %and3A_744, %add3A_781 : i32
      %eq3A_783 = vector.broadcast %add3A_782 : i32 to vector<16xi32>
      %eq3A_784 = arith.cmpi eq, %iota3A, %eq3A_783 : vector<16xi32>
      %broadcast_in_dim3A_785 = vector.broadcast %reduce_sum3A_592 : f32 to vector<16xf32>
      %select_n3A_786 = arith.select %eq3A_784, %broadcast_in_dim3A_785, %select_n3A_768 : vector<16xi1>, vector<16xf32>
      %add3A_787 = arith.constant 2 : i32
      %add3A_788 = arith.addi %and3A_744, %add3A_787 : i32
      %eq3A_789 = vector.broadcast %add3A_788 : i32 to vector<16xi32>
      %eq3A_790 = arith.cmpi eq, %iota3A, %eq3A_789 : vector<16xi32>
      %broadcast_in_dim3A_791 = vector.broadcast %reduce_sum3A_596 : f32 to vector<16xf32>
      %select_n3A_792 = arith.select %eq3A_790, %broadcast_in_dim3A_791, %select_n3A_774 : vector<16xi1>, vector<16xf32>
      %add3A_793 = arith.constant 2 : i32
      %add3A_794 = arith.addi %and3A_744, %add3A_793 : i32
      %eq3A_795 = vector.broadcast %add3A_794 : i32 to vector<16xi32>
      %eq3A_796 = arith.cmpi eq, %iota3A, %eq3A_795 : vector<16xi32>
      %broadcast_in_dim3A_797 = vector.broadcast %reduce_sum3A_600 : f32 to vector<16xf32>
      %select_n3A_798 = arith.select %eq3A_796, %broadcast_in_dim3A_797, %select_n3A_780 : vector<16xi1>, vector<16xf32>
      %add3A_799 = arith.constant 3 : i32
      %add3A_800 = arith.addi %and3A_744, %add3A_799 : i32
      %eq3A_801 = vector.broadcast %add3A_800 : i32 to vector<16xi32>
      %eq3A_802 = arith.cmpi eq, %iota3A, %eq3A_801 : vector<16xi32>
      %broadcast_in_dim3A_803 = vector.broadcast %reduce_sum3A_733 : f32 to vector<16xf32>
      %select_n3A_804 = arith.select %eq3A_802, %broadcast_in_dim3A_803, %select_n3A_786 : vector<16xi1>, vector<16xf32>
      %add3A_805 = arith.constant 3 : i32
      %add3A_806 = arith.addi %and3A_744, %add3A_805 : i32
      %eq3A_807 = vector.broadcast %add3A_806 : i32 to vector<16xi32>
      %eq3A_808 = arith.cmpi eq, %iota3A, %eq3A_807 : vector<16xi32>
      %broadcast_in_dim3A_809 = vector.broadcast %reduce_sum3A_737 : f32 to vector<16xf32>
      %select_n3A_810 = arith.select %eq3A_808, %broadcast_in_dim3A_809, %select_n3A_792 : vector<16xi1>, vector<16xf32>
      %add3A_811 = arith.constant 3 : i32
      %add3A_812 = arith.addi %and3A_744, %add3A_811 : i32
      %eq3A_813 = vector.broadcast %add3A_812 : i32 to vector<16xi32>
      %eq3A_814 = arith.cmpi eq, %iota3A, %eq3A_813 : vector<16xi32>
      %broadcast_in_dim3A_815 = vector.broadcast %reduce_sum3A_741 : f32 to vector<16xf32>
      %select_n3A_816 = arith.select %eq3A_814, %broadcast_in_dim3A_815, %select_n3A_798 : vector<16xi1>, vector<16xf32>
      %eq3A_817 = arith.constant 12 : i32
      %eq3A_818 = arith.cmpi eq, %and3A_744, %eq3A_817 : i32
      %convert_element_type3A = arith.extui %eq3A_818 : i1 to i32
      %cond3A = arith.constant 0 : i32
      %cond3A_819 = arith.cmpi ne, %convert_element_type3A, %cond3A : i32
      scf.if %cond3A_819 {
        %mul3A_823 = arith.constant 4 : i32
        %mul3A_824 = arith.muli %mul3A_823, %scan3A_176 : i32
        %add3A_825 = arith.constant 256 : i32
        %add3A_826 = arith.addi %add3A_825, %mul3A_824 : i32
        %sub3A_827 = arith.constant 12 : i32
        %sub3A_828 = arith.subi %add3A_826, %sub3A_827 : i32
        %swap3A = arith.constant 0 : i32
        %swap3A_829 = arith.index_cast %swap3A : i32 to index
        %swap3A_830 = arith.index_cast %sub3A_828 : i32 to index
        %swap3A_831 = tpu.vector_load %arg17[%swap3A_829, %swap3A_830] {strides = array<i32>} : memref<3x512xf32, #tpu.memory_space<vmem>>, vector<16xf32>,
        tpu.vector_store %arg17[%swap3A_829, %swap3A_830], %select_n3A_804 {strides = array<i32>} : memref<3x512xf32, #tpu.memory_space<vmem>>, vector<16xf32>,
        %swap3A_832 = arith.constant 1 : i32
        %swap3A_833 = arith.index_cast %swap3A_832 : i32 to index
        %swap3A_834 = arith.index_cast %sub3A_828 : i32 to index
        %swap3A_835 = tpu.vector_load %arg17[%swap3A_833, %swap3A_834] {strides = array<i32>} : memref<3x512xf32, #tpu.memory_space<vmem>>, vector<16xf32>,
        tpu.vector_store %arg17[%swap3A_833, %swap3A_834], %select_n3A_810 {strides = array<i32>} : memref<3x512xf32, #tpu.memory_space<vmem>>, vector<16xf32>,
        %swap3A_836 = arith.constant 2 : i32
        %swap3A_837 = arith.index_cast %swap3A_836 : i32 to index
        %swap3A_838 = arith.index_cast %sub3A_828 : i32 to index
        %swap3A_839 = tpu.vector_load %arg17[%swap3A_837, %swap3A_838] {strides = array<i32>} : memref<3x512xf32, #tpu.memory_space<vmem>>, vector<16xf32>,
        tpu.vector_store %arg17[%swap3A_837, %swap3A_838], %select_n3A_816 {strides = array<i32>} : memref<3x512xf32, #tpu.memory_space<vmem>>, vector<16xf32>,
      } else {
      }
      %select_n3A_820 = arith.select %eq3A_818, %broadcast_in_dim3A_50, %select_n3A_804 : vector<16xf32>
      %select_n3A_821 = arith.select %eq3A_818, %broadcast_in_dim3A_50, %select_n3A_810 : vector<16xf32>
      %select_n3A_822 = arith.select %eq3A_818, %broadcast_in_dim3A_50, %select_n3A_816 : vector<16xf32>
      scf.yield %select_n3A_820, %select_n3A_821, %select_n3A_822 : vector<16xf32>, vector<16xf32>, vector<16xf32>
    }
    %scan3A_159 = arith.constant 32 : i32
    %dma_wait3A_160 = arith.constant 0 : i32
    %dma_wait3A_161 = tpu.memref_slice %arg9[%dma_wait3A_160] : memref<512xi32, #tpu.memory_space<vmem>> -> memref<128xi32, #tpu.memory_space<vmem>>
    %dma_wait3A_162 = arith.constant 0 : i32
    %dma_wait3A_163 = arith.constant 0 : i32
    %dma_wait3A_164 = tpu.memref_slice %arg2[%dma_wait3A_162, %dma_wait3A_163] : memref<393216x128xf32, #tpu.memory_space<hbm>> -> memref<393216x128xf32, #tpu.memory_space<hbm>>
    tpu.wait_indirect_dma semaphore(%arg20 : memref<!tpu.dma_semaphore, #tpu.memory_space<semaphore_mem>>) src(%dma_wait3A_164 : memref<393216x128xf32, #tpu.memory_space<hbm>>) dst(%arg13 : memref<128x128xf32, #tpu.memory_space<vmem>>)
    %dma_wait3A_165 = arith.constant 0 : i32
    %dma_wait3A_166 = tpu.memref_slice %arg10[%dma_wait3A_165] : memref<512xi32, #tpu.memory_space<vmem>> -> memref<128xi32, #tpu.memory_space<vmem>>
    %dma_wait3A_167 = arith.constant 0 : i32
    %dma_wait3A_168 = arith.constant 0 : i32
    %dma_wait3A_169 = tpu.memref_slice %arg2[%dma_wait3A_167, %dma_wait3A_168] : memref<393216x128xf32, #tpu.memory_space<hbm>> -> memref<393216x128xf32, #tpu.memory_space<hbm>>
    tpu.wait_indirect_dma semaphore(%arg21 : memref<!tpu.dma_semaphore, #tpu.memory_space<semaphore_mem>>) src(%dma_wait3A_169 : memref<393216x128xf32, #tpu.memory_space<hbm>>) dst(%arg14 : memref<128x128xf32, #tpu.memory_space<vmem>>)
    %scan3A_170 = arith.constant 0 : i32
    %scan3A_171 = arith.constant 32 : i32
    %scan3A_172 = arith.addi %scan3A_170, %scan3A_171 : i32
    %scan3A_173 = arith.constant 1 : i32
    %scan3A_174:3 = scf.for %scan3A_176 = %scan3A_170 to %scan3A_172 step %scan3A_173 iter_args(%scan3A_177 = %select_n3A, %scan3A_178 = %select_n3A_61, %scan3A_179 = %select_n3A_68) -> (vector<16xf32>, vector<16xf32>, vector<16xf32>)  : i32 {
      %mul3A_180 = arith.constant 4 : i32
      %mul3A_181 = arith.muli %mul3A_180, %scan3A_176 : i32
      %add3A_182 = arith.constant 0 : i32
      %add3A_183 = arith.addi %mul3A_181, %add3A_182 : i32
      %broadcast_in_dim3A_184 = arith.constant 384 : i32
      %broadcast_in_dim3A_185 = vector.broadcast %broadcast_in_dim3A_184 : i32 to vector<16xi32>
      %add3A_186 = vector.broadcast %add3A_183 : i32 to vector<16xi32>
      %add3A_187 = arith.addi %broadcast_in_dim3A_185, %add3A_186 : vector<16xi32>
      %gather3A_188 = tpu.vector_load_idx %arg8[%add3A_187] : memref<512xf32, #tpu.memory_space<vmem>>[vector<16xi32>], vector<16xf32>,
      %get3A_189 = arith.index_cast %add3A_183 : i32 to index
      %get3A_190 = arith.constant 0 : index
      %get3A_191 = tpu.vector_load %arg13[%get3A_189, %get3A_190] {strides = array<i32>} : memref<128x128xf32, #tpu.memory_space<vmem>>, vector<16xf32>,
      %get3A_192 = arith.index_cast %add3A_183 : i32 to index
      %get3A_193 = arith.constant 0 : index
      %get3A_194 = tpu.vector_load %arg14[%get3A_192, %get3A_193] {strides = array<i32>} : memref<128x128xf32, #tpu.memory_space<vmem>>, vector<16xf32>,
      %sub3A = arith.subf %get3A_194, %get3A_191 : vector<16xf32>
      %mul3A_195 = arith.mulf %gather3A_188, %sub3A : vector<16xf32>
      %add3A_196 = arith.addf %get3A_191, %mul3A_195 : vector<16xf32>
      %mul3A_197 = arith.mulf %add3A_196, %get3A_3 : vector<16xf32>
      %add3A_198 = arith.addf %select_n3A, %mul3A_197 : vector<16xf32>
      %mul3A_199 = arith.mulf %add3A_196, %get3A_19 : vector<16xf32>
      %add3A_200 = arith.addf %select_n3A_61, %mul3A_199 : vector<16xf32>
      %mul3A_201 = arith.mulf %add3A_196, %get3A_35 : vector<16xf32>
      %add3A_202 = arith.addf %select_n3A_68, %mul3A_201 : vector<16xf32>
      %get3A_203 = arith.index_cast %add3A_183 : i32 to index
      %get3A_204 = arith.constant 16 : index
      %get3A_205 = tpu.vector_load %arg13[%get3A_203, %get3A_204] {strides = array<i32>} : memref<128x128xf32, #tpu.memory_space<vmem>>, vector<16xf32>,
      %get3A_206 = arith.index_cast %add3A_183 : i32 to index
      %get3A_207 = arith.constant 16 : index
      %get3A_208 = tpu.vector_load %arg14[%get3A_206, %get3A_207] {strides = array<i32>} : memref<128x128xf32, #tpu.memory_space<vmem>>, vector<16xf32>,
      %sub3A_209 = arith.subf %get3A_208, %get3A_205 : vector<16xf32>
      %mul3A_210 = arith.mulf %gather3A_188, %sub3A_209 : vector<16xf32>
      %add3A_211 = arith.addf %get3A_205, %mul3A_210 : vector<16xf32>
      %mul3A_212 = arith.mulf %add3A_211, %get3A_5 : vector<16xf32>
      %add3A_213 = arith.addf %add3A_198, %mul3A_212 : vector<16xf32>
      %mul3A_214 = arith.mulf %add3A_211, %get3A_21 : vector<16xf32>
      %add3A_215 = arith.addf %add3A_200, %mul3A_214 : vector<16xf32>
      %mul3A_216 = arith.mulf %add3A_211, %get3A_37 : vector<16xf32>
      %add3A_217 = arith.addf %add3A_202, %mul3A_216 : vector<16xf32>
      %get3A_218 = arith.index_cast %add3A_183 : i32 to index
      %get3A_219 = arith.constant 32 : index
      %get3A_220 = tpu.vector_load %arg13[%get3A_218, %get3A_219] {strides = array<i32>} : memref<128x128xf32, #tpu.memory_space<vmem>>, vector<16xf32>,
      %get3A_221 = arith.index_cast %add3A_183 : i32 to index
      %get3A_222 = arith.constant 32 : index
      %get3A_223 = tpu.vector_load %arg14[%get3A_221, %get3A_222] {strides = array<i32>} : memref<128x128xf32, #tpu.memory_space<vmem>>, vector<16xf32>,
      %sub3A_224 = arith.subf %get3A_223, %get3A_220 : vector<16xf32>
      %mul3A_225 = arith.mulf %gather3A_188, %sub3A_224 : vector<16xf32>
      %add3A_226 = arith.addf %get3A_220, %mul3A_225 : vector<16xf32>
      %mul3A_227 = arith.mulf %add3A_226, %get3A_7 : vector<16xf32>
      %add3A_228 = arith.addf %add3A_213, %mul3A_227 : vector<16xf32>
      %mul3A_229 = arith.mulf %add3A_226, %get3A_23 : vector<16xf32>
      %add3A_230 = arith.addf %add3A_215, %mul3A_229 : vector<16xf32>
      %mul3A_231 = arith.mulf %add3A_226, %get3A_39 : vector<16xf32>
      %add3A_232 = arith.addf %add3A_217, %mul3A_231 : vector<16xf32>
      %get3A_233 = arith.index_cast %add3A_183 : i32 to index
      %get3A_234 = arith.constant 48 : index
      %get3A_235 = tpu.vector_load %arg13[%get3A_233, %get3A_234] {strides = array<i32>} : memref<128x128xf32, #tpu.memory_space<vmem>>, vector<16xf32>,
      %get3A_236 = arith.index_cast %add3A_183 : i32 to index
      %get3A_237 = arith.constant 48 : index
      %get3A_238 = tpu.vector_load %arg14[%get3A_236, %get3A_237] {strides = array<i32>} : memref<128x128xf32, #tpu.memory_space<vmem>>, vector<16xf32>,
      %sub3A_239 = arith.subf %get3A_238, %get3A_235 : vector<16xf32>
      %mul3A_240 = arith.mulf %gather3A_188, %sub3A_239 : vector<16xf32>
      %add3A_241 = arith.addf %get3A_235, %mul3A_240 : vector<16xf32>
      %mul3A_242 = arith.mulf %add3A_241, %get3A_9 : vector<16xf32>
      %add3A_243 = arith.addf %add3A_228, %mul3A_242 : vector<16xf32>
      %mul3A_244 = arith.mulf %add3A_241, %get3A_25 : vector<16xf32>
      %add3A_245 = arith.addf %add3A_230, %mul3A_244 : vector<16xf32>
      %mul3A_246 = arith.mulf %add3A_241, %get3A_41 : vector<16xf32>
      %add3A_247 = arith.addf %add3A_232, %mul3A_246 : vector<16xf32>
      %get3A_248 = arith.index_cast %add3A_183 : i32 to index
      %get3A_249 = arith.constant 64 : index
      %get3A_250 = tpu.vector_load %arg13[%get3A_248, %get3A_249] {strides = array<i32>} : memref<128x128xf32, #tpu.memory_space<vmem>>, vector<16xf32>,
      %get3A_251 = arith.index_cast %add3A_183 : i32 to index
      %get3A_252 = arith.constant 64 : index
      %get3A_253 = tpu.vector_load %arg14[%get3A_251, %get3A_252] {strides = array<i32>} : memref<128x128xf32, #tpu.memory_space<vmem>>, vector<16xf32>,
      %sub3A_254 = arith.subf %get3A_253, %get3A_250 : vector<16xf32>
      %mul3A_255 = arith.mulf %gather3A_188, %sub3A_254 : vector<16xf32>
      %add3A_256 = arith.addf %get3A_250, %mul3A_255 : vector<16xf32>
      %mul3A_257 = arith.mulf %add3A_256, %get3A_11 : vector<16xf32>
      %add3A_258 = arith.addf %add3A_243, %mul3A_257 : vector<16xf32>
      %mul3A_259 = arith.mulf %add3A_256, %get3A_27 : vector<16xf32>
      %add3A_260 = arith.addf %add3A_245, %mul3A_259 : vector<16xf32>
      %mul3A_261 = arith.mulf %add3A_256, %get3A_43 : vector<16xf32>
      %add3A_262 = arith.addf %add3A_247, %mul3A_261 : vector<16xf32>
      %get3A_263 = arith.index_cast %add3A_183 : i32 to index
      %get3A_264 = arith.constant 80 : index
      %get3A_265 = tpu.vector_load %arg13[%get3A_263, %get3A_264] {strides = array<i32>} : memref<128x128xf32, #tpu.memory_space<vmem>>, vector<16xf32>,
      %get3A_266 = arith.index_cast %add3A_183 : i32 to index
      %get3A_267 = arith.constant 80 : index
      %get3A_268 = tpu.vector_load %arg14[%get3A_266, %get3A_267] {strides = array<i32>} : memref<128x128xf32, #tpu.memory_space<vmem>>, vector<16xf32>,
      %sub3A_269 = arith.subf %get3A_268, %get3A_265 : vector<16xf32>
      %mul3A_270 = arith.mulf %gather3A_188, %sub3A_269 : vector<16xf32>
      %add3A_271 = arith.addf %get3A_265, %mul3A_270 : vector<16xf32>
      %mul3A_272 = arith.mulf %add3A_271, %get3A_13 : vector<16xf32>
      %add3A_273 = arith.addf %add3A_258, %mul3A_272 : vector<16xf32>
      %mul3A_274 = arith.mulf %add3A_271, %get3A_29 : vector<16xf32>
      %add3A_275 = arith.addf %add3A_260, %mul3A_274 : vector<16xf32>
      %mul3A_276 = arith.mulf %add3A_271, %get3A_45 : vector<16xf32>
      %add3A_277 = arith.addf %add3A_262, %mul3A_276 : vector<16xf32>
      %get3A_278 = arith.index_cast %add3A_183 : i32 to index
      %get3A_279 = arith.constant 96 : index
      %get3A_280 = tpu.vector_load %arg13[%get3A_278, %get3A_279] {strides = array<i32>} : memref<128x128xf32, #tpu.memory_space<vmem>>, vector<16xf32>,
      %get3A_281 = arith.index_cast %add3A_183 : i32 to index
      %get3A_282 = arith.constant 96 : index
      %get3A_283 = tpu.vector_load %arg14[%get3A_281, %get3A_282] {strides = array<i32>} : memref<128x128xf32, #tpu.memory_space<vmem>>, vector<16xf32>,
      %sub3A_284 = arith.subf %get3A_283, %get3A_280 : vector<16xf32>
      %mul3A_285 = arith.mulf %gather3A_188, %sub3A_284 : vector<16xf32>
      %add3A_286 = arith.addf %get3A_280, %mul3A_285 : vector<16xf32>
      %mul3A_287 = arith.mulf %add3A_286, %get3A_15 : vector<16xf32>
      %add3A_288 = arith.addf %add3A_273, %mul3A_287 : vector<16xf32>
      %mul3A_289 = arith.mulf %add3A_286, %get3A_31 : vector<16xf32>
      %add3A_290 = arith.addf %add3A_275, %mul3A_289 : vector<16xf32>
      %mul3A_291 = arith.mulf %add3A_286, %get3A_47 : vector<16xf32>
      %add3A_292 = arith.addf %add3A_277, %mul3A_291 : vector<16xf32>
      %get3A_293 = arith.index_cast %add3A_183 : i32 to index
      %get3A_294 = arith.constant 112 : index
      %get3A_295 = tpu.vector_load %arg13[%get3A_293, %get3A_294] {strides = array<i32>} : memref<128x128xf32, #tpu.memory_space<vmem>>, vector<16xf32>,
      %get3A_296 = arith.index_cast %add3A_183 : i32 to index
      %get3A_297 = arith.constant 112 : index
      %get3A_298 = tpu.vector_load %arg14[%get3A_296, %get3A_297] {strides = array<i32>} : memref<128x128xf32, #tpu.memory_space<vmem>>, vector<16xf32>,
      %sub3A_299 = arith.subf %get3A_298, %get3A_295 : vector<16xf32>
      %mul3A_300 = arith.mulf %gather3A_188, %sub3A_299 : vector<16xf32>
      %add3A_301 = arith.addf %get3A_295, %mul3A_300 : vector<16xf32>
      %mul3A_302 = arith.mulf %add3A_301, %get3A_17 : vector<16xf32>
      %add3A_303 = arith.addf %add3A_288, %mul3A_302 : vector<16xf32>
      %mul3A_304 = arith.mulf %add3A_301, %get3A_33 : vector<16xf32>
      %add3A_305 = arith.addf %add3A_290, %mul3A_304 : vector<16xf32>
      %mul3A_306 = arith.mulf %add3A_301, %get3A_49 : vector<16xf32>
      %add3A_307 = arith.addf %add3A_292, %mul3A_306 : vector<16xf32>
      %reduce_sum3A = arith.constant true
      %reduce_sum3A_308 = vector.broadcast %reduce_sum3A : i1 to vector<16xi1>
      %reduce_sum3A_309 = tpu.scan <sum>, %add3A_303 masked %reduce_sum3A_308 : vector<16xf32>, vector<16xi1> -> vector<16xf32>
      %reduce_sum3A_310 = vector.extract %reduce_sum3A_309[15] : f32 from vector<16xf32>
      %reduce_sum3A_311 = arith.constant true
      %reduce_sum3A_312 = vector.broadcast %reduce_sum3A_311 : i1 to vector<16xi1>
      %reduce_sum3A_313 = tpu.scan <sum>, %add3A_305 masked %reduce_sum3A_312 : vector<16xf32>, vector<16xi1> -> vector<16xf32>
      %reduce_sum3A_314 = vector.extract %reduce_sum3A_313[15] : f32 from vector<16xf32>
      %reduce_sum3A_315 = arith.constant true
      %reduce_sum3A_316 = vector.broadcast %reduce_sum3A_315 : i1 to vector<16xi1>
      %reduce_sum3A_317 = tpu.scan <sum>, %add3A_307 masked %reduce_sum3A_316 : vector<16xf32>, vector<16xi1> -> vector<16xf32>
      %reduce_sum3A_318 = vector.extract %reduce_sum3A_317[15] : f32 from vector<16xf32>
      %mul3A_319 = arith.constant 4 : i32
      %mul3A_320 = arith.muli %mul3A_319, %scan3A_176 : i32
      %add3A_321 = arith.constant 1 : i32
      %add3A_322 = arith.addi %mul3A_320, %add3A_321 : i32
      %broadcast_in_dim3A_323 = arith.constant 384 : i32
      %broadcast_in_dim3A_324 = vector.broadcast %broadcast_in_dim3A_323 : i32 to vector<16xi32>
      %add3A_325 = vector.broadcast %add3A_322 : i32 to vector<16xi32>
      %add3A_326 = arith.addi %broadcast_in_dim3A_324, %add3A_325 : vector<16xi32>
      %gather3A_327 = tpu.vector_load_idx %arg8[%add3A_326] : memref<512xf32, #tpu.memory_space<vmem>>[vector<16xi32>], vector<16xf32>,
      %get3A_328 = arith.index_cast %add3A_322 : i32 to index
      %get3A_329 = arith.constant 0 : index
      %get3A_330 = tpu.vector_load %arg13[%get3A_328, %get3A_329] {strides = array<i32>} : memref<128x128xf32, #tpu.memory_space<vmem>>, vector<16xf32>,
      %get3A_331 = arith.index_cast %add3A_322 : i32 to index
      %get3A_332 = arith.constant 0 : index
      %get3A_333 = tpu.vector_load %arg14[%get3A_331, %get3A_332] {strides = array<i32>} : memref<128x128xf32, #tpu.memory_space<vmem>>, vector<16xf32>,
      %sub3A_334 = arith.subf %get3A_333, %get3A_330 : vector<16xf32>
      %mul3A_335 = arith.mulf %gather3A_327, %sub3A_334 : vector<16xf32>
      %add3A_336 = arith.addf %get3A_330, %mul3A_335 : vector<16xf32>
      %mul3A_337 = arith.mulf %add3A_336, %get3A_3 : vector<16xf32>
      %add3A_338 = arith.addf %select_n3A, %mul3A_337 : vector<16xf32>
      %mul3A_339 = arith.mulf %add3A_336, %get3A_19 : vector<16xf32>
      %add3A_340 = arith.addf %select_n3A_61, %mul3A_339 : vector<16xf32>
      %mul3A_341 = arith.mulf %add3A_336, %get3A_35 : vector<16xf32>
      %add3A_342 = arith.addf %select_n3A_68, %mul3A_341 : vector<16xf32>
      %get3A_343 = arith.index_cast %add3A_322 : i32 to index
      %get3A_344 = arith.constant 16 : index
      %get3A_345 = tpu.vector_load %arg13[%get3A_343, %get3A_344] {strides = array<i32>} : memref<128x128xf32, #tpu.memory_space<vmem>>, vector<16xf32>,
      %get3A_346 = arith.index_cast %add3A_322 : i32 to index
      %get3A_347 = arith.constant 16 : index
      %get3A_348 = tpu.vector_load %arg14[%get3A_346, %get3A_347] {strides = array<i32>} : memref<128x128xf32, #tpu.memory_space<vmem>>, vector<16xf32>,
      %sub3A_349 = arith.subf %get3A_348, %get3A_345 : vector<16xf32>
      %mul3A_350 = arith.mulf %gather3A_327, %sub3A_349 : vector<16xf32>
      %add3A_351 = arith.addf %get3A_345, %mul3A_350 : vector<16xf32>
      %mul3A_352 = arith.mulf %add3A_351, %get3A_5 : vector<16xf32>
      %add3A_353 = arith.addf %add3A_338, %mul3A_352 : vector<16xf32>
      %mul3A_354 = arith.mulf %add3A_351, %get3A_21 : vector<16xf32>
      %add3A_355 = arith.addf %add3A_340, %mul3A_354 : vector<16xf32>
      %mul3A_356 = arith.mulf %add3A_351, %get3A_37 : vector<16xf32>
      %add3A_357 = arith.addf %add3A_342, %mul3A_356 : vector<16xf32>
      %get3A_358 = arith.index_cast %add3A_322 : i32 to index
      %get3A_359 = arith.constant 32 : index
      %get3A_360 = tpu.vector_load %arg13[%get3A_358, %get3A_359] {strides = array<i32>} : memref<128x128xf32, #tpu.memory_space<vmem>>, vector<16xf32>,
      %get3A_361 = arith.index_cast %add3A_322 : i32 to index
      %get3A_362 = arith.constant 32 : index
      %get3A_363 = tpu.vector_load %arg14[%get3A_361, %get3A_362] {strides = array<i32>} : memref<128x128xf32, #tpu.memory_space<vmem>>, vector<16xf32>,
      %sub3A_364 = arith.subf %get3A_363, %get3A_360 : vector<16xf32>
      %mul3A_365 = arith.mulf %gather3A_327, %sub3A_364 : vector<16xf32>
      %add3A_366 = arith.addf %get3A_360, %mul3A_365 : vector<16xf32>
      %mul3A_367 = arith.mulf %add3A_366, %get3A_7 : vector<16xf32>
      %add3A_368 = arith.addf %add3A_353, %mul3A_367 : vector<16xf32>
      %mul3A_369 = arith.mulf %add3A_366, %get3A_23 : vector<16xf32>
      %add3A_370 = arith.addf %add3A_355, %mul3A_369 : vector<16xf32>
      %mul3A_371 = arith.mulf %add3A_366, %get3A_39 : vector<16xf32>
      %add3A_372 = arith.addf %add3A_357, %mul3A_371 : vector<16xf32>
      %get3A_373 = arith.index_cast %add3A_322 : i32 to index
      %get3A_374 = arith.constant 48 : index
      %get3A_375 = tpu.vector_load %arg13[%get3A_373, %get3A_374] {strides = array<i32>} : memref<128x128xf32, #tpu.memory_space<vmem>>, vector<16xf32>,
      %get3A_376 = arith.index_cast %add3A_322 : i32 to index
      %get3A_377 = arith.constant 48 : index
      %get3A_378 = tpu.vector_load %arg14[%get3A_376, %get3A_377] {strides = array<i32>} : memref<128x128xf32, #tpu.memory_space<vmem>>, vector<16xf32>,
      %sub3A_379 = arith.subf %get3A_378, %get3A_375 : vector<16xf32>
      %mul3A_380 = arith.mulf %gather3A_327, %sub3A_379 : vector<16xf32>
      %add3A_381 = arith.addf %get3A_375, %mul3A_380 : vector<16xf32>
      %mul3A_382 = arith.mulf %add3A_381, %get3A_9 : vector<16xf32>
      %add3A_383 = arith.addf %add3A_368, %mul3A_382 : vector<16xf32>
      %mul3A_384 = arith.mulf %add3A_381, %get3A_25 : vector<16xf32>
      %add3A_385 = arith.addf %add3A_370, %mul3A_384 : vector<16xf32>
      %mul3A_386 = arith.mulf %add3A_381, %get3A_41 : vector<16xf32>
      %add3A_387 = arith.addf %add3A_372, %mul3A_386 : vector<16xf32>
      %get3A_388 = arith.index_cast %add3A_322 : i32 to index
      %get3A_389 = arith.constant 64 : index
      %get3A_390 = tpu.vector_load %arg13[%get3A_388, %get3A_389] {strides = array<i32>} : memref<128x128xf32, #tpu.memory_space<vmem>>, vector<16xf32>,
      %get3A_391 = arith.index_cast %add3A_322 : i32 to index
      %get3A_392 = arith.constant 64 : index
      %get3A_393 = tpu.vector_load %arg14[%get3A_391, %get3A_392] {strides = array<i32>} : memref<128x128xf32, #tpu.memory_space<vmem>>, vector<16xf32>,
      %sub3A_394 = arith.subf %get3A_393, %get3A_390 : vector<16xf32>
      %mul3A_395 = arith.mulf %gather3A_327, %sub3A_394 : vector<16xf32>
      %add3A_396 = arith.addf %get3A_390, %mul3A_395 : vector<16xf32>
      %mul3A_397 = arith.mulf %add3A_396, %get3A_11 : vector<16xf32>
      %add3A_398 = arith.addf %add3A_383, %mul3A_397 : vector<16xf32>
      %mul3A_399 = arith.mulf %add3A_396, %get3A_27 : vector<16xf32>
      %add3A_400 = arith.addf %add3A_385, %mul3A_399 : vector<16xf32>
      %mul3A_401 = arith.mulf %add3A_396, %get3A_43 : vector<16xf32>
      %add3A_402 = arith.addf %add3A_387, %mul3A_401 : vector<16xf32>
      %get3A_403 = arith.index_cast %add3A_322 : i32 to index
      %get3A_404 = arith.constant 80 : index
      %get3A_405 = tpu.vector_load %arg13[%get3A_403, %get3A_404] {strides = array<i32>} : memref<128x128xf32, #tpu.memory_space<vmem>>, vector<16xf32>,
      %get3A_406 = arith.index_cast %add3A_322 : i32 to index
      %get3A_407 = arith.constant 80 : index
      %get3A_408 = tpu.vector_load %arg14[%get3A_406, %get3A_407] {strides = array<i32>} : memref<128x128xf32, #tpu.memory_space<vmem>>, vector<16xf32>,
      %sub3A_409 = arith.subf %get3A_408, %get3A_405 : vector<16xf32>
      %mul3A_410 = arith.mulf %gather3A_327, %sub3A_409 : vector<16xf32>
      %add3A_411 = arith.addf %get3A_405, %mul3A_410 : vector<16xf32>
      %mul3A_412 = arith.mulf %add3A_411, %get3A_13 : vector<16xf32>
      %add3A_413 = arith.addf %add3A_398, %mul3A_412 : vector<16xf32>
      %mul3A_414 = arith.mulf %add3A_411, %get3A_29 : vector<16xf32>
      %add3A_415 = arith.addf %add3A_400, %mul3A_414 : vector<16xf32>
      %mul3A_416 = arith.mulf %add3A_411, %get3A_45 : vector<16xf32>
      %add3A_417 = arith.addf %add3A_402, %mul3A_416 : vector<16xf32>
      %get3A_418 = arith.index_cast %add3A_322 : i32 to index
      %get3A_419 = arith.constant 96 : index
      %get3A_420 = tpu.vector_load %arg13[%get3A_418, %get3A_419] {strides = array<i32>} : memref<128x128xf32, #tpu.memory_space<vmem>>, vector<16xf32>,
      %get3A_421 = arith.index_cast %add3A_322 : i32 to index
      %get3A_422 = arith.constant 96 : index
      %get3A_423 = tpu.vector_load %arg14[%get3A_421, %get3A_422] {strides = array<i32>} : memref<128x128xf32, #tpu.memory_space<vmem>>, vector<16xf32>,
      %sub3A_424 = arith.subf %get3A_423, %get3A_420 : vector<16xf32>
      %mul3A_425 = arith.mulf %gather3A_327, %sub3A_424 : vector<16xf32>
      %add3A_426 = arith.addf %get3A_420, %mul3A_425 : vector<16xf32>
      %mul3A_427 = arith.mulf %add3A_426, %get3A_15 : vector<16xf32>
      %add3A_428 = arith.addf %add3A_413, %mul3A_427 : vector<16xf32>
      %mul3A_429 = arith.mulf %add3A_426, %get3A_31 : vector<16xf32>
      %add3A_430 = arith.addf %add3A_415, %mul3A_429 : vector<16xf32>
      %mul3A_431 = arith.mulf %add3A_426, %get3A_47 : vector<16xf32>
      %add3A_432 = arith.addf %add3A_417, %mul3A_431 : vector<16xf32>
      %get3A_433 = arith.index_cast %add3A_322 : i32 to index
      %get3A_434 = arith.constant 112 : index
      %get3A_435 = tpu.vector_load %arg13[%get3A_433, %get3A_434] {strides = array<i32>} : memref<128x128xf32, #tpu.memory_space<vmem>>, vector<16xf32>,
      %get3A_436 = arith.index_cast %add3A_322 : i32 to index
      %get3A_437 = arith.constant 112 : index
      %get3A_438 = tpu.vector_load %arg14[%get3A_436, %get3A_437] {strides = array<i32>} : memref<128x128xf32, #tpu.memory_space<vmem>>, vector<16xf32>,
      %sub3A_439 = arith.subf %get3A_438, %get3A_435 : vector<16xf32>
      %mul3A_440 = arith.mulf %gather3A_327, %sub3A_439 : vector<16xf32>
      %add3A_441 = arith.addf %get3A_435, %mul3A_440 : vector<16xf32>
      %mul3A_442 = arith.mulf %add3A_441, %get3A_17 : vector<16xf32>
      %add3A_443 = arith.addf %add3A_428, %mul3A_442 : vector<16xf32>
      %mul3A_444 = arith.mulf %add3A_441, %get3A_33 : vector<16xf32>
      %add3A_445 = arith.addf %add3A_430, %mul3A_444 : vector<16xf32>
      %mul3A_446 = arith.mulf %add3A_441, %get3A_49 : vector<16xf32>
      %add3A_447 = arith.addf %add3A_432, %mul3A_446 : vector<16xf32>
      %reduce_sum3A_448 = arith.constant true
      %reduce_sum3A_449 = vector.broadcast %reduce_sum3A_448 : i1 to vector<16xi1>
      %reduce_sum3A_450 = tpu.scan <sum>, %add3A_443 masked %reduce_sum3A_449 : vector<16xf32>, vector<16xi1> -> vector<16xf32>
      %reduce_sum3A_451 = vector.extract %reduce_sum3A_450[15] : f32 from vector<16xf32>
      %reduce_sum3A_452 = arith.constant true
      %reduce_sum3A_453 = vector.broadcast %reduce_sum3A_452 : i1 to vector<16xi1>
      %reduce_sum3A_454 = tpu.scan <sum>, %add3A_445 masked %reduce_sum3A_453 : vector<16xf32>, vector<16xi1> -> vector<16xf32>
      %reduce_sum3A_455 = vector.extract %reduce_sum3A_454[15] : f32 from vector<16xf32>
      %reduce_sum3A_456 = arith.constant true
      %reduce_sum3A_457 = vector.broadcast %reduce_sum3A_456 : i1 to vector<16xi1>
      %reduce_sum3A_458 = tpu.scan <sum>, %add3A_447 masked %reduce_sum3A_457 : vector<16xf32>, vector<16xi1> -> vector<16xf32>
      %reduce_sum3A_459 = vector.extract %reduce_sum3A_458[15] : f32 from vector<16xf32>
      %mul3A_460 = arith.constant 4 : i32
      %mul3A_461 = arith.muli %mul3A_460, %scan3A_176 : i32
      %add3A_462 = arith.constant 2 : i32
      %add3A_463 = arith.addi %mul3A_461, %add3A_462 : i32
      %broadcast_in_dim3A_464 = arith.constant 384 : i32
      %broadcast_in_dim3A_465 = vector.broadcast %broadcast_in_dim3A_464 : i32 to vector<16xi32>
      %add3A_466 = vector.broadcast %add3A_463 : i32 to vector<16xi32>
      %add3A_467 = arith.addi %broadcast_in_dim3A_465, %add3A_466 : vector<16xi32>
      %gather3A_468 = tpu.vector_load_idx %arg8[%add3A_467] : memref<512xf32, #tpu.memory_space<vmem>>[vector<16xi32>], vector<16xf32>,
      %get3A_469 = arith.index_cast %add3A_463 : i32 to index
      %get3A_470 = arith.constant 0 : index
      %get3A_471 = tpu.vector_load %arg13[%get3A_469, %get3A_470] {strides = array<i32>} : memref<128x128xf32, #tpu.memory_space<vmem>>, vector<16xf32>,
      %get3A_472 = arith.index_cast %add3A_463 : i32 to index
      %get3A_473 = arith.constant 0 : index
      %get3A_474 = tpu.vector_load %arg14[%get3A_472, %get3A_473] {strides = array<i32>} : memref<128x128xf32, #tpu.memory_space<vmem>>, vector<16xf32>,
      %sub3A_475 = arith.subf %get3A_474, %get3A_471 : vector<16xf32>
      %mul3A_476 = arith.mulf %gather3A_468, %sub3A_475 : vector<16xf32>
      %add3A_477 = arith.addf %get3A_471, %mul3A_476 : vector<16xf32>
      %mul3A_478 = arith.mulf %add3A_477, %get3A_3 : vector<16xf32>
      %add3A_479 = arith.addf %select_n3A, %mul3A_478 : vector<16xf32>
      %mul3A_480 = arith.mulf %add3A_477, %get3A_19 : vector<16xf32>
      %add3A_481 = arith.addf %select_n3A_61, %mul3A_480 : vector<16xf32>
      %mul3A_482 = arith.mulf %add3A_477, %get3A_35 : vector<16xf32>
      %add3A_483 = arith.addf %select_n3A_68, %mul3A_482 : vector<16xf32>
      %get3A_484 = arith.index_cast %add3A_463 : i32 to index
      %get3A_485 = arith.constant 16 : index
      %get3A_486 = tpu.vector_load %arg13[%get3A_484, %get3A_485] {strides = array<i32>} : memref<128x128xf32, #tpu.memory_space<vmem>>, vector<16xf32>,
      %get3A_487 = arith.index_cast %add3A_463 : i32 to index
      %get3A_488 = arith.constant 16 : index
      %get3A_489 = tpu.vector_load %arg14[%get3A_487, %get3A_488] {strides = array<i32>} : memref<128x128xf32, #tpu.memory_space<vmem>>, vector<16xf32>,
      %sub3A_490 = arith.subf %get3A_489, %get3A_486 : vector<16xf32>
      %mul3A_491 = arith.mulf %gather3A_468, %sub3A_490 : vector<16xf32>
      %add3A_492 = arith.addf %get3A_486, %mul3A_491 : vector<16xf32>
      %mul3A_493 = arith.mulf %add3A_492, %get3A_5 : vector<16xf32>
      %add3A_494 = arith.addf %add3A_479, %mul3A_493 : vector<16xf32>
      %mul3A_495 = arith.mulf %add3A_492, %get3A_21 : vector<16xf32>
      %add3A_496 = arith.addf %add3A_481, %mul3A_495 : vector<16xf32>
      %mul3A_497 = arith.mulf %add3A_492, %get3A_37 : vector<16xf32>
      %add3A_498 = arith.addf %add3A_483, %mul3A_497 : vector<16xf32>
      %get3A_499 = arith.index_cast %add3A_463 : i32 to index
      %get3A_500 = arith.constant 32 : index
      %get3A_501 = tpu.vector_load %arg13[%get3A_499, %get3A_500] {strides = array<i32>} : memref<128x128xf32, #tpu.memory_space<vmem>>, vector<16xf32>,
      %get3A_502 = arith.index_cast %add3A_463 : i32 to index
      %get3A_503 = arith.constant 32 : index
      %get3A_504 = tpu.vector_load %arg14[%get3A_502, %get3A_503] {strides = array<i32>} : memref<128x128xf32, #tpu.memory_space<vmem>>, vector<16xf32>,
      %sub3A_505 = arith.subf %get3A_504, %get3A_501 : vector<16xf32>
      %mul3A_506 = arith.mulf %gather3A_468, %sub3A_505 : vector<16xf32>
      %add3A_507 = arith.addf %get3A_501, %mul3A_506 : vector<16xf32>
      %mul3A_508 = arith.mulf %add3A_507, %get3A_7 : vector<16xf32>
      %add3A_509 = arith.addf %add3A_494, %mul3A_508 : vector<16xf32>
      %mul3A_510 = arith.mulf %add3A_507, %get3A_23 : vector<16xf32>
      %add3A_511 = arith.addf %add3A_496, %mul3A_510 : vector<16xf32>
      %mul3A_512 = arith.mulf %add3A_507, %get3A_39 : vector<16xf32>
      %add3A_513 = arith.addf %add3A_498, %mul3A_512 : vector<16xf32>
      %get3A_514 = arith.index_cast %add3A_463 : i32 to index
      %get3A_515 = arith.constant 48 : index
      %get3A_516 = tpu.vector_load %arg13[%get3A_514, %get3A_515] {strides = array<i32>} : memref<128x128xf32, #tpu.memory_space<vmem>>, vector<16xf32>,
      %get3A_517 = arith.index_cast %add3A_463 : i32 to index
      %get3A_518 = arith.constant 48 : index
      %get3A_519 = tpu.vector_load %arg14[%get3A_517, %get3A_518] {strides = array<i32>} : memref<128x128xf32, #tpu.memory_space<vmem>>, vector<16xf32>,
      %sub3A_520 = arith.subf %get3A_519, %get3A_516 : vector<16xf32>
      %mul3A_521 = arith.mulf %gather3A_468, %sub3A_520 : vector<16xf32>
      %add3A_522 = arith.addf %get3A_516, %mul3A_521 : vector<16xf32>
      %mul3A_523 = arith.mulf %add3A_522, %get3A_9 : vector<16xf32>
      %add3A_524 = arith.addf %add3A_509, %mul3A_523 : vector<16xf32>
      %mul3A_525 = arith.mulf %add3A_522, %get3A_25 : vector<16xf32>
      %add3A_526 = arith.addf %add3A_511, %mul3A_525 : vector<16xf32>
      %mul3A_527 = arith.mulf %add3A_522, %get3A_41 : vector<16xf32>
      %add3A_528 = arith.addf %add3A_513, %mul3A_527 : vector<16xf32>
      %get3A_529 = arith.index_cast %add3A_463 : i32 to index
      %get3A_530 = arith.constant 64 : index
      %get3A_531 = tpu.vector_load %arg13[%get3A_529, %get3A_530] {strides = array<i32>} : memref<128x128xf32, #tpu.memory_space<vmem>>, vector<16xf32>,
      %get3A_532 = arith.index_cast %add3A_463 : i32 to index
      %get3A_533 = arith.constant 64 : index
      %get3A_534 = tpu.vector_load %arg14[%get3A_532, %get3A_533] {strides = array<i32>} : memref<128x128xf32, #tpu.memory_space<vmem>>, vector<16xf32>,
      %sub3A_535 = arith.subf %get3A_534, %get3A_531 : vector<16xf32>
      %mul3A_536 = arith.mulf %gather3A_468, %sub3A_535 : vector<16xf32>
      %add3A_537 = arith.addf %get3A_531, %mul3A_536 : vector<16xf32>
      %mul3A_538 = arith.mulf %add3A_537, %get3A_11 : vector<16xf32>
      %add3A_539 = arith.addf %add3A_524, %mul3A_538 : vector<16xf32>
      %mul3A_540 = arith.mulf %add3A_537, %get3A_27 : vector<16xf32>
      %add3A_541 = arith.addf %add3A_526, %mul3A_540 : vector<16xf32>
      %mul3A_542 = arith.mulf %add3A_537, %get3A_43 : vector<16xf32>
      %add3A_543 = arith.addf %add3A_528, %mul3A_542 : vector<16xf32>
      %get3A_544 = arith.index_cast %add3A_463 : i32 to index
      %get3A_545 = arith.constant 80 : index
      %get3A_546 = tpu.vector_load %arg13[%get3A_544, %get3A_545] {strides = array<i32>} : memref<128x128xf32, #tpu.memory_space<vmem>>, vector<16xf32>,
      %get3A_547 = arith.index_cast %add3A_463 : i32 to index
      %get3A_548 = arith.constant 80 : index
      %get3A_549 = tpu.vector_load %arg14[%get3A_547, %get3A_548] {strides = array<i32>} : memref<128x128xf32, #tpu.memory_space<vmem>>, vector<16xf32>,
      %sub3A_550 = arith.subf %get3A_549, %get3A_546 : vector<16xf32>
      %mul3A_551 = arith.mulf %gather3A_468, %sub3A_550 : vector<16xf32>
      %add3A_552 = arith.addf %get3A_546, %mul3A_551 : vector<16xf32>
      %mul3A_553 = arith.mulf %add3A_552, %get3A_13 : vector<16xf32>
      %add3A_554 = arith.addf %add3A_539, %mul3A_553 : vector<16xf32>
      %mul3A_555 = arith.mulf %add3A_552, %get3A_29 : vector<16xf32>
      %add3A_556 = arith.addf %add3A_541, %mul3A_555 : vector<16xf32>
      %mul3A_557 = arith.mulf %add3A_552, %get3A_45 : vector<16xf32>
      %add3A_558 = arith.addf %add3A_543, %mul3A_557 : vector<16xf32>
      %get3A_559 = arith.index_cast %add3A_463 : i32 to index
      %get3A_560 = arith.constant 96 : index
      %get3A_561 = tpu.vector_load %arg13[%get3A_559, %get3A_560] {strides = array<i32>} : memref<128x128xf32, #tpu.memory_space<vmem>>, vector<16xf32>,
      %get3A_562 = arith.index_cast %add3A_463 : i32 to index
      %get3A_563 = arith.constant 96 : index
      %get3A_564 = tpu.vector_load %arg14[%get3A_562, %get3A_563] {strides = array<i32>} : memref<128x128xf32, #tpu.memory_space<vmem>>, vector<16xf32>,
      %sub3A_565 = arith.subf %get3A_564, %get3A_561 : vector<16xf32>
      %mul3A_566 = arith.mulf %gather3A_468, %sub3A_565 : vector<16xf32>
      %add3A_567 = arith.addf %get3A_561, %mul3A_566 : vector<16xf32>
      %mul3A_568 = arith.mulf %add3A_567, %get3A_15 : vector<16xf32>
      %add3A_569 = arith.addf %add3A_554, %mul3A_568 : vector<16xf32>
      %mul3A_570 = arith.mulf %add3A_567, %get3A_31 : vector<16xf32>
      %add3A_571 = arith.addf %add3A_556, %mul3A_570 : vector<16xf32>
      %mul3A_572 = arith.mulf %add3A_567, %get3A_47 : vector<16xf32>
      %add3A_573 = arith.addf %add3A_558, %mul3A_572 : vector<16xf32>
      %get3A_574 = arith.index_cast %add3A_463 : i32 to index
      %get3A_575 = arith.constant 112 : index
      %get3A_576 = tpu.vector_load %arg13[%get3A_574, %get3A_575] {strides = array<i32>} : memref<128x128xf32, #tpu.memory_space<vmem>>, vector<16xf32>,
      %get3A_577 = arith.index_cast %add3A_463 : i32 to index
      %get3A_578 = arith.constant 112 : index
      %get3A_579 = tpu.vector_load %arg14[%get3A_577, %get3A_578] {strides = array<i32>} : memref<128x128xf32, #tpu.memory_space<vmem>>, vector<16xf32>,
      %sub3A_580 = arith.subf %get3A_579, %get3A_576 : vector<16xf32>
      %mul3A_581 = arith.mulf %gather3A_468, %sub3A_580 : vector<16xf32>
      %add3A_582 = arith.addf %get3A_576, %mul3A_581 : vector<16xf32>
      %mul3A_583 = arith.mulf %add3A_582, %get3A_17 : vector<16xf32>
      %add3A_584 = arith.addf %add3A_569, %mul3A_583 : vector<16xf32>
      %mul3A_585 = arith.mulf %add3A_582, %get3A_33 : vector<16xf32>
      %add3A_586 = arith.addf %add3A_571, %mul3A_585 : vector<16xf32>
      %mul3A_587 = arith.mulf %add3A_582, %get3A_49 : vector<16xf32>
      %add3A_588 = arith.addf %add3A_573, %mul3A_587 : vector<16xf32>
      %reduce_sum3A_589 = arith.constant true
      %reduce_sum3A_590 = vector.broadcast %reduce_sum3A_589 : i1 to vector<16xi1>
      %reduce_sum3A_591 = tpu.scan <sum>, %add3A_584 masked %reduce_sum3A_590 : vector<16xf32>, vector<16xi1> -> vector<16xf32>
      %reduce_sum3A_592 = vector.extract %reduce_sum3A_591[15] : f32 from vector<16xf32>
      %reduce_sum3A_593 = arith.constant true
      %reduce_sum3A_594 = vector.broadcast %reduce_sum3A_593 : i1 to vector<16xi1>
      %reduce_sum3A_595 = tpu.scan <sum>, %add3A_586 masked %reduce_sum3A_594 : vector<16xf32>, vector<16xi1> -> vector<16xf32>
      %reduce_sum3A_596 = vector.extract %reduce_sum3A_595[15] : f32 from vector<16xf32>
      %reduce_sum3A_597 = arith.constant true
      %reduce_sum3A_598 = vector.broadcast %reduce_sum3A_597 : i1 to vector<16xi1>
      %reduce_sum3A_599 = tpu.scan <sum>, %add3A_588 masked %reduce_sum3A_598 : vector<16xf32>, vector<16xi1> -> vector<16xf32>
      %reduce_sum3A_600 = vector.extract %reduce_sum3A_599[15] : f32 from vector<16xf32>
      %mul3A_601 = arith.constant 4 : i32
      %mul3A_602 = arith.muli %mul3A_601, %scan3A_176 : i32
      %add3A_603 = arith.constant 3 : i32
      %add3A_604 = arith.addi %mul3A_602, %add3A_603 : i32
      %broadcast_in_dim3A_605 = arith.constant 384 : i32
      %broadcast_in_dim3A_606 = vector.broadcast %broadcast_in_dim3A_605 : i32 to vector<16xi32>
      %add3A_607 = vector.broadcast %add3A_604 : i32 to vector<16xi32>
      %add3A_608 = arith.addi %broadcast_in_dim3A_606, %add3A_607 : vector<16xi32>
      %gather3A_609 = tpu.vector_load_idx %arg8[%add3A_608] : memref<512xf32, #tpu.memory_space<vmem>>[vector<16xi32>], vector<16xf32>,
      %get3A_610 = arith.index_cast %add3A_604 : i32 to index
      %get3A_611 = arith.constant 0 : index
      %get3A_612 = tpu.vector_load %arg13[%get3A_610, %get3A_611] {strides = array<i32>} : memref<128x128xf32, #tpu.memory_space<vmem>>, vector<16xf32>,
      %get3A_613 = arith.index_cast %add3A_604 : i32 to index
      %get3A_614 = arith.constant 0 : index
      %get3A_615 = tpu.vector_load %arg14[%get3A_613, %get3A_614] {strides = array<i32>} : memref<128x128xf32, #tpu.memory_space<vmem>>, vector<16xf32>,
      %sub3A_616 = arith.subf %get3A_615, %get3A_612 : vector<16xf32>
      %mul3A_617 = arith.mulf %gather3A_609, %sub3A_616 : vector<16xf32>
      %add3A_618 = arith.addf %get3A_612, %mul3A_617 : vector<16xf32>
      %mul3A_619 = arith.mulf %add3A_618, %get3A_3 : vector<16xf32>
      %add3A_620 = arith.addf %select_n3A, %mul3A_619 : vector<16xf32>
      %mul3A_621 = arith.mulf %add3A_618, %get3A_19 : vector<16xf32>
      %add3A_622 = arith.addf %select_n3A_61, %mul3A_621 : vector<16xf32>
      %mul3A_623 = arith.mulf %add3A_618, %get3A_35 : vector<16xf32>
      %add3A_624 = arith.addf %select_n3A_68, %mul3A_623 : vector<16xf32>
      %get3A_625 = arith.index_cast %add3A_604 : i32 to index
      %get3A_626 = arith.constant 16 : index
      %get3A_627 = tpu.vector_load %arg13[%get3A_625, %get3A_626] {strides = array<i32>} : memref<128x128xf32, #tpu.memory_space<vmem>>, vector<16xf32>,
      %get3A_628 = arith.index_cast %add3A_604 : i32 to index
      %get3A_629 = arith.constant 16 : index
      %get3A_630 = tpu.vector_load %arg14[%get3A_628, %get3A_629] {strides = array<i32>} : memref<128x128xf32, #tpu.memory_space<vmem>>, vector<16xf32>,
      %sub3A_631 = arith.subf %get3A_630, %get3A_627 : vector<16xf32>
      %mul3A_632 = arith.mulf %gather3A_609, %sub3A_631 : vector<16xf32>
      %add3A_633 = arith.addf %get3A_627, %mul3A_632 : vector<16xf32>
      %mul3A_634 = arith.mulf %add3A_633, %get3A_5 : vector<16xf32>
      %add3A_635 = arith.addf %add3A_620, %mul3A_634 : vector<16xf32>
      %mul3A_636 = arith.mulf %add3A_633, %get3A_21 : vector<16xf32>
      %add3A_637 = arith.addf %add3A_622, %mul3A_636 : vector<16xf32>
      %mul3A_638 = arith.mulf %add3A_633, %get3A_37 : vector<16xf32>
      %add3A_639 = arith.addf %add3A_624, %mul3A_638 : vector<16xf32>
      %get3A_640 = arith.index_cast %add3A_604 : i32 to index
      %get3A_641 = arith.constant 32 : index
      %get3A_642 = tpu.vector_load %arg13[%get3A_640, %get3A_641] {strides = array<i32>} : memref<128x128xf32, #tpu.memory_space<vmem>>, vector<16xf32>,
      %get3A_643 = arith.index_cast %add3A_604 : i32 to index
      %get3A_644 = arith.constant 32 : index
      %get3A_645 = tpu.vector_load %arg14[%get3A_643, %get3A_644] {strides = array<i32>} : memref<128x128xf32, #tpu.memory_space<vmem>>, vector<16xf32>,
      %sub3A_646 = arith.subf %get3A_645, %get3A_642 : vector<16xf32>
      %mul3A_647 = arith.mulf %gather3A_609, %sub3A_646 : vector<16xf32>
      %add3A_648 = arith.addf %get3A_642, %mul3A_647 : vector<16xf32>
      %mul3A_649 = arith.mulf %add3A_648, %get3A_7 : vector<16xf32>
      %add3A_650 = arith.addf %add3A_635, %mul3A_649 : vector<16xf32>
      %mul3A_651 = arith.mulf %add3A_648, %get3A_23 : vector<16xf32>
      %add3A_652 = arith.addf %add3A_637, %mul3A_651 : vector<16xf32>
      %mul3A_653 = arith.mulf %add3A_648, %get3A_39 : vector<16xf32>
      %add3A_654 = arith.addf %add3A_639, %mul3A_653 : vector<16xf32>
      %get3A_655 = arith.index_cast %add3A_604 : i32 to index
      %get3A_656 = arith.constant 48 : index
      %get3A_657 = tpu.vector_load %arg13[%get3A_655, %get3A_656] {strides = array<i32>} : memref<128x128xf32, #tpu.memory_space<vmem>>, vector<16xf32>,
      %get3A_658 = arith.index_cast %add3A_604 : i32 to index
      %get3A_659 = arith.constant 48 : index
      %get3A_660 = tpu.vector_load %arg14[%get3A_658, %get3A_659] {strides = array<i32>} : memref<128x128xf32, #tpu.memory_space<vmem>>, vector<16xf32>,
      %sub3A_661 = arith.subf %get3A_660, %get3A_657 : vector<16xf32>
      %mul3A_662 = arith.mulf %gather3A_609, %sub3A_661 : vector<16xf32>
      %add3A_663 = arith.addf %get3A_657, %mul3A_662 : vector<16xf32>
      %mul3A_664 = arith.mulf %add3A_663, %get3A_9 : vector<16xf32>
      %add3A_665 = arith.addf %add3A_650, %mul3A_664 : vector<16xf32>
      %mul3A_666 = arith.mulf %add3A_663, %get3A_25 : vector<16xf32>
      %add3A_667 = arith.addf %add3A_652, %mul3A_666 : vector<16xf32>
      %mul3A_668 = arith.mulf %add3A_663, %get3A_41 : vector<16xf32>
      %add3A_669 = arith.addf %add3A_654, %mul3A_668 : vector<16xf32>
      %get3A_670 = arith.index_cast %add3A_604 : i32 to index
      %get3A_671 = arith.constant 64 : index
      %get3A_672 = tpu.vector_load %arg13[%get3A_670, %get3A_671] {strides = array<i32>} : memref<128x128xf32, #tpu.memory_space<vmem>>, vector<16xf32>,
      %get3A_673 = arith.index_cast %add3A_604 : i32 to index
      %get3A_674 = arith.constant 64 : index
      %get3A_675 = tpu.vector_load %arg14[%get3A_673, %get3A_674] {strides = array<i32>} : memref<128x128xf32, #tpu.memory_space<vmem>>, vector<16xf32>,
      %sub3A_676 = arith.subf %get3A_675, %get3A_672 : vector<16xf32>
      %mul3A_677 = arith.mulf %gather3A_609, %sub3A_676 : vector<16xf32>
      %add3A_678 = arith.addf %get3A_672, %mul3A_677 : vector<16xf32>
      %mul3A_679 = arith.mulf %add3A_678, %get3A_11 : vector<16xf32>
      %add3A_680 = arith.addf %add3A_665, %mul3A_679 : vector<16xf32>
      %mul3A_681 = arith.mulf %add3A_678, %get3A_27 : vector<16xf32>
      %add3A_682 = arith.addf %add3A_667, %mul3A_681 : vector<16xf32>
      %mul3A_683 = arith.mulf %add3A_678, %get3A_43 : vector<16xf32>
      %add3A_684 = arith.addf %add3A_669, %mul3A_683 : vector<16xf32>
      %get3A_685 = arith.index_cast %add3A_604 : i32 to index
      %get3A_686 = arith.constant 80 : index
      %get3A_687 = tpu.vector_load %arg13[%get3A_685, %get3A_686] {strides = array<i32>} : memref<128x128xf32, #tpu.memory_space<vmem>>, vector<16xf32>,
      %get3A_688 = arith.index_cast %add3A_604 : i32 to index
      %get3A_689 = arith.constant 80 : index
      %get3A_690 = tpu.vector_load %arg14[%get3A_688, %get3A_689] {strides = array<i32>} : memref<128x128xf32, #tpu.memory_space<vmem>>, vector<16xf32>,
      %sub3A_691 = arith.subf %get3A_690, %get3A_687 : vector<16xf32>
      %mul3A_692 = arith.mulf %gather3A_609, %sub3A_691 : vector<16xf32>
      %add3A_693 = arith.addf %get3A_687, %mul3A_692 : vector<16xf32>
      %mul3A_694 = arith.mulf %add3A_693, %get3A_13 : vector<16xf32>
      %add3A_695 = arith.addf %add3A_680, %mul3A_694 : vector<16xf32>
      %mul3A_696 = arith.mulf %add3A_693, %get3A_29 : vector<16xf32>
      %add3A_697 = arith.addf %add3A_682, %mul3A_696 : vector<16xf32>
      %mul3A_698 = arith.mulf %add3A_693, %get3A_45 : vector<16xf32>
      %add3A_699 = arith.addf %add3A_684, %mul3A_698 : vector<16xf32>
      %get3A_700 = arith.index_cast %add3A_604 : i32 to index
      %get3A_701 = arith.constant 96 : index
      %get3A_702 = tpu.vector_load %arg13[%get3A_700, %get3A_701] {strides = array<i32>} : memref<128x128xf32, #tpu.memory_space<vmem>>, vector<16xf32>,
      %get3A_703 = arith.index_cast %add3A_604 : i32 to index
      %get3A_704 = arith.constant 96 : index
      %get3A_705 = tpu.vector_load %arg14[%get3A_703, %get3A_704] {strides = array<i32>} : memref<128x128xf32, #tpu.memory_space<vmem>>, vector<16xf32>,
      %sub3A_706 = arith.subf %get3A_705, %get3A_702 : vector<16xf32>
      %mul3A_707 = arith.mulf %gather3A_609, %sub3A_706 : vector<16xf32>
      %add3A_708 = arith.addf %get3A_702, %mul3A_707 : vector<16xf32>
      %mul3A_709 = arith.mulf %add3A_708, %get3A_15 : vector<16xf32>
      %add3A_710 = arith.addf %add3A_695, %mul3A_709 : vector<16xf32>
      %mul3A_711 = arith.mulf %add3A_708, %get3A_31 : vector<16xf32>
      %add3A_712 = arith.addf %add3A_697, %mul3A_711 : vector<16xf32>
      %mul3A_713 = arith.mulf %add3A_708, %get3A_47 : vector<16xf32>
      %add3A_714 = arith.addf %add3A_699, %mul3A_713 : vector<16xf32>
      %get3A_715 = arith.index_cast %add3A_604 : i32 to index
      %get3A_716 = arith.constant 112 : index
      %get3A_717 = tpu.vector_load %arg13[%get3A_715, %get3A_716] {strides = array<i32>} : memref<128x128xf32, #tpu.memory_space<vmem>>, vector<16xf32>,
      %get3A_718 = arith.index_cast %add3A_604 : i32 to index
      %get3A_719 = arith.constant 112 : index
      %get3A_720 = tpu.vector_load %arg14[%get3A_718, %get3A_719] {strides = array<i32>} : memref<128x128xf32, #tpu.memory_space<vmem>>, vector<16xf32>,
      %sub3A_721 = arith.subf %get3A_720, %get3A_717 : vector<16xf32>
      %mul3A_722 = arith.mulf %gather3A_609, %sub3A_721 : vector<16xf32>
      %add3A_723 = arith.addf %get3A_717, %mul3A_722 : vector<16xf32>
      %mul3A_724 = arith.mulf %add3A_723, %get3A_17 : vector<16xf32>
      %add3A_725 = arith.addf %add3A_710, %mul3A_724 : vector<16xf32>
      %mul3A_726 = arith.mulf %add3A_723, %get3A_33 : vector<16xf32>
      %add3A_727 = arith.addf %add3A_712, %mul3A_726 : vector<16xf32>
      %mul3A_728 = arith.mulf %add3A_723, %get3A_49 : vector<16xf32>
      %add3A_729 = arith.addf %add3A_714, %mul3A_728 : vector<16xf32>
      %reduce_sum3A_730 = arith.constant true
      %reduce_sum3A_731 = vector.broadcast %reduce_sum3A_730 : i1 to vector<16xi1>
      %reduce_sum3A_732 = tpu.scan <sum>, %add3A_725 masked %reduce_sum3A_731 : vector<16xf32>, vector<16xi1> -> vector<16xf32>
      %reduce_sum3A_733 = vector.extract %reduce_sum3A_732[15] : f32 from vector<16xf32>
      %reduce_sum3A_734 = arith.constant true
      %reduce_sum3A_735 = vector.broadcast %reduce_sum3A_734 : i1 to vector<16xi1>
      %reduce_sum3A_736 = tpu.scan <sum>, %add3A_727 masked %reduce_sum3A_735 : vector<16xf32>, vector<16xi1> -> vector<16xf32>
      %reduce_sum3A_737 = vector.extract %reduce_sum3A_736[15] : f32 from vector<16xf32>
      %reduce_sum3A_738 = arith.constant true
      %reduce_sum3A_739 = vector.broadcast %reduce_sum3A_738 : i1 to vector<16xi1>
      %reduce_sum3A_740 = tpu.scan <sum>, %add3A_729 masked %reduce_sum3A_739 : vector<16xf32>, vector<16xi1> -> vector<16xf32>
      %reduce_sum3A_741 = vector.extract %reduce_sum3A_740[15] : f32 from vector<16xf32>
      %mul3A_742 = arith.constant 4 : i32
      %mul3A_743 = arith.muli %mul3A_742, %scan3A_176 : i32
      %and3A = arith.constant 15 : i32
      %and3A_744 = arith.andi %mul3A_743, %and3A : i32
      %add3A_745 = arith.constant 0 : i32
      %add3A_746 = arith.addi %and3A_744, %add3A_745 : i32
      %eq3A_747 = vector.broadcast %add3A_746 : i32 to vector<16xi32>
      %eq3A_748 = arith.cmpi eq, %iota3A, %eq3A_747 : vector<16xi32>
      %broadcast_in_dim3A_749 = vector.broadcast %reduce_sum3A_310 : f32 to vector<16xf32>
      %select_n3A_750 = arith.select %eq3A_748, %broadcast_in_dim3A_749, %scan3A_177 : vector<16xi1>, vector<16xf32>
      %add3A_751 = arith.constant 0 : i32
      %add3A_752 = arith.addi %and3A_744, %add3A_751 : i32
      %eq3A_753 = vector.broadcast %add3A_752 : i32 to vector<16xi32>
      %eq3A_754 = arith.cmpi eq, %iota3A, %eq3A_753 : vector<16xi32>
      %broadcast_in_dim3A_755 = vector.broadcast %reduce_sum3A_314 : f32 to vector<16xf32>
      %select_n3A_756 = arith.select %eq3A_754, %broadcast_in_dim3A_755, %scan3A_178 : vector<16xi1>, vector<16xf32>
      %add3A_757 = arith.constant 0 : i32
      %add3A_758 = arith.addi %and3A_744, %add3A_757 : i32
      %eq3A_759 = vector.broadcast %add3A_758 : i32 to vector<16xi32>
      %eq3A_760 = arith.cmpi eq, %iota3A, %eq3A_759 : vector<16xi32>
      %broadcast_in_dim3A_761 = vector.broadcast %reduce_sum3A_318 : f32 to vector<16xf32>
      %select_n3A_762 = arith.select %eq3A_760, %broadcast_in_dim3A_761, %scan3A_179 : vector<16xi1>, vector<16xf32>
      %add3A_763 = arith.constant 1 : i32
      %add3A_764 = arith.addi %and3A_744, %add3A_763 : i32
      %eq3A_765 = vector.broadcast %add3A_764 : i32 to vector<16xi32>
      %eq3A_766 = arith.cmpi eq, %iota3A, %eq3A_765 : vector<16xi32>
      %broadcast_in_dim3A_767 = vector.broadcast %reduce_sum3A_451 : f32 to vector<16xf32>
      %select_n3A_768 = arith.select %eq3A_766, %broadcast_in_dim3A_767, %select_n3A_750 : vector<16xi1>, vector<16xf32>
      %add3A_769 = arith.constant 1 : i32
      %add3A_770 = arith.addi %and3A_744, %add3A_769 : i32
      %eq3A_771 = vector.broadcast %add3A_770 : i32 to vector<16xi32>
      %eq3A_772 = arith.cmpi eq, %iota3A, %eq3A_771 : vector<16xi32>
      %broadcast_in_dim3A_773 = vector.broadcast %reduce_sum3A_455 : f32 to vector<16xf32>
      %select_n3A_774 = arith.select %eq3A_772, %broadcast_in_dim3A_773, %select_n3A_756 : vector<16xi1>, vector<16xf32>
      %add3A_775 = arith.constant 1 : i32
      %add3A_776 = arith.addi %and3A_744, %add3A_775 : i32
      %eq3A_777 = vector.broadcast %add3A_776 : i32 to vector<16xi32>
      %eq3A_778 = arith.cmpi eq, %iota3A, %eq3A_777 : vector<16xi32>
      %broadcast_in_dim3A_779 = vector.broadcast %reduce_sum3A_459 : f32 to vector<16xf32>
      %select_n3A_780 = arith.select %eq3A_778, %broadcast_in_dim3A_779, %select_n3A_762 : vector<16xi1>, vector<16xf32>
      %add3A_781 = arith.constant 2 : i32
      %add3A_782 = arith.addi %and3A_744, %add3A_781 : i32
      %eq3A_783 = vector.broadcast %add3A_782 : i32 to vector<16xi32>
      %eq3A_784 = arith.cmpi eq, %iota3A, %eq3A_783 : vector<16xi32>
      %broadcast_in_dim3A_785 = vector.broadcast %reduce_sum3A_592 : f32 to vector<16xf32>
      %select_n3A_786 = arith.select %eq3A_784, %broadcast_in_dim3A_785, %select_n3A_768 : vector<16xi1>, vector<16xf32>
      %add3A_787 = arith.constant 2 : i32
      %add3A_788 = arith.addi %and3A_744, %add3A_787 : i32
      %eq3A_789 = vector.broadcast %add3A_788 : i32 to vector<16xi32>
      %eq3A_790 = arith.cmpi eq, %iota3A, %eq3A_789 : vector<16xi32>
      %broadcast_in_dim3A_791 = vector.broadcast %reduce_sum3A_596 : f32 to vector<16xf32>
      %select_n3A_792 = arith.select %eq3A_790, %broadcast_in_dim3A_791, %select_n3A_774 : vector<16xi1>, vector<16xf32>
      %add3A_793 = arith.constant 2 : i32
      %add3A_794 = arith.addi %and3A_744, %add3A_793 : i32
      %eq3A_795 = vector.broadcast %add3A_794 : i32 to vector<16xi32>
      %eq3A_796 = arith.cmpi eq, %iota3A, %eq3A_795 : vector<16xi32>
      %broadcast_in_dim3A_797 = vector.broadcast %reduce_sum3A_600 : f32 to vector<16xf32>
      %select_n3A_798 = arith.select %eq3A_796, %broadcast_in_dim3A_797, %select_n3A_780 : vector<16xi1>, vector<16xf32>
      %add3A_799 = arith.constant 3 : i32
      %add3A_800 = arith.addi %and3A_744, %add3A_799 : i32
      %eq3A_801 = vector.broadcast %add3A_800 : i32 to vector<16xi32>
      %eq3A_802 = arith.cmpi eq, %iota3A, %eq3A_801 : vector<16xi32>
      %broadcast_in_dim3A_803 = vector.broadcast %reduce_sum3A_733 : f32 to vector<16xf32>
      %select_n3A_804 = arith.select %eq3A_802, %broadcast_in_dim3A_803, %select_n3A_786 : vector<16xi1>, vector<16xf32>
      %add3A_805 = arith.constant 3 : i32
      %add3A_806 = arith.addi %and3A_744, %add3A_805 : i32
      %eq3A_807 = vector.broadcast %add3A_806 : i32 to vector<16xi32>
      %eq3A_808 = arith.cmpi eq, %iota3A, %eq3A_807 : vector<16xi32>
      %broadcast_in_dim3A_809 = vector.broadcast %reduce_sum3A_737 : f32 to vector<16xf32>
      %select_n3A_810 = arith.select %eq3A_808, %broadcast_in_dim3A_809, %select_n3A_792 : vector<16xi1>, vector<16xf32>
      %add3A_811 = arith.constant 3 : i32
      %add3A_812 = arith.addi %and3A_744, %add3A_811 : i32
      %eq3A_813 = vector.broadcast %add3A_812 : i32 to vector<16xi32>
      %eq3A_814 = arith.cmpi eq, %iota3A, %eq3A_813 : vector<16xi32>
      %broadcast_in_dim3A_815 = vector.broadcast %reduce_sum3A_741 : f32 to vector<16xf32>
      %select_n3A_816 = arith.select %eq3A_814, %broadcast_in_dim3A_815, %select_n3A_798 : vector<16xi1>, vector<16xf32>
      %eq3A_817 = arith.constant 12 : i32
      %eq3A_818 = arith.cmpi eq, %and3A_744, %eq3A_817 : i32
      %convert_element_type3A = arith.extui %eq3A_818 : i1 to i32
      %cond3A = arith.constant 0 : i32
      %cond3A_819 = arith.cmpi ne, %convert_element_type3A, %cond3A : i32
      scf.if %cond3A_819 {
        %mul3A_823 = arith.constant 4 : i32
        %mul3A_824 = arith.muli %mul3A_823, %scan3A_176 : i32
        %add3A_825 = arith.constant 384 : i32
        %add3A_826 = arith.addi %add3A_825, %mul3A_824 : i32
        %sub3A_827 = arith.constant 12 : i32
        %sub3A_828 = arith.subi %add3A_826, %sub3A_827 : i32
        %swap3A = arith.constant 0 : i32
        %swap3A_829 = arith.index_cast %swap3A : i32 to index
        %swap3A_830 = arith.index_cast %sub3A_828 : i32 to index
        %swap3A_831 = tpu.vector_load %arg17[%swap3A_829, %swap3A_830] {strides = array<i32>} : memref<3x512xf32, #tpu.memory_space<vmem>>, vector<16xf32>,
        tpu.vector_store %arg17[%swap3A_829, %swap3A_830], %select_n3A_804 {strides = array<i32>} : memref<3x512xf32, #tpu.memory_space<vmem>>, vector<16xf32>,
        %swap3A_832 = arith.constant 1 : i32
        %swap3A_833 = arith.index_cast %swap3A_832 : i32 to index
        %swap3A_834 = arith.index_cast %sub3A_828 : i32 to index
        %swap3A_835 = tpu.vector_load %arg17[%swap3A_833, %swap3A_834] {strides = array<i32>} : memref<3x512xf32, #tpu.memory_space<vmem>>, vector<16xf32>,
        tpu.vector_store %arg17[%swap3A_833, %swap3A_834], %select_n3A_810 {strides = array<i32>} : memref<3x512xf32, #tpu.memory_space<vmem>>, vector<16xf32>,
        %swap3A_836 = arith.constant 2 : i32
        %swap3A_837 = arith.index_cast %swap3A_836 : i32 to index
        %swap3A_838 = arith.index_cast %sub3A_828 : i32 to index
        %swap3A_839 = tpu.vector_load %arg17[%swap3A_837, %swap3A_838] {strides = array<i32>} : memref<3x512xf32, #tpu.memory_space<vmem>>, vector<16xf32>,
        tpu.vector_store %arg17[%swap3A_837, %swap3A_838], %select_n3A_816 {strides = array<i32>} : memref<3x512xf32, #tpu.memory_space<vmem>>, vector<16xf32>,
      } else {
      }
      %select_n3A_820 = arith.select %eq3A_818, %broadcast_in_dim3A_50, %select_n3A_804 : vector<16xf32>
      %select_n3A_821 = arith.select %eq3A_818, %broadcast_in_dim3A_50, %select_n3A_810 : vector<16xf32>
      %select_n3A_822 = arith.select %eq3A_818, %broadcast_in_dim3A_50, %select_n3A_816 : vector<16xf32>
      scf.yield %select_n3A_820, %select_n3A_821, %select_n3A_822 : vector<16xf32>, vector<16xf32>, vector<16xf32>
    }
    %scan3A_175 = arith.constant 32 : i32
    "tpu.region"() ({
      %run_scoped3A = tpu.sem_alloc : memref<!tpu.dma_semaphore, #tpu.memory_space<semaphore_mem>>
      %dma_start3A_176 = arith.constant 0 : i32
      %dma_start3A_177 = tpu.memref_slice %arg6[%dma_start3A_176, %mul3A_2] : memref<3x16384xf32, #tpu.memory_space<hbm>> -> memref<3x512xf32, #tpu.memory_space<hbm>>
      %dma_start3A_178 = arith.constant 0 : i32
      %dma_start3A_179 = tpu.memref_slice %arg6[%dma_start3A_178, %mul3A_2] : memref<3x16384xf32, #tpu.memory_space<hbm>> -> memref<3x512xf32, #tpu.memory_space<hbm>>
      tpu.enqueue_dma source(%arg17 : memref<3x512xf32, #tpu.memory_space<vmem>>) target(%dma_start3A_179 : memref<3x512xf32, #tpu.memory_space<hbm>>) target_semaphore(%run_scoped3A : memref<!tpu.dma_semaphore, #tpu.memory_space<semaphore_mem>>)
      %dma_wait3A_180 = arith.constant 0 : i32
      %dma_wait3A_181 = tpu.memref_slice %arg6[%dma_wait3A_180, %mul3A_2] : memref<3x16384xf32, #tpu.memory_space<hbm>> -> memref<3x512xf32, #tpu.memory_space<hbm>>
      %dma_wait3A_182 = arith.constant 0 : i32
      %dma_wait3A_183 = tpu.memref_slice %arg6[%dma_wait3A_182, %mul3A_2] : memref<3x16384xf32, #tpu.memory_space<hbm>> -> memref<3x512xf32, #tpu.memory_space<hbm>>
      tpu.wait_dma2 semaphore(%run_scoped3A : memref<!tpu.dma_semaphore, #tpu.memory_space<semaphore_mem>>) src(%arg17 : memref<3x512xf32, #tpu.memory_space<vmem>>) dst(%dma_wait3A_183 : memref<3x512xf32, #tpu.memory_space<hbm>>)
      tpu.yield
    }) : () -> ()
    return
  }
}

</mosaic_0001>

<sc_bundles>
// kernel: kernel.3.cloned.1.call-start
scs
__scs_entry_jumppad:
0x0: {  	(pc) =	sbr.rel $0x88, $3  }
0x1: {  	(tag) =	ssettag $0x0;
	lr =	simm.s32 $0x1  }
0x2: {  	[smem:$0x3F9D] =	sst lr;
	_ =	strace $0xD0000000  }
0x3: {  	_ = 	snop  }
0x4: {  	_ = 	snop  }
0x5: {  	_ = 	snop  }
0x6: {  	_ = 	snop  }
0x7: {  	_ = 	snop  }
__scs_overlays_trampoline_lowered:
0x8: {  	[smem:$0x3FAC] =	sst s0  }
0x9: {  	[smem:$0x3FAD] =	sst s1  }
0xa: {  	[smem:$0x3FAE] =	sst s2  }
0xb: {  	[smem:$0x3FAF] =	sst s3  }
0xc: {  	[smem:$0x3FB0] =	sst s4  }
0xd: {  	[smem:$0x3FB1] =	sst s5  }
0xe: {  	[smem:$0x3FB2] =	sst s6  }
0xf: {  	[smem:$0x3FB3] =	sst s7  }
0x10: {  	[smem:$0x3FB4] =	sst s8  }
0x11: {  	[smem:$0x3FB5] =	sst s9;
	s0 =	simm.s32 @!p0 $0x0  }
0x12: {  	s1 =	sld [smem:$0x3F9B];
	s0 =	simm.s32 @p0 $0x1  }
0x13: {  	[smem:$0x3FB6] =	sst s0;
	s0 =	simm.s32 @!p1 $0x0  }
0x14: {  	s2 =	sld [smem:$0x3F9A];
	s0 =	simm.s32 @p1 $0x1  }
0x15: {  	[smem:$0x3FB7] =	sst s0;
	s0 =	simm.s32 @!p2 $0x0  }
0x16: {  	s3 =	sld [smem:$0x3FDB];
	s0 =	simm.s32 @p2 $0x1  }
0x17: {  	s4 =	simm.s32 $0x1BF5;
	[smem:$0x3FB9] =	sst s0  }
0x18: {  	s0 =	sld [smem:$0x3F9C];
	_ =	swait.ge [sflag:s4], $0x0  }
0x19: {  	s7 =	sld [smem:$0x3F9D]  }
0x1a: {  	s8 =	sadd.s32 $0xFFFFE003, lr  }
0x1b: {  	s9 =	sadd.s32 $0xFFFFFEF7, lr;
	s5 =	simm.s32 $0xFFFFFFFF;
	p2 =	slt.u32 s8, $0xFFFFF086  }
0x1c: {  	p1 =	slt.u32 s9, $0xF7A;
	s5 =	simm.s32 @!p2 $0x0  }
0x1d: {  	s5 =	simm.s32 @p1 $0x1;
	p0 =	seq.s32 s7, s2  }
0x1e: {  	s7 =	smul.u32 @!p0 $0xF7A, s2;
	p2 =	seq.s32 @!p0 s5, $0x0  }
0x1f: {  	s9 =	smul.u32 $0xF7A, s1;
	s8 =	simm.s32 @!p0 $0x1BF5;
	p2 =	por !p2, p0  }
0x20: {  	[sflag:s8] =	ssyncset.s32 @!p0 $0xFFFFF086;
	s6 =	sadd.s32 @!p0 s3, s7;
	s7 =	simm.s32 @!p0 $0x108  }
0x21: {  	s3 =	sadd.s32 s3, s9;
	s6 =	sadd.s32 @!p0 $0x88, s6;
	s7 =	simm.s32 @p2 $0x1082  }
0x22: {  	[simem:s7], [sflag:s8] =	dma.local @!p0 [hbm:s6], $0xF7A  }
0x23: {  	s9 =	sor.u32 $0xD0000000, s2;
	s6 =	simm.s32 $0x108;
	_ =	swait.ge @!p0 [sflag:s8], $0x0  }
0x24: {  	s3 =	sadd.s32 $0x88, s3;
	s6 =	simm.s32 @!p1 $0x1082;
	[sflag:s4] =	ssyncset.s32 $0xFFFFF086  }
0x25: {  	[simem:s6], [sflag:s4] =	dma.local [hbm:s3], $0xF7A  }
0x26: {  	[smem:$0x3F9D] =	sst s1;
	(tag) =	ssettag s2;
	_ =	strace s9  }
0x27: {  	s1 =	sld [smem:$0x3FAD]  }
0x28: {  	s2 =	sld [smem:$0x3FAE]  }
0x29: {  	s4 =	sld [smem:$0x3FB0]  }
0x2a: {  	p0 =	seq.s32 s5, $0x0;
	s5 =	sld [smem:$0x3FB1]  }
0x2b: {  	s6 =	sld [smem:$0x3FB2]  }
0x2c: {  	s7 =	sld [smem:$0x3FB3]  }
0x2d: {  	s3 =	simm.s32 $0x108;
	s8 =	sld [smem:$0x3FB4]  }
0x2e: {  	s3 =	simm.s32 @!p0 $0x1082;
	s9 =	sld [smem:$0x3FB5]  }
0x2f: {  	lr =	sadd.s32 s0, s3;
	s0 =	sld [smem:$0x3FAC]  }
0x30: {  	s3 =	sld [smem:$0x3FAF]  }
0x31: {  	[smem:$0x3FB8] =	sst s10  }
0x32: {  	s10 =	sld [smem:$0x3FB6];
	_ =	sdelay $0x3  }
0x33: {  	p0 =	seq.s32 s10, $0x1;
	s10 =	sld [smem:$0x3FB8];
	_ =	sdelay $0x3  }
0x34: {  	[smem:$0x3FB8] =	sst s10  }
0x35: {  	s10 =	sld [smem:$0x3FB7];
	_ =	sdelay $0x3  }
0x36: {  	p1 =	seq.s32 s10, $0x1;
	s10 =	sld [smem:$0x3FB8];
	_ =	sdelay $0x3  }
0x37: {  	[smem:$0x3FB8] =	sst s10  }
0x38: {  	s10 =	sld [smem:$0x3FB9]  }
0x39: {  	_ = 	snop;
	(pc) =	sbr.ind lr, $3  }
0x3a: {  	_ = 	snop  }
0x3b: {  	_ = 	snop  }
0x3c: {  	p2 =	seq.s32 s10, $0x1;
	s10 =	sld [smem:$0x3FB8]  }
0x3d: {  	_ =	shalt  }
0x3e: {  	_ =	shalt  }
0x3f: {  	_ =	shalt  }
0x40: {  	_ =	shalt  }
0x41: {  	_ =	shalt  }
0x42: {  	_ =	shalt  }
0x43: {  	_ =	shalt  }
0x44: {  	_ =	shalt  }
0x45: {  	_ =	shalt  }
0x46: {  	_ =	shalt  }
0x47: {  	_ =	shalt  }
0x48: {  	_ =	shalt  }
0x49: {  	_ =	shalt  }
0x4a: {  	_ =	shalt  }
0x4b: {  	_ =	shalt  }
0x4c: {  	_ =	shalt  }
0x4d: {  	_ =	shalt  }
0x4e: {  	_ =	shalt  }
0x4f: {  	_ =	shalt  }
0x50: {  	_ =	shalt  }
0x51: {  	_ =	shalt  }
0x52: {  	_ =	shalt  }
0x53: {  	_ =	shalt  }
0x54: {  	_ =	shalt  }
0x55: {  	_ =	shalt  }
0x56: {  	_ =	shalt  }
0x57: {  	_ =	shalt  }
0x58: {  	_ =	shalt  }
0x59: {  	_ =	shalt  }
0x5a: {  	_ =	shalt  }
0x5b: {  	_ =	shalt  }
0x5c: {  	_ =	shalt  }
0x5d: {  	_ =	shalt  }
0x5e: {  	_ =	shalt  }
0x5f: {  	_ =	shalt  }
0x60: {  	_ =	shalt  }
0x61: {  	_ =	shalt  }
0x62: {  	_ =	shalt  }
0x63: {  	_ =	shalt  }
0x64: {  	_ =	shalt  }
0x65: {  	_ =	shalt  }
0x66: {  	_ =	shalt  }
0x67: {  	_ =	shalt  }
0x68: {  	_ =	shalt  }
0x69: {  	_ =	shalt  }
0x6a: {  	_ =	shalt  }
0x6b: {  	_ =	shalt  }
0x6c: {  	_ =	shalt  }
0x6d: {  	_ =	shalt  }
0x6e: {  	_ =	shalt  }
0x6f: {  	_ =	shalt  }
0x70: {  	_ =	shalt  }
0x71: {  	_ =	shalt  }
0x72: {  	_ =	shalt  }
0x73: {  	_ =	shalt  }
0x74: {  	_ =	shalt  }
0x75: {  	_ =	shalt  }
0x76: {  	_ =	shalt  }
0x77: {  	_ =	shalt  }
0x78: {  	_ =	shalt  }
0x79: {  	_ =	shalt  }
0x7a: {  	_ =	shalt  }
0x7b: {  	_ =	shalt  }
0x7c: {  	_ =	shalt  }
0x7d: {  	_ =	shalt  }
0x7e: {  	_ =	shalt  }
0x7f: {  	_ =	shalt  }
0x80: {  	_ =	shalt  }
0x81: {  	_ =	shalt  }
0x82: {  	_ =	shalt  }
0x83: {  	_ =	shalt  }
0x84: {  	_ =	shalt  }
0x85: {  	_ =	shalt  }
0x86: {  	_ =	shalt  }
0x87: {  	_ =	shalt  }
.Lfunc_end0:
.L_simem_size_0:
called_computation_lowered:
.L_overlay_start_0:
0x88: {  	s2 =	sld [smem:$0x3FD9]  }
0x89: {  	s3 =	sld [smem:$0x3FFE];
	_ =	sdelay $0x1  }
0x8a: {  	s1 =	srdreg.scid  }
0x8b: {  	s0 =	sand.u32 $0x1, s1  }
0x8c: {  	s17 =	sshll.u32 s0, $0xA;
	s2 =	sadd.s32 s3, s2  }
0x8d: {  	s2 =	sadd.s32 s2, s17  }
0x8e: {  	[smem:$0x3FC4] =	sst s2  }
0x8f: {  	_ = 	snop  }
0x90: {  	s2 =	sld [smem:$0x3FC9]  }
0x91: {  	s18 =	sld [smem:$0x3FC7]  }
0x92: {  	s4 =	sld [smem:$0x3FD0];
	(tm) =	ssettm $0x1  }
0x93: {  	s5 =	sld [smem:$0x3FFB];
	_ =	sdelay $0x3  }
0x94: {  	_ =	strace s5  }
0x95: {  	s5 =	sld [smem:$0x3FFC];
	_ =	sdelay $0x3  }
0x96: {  	_ =	strace s5  }
0x97: {  	s5 =	sld [smem:$0x3FFD];
	_ =	sdelay $0x3  }
0x98: {  	_ =	strace s5  }
0x99: {  	_ =	strace $0x8FFFFFFF  }
0x9a: {  	s19 =	sld [smem:$0x3FDB];
	_ =	sdelay $0x1  }
0x9b: {  	s6 =	simm.s32 $_scs_section_size  }
0x9c: {  	s7 =	simm.s32 $_size__tile_overlayer_lowered;
	s8 =	simm.s32 $_tile_overlayer_lowered  }
0x9d: {  	s22 =	simm.s32 $0x1BFF;
	s21 =	sshll.u32 s8, $0x1;
	s5 =	sadd.s32 s6, s19  }
0x9e: {  	s9 =	simm.s32 $0x0;
	s20 =	sshll.u32 s7, $0x1;
	s7 =	sadd.s32 s21, s5  }
0x9f: {  	[timem:s9], [sflag:s22] =	dma.local [hbm:s7], s20  }
0xa0: {  	_ =	swait.ge [sflag:s22], s20  }
0xa1: {  	s6 =	ssub.s32 $0x0, s20;
	[sflag:s22] =	ssyncset.done $0x0  }
0xa2: {  	[sflag:s22] =	ssyncadd.s32 s6;
	_ =	sdelay $0x1  }
0xa3: {  	s23 =	simm.s32 $0x1B8B  }
0xa4: {  	_ =	swait.ge [sflag:s23], $0x1  }
0xa5: {  	[sflag:s23] =	ssyncset.done $0x0  }
0xa6: {  	s25 =	simm.s32 $0x1B8E;
	s24 =	sld [smem:$0x3FFE];
	[sflag:s23] =	ssyncadd.s32 $0xFFFFFFFF  }
0xa7: {  	s26 =	simm.s32 $execute0_lowered;
	[smem:$0x3FD2] =	sst s25  }
0xa8: {  	s7 =	sshll.u32 s26, $0x1;
	_ =	strace $0x80000046;
	[dreg:$0x1] =	wrdreg $0xFFFFFFFF  }
0xa9: {  	s28 =	simm.s32 $_size_execute0_lowered;
	s5 =	sadd.s32 s5, s7;
	[dreg:$0x0] =	wrdreg $0x0  }
0xaa: {  	s7 =	sshll.u32 s28, $0x1;
	[dreg:$0x2] =	wrdreg s5  }
0xab: {  	[dreg:$0x3] =	wrdreg s7  }
0xac: {  	[dreg:$0x4] =	wrdreg $0xC0  }
0xad: {  	_ =	task [dreg:s9], $0x5FFFF  }
0xae: {  	[dreg:$0x1] =	wrdreg $0xFFFFFFFF  }
0xaf: {  	[dreg:$0x0] =	wrdreg $0x60  }
0xb0: {  	[dreg:$0x2] =	wrdreg s2  }
0xb1: {  	[dreg:$0x3] =	wrdreg s4  }
0xb2: {  	[dreg:$0x4] =	wrdreg s18  }
0xb3: {  	[dreg:$0x5] =	wrdreg s24  }
0xb4: {  	[dreg:$0x6] =	wrdreg $0x9  }
0xb5: {  	_ =	task.clear_ibuf [dreg:s9], $0x7FFFF;
	_ =	strace $0x90000046  }
0xb6: {  	s29 =	simm.s32 $0x9;
	_ =	strace $0x80000048  }
0xb7: {  	_ =	swait.ge [sflag:s29], $0x1  }
0xb8: {  	[sflag:s29] =	ssyncadd.s32 $0xFFFFFFFF  }
0xb9: {  	_ =	strace $0x90000048  }
0xba: {  	_ =	sfence  }
0xbb: {  	s30 =	sld [smem:$0x0];
	_ =	sdelay $0x2  }
0xbc: {  	s31 =	sshll.u32 s1, $0xD;
	s1 =	sshrl.u32 s1, $0x2  }
0xbd: {  	s3 =	sand.u32 $0x4000, s31;
	s1 =	sadd.s32 s1, s30  }
0xbe: {  	s0 =	sor.u32 s3, s0;
	s1 =	sshll.u32 s1, $0x11  }
0xbf: {  	s0 =	sor.u32 s1, s0  }
0xc0: {  	s0 =	sadd.s32 $0x8F2B, s0  }
0xc1: {  	[sflag:s0] =	ssyncadd.remote.s32 $0x1  }
0xc2: {  	_ =	sfence.sel $0xFFFF  }
0xc3: {  	[dreg:$0x0] =	wrdreg $0xFFFFFFFF;
	(pc) =	sbr.abs _section_cstart, $3  }
0xc4: {  	[dreg:$0x1] =	wrdreg $0xFFFFFFFF  }
0xc5: {  	_ =	task.clear_ibuf [dreg:s9], $0x2FFFF;
	_ =	strace $0x9FFFFFFF  }
0xc6: {  	(tm) =	ssettm $0x7FFFFFFF  }
0xc7: {  	_ =	shalt  }
tec
execute0_lowered:
.L_overlay_start_1:
0x0: {  	(tag) =	ssettag $0x1  }
0x1: {  	s1 =	rddreg [dreg:$0x0]  }
0x2: {  	s0 =	rddreg [dreg:$0x1]  }
0x3: {  	s2 =	rddreg [dreg:$0x3];
	s3 =	srdreg.scid;
	s4 =	simm.s32 $0x0  }
0x4: {  	s5 =	stileid.u32;
	s10 =	simm.s32 $0x200;
	s11 =	simm.s32 $0x4000  }
0x5: {  	s12 =	simm.s32 $0x5;
	s14 =	simm.s32 $0x10B80;
	s15 =	simm.s32 $0x80  }
0x6: {  	s17 =	simm.s32 $0xA00;
	s19 =	simm.s32 $0x4A00;
	s21 =	simm.s32 $0x8A00  }
0x7: {  	s23 =	simm.s32 $0xCA00;
	s24 =	simm.s32 $0x1;
	s25 =	simm.s32 $0x2  }
0x8: {  	s26 =	simm.s32 $0x400;
	s30 =	simm.s32 $0x3;
	s31 =	simm.s32 $0x4  }
0x9: {  	s13 =	simm.s32 $0x0;
	s3 =	sand.u32 $0x1, s3;
	[smem:$0x7FF] =	sst s4  }
0xa: {  	s5 =	sshll.u32 s5, $0xA;
	s6 =	sshll.u32 s3, $0x9;
	s3 =	ssub.s32 $0x2, s3  }
0xb: {  	_ =	strace $0x80000047;
	s29 =	sor.u32 s6, s5;
	s7 =	sshrl.u32 s3, $0x1  }
0xc: {  	s6 =	sadd.s32 $0x400, s2;
	s5 =	sshrl.u32 s29, $0x3;
	s3 =	ssub.s32 s3, s7  }
0xd: {  	v0 =	vimm.s32 $0x1;
	v1 =	vlaneseq.u32;
	s2 =	sadd.s32 s5, s2;
	s7 =	sadd.s32 s0, s5;
	s9 =	smax.u32 s3, $0x1  }
0xe: {  	v2 =	vimm.s32 $0x2;
	vm0 =	vmmov $0x1;
	v3 =	vmul.u32 $0x18, v1;
	s3 =	simm.s32 $0x980;
	s8 =	sadd.s32 $0x600, s2;
	s2 =	simm.s32 $0x10B90  }
.LBB2_1:
0xf: {  	[tilespmem:s4], [sflag:$0x5] =	stream.strided.gather [hbm4b:s7+s10], $0x400, s11, s10, $0x38;
	[tilespmem:$0x11190] =	vst v63  }
0x10: {  	_ =	swait.ge [sflag:s12], $0x400  }
0x11: {  	[sflag:s12] =	ssyncset.done $0x0  }
0x12: {  	[sflag:s12] =	ssyncadd.s32 $0xFFFFFC00  }
0x13: {  	s5 =	simm.s32 $0x10A00;
	s0 =	rddreg [dreg:$0x2]  }
0x14: {  	[tilespmem:s5], [sflag:$0x5] =	stream.linear.gather [hbm4b:s0+s4], $0x180, $0x38;
	[tilespmem:$0x11190] =	vst v63  }
0x15: {  	_ =	swait.ge [sflag:s12], $0x180  }
0x16: {  	[sflag:s12] =	ssyncset.done $0x0  }
0x17: {  	[sflag:s12] =	ssyncadd.s32 $0xFFFFFE80  }
0x18: {  	[tilespmem:s14], [sflag:$0x5] =	stream.linear.gather [hbm4b:s6+s4], $0x10, $0x38;
	[tilespmem:$0x11190] =	vst v63  }
0x19: {  	_ =	swait.ge [sflag:s12], $0x10  }
0x1a: {  	[sflag:s12] =	ssyncset.done $0x0  }
0x1b: {  	s18 =	simm.s32 $0x0;
	[sflag:s12] =	ssyncadd.s32 $0xFFFFFFF0  }
0x1c: {  	v4 =	vld [tilespmem:s18+$0x0]  }
0x1d: {  	v5 =	vld [tilespmem:s18+$0x200];
	_ =	sdelay $0x4  }
0x1e: {  	v4 =	vmul.f32 v5, v4;
	_ =	sdelay $0x1  }
0x1f: {  	s16 =	simm.s32 $0x10;
	v15 =	vmax.f32 v4, $9.999999680e-21  }
0x20: {  	v8 =	vld [tilespmem:s16+$0x0];
	v4 =	vand.u32 $0x7FFFFF, v15  }
0x21: {  	v9 =	vld [tilespmem:s16+$0x200];
	v16 =	vor.u32 $0x3F800000, v4  }
0x22: {  	v4 =	vmul.f32 $4.392862690e-02, v16;
	_ =	sdelay $0x1  }
0x23: {  	s20 =	simm.s32 $0x20;
	v5 =	vadd.f32 $-4.094755950e-01, v4  }
0x24: {  	v17 =	vld [tilespmem:s20+$0x0]  }
0x25: {  	v18 =	vld [tilespmem:s20+$0x200];
	v11 =	vmul.f32 v9, v8;
	v7 =	vmul.f32 v16, v5;
	_ =	sdelay $0x1  }
0x26: {  	v24 =	vmax.f32 v11, $9.999999680e-21;
	v10 =	vadd.f32 $1.610177520e+00, v7  }
0x27: {  	s22 =	simm.s32 $0x30;
	v6 =	vld [tilespmem:$0x10A20];
	v11 =	vand.u32 $0x7FFFFF, v24  }
0x28: {  	v26 =	vld [tilespmem:s22+$0x0];
	v25 =	vor.u32 $0x3F800000, v11;
	v12 =	vmul.f32 v16, v10  }
0x29: {  	v27 =	vld [tilespmem:s22+$0x200];
	v22 =	vmul.f32 v18, v17;
	v13 =	vmul.f32 $4.392862690e-02, v25  }
0x2a: {  	v8 =	vld [tilespmem:$0x10A40];
	v12 =	vadd.f32 $-3.520218850e+00, v12  }
0x2b: {  	v9 =	vld [tilespmem:$0x10A50];
	v31 =	vmax.f32 v22, $9.999999680e-21;
	v19 =	vadd.f32 $-4.094755950e-01, v13  }
0x2c: {  	v17 =	vld [tilespmem:$0x10AD0];
	v23 =	vand.u32 $0x7FFFFF, v31;
	v14 =	vmul.f32 v16, v12  }
0x2d: {  	v18 =	vld [tilespmem:$0x10AE0];
	v32 =	vor.u32 $0x3F800000, v23;
	v19 =	vmul.f32 v25, v19  }
0x2e: {  	v21 =	vshra.s32 v15, $0x17;
	v15 =	vld [tilespmem:$0x10AB0];
	v23 =	vmul.f32 $4.392862690e-02, v32;
	v20 =	vadd.f32 $5.069756510e+00, v14  }
0x2f: {  	v33 =	vshra.s32 v24, $0x17;
	v24 =	vld [tilespmem:$0x10B40];
	v19 =	vadd.f32 $1.610177520e+00, v19  }
0x30: {  	v11 =	vld [tilespmem:$0x10A70];
	v30 =	vadd.f32 $-4.094755950e-01, v23;
	v20 =	vmul.f32 v16, v20  }
0x31: {  	v21 =	vadd.s32 $0xFFFFFF81, v21;
	v4 =	vld [tilespmem:$0x10A00];
	v22 =	vmul.f32 v25, v19  }
0x32: {  	v21 =	vcvt.s32.f32 v21;
	v13 =	vld [tilespmem:$0x10A90];
	v30 =	vmul.f32 v32, v30;
	v20 =	vadd.f32 $-2.794153690e+00, v20  }
0x33: {  	v23 =	vld [tilespmem:$0x10B30];
	v22 =	vadd.f32 $-3.520218850e+00, v22  }
0x34: {  	v5 =	vld [tilespmem:$0x10A10];
	v30 =	vadd.f32 $1.610177520e+00, v30;
	v21 =	vadd.f32 v21, v20  }
0x35: {  	v7 =	vld [tilespmem:$0x10A30];
	v28 =	vmul.f32 v25, v22  }
0x36: {  	v10 =	vld [tilespmem:$0x10A60];
	v38 =	vmul.f32 v32, v30;
	v21 =	vmul.f32 $-6.931471820e-01, v21  }
0x37: {  	s28 =	simm.s32 $0x40;
	v19 =	vld [tilespmem:$0x10AF0];
	v28 =	vadd.f32 $5.069756510e+00, v28  }
0x38: {  	v40 =	vadd.f32 $-3.520218850e+00, v38;
	v38 =	vld [tilespmem:s28+$0x200];
	v29 =	vmul.f32 $5.000000000e-01, v21  }
0x39: {  	v12 =	vld [tilespmem:$0x10A80];
	v28 =	vmul.f32 v25, v28  }
0x3a: {  	v33 =	vadd.s32 $0xFFFFFF81, v33;
	v22 =	vld [tilespmem:$0x10B20];
	v29 =	vadd.f32 $-3.178053860e+00, v29  }
0x3b: {  	v35 =	vcvt.s32.f32 v33;
	v14 =	vld [tilespmem:$0x10AA0];
	v37 =	vadd.f32 $-2.794153690e+00, v28  }
0x3c: {  	v16 =	vld [tilespmem:$0x10AC0];
	v34 =	vmul.f32 $6.762324330e+00, v29  }
0x3d: {  	v36 =	vmov s29;
	v25 =	vld [tilespmem:$0x10B50];
	v37 =	vadd.f32 v35, v37;
	v29 =	vmul.f32 v27, v26  }
0x3e: {  	v36 =	vmul.u32 $0x18, v36;
	v20 =	vld [tilespmem:$0x10B00];
	v28 =	vmax.f32 v34, $0.0e+00  }
0x3f: {  	v41 =	vmul.f32 $-6.931471820e-01, v37;
	v37 =	vld [tilespmem:s28+$0x0];
	v33 =	vmax.f32 v29, $9.999999680e-21;
	v29 =	vmin.f32 v28, $2.299999430e+01  }
0x40: {  	v21 =	vld [tilespmem:$0x10B10];
	v30 =	vtrunc.f32 v29  }
0x41: {  	v36 =	vbroadcast v36, $0x0;
	v26 =	vld [tilespmem:$0x10B60];
	v63 =	vand.u32 $0x7FFFFF, v33;
	v39 =	vcvt.f32.s32 v30  }
0x42: {  	v27 =	vld [tilespmem:$0x10B70];
	v35 =	vor.u32 $0x3F800000, v63  }
0x43: {  	v28 =	vld.msk [tilespmem:s14+$0x0], $0xffff;
	v42 =	vmul.f32 $4.392862690e-02, v35;
	v43 =	vcvt.s32.f32 v39;
	v36 =	vadd.s32 v39, v36  }
0x44: {  	v40 =	vmul.f32 v32, v40;
	v29 =	vld.idx.msk [tilespmem:v0+s14+$0x0], $0xffff;
	v39 =	vmul.f32 $5.000000000e-01, v41;
	v44 =	vadd.s32 v3, v36  }
0x45: {  	s0 =	simm.s32 $0x140;
	s5 =	smov.u32 s29;
	v30 =	vld.idx.msk [tilespmem:v2+s14+$0x0], $0xffff;
	v41 =	vadd.f32 $-4.094755950e-01, v42;
	v36 =	vsub.f32 v34, v43;
	[tilespmem:s18+$0x600] =	vst v44;
	v34 =	vadd.s32 $0x1, v44  }
.LBB2_2:
0x46: {  	p0 =	sne.s32 s0, $0x7C0;
	v43 =	vshra.s32 v31, $0x17;
	v40 =	vadd.f32 $5.069756510e+00, v40;
	v39 =	vadd.f32 $-3.178053860e+00, v39  }
0x47: {  	v31 =	vmovc v33;
	v41 =	vmul.f32 v35, v41;
	v42 =	vadd.s32 $0xFFFFFF81, v43;
	v36 =	vmax.f32 v36, $0.0e+00;
	[tilespmem:s18+$0x800] =	vst v34  }
0x48: {  	s5 =	sadd.s32 $0x10, s5;
	v33 =	vmul.f32 v32, v40;
	v34 =	vmul.f32 $6.762324330e+00, v39;
	v36 =	vmin.f32 v36, $1.000000000e+00;
	v32 =	vmovc v35  }
0x49: {  	v35 =	vmul.f32 v38, v37;
	v37 =	vcvt.s32.f32 v42;
	v38 =	vmov s5;
	[tilespmem:s18+$0x400] =	vst v36;
	s18 =	smov.u32 s16;
	s16 =	smov.u32 s20;
	s20 =	smov.u32 s22  }
0x4a: {  	v36 =	vadd.f32 $1.610177520e+00, v41;
	s22 =	smov.u32 s28;
	v39 =	vadd.f32 $-2.794153690e+00, v33;
	v40 =	vmax.f32 v34, $0.0e+00  }
0x4b: {  	v38 =	vmul.u32 $0x18, v38;
	v33 =	vmax.f32 v35, $9.999999680e-21;
	v35 =	vmin.f32 v40, $2.299999430e+01  }
0x4c: {  	v36 =	vmul.f32 v32, v36;
	v37 =	vadd.f32 v37, v39;
	v35 =	vtrunc.f32 v35  }
.Ltmp0:
0x4d: {  	v39 =	vand.u32 $0x7FFFFF, v33;
	v38 =	vbroadcast v38, $0x0;
	v40 =	vcvt.f32.s32 v35;
	(pc) =	sbr.rel @p0 .LBB2_2-.Ltmp0, $4  }
0x4e: {  	s28 =	sshra.s32 s0, $0x2;
	v35 =	vor.u32 $0x3F800000, v39;
	v36 =	vadd.f32 $-3.520218850e+00, v36;
	v39 =	vmul.f32 $-6.931471820e-01, v37  }
0x4f: {  	v41 =	vmul.f32 $4.392862690e-02, v35;
	v37 =	vld [tilespmem:s28+$0x0];
	v42 =	vcvt.s32.f32 v40;
	v43 =	vadd.s32 v40, v38  }
0x50: {  	v40 =	vmul.f32 v32, v36;
	v38 =	vld [tilespmem:s28+$0x200];
	v39 =	vmul.f32 $5.000000000e-01, v39;
	v43 =	vadd.s32 v3, v43  }
0x51: {  	s0 =	sadd.s32 $0x40, s0;
	v41 =	vadd.f32 $-4.094755950e-01, v41;
	v36 =	vsub.f32 v34, v42;
	[tilespmem:s18+$0x600] =	vst v43;
	v34 =	vadd.s32 $0x1, v43  }
0x52: {  	_ =	sdelay $0x2  }
0x53: {  	v37 =	vmul.f32 v38, v37;
	_ =	sdelay $0x1  }
0x54: {  	v37 =	vmax.f32 v37, $9.999999680e-21  }
0x55: {  	v58 =	vand.u32 $0x7FFFFF, v37  }
0x56: {  	v38 =	vor.u32 $0x3F800000, v58  }
0x57: {  	v42 =	vmul.f32 $4.392862690e-02, v38  }
0x58: {  	v41 =	vmul.f32 v35, v41  }
0x59: {  	v42 =	vadd.f32 $-4.094755950e-01, v42  }
0x5a: {  	v40 =	vadd.f32 $5.069756510e+00, v40;
	v41 =	vadd.f32 $1.610177520e+00, v41  }
0x5b: {  	v42 =	vmul.f32 v38, v42  }
0x5c: {  	v31 =	vshra.s32 v31, $0x17;
	v32 =	vmul.f32 v32, v40;
	v41 =	vmul.f32 v35, v41  }
0x5d: {  	v31 =	vadd.s32 $0xFFFFFF81, v31;
	v59 =	vadd.f32 $1.610177520e+00, v42  }
0x5e: {  	v31 =	vcvt.s32.f32 v31;
	v32 =	vadd.f32 $-2.794153690e+00, v32;
	v41 =	vadd.f32 $-3.520218850e+00, v41  }
0x5f: {  	v39 =	vadd.f32 $-3.178053860e+00, v39;
	v40 =	vmul.f32 v38, v59  }
0x60: {  	s0 =	sadd.s32 $0x10, s5;
	v33 =	vshra.s32 v33, $0x17;
	v31 =	vadd.f32 v31, v32;
	v41 =	vmul.f32 v35, v41  }
0x61: {  	v61 =	vmov s0;
	v33 =	vadd.s32 $0xFFFFFF81, v33;
	v60 =	vadd.f32 $-3.520218850e+00, v40  }
0x62: {  	s0 =	sadd.s32 $0x10, s0;
	v39 =	vmul.f32 $6.762324330e+00, v39;
	v31 =	vmul.f32 $-6.931471820e-01, v31;
	v41 =	vadd.f32 $5.069756510e+00, v41  }
0x63: {  	v33 =	vcvt.s32.f32 v33;
	v49 =	vmov s0;
	s0 =	sadd.s32 $0x10, s0;
	v32 =	vmul.f32 v38, v60  }
0x64: {  	v53 =	vmov s0;
	v31 =	vmul.f32 $5.000000000e-01, v31;
	v62 =	vmul.f32 v35, v41  }
0x65: {  	[tilespmem:s18+$0x800] =	vst v34;
	v63 =	vmax.f32 v39, $0.0e+00;
	v34 =	vmul.u32 $0x18, v53;
	v32 =	vadd.f32 $5.069756510e+00, v32  }
0x66: {  	v37 =	vshra.s32 v37, $0x17;
	v31 =	vadd.f32 $-3.178053860e+00, v31;
	v35 =	vadd.f32 $-2.794153690e+00, v62  }
0x67: {  	v44 =	vadd.s32 $0xFFFFFF81, v37;
	v41 =	vmin.f32 v63, $2.299999430e+01;
	v32 =	vmul.f32 v38, v32  }
0x68: {  	v41 =	vtrunc.f32 v41;
	v31 =	vmul.f32 $6.762324330e+00, v31;
	v33 =	vadd.f32 v33, v35  }
0x69: {  	v41 =	vcvt.f32.s32 v41;
	v35 =	vcvt.s32.f32 v44;
	v32 =	vadd.f32 $-2.794153690e+00, v32  }
0x6a: {  	v34 =	vbroadcast v34, $0x0;
	v33 =	vmul.f32 $-6.931471820e-01, v33  }
0x6b: {  	v48 =	vmax.f32 v31, $0.0e+00;
	v45 =	vcvt.s32.f32 v41;
	v32 =	vadd.f32 v35, v32  }
0x6c: {  	v37 =	vmin.f32 v48, $2.299999430e+01;
	v40 =	vmul.u32 $0x18, v61;
	v33 =	vmul.f32 $5.000000000e-01, v33  }
0x6d: {  	v37 =	vtrunc.f32 v37;
	v47 =	vsub.f32 v39, v45;
	v32 =	vmul.f32 $-6.931471820e-01, v32  }
0x6e: {  	v39 =	vmul.u32 $0x18, v49;
	v37 =	vcvt.f32.s32 v37;
	v33 =	vadd.f32 $-3.178053860e+00, v33  }
0x6f: {  	v36 =	vmax.f32 v36, $0.0e+00;
	v40 =	vbroadcast v40, $0x0;
	v32 =	vmul.f32 $5.000000000e-01, v32  }
0x70: {  	v36 =	vmin.f32 v36, $1.000000000e+00;
	s0 =	sadd.s32 $0x10, s0;
	v39 =	vbroadcast v39, $0x0;
	v33 =	vmul.f32 $6.762324330e+00, v33  }
0x71: {  	v59 =	vmov s0;
	v51 =	vcvt.s32.f32 v37;
	v32 =	vadd.f32 $-3.178053860e+00, v32  }
0x72: {  	v46 =	vadd.s32 v41, v40;
	v37 =	vadd.s32 v37, v39;
	v52 =	vmax.f32 v33, $0.0e+00  }
0x73: {  	v38 =	vadd.s32 v3, v46;
	v39 =	vmin.f32 v52, $2.299999430e+01;
	v32 =	vmul.f32 $6.762324330e+00, v32  }
0x74: {  	[tilespmem:s18+$0x400] =	vst v36;
	v54 =	vadd.s32 v3, v37;
	v50 =	vadd.s32 $0x1, v38;
	v55 =	vtrunc.f32 v39  }
0x75: {  	[tilespmem:s16+$0x600] =	vst v38;
	v35 =	vmax.f32 v47, $0.0e+00;
	v37 =	vcvt.f32.s32 v55;
	v56 =	vmax.f32 v32, $0.0e+00  }
0x76: {  	v31 =	vsub.f32 v31, v51;
	[tilespmem:s16+$0x800] =	vst v50;
	v35 =	vmin.f32 v35, $1.000000000e+00;
	v38 =	vmin.f32 v56, $2.299999430e+01  }
0x77: {  	v60 =	vmul.u32 $0x18, v59;
	[tilespmem:s16+$0x400] =	vst v35;
	v58 =	vcvt.s32.f32 v37;
	v38 =	vtrunc.f32 v38  }
0x78: {  	v57 =	vadd.s32 $0x1, v54;
	v31 =	vmax.f32 v31, $0.0e+00;
	[tilespmem:s20+$0x600] =	vst v54;
	v38 =	vcvt.f32.s32 v38  }
0x79: {  	v31 =	vmin.f32 v31, $1.000000000e+00;
	[tilespmem:s20+$0x800] =	vst v57;
	v34 =	vadd.s32 v37, v34;
	v33 =	vsub.f32 v33, v58  }
0x7a: {  	v61 =	vbroadcast v60, $0x0;
	[tilespmem:s20+$0x400] =	vst v31;
	v31 =	vadd.s32 v3, v34;
	v62 =	vcvt.s32.f32 v38  }
0x7b: {  	[tilespmem:s22+$0x600] =	vst v31;
	v31 =	vadd.s32 $0x1, v31;
	v33 =	vmax.f32 v33, $0.0e+00  }
0x7c: {  	[tilespmem:s22+$0x800] =	vst v31;
	v31 =	vmin.f32 v33, $1.000000000e+00;
	v63 =	vadd.s32 v38, v61;
	v32 =	vsub.f32 v32, v62  }
0x7d: {  	[tilespmem:s22+$0x400] =	vst v31;
	v31 =	vadd.s32 v3, v63  }
0x7e: {  	[tilespmem:s28+$0x600] =	vst v31;
	v31 =	vadd.s32 $0x1, v31;
	v32 =	vmax.f32 v32, $0.0e+00  }
0x7f: {  	[tilespmem:s28+$0x800] =	vst v31;
	v31 =	vmin.f32 v32, $1.000000000e+00  }
0x80: {  	s18 =	simm.s32 $0x600;
	[tilespmem:s28+$0x400] =	vst v31  }
0x81: {  	[tilespmem:s17], [sflag:$0x1] =	stream.indirect.gather [hbm4b:s1+s15], $0x80, s18, s15, $0xb8;
	[tilespmem:$0x11190] =	vst v63  }
0x82: {  	s20 =	simm.s32 $0x800  }
0x83: {  	[tilespmem:s19], [sflag:$0x2] =	stream.indirect.gather [hbm4b:s1+s15], $0x80, s20, s15, $0xb8;
	[tilespmem:$0x11190] =	vst v63  }
0x84: {  	s22 =	simm.s32 $0x680  }
0x85: {  	[tilespmem:s21], [sflag:$0x3] =	stream.indirect.gather [hbm4b:s1+s15], $0x80, s22, s15, $0xb8;
	[tilespmem:$0x11190] =	vst v63  }
0x86: {  	s28 =	simm.s32 $0x880  }
0x87: {  	[tilespmem:s23], [sflag:$0x4] =	stream.indirect.gather [hbm4b:s1+s15], $0x80, s28, s15, $0xb8;
	[tilespmem:$0x11190] =	vst v63  }
0x88: {  	_ =	swait.ge [sflag:s24], $0x4000  }
0x89: {  	[sflag:s24] =	ssyncset.done $0x0  }
0x8a: {  	[sflag:s24] =	ssyncadd.s32 $0xFFFFC000  }
0x8b: {  	_ =	swait.ge [sflag:s25], $0x4000  }
0x8c: {  	v28 =	vnsel vm0, $0x0, v28;
	v29 =	vnsel vm0, $0x0, v29;
	v30 =	vnsel vm0, $0x0, v30;
	s16 =	simm.s32 $0x0;
	s18 =	simm.s32 $0x10F84;
	[sflag:s25] =	ssyncset.done $0x0  }
0x8d: {  	v33 =	vmov v28;
	v32 =	vmov v29;
	v31 =	vmov v30;
	s20 =	simm.s32 $0xB00;
	s22 =	simm.s32 $0x4B00;
	[sflag:s25] =	ssyncadd.s32 $0xFFFFC000  }
.LBB2_4:
0x8e: {  	v35 =	vld [tilespmem:s20+$0xFFFFFF00]  }
0x8f: {  	v34 =	vmov s16;
	v36 =	vld [tilespmem:s22+$0xFFFFFF00]  }
0x90: {  	v37 =	vld [tilespmem:s20+$0xFFFFFF10];
	v34 =	vand.u32 $0xFFFFFFFC, v34  }
0x91: {  	v38 =	vld [tilespmem:s22+$0xFFFFFF10];
	v34 =	vbroadcast v34, $0x0  }
0x92: {  	v39 =	vld [tilespmem:s20+$0xFFFFFF20]  }
0x93: {  	v40 =	vld [tilespmem:s22+$0xFFFFFF20]  }
0x94: {  	v51 =	vld [tilespmem:s20+$0xFFFFFF30]  }
0x95: {  	v53 =	vld [tilespmem:s20+$0xFFFFFF40]  }
0x96: {  	v44 =	vld [tilespmem:s22+$0xFFFFFF40]  }
0x97: {  	v34 =	vld.idx.msk [tilespmem:v34+s26+$0x0], $0xffff  }
0x98: {  	v41 =	vld [tilespmem:s22+$0xFFFFFF30];
	_ =	sdelay $0x1  }
0x99: {  	v36 =	vsub.f32 v36, v35  }
0x9a: {  	v38 =	vsub.f32 v38, v37;
	v40 =	vsub.f32 v40, v39  }
0x9b: {  	v48 =	vld [tilespmem:s20+$0xFFFFFF70];
	v44 =	vsub.f32 v44, v53;
	v36 =	vmul.f32 v36, v34  }
0x9c: {  	v63 =	vld [tilespmem:s22+$0xFFFFFF70];
	v54 =	vsub.f32 v41, v51;
	v38 =	vmul.f32 v38, v34;
	v52 =	vmul.f32 v40, v34  }
0x9d: {  	v59 =	vld [tilespmem:s20+$0xFFFFFF60];
	v44 =	vmul.f32 v44, v34;
	v35 =	vadd.f32 v36, v35  }
0x9e: {  	s0 =	sadd.s32 $0x1, s16;
	v60 =	vld [tilespmem:s22+$0xFFFFFF60];
	v37 =	vadd.f32 v38, v37;
	v38 =	vadd.f32 v52, v39;
	v39 =	vmul.f32 v54, v34  }
0x9f: {  	v61 =	vmov s0;
	v42 =	vmul.f32 v35, v4;
	v43 =	vmul.f32 v35, v12  }
0xa0: {  	v55 =	vld [tilespmem:s20+$0xFFFFFF50];
	v40 =	vadd.f32 v44, v53;
	v35 =	vmul.f32 v35, v20;
	v45 =	vmul.f32 v37, v5  }
0xa1: {  	v57 =	vld [tilespmem:s22+$0xFFFFFF50];
	v44 =	vsub.f32 v63, v48;
	v46 =	vmul.f32 v37, v13;
	v37 =	vmul.f32 v37, v21  }
0xa2: {  	v56 =	vmul.f32 v38, v6;
	v58 =	vmul.f32 v38, v14;
	v36 =	vadd.f32 v39, v51  }
0xa3: {  	v38 =	vmul.f32 v38, v22;
	v39 =	vsub.f32 v60, v59;
	v42 =	vadd.f32 v42, v28  }
0xa4: {  	v49 =	vmul.f32 v40, v8;
	v43 =	vadd.f32 v43, v29;
	v35 =	vadd.f32 v35, v30  }
0xa5: {  	v47 =	vmul.f32 v36, v7;
	v39 =	vmul.f32 v39, v34;
	v42 =	vadd.f32 v45, v42  }
0xa6: {  	v41 =	vld [tilespmem:s20+$0xFFFFFF80];
	v62 =	vmul.f32 v36, v15;
	v43 =	vadd.f32 v46, v43;
	v46 =	vsub.f32 v57, v55  }
0xa7: {  	v52 =	vld [tilespmem:s22+$0xFFFFFF80];
	v36 =	vmul.f32 v36, v23;
	v35 =	vadd.f32 v37, v35;
	v39 =	vadd.f32 v39, v59  }
0xa8: {  	v59 =	vld [tilespmem:s22+$0xFFFFFFA0];
	v37 =	vadd.f32 v58, v43;
	v43 =	vand.u32 $0xFFFFFFFD, v61;
	v46 =	vmul.f32 v46, v34  }
0xa9: {  	v35 =	vadd.f32 v38, v35;
	v34 =	vmul.f32 v44, v34;
	v44 =	vld [tilespmem:s20+$0xFFFFFFA0];
	v43 =	vbroadcast v43, $0x0  }
0xaa: {  	v51 =	vmul.f32 v40, v16;
	v42 =	vadd.f32 v56, v42;
	v37 =	vadd.f32 v62, v37  }
0xab: {  	v40 =	vmul.f32 v40, v24;
	v45 =	vld [tilespmem:s20+$0xFFFFFF90];
	v35 =	vadd.f32 v36, v35;
	v50 =	vadd.f32 v46, v55  }
0xac: {  	v58 =	vsub.f32 v52, v41;
	v42 =	vadd.f32 v47, v42;
	v55 =	vld [tilespmem:s22+$0xFFFFFF90]  }
0xad: {  	v37 =	vadd.f32 v51, v37;
	v54 =	vmul.f32 v50, v17;
	v35 =	vadd.f32 v40, v35;
	v40 =	vld [tilespmem:s20+$0xFFFFFFB0]  }
0xae: {  	v38 =	vadd.f32 v49, v42;
	v53 =	vmul.f32 v50, v9;
	v52 =	vsub.f32 v59, v44;
	v59 =	vld [tilespmem:s22+$0xFFFFFFC0]  }
0xaf: {  	v57 =	vmul.f32 v39, v18;
	v37 =	vadd.f32 v54, v37;
	v43 =	vld.idx.msk [tilespmem:v43+s26+$0x0], $0xffff  }
0xb0: {  	v38 =	vadd.f32 v53, v38;
	v53 =	vld [tilespmem:s22+$0xFFFFFFB0]  }
0xb1: {  	v48 =	vadd.f32 v34, v48;
	v36 =	vmul.f32 v50, v25;
	v37 =	vadd.f32 v57, v37;
	v57 =	vld [tilespmem:s20+$0xFFFFFFC0]  }
0xb2: {  	v56 =	vmul.f32 v39, v10;
	v61 =	vmul.f32 v39, v26  }
0xb3: {  	v62 =	vmul.f32 v48, v11;
	v49 =	vmul.f32 v48, v19;
	v35 =	vadd.f32 v36, v35  }
0xb4: {  	v47 =	vsub.f32 v55, v45;
	v60 =	vadd.f32 v56, v38;
	v63 =	vmul.f32 v58, v43  }
0xb5: {  	v35 =	vadd.f32 v61, v35;
	v61 =	vsub.f32 v53, v40;
	v56 =	vmul.f32 v52, v43  }
0xb6: {  	v38 =	vmul.f32 v47, v43;
	v47 =	vsub.f32 v59, v57;
	v50 =	vadd.f32 v63, v41  }
0xb7: {  	v51 =	vmul.f32 v48, v27;
	v41 =	vadd.f32 v56, v44;
	v44 =	vmul.f32 v61, v43  }
0xb8: {  	v38 =	vadd.f32 v38, v45;
	v47 =	vmul.f32 v47, v43;
	v54 =	vmul.f32 v50, v4  }
0xb9: {  	v34 =	vadd.f32 v62, v60;
	v55 =	vmul.f32 v50, v12;
	v39 =	vmul.f32 v50, v20  }
0xba: {  	v48 =	vld [tilespmem:s20+$0xFFFFFFE0];
	v36 =	vadd.f32 v49, v37;
	v60 =	vmul.f32 v38, v5;
	v49 =	vmul.f32 v38, v13  }
0xbb: {  	v35 =	vadd.f32 v51, v35;
	v62 =	vld [tilespmem:s20+$0xFFFFFFD0];
	v38 =	vmul.f32 v38, v21;
	v63 =	vmul.f32 v41, v6  }
0xbc: {  	v52 =	vld [tilespmem:s22+$0xFFFFFFD0];
	v53 =	vmul.f32 v41, v14;
	v40 =	vadd.f32 v44, v40;
	v42 =	vadd.f32 v47, v57  }
0xbd: {  	s28 =	sadd.s32 $0x2, s16;
	v51 =	vld [tilespmem:s20+$0xFFFFFFF0];
	v41 =	vmul.f32 v41, v22;
	v37 =	vadd.f32 v54, v28;
	v58 =	vadd.f32 v55, v29  }
0xbe: {  	v57 =	vld [tilespmem:s22+$0xFFFFFFF0];
	v39 =	vadd.f32 v39, v30;
	v55 =	vmov s28;
	v50 =	vmul.f32 v40, v7  }
0xbf: {  	v54 =	vld [tilespmem:s22+$0xFFFFFFE0];
	v56 =	vmul.f32 v40, v15;
	v59 =	vmul.f32 v42, v16;
	v45 =	vadd.f32 v49, v58  }
0xc0: {  	v61 =	vmul.f32 v42, v24;
	v37 =	vadd.f32 v60, v37;
	v38 =	vadd.f32 v38, v39  }
0xc1: {  	v49 =	vsub.f32 v52, v62;
	v39 =	vadd.f32 v53, v45;
	v45 =	vand.u32 $0xFFFFFFFE, v55  }
0xc2: {  	v58 =	vmul.f32 v42, v8;
	v60 =	vld [tilespmem:s22+$0x0];
	v37 =	vadd.f32 v63, v37;
	v45 =	vbroadcast v45, $0x0  }
0xc3: {  	v42 =	vld [tilespmem:s20+$0x10];
	v38 =	vadd.f32 v41, v38;
	v49 =	vmul.f32 v49, v43;
	v52 =	vsub.f32 v57, v51  }
0xc4: {  	v40 =	vmul.f32 v40, v23;
	v44 =	vsub.f32 v54, v48;
	v37 =	vadd.f32 v50, v37;
	v50 =	vld [tilespmem:s20+$0x0]  }
0xc5: {  	v55 =	vld [tilespmem:s22+$0x10];
	v39 =	vadd.f32 v56, v39;
	v46 =	vadd.f32 v49, v62  }
0xc6: {  	v38 =	vadd.f32 v40, v38;
	v62 =	vmul.f32 v44, v43;
	v43 =	vmul.f32 v52, v43  }
0xc7: {  	v49 =	vld [tilespmem:s20+$0x20];
	v37 =	vadd.f32 v58, v37;
	v39 =	vadd.f32 v59, v39;
	v63 =	vmul.f32 v46, v9  }
0xc8: {  	v38 =	vadd.f32 v61, v38;
	v54 =	vmul.f32 v46, v17;
	v53 =	vadd.f32 v62, v48;
	v45 =	vld.idx.msk [tilespmem:v45+s26+$0x0], $0xffff  }
0xc9: {  	v46 =	vmul.f32 v46, v25;
	v43 =	vadd.f32 v43, v51;
	v57 =	vsub.f32 v60, v50;
	v60 =	vld [tilespmem:s22+$0x20]  }
0xca: {  	v44 =	vsub.f32 v55, v42;
	v37 =	vadd.f32 v63, v37  }
0xcb: {  	v38 =	vadd.f32 v46, v38;
	v56 =	vmul.f32 v53, v10;
	v61 =	vmul.f32 v53, v26  }
0xcc: {  	v39 =	vadd.f32 v54, v39;
	v58 =	vmul.f32 v53, v18;
	v62 =	vmul.f32 v43, v11  }
0xcd: {  	v37 =	vadd.f32 v56, v37;
	v54 =	vadd.f32 v61, v38;
	v61 =	vld [tilespmem:s22+$0x40];
	v59 =	vmul.f32 v57, v45  }
0xce: {  	v63 =	vmul.f32 v43, v19;
	v40 =	vadd.f32 v58, v39;
	v47 =	vsub.f32 v60, v49;
	v60 =	vld [tilespmem:s20+$0x40]  }
0xcf: {  	s5 =	sadd.s32 $0x3, s16;
	v55 =	vmul.f32 v43, v27;
	v56 =	vld [tilespmem:s22+$0x30];
	v58 =	vmul.f32 v44, v45;
	v46 =	vadd.f32 v59, v50  }
0xd0: {  	v53 =	vmov s5;
	v39 =	vadd.f32 v62, v37;
	v38 =	vadd.f32 v63, v40;
	v50 =	vld [tilespmem:s20+$0x30]  }
0xd1: {  	v42 =	vadd.f32 v58, v42;
	v47 =	vmul.f32 v47, v45;
	v57 =	vmul.f32 v46, v4  }
0xd2: {  	v37 =	vadd.f32 v55, v54;
	v63 =	vld [tilespmem:s22+$0x50];
	v59 =	vmul.f32 v46, v12;
	v46 =	vmul.f32 v46, v20  }
0xd3: {  	v62 =	vmul.f32 v42, v5;
	v47 =	vadd.f32 v47, v49;
	v49 =	vld [tilespmem:s20+$0x50];
	v48 =	vsub.f32 v61, v60  }
0xd4: {  	v52 =	vmul.f32 v42, v13;
	v42 =	vmul.f32 v42, v21;
	v40 =	vadd.f32 v57, v28  }
0xd5: {  	v54 =	vld [tilespmem:s20+$0x70];
	v44 =	vadd.f32 v59, v29;
	v41 =	vsub.f32 v56, v50;
	v48 =	vmul.f32 v48, v45  }
0xd6: {  	v46 =	vadd.f32 v46, v30;
	v59 =	vld [tilespmem:s22+$0x60];
	v56 =	vmul.f32 v47, v6;
	v40 =	vadd.f32 v62, v40  }
0xd7: {  	v44 =	vadd.f32 v52, v44;
	v41 =	vmul.f32 v41, v45;
	v43 =	vadd.f32 v48, v60;
	v48 =	vld [tilespmem:s22+$0x70]  }
0xd8: {  	v57 =	vmul.f32 v47, v14;
	v51 =	vsub.f32 v63, v49;
	v40 =	vadd.f32 v56, v40;
	v56 =	vld [tilespmem:s22+$0x80]  }
0xd9: {  	v58 =	vmul.f32 v47, v22;
	v42 =	vadd.f32 v42, v46;
	v41 =	vadd.f32 v41, v50;
	v50 =	vld [tilespmem:s20+$0x60]  }
0xda: {  	v44 =	vadd.f32 v57, v44;
	v63 =	vmul.f32 v51, v45;
	v51 =	vld [tilespmem:s20+$0x80]  }
0xdb: {  	v42 =	vadd.f32 v58, v42;
	v61 =	vmul.f32 v41, v7;
	v62 =	vmul.f32 v41, v15  }
0xdc: {  	v60 =	vmul.f32 v43, v8;
	v41 =	vmul.f32 v41, v23;
	v48 =	vsub.f32 v48, v54  }
0xdd: {  	v46 =	vld.idx.msk [tilespmem:v53+s26+$0x0], $0xffff;
	v55 =	vmul.f32 v43, v16;
	v40 =	vadd.f32 v61, v40;
	v44 =	vadd.f32 v62, v44  }
0xde: {  	v52 =	vld [tilespmem:s22+$0x90];
	v41 =	vadd.f32 v41, v42;
	v61 =	vmul.f32 v43, v24;
	v62 =	vadd.f32 v63, v49  }
0xdf: {  	v49 =	vld [tilespmem:s20+$0x90];
	v47 =	vsub.f32 v59, v50;
	v58 =	vmul.f32 v48, v45;
	v59 =	vsub.f32 v56, v51  }
0xe0: {  	v40 =	vadd.f32 v60, v40;
	v44 =	vadd.f32 v55, v44;
	v63 =	vmul.f32 v62, v9  }
0xe1: {  	v48 =	vld [tilespmem:s20+$0xA0];
	v41 =	vadd.f32 v61, v41;
	v57 =	vmul.f32 v62, v17;
	v47 =	vmul.f32 v47, v45  }
0xe2: {  	v43 =	vmul.f32 v62, v25;
	v61 =	vld [tilespmem:s22+$0xA0];
	v42 =	vadd.f32 v58, v54;
	v40 =	vadd.f32 v63, v40  }
0xe3: {  	v45 =	vmul.f32 v59, v46;
	v58 =	vld [tilespmem:s22+$0xB0];
	v44 =	vadd.f32 v57, v44;
	v47 =	vadd.f32 v47, v50  }
0xe4: {  	v56 =	vsub.f32 v52, v49;
	v52 =	vld [tilespmem:s20+$0xB0];
	v57 =	vmul.f32 v42, v11;
	v59 =	vmul.f32 v42, v19  }
0xe5: {  	v45 =	vadd.f32 v45, v51;
	v60 =	vmul.f32 v47, v10;
	v62 =	vmul.f32 v47, v18  }
0xe6: {  	v41 =	vadd.f32 v43, v41;
	v63 =	vmul.f32 v47, v26;
	v47 =	vmul.f32 v56, v46  }
0xe7: {  	v55 =	vld [tilespmem:s22+$0xC0];
	v50 =	vsub.f32 v61, v48;
	v61 =	vmul.f32 v45, v12;
	v40 =	vadd.f32 v60, v40  }
0xe8: {  	v54 =	vld [tilespmem:s20+$0xC0];
	v44 =	vadd.f32 v62, v44;
	v41 =	vadd.f32 v63, v41;
	v60 =	vmul.f32 v45, v4  }
0xe9: {  	v47 =	vadd.f32 v47, v49;
	v45 =	vmul.f32 v45, v20;
	v51 =	vsub.f32 v58, v52  }
0xea: {  	v50 =	vmul.f32 v50, v46;
	v40 =	vadd.f32 v57, v40;
	v43 =	vadd.f32 v59, v44  }
0xeb: {  	v53 =	vld [tilespmem:s22+$0xE0];
	v62 =	vadd.f32 v60, v28;
	v44 =	vadd.f32 v61, v29;
	v63 =	vmul.f32 v47, v5  }
0xec: {  	v45 =	vadd.f32 v45, v30;
	v60 =	vmul.f32 v47, v13;
	v48 =	vadd.f32 v50, v48;
	v50 =	vld [tilespmem:s20+$0xD0]  }
0xed: {  	v61 =	vsub.f32 v55, v54;
	v55 =	vld [tilespmem:s22+$0xD0];
	v47 =	vmul.f32 v47, v21;
	v51 =	vmul.f32 v51, v46  }
0xee: {  	v57 =	vld [tilespmem:s20+$0xE0];
	v49 =	vadd.f32 v63, v62;
	v44 =	vadd.f32 v60, v44;
	v62 =	vmul.f32 v48, v6  }
0xef: {  	v58 =	vmul.f32 v48, v14;
	v63 =	vmul.f32 v61, v46;
	v45 =	vadd.f32 v47, v45  }
0xf0: {  	v48 =	vmul.f32 v48, v22;
	v51 =	vadd.f32 v51, v52;
	v60 =	vadd.f32 v62, v49;
	v49 =	vld [tilespmem:s20+$0xF0]  }
0xf1: {  	v42 =	vmul.f32 v42, v27;
	v44 =	vadd.f32 v58, v44;
	v52 =	vadd.f32 v63, v54;
	v54 =	vld [tilespmem:s22+$0xF0]  }
0xf2: {  	v45 =	vadd.f32 v48, v45;
	v61 =	vmul.f32 v51, v7;
	v55 =	vsub.f32 v55, v50  }
0xf3: {  	v62 =	vmul.f32 v51, v15;
	v51 =	vmul.f32 v51, v23;
	v53 =	vsub.f32 v53, v57  }
0xf4: {  	v63 =	vmul.f32 v52, v8;
	v47 =	vadd.f32 v61, v60;
	v59 =	vmul.f32 v55, v46  }
0xf5: {  	v44 =	vadd.f32 v62, v44;
	v45 =	vadd.f32 v51, v45;
	v60 =	vmul.f32 v52, v16  }
0xf6: {  	v61 =	vmul.f32 v53, v46;
	v48 =	vadd.f32 v59, v50;
	v62 =	vsub.f32 v54, v49  }
0xf7: {  	(xrf2) =	vadd.scan.msk.f32 $0xffff, v34;
	v52 =	vmul.f32 v52, v24;
	v47 =	vadd.f32 v63, v47;
	v63 =	vadd.f32 v60, v44  }
0xf8: {  	(xrf2) =	vadd.scan.msk.f32 $0xffff, v36;
	v54 =	vadd.f32 v61, v57;
	v46 =	vmul.f32 v62, v46;
	v55 =	vmul.f32 v48, v9  }
0xf9: {  	(xrf2) =	vadd.scan.msk.f32 $0xffff, v35;
	v56 =	vadd.f32 v52, v45;
	v57 =	vmul.f32 v48, v17;
	v58 =	vmul.f32 v48, v25  }
0xfa: {  	(xrf2) =	vadd.scan.msk.f32 $0xffff, v39;
	v60 =	vmul.f32 v54, v10;
	v59 =	vadd.f32 v55, v47;
	v46 =	vadd.f32 v46, v49  }
0xfb: {  	(xrf2) =	vadd.scan.msk.f32 $0xffff, v38;
	v61 =	vmul.f32 v54, v18;
	v36 =	vmul.f32 v54, v26;
	v34 =	vadd.f32 v57, v63  }
0xfc: {  	(xrf2) =	vadd.scan.msk.f32 $0xffff, v37;
	v35 =	vadd.f32 v58, v56;
	v62 =	vadd.f32 v60, v59;
	v63 =	vmul.f32 v46, v11  }
0xfd: {  	v41 =	vadd.f32 v42, v41;
	(xrf2) =	vadd.scan.msk.f32 $0xffff, v40;
	v34 =	vadd.f32 v61, v34;
	v40 =	vmul.f32 v46, v19  }
0xfe: {  	(xrf2) =	vadd.scan.msk.f32 $0xffff, v43;
	v35 =	vadd.f32 v36, v35;
	v43 =	vmul.f32 v46, v27;
	v42 =	vadd.f32 v63, v62  }
0xff: {  	(xrf2) =	vadd.scan.msk.f32 $0xffff, v41;
	v34 =	vadd.f32 v40, v34  }
0x100: {  	v35 =	vadd.f32 v43, v35;
	(xrf2) =	vadd.scan.msk.f32 $0xffff, v42  }
0x101: {  	s0 =	sand.u32 $0xC, s16;
	v44, _, _ =	vpop (xrf2);
	(xrf2) =	vadd.scan.msk.f32 $0xffff, v34  }
0x102: {  	s5 =	sor.u32 $0x1, s0;
	v45, _, _ =	vpop (xrf2);
	(xrf2) =	vadd.scan.msk.f32 $0xffff, v35  }
0x103: {  	v52 =	vmov s5;
	v46, _, _ =	vpop (xrf2)  }
0x104: {  	s28 =	sor.u32 $0x2, s0;
	vm2 =	veq.s32 v52, v1;
	v48, _, _ =	vpop (xrf2)  }
0x105: {  	v47 =	vmov s0;
	v56 =	vmov s28;
	s28 =	sor.u32 $0x3, s0;
	v36 =	vbroadcast v44, $0xF;
	v49, _, _ =	vpop (xrf2)  }
0x106: {  	vm1 =	veq.s32 v47, v1;
	v60 =	vmov s28;
	v51 =	vbroadcast v46, $0xF;
	v50, _, _ =	vpop (xrf2)  }
0x107: {  	v33 =	vsel vm1, v36, v33;
	v54 =	vbroadcast v48, $0xF;
	v34 =	vbroadcast v45, $0xF;
	v53, _, _ =	vpop (xrf2)  }
0x108: {  	v37 =	vbroadcast v49, $0xF;
	v31 =	vsel vm1, v51, v31;
	v36 =	vbroadcast v50, $0xF;
	v55, _, _ =	vpop (xrf2)  }
0x109: {  	v33 =	vsel vm2, v54, v33;
	v32 =	vsel vm1, v34, v32;
	v39 =	vbroadcast v53, $0xF;
	v41, _, _ =	vpop (xrf2)  }
0x10a: {  	s16 =	sadd.s32 $0x4, s16;
	vm1 =	veq.s32 v56, v1;
	v32 =	vsel vm2, v37, v32;
	v31 =	vsel vm2, v36, v31;
	v57, _, _ =	vpop (xrf2)  }
0x10b: {  	p1 =	sne.s32 s16, $0x80;
	v59 =	vbroadcast v55, $0xF;
	vm2 =	veq.s32 v60, v1;
	v58, _, _ =	vpop (xrf2);
	v34 =	vbroadcast v57, $0xF  }
.Ltmp1:
0x10c: {  	v33 =	vsel vm1, v39, v33;
	v62 =	vbroadcast v41, $0xF;
	v61, _, _ =	vpop (xrf2);
	v35 =	vbroadcast v58, $0xF;
	(pc) =	sbr.rel @p1 .LBB2_4-.Ltmp1, $4  }
0x10d: {  	p0 =	sne.s32 s0, $0xC;
	v32 =	vsel vm1, v59, v32;
	v33 =	vsel vm2, v34, v33;
	v63 =	vbroadcast v61, $0xF  }
0x10e: {  	v31 =	vsel vm1, v62, v31;
	v32 =	vsel vm2, v35, v32;
	[tilespmem:s18+$0xFFFFFC00] =	vst @!p0 v33  }
0x10f: {  	v31 =	vsel vm2, v63, v31;
	[tilespmem:s18+$0xFFFFFE00] =	vst @!p0 v32  }
0x110: {  	s20 =	sadd.s32 $0x200, s20;
	s22 =	sadd.s32 $0x200, s22;
	v33 =	vpsel !p0, $0x0, v33;
	v32 =	vpsel !p0, $0x0, v32;
	[tilespmem:s18+$0x0] =	vst @!p0 v31;
	v31 =	vpsel !p0, $0x0, v31;
	s18 =	sadd.s32 $0x4, s18  }
0x111: {  	s0 =	simm.s32 $0x700  }
0x112: {  	[tilespmem:s17], [sflag:$0x1] =	stream.indirect.gather [hbm4b:s1+s15], $0x80, s0, s15, $0xb8;
	[tilespmem:$0x11190] =	vst v63  }
0x113: {  	s28 =	simm.s32 $0x900  }
0x114: {  	[tilespmem:s19], [sflag:$0x2] =	stream.indirect.gather [hbm4b:s1+s15], $0x80, s28, s15, $0xb8;
	[tilespmem:$0x11190] =	vst v63  }
0x115: {  	_ =	swait.ge [sflag:s30], $0x4000  }
0x116: {  	[sflag:s30] =	ssyncset.done $0x0  }
0x117: {  	[sflag:s30] =	ssyncadd.s32 $0xFFFFC000  }
0x118: {  	_ =	swait.ge [sflag:s31], $0x4000  }
0x119: {  	s16 =	simm.s32 $0x0;
	s18 =	simm.s32 $0x11004;
	[sflag:s31] =	ssyncset.done $0x0  }
0x11a: {  	s20 =	simm.s32 $0x8B00;
	s22 =	simm.s32 $0xCB00;
	v31 =	vmov v30;
	v32 =	vmov v29;
	v33 =	vmov v28;
	[sflag:s31] =	ssyncadd.s32 $0xFFFFC000  }
.LBB2_6:
0x11b: {  	v34 =	vmov s16;
	v35 =	vld [tilespmem:s20+$0xFFFFFF00]  }
0x11c: {  	v36 =	vld [tilespmem:s22+$0xFFFFFF00];
	v34 =	vadd.s32 $0x80, v34  }
0x11d: {  	v37 =	vld [tilespmem:s20+$0xFFFFFF10];
	v34 =	vand.u32 $0xFFFFFFFC, v34  }
0x11e: {  	v38 =	vld [tilespmem:s22+$0xFFFFFF10];
	v34 =	vbroadcast v34, $0x0  }
0x11f: {  	v39 =	vld [tilespmem:s20+$0xFFFFFF20]  }
0x120: {  	v40 =	vld [tilespmem:s22+$0xFFFFFF20]  }
0x121: {  	v51 =	vld [tilespmem:s20+$0xFFFFFF30]  }
0x122: {  	v53 =	vld [tilespmem:s20+$0xFFFFFF40]  }
0x123: {  	v44 =	vld [tilespmem:s22+$0xFFFFFF40]  }
0x124: {  	v34 =	vld.idx.msk [tilespmem:v34+s26+$0x0], $0xffff  }
0x125: {  	v41 =	vld [tilespmem:s22+$0xFFFFFF30];
	_ =	sdelay $0x1  }
0x126: {  	v36 =	vsub.f32 v36, v35  }
0x127: {  	v38 =	vsub.f32 v38, v37;
	v40 =	vsub.f32 v40, v39  }
0x128: {  	v44 =	vsub.f32 v44, v53;
	v36 =	vmul.f32 v36, v34  }
0x129: {  	v54 =	vsub.f32 v41, v51;
	v38 =	vmul.f32 v38, v34;
	v52 =	vmul.f32 v40, v34  }
0x12a: {  	v44 =	vmul.f32 v44, v34;
	v35 =	vadd.f32 v36, v35  }
0x12b: {  	v59 =	vld [tilespmem:s20+$0xFFFFFF60];
	v37 =	vadd.f32 v38, v37;
	v38 =	vadd.f32 v52, v39;
	v39 =	vmul.f32 v54, v34  }
0x12c: {  	s0 =	sadd.s32 $0x1, s16;
	v60 =	vld [tilespmem:s22+$0xFFFFFF60];
	v42 =	vmul.f32 v35, v4;
	v43 =	vmul.f32 v35, v12  }
0x12d: {  	v47 =	vmov s0;
	v35 =	vmul.f32 v35, v20;
	v45 =	vmul.f32 v37, v5  }
0x12e: {  	v55 =	vld [tilespmem:s20+$0xFFFFFF50];
	v61 =	vadd.s32 $0x80, v47;
	v46 =	vmul.f32 v37, v13;
	v37 =	vmul.f32 v37, v21  }
0x12f: {  	v57 =	vld [tilespmem:s22+$0xFFFFFF50];
	v40 =	vadd.f32 v44, v53;
	v56 =	vmul.f32 v38, v6;
	v58 =	vmul.f32 v38, v14  }
0x130: {  	v48 =	vld [tilespmem:s20+$0xFFFFFF70];
	v36 =	vadd.f32 v39, v51;
	v38 =	vmul.f32 v38, v22;
	v43 =	vadd.f32 v43, v29  }
0x131: {  	v49 =	vld [tilespmem:s22+$0xFFFFFF70];
	v50 =	vmul.f32 v40, v8;
	v39 =	vsub.f32 v60, v59;
	v52 =	vmul.f32 v40, v16  }
0x132: {  	v41 =	vld [tilespmem:s20+$0xFFFFFF80];
	v40 =	vmul.f32 v40, v24;
	v35 =	vadd.f32 v35, v30;
	v43 =	vadd.f32 v46, v43  }
0x133: {  	v53 =	vld [tilespmem:s22+$0xFFFFFF80];
	v42 =	vadd.f32 v42, v28;
	v62 =	vmul.f32 v36, v7;
	v39 =	vmul.f32 v39, v34  }
0x134: {  	v35 =	vadd.f32 v37, v35;
	v37 =	vadd.f32 v58, v43;
	v43 =	vand.u32 $0xFFFFFFFD, v61  }
0x135: {  	v42 =	vadd.f32 v45, v42;
	v46 =	vsub.f32 v57, v55;
	v43 =	vbroadcast v43, $0x0  }
0x136: {  	v44 =	vsub.f32 v49, v48;
	v63 =	vmul.f32 v36, v15;
	v36 =	vmul.f32 v36, v23  }
0x137: {  	v60 =	vld [tilespmem:s22+$0xFFFFFFA0];
	v39 =	vadd.f32 v39, v59;
	v42 =	vadd.f32 v56, v42;
	v46 =	vmul.f32 v46, v34  }
0x138: {  	v45 =	vld [tilespmem:s20+$0xFFFFFF90];
	v59 =	vsub.f32 v53, v41;
	v35 =	vadd.f32 v38, v35;
	v34 =	vmul.f32 v44, v34  }
0x139: {  	v56 =	vld [tilespmem:s22+$0xFFFFFF90];
	v57 =	vmul.f32 v39, v10;
	v42 =	vadd.f32 v62, v42;
	v51 =	vadd.f32 v46, v55  }
0x13a: {  	v44 =	vld [tilespmem:s20+$0xFFFFFFA0];
	v58 =	vmul.f32 v39, v18;
	v37 =	vadd.f32 v63, v37;
	v35 =	vadd.f32 v36, v35  }
0x13b: {  	v48 =	vadd.f32 v34, v48;
	v38 =	vadd.f32 v50, v42;
	v54 =	vmul.f32 v51, v9;
	v43 =	vld.idx.msk [tilespmem:v43+s26+$0x0], $0xffff  }
0x13c: {  	v37 =	vadd.f32 v52, v37;
	v55 =	vmul.f32 v51, v17;
	v35 =	vadd.f32 v40, v35;
	v40 =	vld [tilespmem:s20+$0xFFFFFFB0]  }
0x13d: {  	v62 =	vmul.f32 v39, v26;
	v36 =	vmul.f32 v51, v25;
	v38 =	vadd.f32 v54, v38;
	v54 =	vld [tilespmem:s22+$0xFFFFFFB0]  }
0x13e: {  	v63 =	vmul.f32 v48, v11;
	v49 =	vsub.f32 v56, v45;
	v37 =	vadd.f32 v55, v37  }
0x13f: {  	v50 =	vmul.f32 v48, v19;
	v35 =	vadd.f32 v36, v35;
	v61 =	vadd.f32 v57, v38  }
0x140: {  	v53 =	vsub.f32 v60, v44;
	v60 =	vld [tilespmem:s22+$0xFFFFFFC0];
	v37 =	vadd.f32 v58, v37;
	v47 =	vmul.f32 v59, v43  }
0x141: {  	v35 =	vadd.f32 v62, v35;
	v58 =	vld [tilespmem:s20+$0xFFFFFFC0];
	v34 =	vadd.f32 v63, v61;
	v38 =	vmul.f32 v49, v43  }
0x142: {  	v62 =	vsub.f32 v54, v40;
	v57 =	vmul.f32 v53, v43;
	v51 =	vadd.f32 v47, v41  }
0x143: {  	v52 =	vmul.f32 v48, v27;
	v36 =	vadd.f32 v50, v37;
	v38 =	vadd.f32 v38, v45  }
0x144: {  	v41 =	vadd.f32 v57, v44;
	v44 =	vmul.f32 v62, v43;
	v55 =	vmul.f32 v51, v4  }
0x145: {  	v35 =	vadd.f32 v52, v35;
	v56 =	vmul.f32 v51, v12;
	v39 =	vmul.f32 v51, v20  }
0x146: {  	s28 =	sadd.s32 $0x2, s16;
	v63 =	vld [tilespmem:s20+$0xFFFFFFD0];
	v47 =	vsub.f32 v60, v58;
	v61 =	vmul.f32 v38, v5;
	v49 =	vmul.f32 v38, v13  }
0x147: {  	v50 =	vmov s28;
	v53 =	vld [tilespmem:s22+$0xFFFFFFD0];
	v38 =	vmul.f32 v38, v21;
	v52 =	vmul.f32 v41, v6  }
0x148: {  	v48 =	vld [tilespmem:s20+$0xFFFFFFE0];
	v54 =	vmul.f32 v41, v14;
	v40 =	vadd.f32 v44, v40;
	v47 =	vmul.f32 v47, v43  }
0x149: {  	v42 =	vld [tilespmem:s20+$0xFFFFFFF0];
	v41 =	vmul.f32 v41, v22;
	v37 =	vadd.f32 v55, v28;
	v59 =	vadd.f32 v56, v29  }
0x14a: {  	v60 =	vld [tilespmem:s22+$0xFFFFFFF0];
	v39 =	vadd.f32 v39, v30;
	v56 =	vadd.s32 $0x80, v50;
	v58 =	vadd.f32 v47, v58  }
0x14b: {  	v55 =	vld [tilespmem:s22+$0xFFFFFFE0];
	v57 =	vmul.f32 v40, v7;
	v37 =	vadd.f32 v61, v37;
	v45 =	vadd.f32 v49, v59  }
0x14c: {  	v49 =	vsub.f32 v53, v63;
	v59 =	vmul.f32 v40, v15;
	v40 =	vmul.f32 v40, v23  }
0x14d: {  	v38 =	vadd.f32 v38, v39;
	v51 =	vmul.f32 v58, v8;
	v61 =	vmul.f32 v58, v16  }
0x14e: {  	v39 =	vadd.f32 v54, v45;
	v45 =	vand.u32 $0xFFFFFFFE, v56;
	v49 =	vmul.f32 v49, v43  }
0x14f: {  	s5 =	sadd.s32 $0x3, s16;
	v50 =	vld [tilespmem:s20+$0x10];
	v37 =	vadd.f32 v52, v37;
	v56 =	vsub.f32 v60, v42;
	v45 =	vbroadcast v45, $0x0  }
0x150: {  	v53 =	vmov s5;
	v44 =	vsub.f32 v55, v48;
	v46 =	vadd.f32 v49, v63;
	v49 =	vld [tilespmem:s20+$0x0]  }
0x151: {  	v38 =	vadd.f32 v41, v38;
	v41 =	vmul.f32 v58, v24;
	v37 =	vadd.f32 v57, v37;
	v63 =	vld [tilespmem:s22+$0x0]  }
0x152: {  	v58 =	vld [tilespmem:s22+$0x10];
	v39 =	vadd.f32 v59, v39;
	v62 =	vmul.f32 v44, v43;
	v43 =	vmul.f32 v56, v43  }
0x153: {  	v53 =	vadd.s32 $0x80, v53;
	v38 =	vadd.f32 v40, v38;
	v37 =	vadd.f32 v51, v37  }
0x154: {  	v53 =	vbroadcast v53, $0x0;
	v39 =	vadd.f32 v61, v39;
	v42 =	vadd.f32 v43, v42;
	v43 =	vld [tilespmem:s20+$0x20]  }
0x155: {  	v54 =	vmul.f32 v46, v9;
	v55 =	vmul.f32 v46, v17;
	v40 =	vadd.f32 v62, v48;
	v45 =	vld.idx.msk [tilespmem:v45+s26+$0x0], $0xffff  }
0x156: {  	v38 =	vadd.f32 v41, v38;
	v57 =	vmul.f32 v46, v25;
	v44 =	vsub.f32 v63, v49;
	v63 =	vld [tilespmem:s22+$0x20]  }
0x157: {  	v46 =	vsub.f32 v58, v50;
	v37 =	vadd.f32 v54, v37;
	v59 =	vmul.f32 v40, v10  }
0x158: {  	v39 =	vadd.f32 v55, v39;
	v60 =	vmul.f32 v40, v18;
	v61 =	vmul.f32 v40, v26  }
0x159: {  	v38 =	vadd.f32 v57, v38;
	v54 =	vmul.f32 v42, v11;
	v55 =	vmul.f32 v42, v19  }
0x15a: {  	v58 =	vld [tilespmem:s22+$0x30];
	v37 =	vadd.f32 v59, v37;
	v41 =	vadd.f32 v60, v39;
	v62 =	vmul.f32 v44, v45  }
0x15b: {  	v48 =	vld [tilespmem:s20+$0x40];
	v56 =	vadd.f32 v61, v38;
	v57 =	vmul.f32 v46, v45;
	v44 =	vsub.f32 v63, v43  }
0x15c: {  	v42 =	vmul.f32 v42, v27;
	v39 =	vadd.f32 v54, v37;
	v40 =	vadd.f32 v62, v49;
	v49 =	vld [tilespmem:s20+$0x30]  }
0x15d: {  	v61 =	vld [tilespmem:s22+$0x40];
	v38 =	vadd.f32 v55, v41;
	v41 =	vadd.f32 v57, v50;
	v44 =	vmul.f32 v44, v45  }
0x15e: {  	v37 =	vadd.f32 v42, v56;
	v63 =	vld [tilespmem:s22+$0x50];
	v59 =	vmul.f32 v40, v4;
	v60 =	vmul.f32 v40, v12  }
0x15f: {  	v40 =	vmul.f32 v40, v20;
	v50 =	vmul.f32 v41, v5;
	v43 =	vadd.f32 v44, v43;
	v44 =	vld [tilespmem:s20+$0x50]  }
0x160: {  	v52 =	vmul.f32 v41, v13;
	v42 =	vadd.f32 v59, v28;
	v47 =	vadd.f32 v60, v29  }
0x161: {  	v41 =	vmul.f32 v41, v21;
	v40 =	vadd.f32 v40, v30;
	v46 =	vsub.f32 v58, v49  }
0x162: {  	v51 =	vld [tilespmem:s20+$0x60];
	v56 =	vmul.f32 v43, v6;
	v57 =	vmul.f32 v43, v14;
	v58 =	vsub.f32 v61, v48  }
0x163: {  	v59 =	vld [tilespmem:s22+$0x60];
	v42 =	vadd.f32 v50, v42;
	v47 =	vadd.f32 v52, v47;
	v62 =	vmul.f32 v46, v45  }
0x164: {  	v43 =	vmul.f32 v43, v22;
	v40 =	vadd.f32 v41, v40;
	v46 =	vsub.f32 v63, v44  }
0x165: {  	v54 =	vld [tilespmem:s20+$0x70];
	v42 =	vadd.f32 v56, v42;
	v41 =	vadd.f32 v62, v49;
	v49 =	vmul.f32 v58, v45  }
0x166: {  	v47 =	vadd.f32 v57, v47;
	v40 =	vadd.f32 v43, v40;
	v62 =	vld [tilespmem:s22+$0x70];
	v46 =	vmul.f32 v46, v45  }
0x167: {  	v60 =	vmul.f32 v41, v7;
	v61 =	vmul.f32 v41, v15;
	v48 =	vadd.f32 v49, v48  }
0x168: {  	v56 =	vld [tilespmem:s22+$0x80];
	v50 =	vsub.f32 v59, v51;
	v41 =	vmul.f32 v41, v23;
	v44 =	vadd.f32 v46, v44  }
0x169: {  	v46 =	vld.idx.msk [tilespmem:v53+s26+$0x0], $0xffff;
	v42 =	vadd.f32 v60, v42;
	v43 =	vadd.f32 v61, v47;
	v63 =	vmul.f32 v48, v8  }
0x16a: {  	v47 =	vld [tilespmem:s20+$0x80];
	v55 =	vmul.f32 v48, v16;
	v40 =	vadd.f32 v41, v40;
	v59 =	vmul.f32 v48, v24  }
0x16b: {  	v60 =	vmul.f32 v50, v45;
	v50 =	vld [tilespmem:s20+$0x90];
	v61 =	vmul.f32 v44, v9;
	v49 =	vsub.f32 v62, v54  }
0x16c: {  	v62 =	vld [tilespmem:s22+$0x90];
	v42 =	vadd.f32 v63, v42;
	v43 =	vadd.f32 v55, v43;
	v63 =	vmul.f32 v44, v17  }
0x16d: {  	v40 =	vadd.f32 v59, v40;
	v44 =	vmul.f32 v44, v25;
	v48 =	vadd.f32 v60, v51;
	v51 =	vld [tilespmem:s22+$0xA0]  }
0x16e: {  	v57 =	vmul.f32 v49, v45;
	v49 =	vld [tilespmem:s20+$0xA0];
	v41 =	vadd.f32 v61, v42;
	v43 =	vadd.f32 v63, v43  }
0x16f: {  	v40 =	vadd.f32 v44, v40;
	v59 =	vmul.f32 v48, v10;
	v58 =	vsub.f32 v56, v47  }
0x170: {  	v52 =	vld [tilespmem:s20+$0xB0];
	v60 =	vmul.f32 v48, v18;
	v61 =	vmul.f32 v48, v26;
	v42 =	vadd.f32 v57, v54  }
0x171: {  	v57 =	vld [tilespmem:s22+$0xB0];
	v41 =	vadd.f32 v59, v41;
	v62 =	vsub.f32 v62, v50;
	v45 =	vmul.f32 v58, v46  }
0x172: {  	v43 =	vadd.f32 v60, v43;
	v40 =	vadd.f32 v61, v40;
	v63 =	vmul.f32 v42, v11  }
0x173: {  	v55 =	vld [tilespmem:s22+$0xC0];
	v48 =	vmul.f32 v62, v46;
	v51 =	vsub.f32 v51, v49;
	v45 =	vadd.f32 v45, v47  }
0x174: {  	v54 =	vld [tilespmem:s20+$0xC0];
	v58 =	vmul.f32 v42, v19;
	v42 =	vmul.f32 v42, v27;
	v41 =	vadd.f32 v63, v41  }
0x175: {  	v48 =	vadd.f32 v48, v50;
	v51 =	vmul.f32 v51, v46;
	v59 =	vmul.f32 v45, v4  }
0x176: {  	v53 =	vld [tilespmem:s22+$0xE0];
	v47 =	vsub.f32 v57, v52;
	v60 =	vmul.f32 v45, v12;
	v45 =	vmul.f32 v45, v20  }
0x177: {  	v43 =	vadd.f32 v58, v43;
	v57 =	vld [tilespmem:s20+$0xE0];
	v62 =	vmul.f32 v48, v5;
	v63 =	vmul.f32 v48, v13  }
0x178: {  	v49 =	vadd.f32 v51, v49;
	v51 =	vld [tilespmem:s20+$0xD0];
	v47 =	vmul.f32 v47, v46;
	v61 =	vadd.f32 v59, v28  }
0x179: {  	v48 =	vmul.f32 v48, v21;
	v44 =	vadd.f32 v60, v29;
	v60 =	vsub.f32 v55, v54;
	v55 =	vld [tilespmem:s22+$0xD0]  }
0x17a: {  	v45 =	vadd.f32 v45, v30;
	v50 =	vadd.f32 v62, v61;
	v61 =	vmul.f32 v49, v6  }
0x17b: {  	v47 =	vadd.f32 v47, v52;
	v44 =	vadd.f32 v63, v44;
	v62 =	vmul.f32 v60, v46  }
0x17c: {  	v58 =	vmul.f32 v49, v14;
	v45 =	vadd.f32 v48, v45;
	v63 =	vadd.f32 v61, v50;
	v50 =	vld [tilespmem:s20+$0xF0]  }
0x17d: {  	v49 =	vmul.f32 v49, v22;
	v53 =	vsub.f32 v53, v57;
	v52 =	vadd.f32 v62, v54;
	v54 =	vld [tilespmem:s22+$0xF0]  }
0x17e: {  	v60 =	vmul.f32 v47, v7;
	v44 =	vadd.f32 v58, v44;
	v55 =	vsub.f32 v55, v51  }
0x17f: {  	v45 =	vadd.f32 v49, v45;
	v61 =	vmul.f32 v47, v15;
	v47 =	vmul.f32 v47, v23  }
0x180: {  	v48 =	vadd.f32 v60, v63;
	v62 =	vmul.f32 v52, v8;
	v63 =	vmul.f32 v55, v46  }
0x181: {  	v44 =	vadd.f32 v61, v44;
	v45 =	vadd.f32 v47, v45;
	v59 =	vmul.f32 v52, v16  }
0x182: {  	(xrf2) =	vadd.scan.msk.f32 $0xffff, v34;
	v60 =	vmul.f32 v53, v46;
	v49 =	vadd.f32 v63, v51;
	v61 =	vsub.f32 v54, v50  }
0x183: {  	(xrf2) =	vadd.scan.msk.f32 $0xffff, v36;
	v58 =	vadd.f32 v62, v48;
	v62 =	vadd.f32 v59, v44;
	v63 =	vmul.f32 v52, v24  }
0x184: {  	(xrf2) =	vadd.scan.msk.f32 $0xffff, v35;
	v52 =	vadd.f32 v60, v57;
	v46 =	vmul.f32 v61, v46;
	v54 =	vmul.f32 v49, v9  }
0x185: {  	(xrf2) =	vadd.scan.msk.f32 $0xffff, v39;
	v55 =	vadd.f32 v63, v45;
	v56 =	vmul.f32 v49, v17;
	v57 =	vmul.f32 v49, v25  }
0x186: {  	(xrf2) =	vadd.scan.msk.f32 $0xffff, v38;
	v59 =	vmul.f32 v52, v10;
	v58 =	vadd.f32 v54, v58;
	v46 =	vadd.f32 v46, v50  }
0x187: {  	(xrf2) =	vadd.scan.msk.f32 $0xffff, v37;
	v60 =	vmul.f32 v52, v18;
	v36 =	vmul.f32 v52, v26;
	v34 =	vadd.f32 v56, v62  }
0x188: {  	(xrf2) =	vadd.scan.msk.f32 $0xffff, v41;
	v35 =	vadd.f32 v57, v55;
	v61 =	vadd.f32 v59, v58;
	v62 =	vmul.f32 v46, v11  }
0x189: {  	v40 =	vadd.f32 v42, v40;
	v34 =	vadd.f32 v60, v34;
	v63 =	vmul.f32 v46, v19  }
0x18a: {  	(xrf2) =	vadd.scan.msk.f32 $0xffff, v43;
	v35 =	vadd.f32 v36, v35;
	v42 =	vmul.f32 v46, v27;
	v41 =	vadd.f32 v62, v61  }
0x18b: {  	(xrf2) =	vadd.scan.msk.f32 $0xffff, v40;
	v34 =	vadd.f32 v63, v34  }
0x18c: {  	v43, _, _ =	vpop (xrf2);
	v35 =	vadd.f32 v42, v35;
	(xrf2) =	vadd.scan.msk.f32 $0xffff, v41  }
0x18d: {  	s0 =	sand.u32 $0xC, s16;
	v44, _, _ =	vpop (xrf2);
	(xrf2) =	vadd.scan.msk.f32 $0xffff, v34  }
0x18e: {  	s5 =	sor.u32 $0x1, s0;
	v45, _, _ =	vpop (xrf2);
	(xrf2) =	vadd.scan.msk.f32 $0xffff, v35  }
0x18f: {  	v51 =	vmov s5;
	v47, _, _ =	vpop (xrf2)  }
0x190: {  	s28 =	sor.u32 $0x2, s0;
	vm2 =	veq.s32 v51, v1;
	v48, _, _ =	vpop (xrf2)  }
0x191: {  	v50 =	vbroadcast v45, $0xF;
	v53 =	vbroadcast v47, $0xF;
	v55 =	vmov s28;
	v49, _, _ =	vpop (xrf2)  }
0x192: {  	s28 =	sor.u32 $0x3, s0;
	v37 =	vbroadcast v48, $0xF;
	v46 =	vmov s0;
	v36 =	vbroadcast v43, $0xF;
	v52, _, _ =	vpop (xrf2)  }
0x193: {  	v60 =	vmov s28;
	vm1 =	veq.s32 v46, v1;
	v39 =	vbroadcast v52, $0xF  }
0x194: {  	v54, _, _ =	vpop (xrf2);
	v33 =	vsel vm1, v36, v33;
	v36 =	vbroadcast v49, $0xF;
	v34 =	vbroadcast v44, $0xF  }
0x195: {  	v56, _, _ =	vpop (xrf2);
	v31 =	vsel vm1, v50, v31;
	v59 =	vbroadcast v54, $0xF;
	v33 =	vsel vm2, v53, v33  }
0x196: {  	s16 =	sadd.s32 $0x4, s16;
	v62 =	vbroadcast v56, $0xF;
	v31 =	vsel vm2, v36, v31;
	v32 =	vsel vm1, v34, v32;
	v57, _, _ =	vpop (xrf2)  }
0x197: {  	p1 =	sne.s32 s16, $0x80;
	vm1 =	veq.s32 v55, v1;
	v32 =	vsel vm2, v37, v32;
	v58, _, _ =	vpop (xrf2);
	v34 =	vbroadcast v57, $0xF  }
.Ltmp2:
0x198: {  	v33 =	vsel vm1, v39, v33;
	vm2 =	veq.s32 v60, v1;
	v61, _, _ =	vpop (xrf2);
	v35 =	vbroadcast v58, $0xF;
	(pc) =	sbr.rel @p1 .LBB2_6-.Ltmp2, $4  }
0x199: {  	p0 =	sne.s32 s0, $0xC;
	v32 =	vsel vm1, v59, v32;
	v33 =	vsel vm2, v34, v33;
	v63 =	vbroadcast v61, $0xF  }
0x19a: {  	v31 =	vsel vm1, v62, v31;
	v32 =	vsel vm2, v35, v32;
	[tilespmem:s18+$0xFFFFFC00] =	vst @!p0 v33  }
0x19b: {  	v31 =	vsel vm2, v63, v31;
	[tilespmem:s18+$0xFFFFFE00] =	vst @!p0 v32  }
0x19c: {  	s20 =	sadd.s32 $0x200, s20;
	s22 =	sadd.s32 $0x200, s22;
	v33 =	vpsel !p0, $0x0, v33;
	v32 =	vpsel !p0, $0x0, v32;
	[tilespmem:s18+$0x0] =	vst @!p0 v31;
	v31 =	vpsel !p0, $0x0, v31;
	s18 =	sadd.s32 $0x4, s18  }
0x19d: {  	s0 =	simm.s32 $0x780  }
0x19e: {  	[tilespmem:s21], [sflag:$0x3] =	stream.indirect.gather [hbm4b:s1+s15], $0x80, s0, s15, $0xb8;
	[tilespmem:$0x11190] =	vst v63  }
0x19f: {  	_ = 	snop  }
0x1a0: {  	[tilespmem:s23], [sflag:$0x4] =	stream.indirect.gather [hbm4b:s1+s15], $0x80, s3, s15, $0xb8;
	[tilespmem:$0x11190] =	vst v63  }
0x1a1: {  	_ =	swait.ge [sflag:s24], $0x4000  }
0x1a2: {  	[sflag:s24] =	ssyncset.done $0x0  }
0x1a3: {  	[sflag:s24] =	ssyncadd.s32 $0xFFFFC000  }
0x1a4: {  	_ =	swait.ge [sflag:s25], $0x4000  }
0x1a5: {  	s16 =	simm.s32 $0x0;
	s18 =	simm.s32 $0x11084;
	[sflag:s25] =	ssyncset.done $0x0  }
0x1a6: {  	s20 =	simm.s32 $0xB00;
	s22 =	simm.s32 $0x4B00;
	v31 =	vmov v30;
	v32 =	vmov v29;
	v33 =	vmov v28;
	[sflag:s25] =	ssyncadd.s32 $0xFFFFC000  }
.LBB2_8:
0x1a7: {  	v34 =	vmov s16;
	v35 =	vld [tilespmem:s20+$0xFFFFFF00]  }
0x1a8: {  	v36 =	vld [tilespmem:s22+$0xFFFFFF00];
	v34 =	vadd.s32 $0x100, v34  }
0x1a9: {  	v37 =	vld [tilespmem:s20+$0xFFFFFF10];
	v34 =	vand.u32 $0xFFFFFFFC, v34  }
0x1aa: {  	v38 =	vld [tilespmem:s22+$0xFFFFFF10];
	v34 =	vbroadcast v34, $0x0  }
0x1ab: {  	v39 =	vld [tilespmem:s20+$0xFFFFFF20]  }
0x1ac: {  	v40 =	vld [tilespmem:s22+$0xFFFFFF20]  }
0x1ad: {  	v51 =	vld [tilespmem:s20+$0xFFFFFF30]  }
0x1ae: {  	v53 =	vld [tilespmem:s20+$0xFFFFFF40]  }
0x1af: {  	v44 =	vld [tilespmem:s22+$0xFFFFFF40]  }
0x1b0: {  	v34 =	vld.idx.msk [tilespmem:v34+s26+$0x0], $0xffff  }
0x1b1: {  	v41 =	vld [tilespmem:s22+$0xFFFFFF30];
	_ =	sdelay $0x1  }
0x1b2: {  	v36 =	vsub.f32 v36, v35  }
0x1b3: {  	v38 =	vsub.f32 v38, v37;
	v40 =	vsub.f32 v40, v39  }
0x1b4: {  	v44 =	vsub.f32 v44, v53;
	v36 =	vmul.f32 v36, v34  }
0x1b5: {  	v54 =	vsub.f32 v41, v51;
	v38 =	vmul.f32 v38, v34;
	v52 =	vmul.f32 v40, v34  }
0x1b6: {  	v44 =	vmul.f32 v44, v34;
	v35 =	vadd.f32 v36, v35  }
0x1b7: {  	v59 =	vld [tilespmem:s20+$0xFFFFFF60];
	v37 =	vadd.f32 v38, v37;
	v38 =	vadd.f32 v52, v39;
	v39 =	vmul.f32 v54, v34  }
0x1b8: {  	s0 =	sadd.s32 $0x1, s16;
	v60 =	vld [tilespmem:s22+$0xFFFFFF60];
	v42 =	vmul.f32 v35, v4;
	v43 =	vmul.f32 v35, v12  }
0x1b9: {  	v47 =	vmov s0;
	v35 =	vmul.f32 v35, v20;
	v45 =	vmul.f32 v37, v5  }
0x1ba: {  	v55 =	vld [tilespmem:s20+$0xFFFFFF50];
	v61 =	vadd.s32 $0x100, v47;
	v46 =	vmul.f32 v37, v13;
	v37 =	vmul.f32 v37, v21  }
0x1bb: {  	v57 =	vld [tilespmem:s22+$0xFFFFFF50];
	v40 =	vadd.f32 v44, v53;
	v56 =	vmul.f32 v38, v6;
	v58 =	vmul.f32 v38, v14  }
0x1bc: {  	v48 =	vld [tilespmem:s20+$0xFFFFFF70];
	v36 =	vadd.f32 v39, v51;
	v38 =	vmul.f32 v38, v22;
	v43 =	vadd.f32 v43, v29  }
0x1bd: {  	v49 =	vld [tilespmem:s22+$0xFFFFFF70];
	v50 =	vmul.f32 v40, v8;
	v39 =	vsub.f32 v60, v59;
	v52 =	vmul.f32 v40, v16  }
0x1be: {  	v41 =	vld [tilespmem:s20+$0xFFFFFF80];
	v40 =	vmul.f32 v40, v24;
	v35 =	vadd.f32 v35, v30;
	v43 =	vadd.f32 v46, v43  }
0x1bf: {  	v53 =	vld [tilespmem:s22+$0xFFFFFF80];
	v42 =	vadd.f32 v42, v28;
	v62 =	vmul.f32 v36, v7;
	v39 =	vmul.f32 v39, v34  }
0x1c0: {  	v35 =	vadd.f32 v37, v35;
	v37 =	vadd.f32 v58, v43;
	v43 =	vand.u32 $0xFFFFFFFD, v61  }
0x1c1: {  	v42 =	vadd.f32 v45, v42;
	v46 =	vsub.f32 v57, v55;
	v43 =	vbroadcast v43, $0x0  }
0x1c2: {  	v44 =	vsub.f32 v49, v48;
	v63 =	vmul.f32 v36, v15;
	v36 =	vmul.f32 v36, v23  }
0x1c3: {  	v60 =	vld [tilespmem:s22+$0xFFFFFFA0];
	v39 =	vadd.f32 v39, v59;
	v42 =	vadd.f32 v56, v42;
	v46 =	vmul.f32 v46, v34  }
0x1c4: {  	v45 =	vld [tilespmem:s20+$0xFFFFFF90];
	v59 =	vsub.f32 v53, v41;
	v35 =	vadd.f32 v38, v35;
	v34 =	vmul.f32 v44, v34  }
0x1c5: {  	v56 =	vld [tilespmem:s22+$0xFFFFFF90];
	v57 =	vmul.f32 v39, v10;
	v42 =	vadd.f32 v62, v42;
	v51 =	vadd.f32 v46, v55  }
0x1c6: {  	v44 =	vld [tilespmem:s20+$0xFFFFFFA0];
	v58 =	vmul.f32 v39, v18;
	v37 =	vadd.f32 v63, v37;
	v35 =	vadd.f32 v36, v35  }
0x1c7: {  	v48 =	vadd.f32 v34, v48;
	v38 =	vadd.f32 v50, v42;
	v54 =	vmul.f32 v51, v9;
	v43 =	vld.idx.msk [tilespmem:v43+s26+$0x0], $0xffff  }
0x1c8: {  	v37 =	vadd.f32 v52, v37;
	v55 =	vmul.f32 v51, v17;
	v35 =	vadd.f32 v40, v35;
	v40 =	vld [tilespmem:s20+$0xFFFFFFB0]  }
0x1c9: {  	v62 =	vmul.f32 v39, v26;
	v36 =	vmul.f32 v51, v25;
	v38 =	vadd.f32 v54, v38;
	v54 =	vld [tilespmem:s22+$0xFFFFFFB0]  }
0x1ca: {  	v63 =	vmul.f32 v48, v11;
	v49 =	vsub.f32 v56, v45;
	v37 =	vadd.f32 v55, v37  }
0x1cb: {  	v50 =	vmul.f32 v48, v19;
	v35 =	vadd.f32 v36, v35;
	v61 =	vadd.f32 v57, v38  }
0x1cc: {  	v53 =	vsub.f32 v60, v44;
	v60 =	vld [tilespmem:s22+$0xFFFFFFC0];
	v37 =	vadd.f32 v58, v37;
	v47 =	vmul.f32 v59, v43  }
0x1cd: {  	v35 =	vadd.f32 v62, v35;
	v58 =	vld [tilespmem:s20+$0xFFFFFFC0];
	v34 =	vadd.f32 v63, v61;
	v38 =	vmul.f32 v49, v43  }
0x1ce: {  	v62 =	vsub.f32 v54, v40;
	v57 =	vmul.f32 v53, v43;
	v51 =	vadd.f32 v47, v41  }
0x1cf: {  	v52 =	vmul.f32 v48, v27;
	v36 =	vadd.f32 v50, v37;
	v38 =	vadd.f32 v38, v45  }
0x1d0: {  	v41 =	vadd.f32 v57, v44;
	v44 =	vmul.f32 v62, v43;
	v55 =	vmul.f32 v51, v4  }
0x1d1: {  	v35 =	vadd.f32 v52, v35;
	v56 =	vmul.f32 v51, v12;
	v39 =	vmul.f32 v51, v20  }
0x1d2: {  	s28 =	sadd.s32 $0x2, s16;
	v63 =	vld [tilespmem:s20+$0xFFFFFFD0];
	v47 =	vsub.f32 v60, v58;
	v61 =	vmul.f32 v38, v5;
	v49 =	vmul.f32 v38, v13  }
0x1d3: {  	v50 =	vmov s28;
	v53 =	vld [tilespmem:s22+$0xFFFFFFD0];
	v38 =	vmul.f32 v38, v21;
	v52 =	vmul.f32 v41, v6  }
0x1d4: {  	v48 =	vld [tilespmem:s20+$0xFFFFFFE0];
	v54 =	vmul.f32 v41, v14;
	v40 =	vadd.f32 v44, v40;
	v47 =	vmul.f32 v47, v43  }
0x1d5: {  	v42 =	vld [tilespmem:s20+$0xFFFFFFF0];
	v41 =	vmul.f32 v41, v22;
	v37 =	vadd.f32 v55, v28;
	v59 =	vadd.f32 v56, v29  }
0x1d6: {  	v60 =	vld [tilespmem:s22+$0xFFFFFFF0];
	v39 =	vadd.f32 v39, v30;
	v56 =	vadd.s32 $0x100, v50;
	v58 =	vadd.f32 v47, v58  }
0x1d7: {  	v55 =	vld [tilespmem:s22+$0xFFFFFFE0];
	v57 =	vmul.f32 v40, v7;
	v37 =	vadd.f32 v61, v37;
	v45 =	vadd.f32 v49, v59  }
0x1d8: {  	v49 =	vsub.f32 v53, v63;
	v59 =	vmul.f32 v40, v15;
	v40 =	vmul.f32 v40, v23  }
0x1d9: {  	v38 =	vadd.f32 v38, v39;
	v51 =	vmul.f32 v58, v8;
	v61 =	vmul.f32 v58, v16  }
0x1da: {  	v39 =	vadd.f32 v54, v45;
	v45 =	vand.u32 $0xFFFFFFFE, v56;
	v49 =	vmul.f32 v49, v43  }
0x1db: {  	s5 =	sadd.s32 $0x3, s16;
	v50 =	vld [tilespmem:s20+$0x10];
	v37 =	vadd.f32 v52, v37;
	v56 =	vsub.f32 v60, v42;
	v45 =	vbroadcast v45, $0x0  }
0x1dc: {  	v53 =	vmov s5;
	v44 =	vsub.f32 v55, v48;
	v46 =	vadd.f32 v49, v63;
	v49 =	vld [tilespmem:s20+$0x0]  }
0x1dd: {  	v38 =	vadd.f32 v41, v38;
	v41 =	vmul.f32 v58, v24;
	v37 =	vadd.f32 v57, v37;
	v63 =	vld [tilespmem:s22+$0x0]  }
0x1de: {  	v58 =	vld [tilespmem:s22+$0x10];
	v39 =	vadd.f32 v59, v39;
	v62 =	vmul.f32 v44, v43;
	v43 =	vmul.f32 v56, v43  }
0x1df: {  	v53 =	vadd.s32 $0x100, v53;
	v38 =	vadd.f32 v40, v38;
	v37 =	vadd.f32 v51, v37  }
0x1e0: {  	v53 =	vbroadcast v53, $0x0;
	v39 =	vadd.f32 v61, v39;
	v42 =	vadd.f32 v43, v42;
	v43 =	vld [tilespmem:s20+$0x20]  }
0x1e1: {  	v54 =	vmul.f32 v46, v9;
	v55 =	vmul.f32 v46, v17;
	v40 =	vadd.f32 v62, v48;
	v45 =	vld.idx.msk [tilespmem:v45+s26+$0x0], $0xffff  }
0x1e2: {  	v38 =	vadd.f32 v41, v38;
	v57 =	vmul.f32 v46, v25;
	v44 =	vsub.f32 v63, v49;
	v63 =	vld [tilespmem:s22+$0x20]  }
0x1e3: {  	v46 =	vsub.f32 v58, v50;
	v37 =	vadd.f32 v54, v37;
	v59 =	vmul.f32 v40, v10  }
0x1e4: {  	v39 =	vadd.f32 v55, v39;
	v60 =	vmul.f32 v40, v18;
	v61 =	vmul.f32 v40, v26  }
0x1e5: {  	v38 =	vadd.f32 v57, v38;
	v54 =	vmul.f32 v42, v11;
	v55 =	vmul.f32 v42, v19  }
0x1e6: {  	v58 =	vld [tilespmem:s22+$0x30];
	v37 =	vadd.f32 v59, v37;
	v41 =	vadd.f32 v60, v39;
	v62 =	vmul.f32 v44, v45  }
0x1e7: {  	v48 =	vld [tilespmem:s20+$0x40];
	v56 =	vadd.f32 v61, v38;
	v57 =	vmul.f32 v46, v45;
	v44 =	vsub.f32 v63, v43  }
0x1e8: {  	v42 =	vmul.f32 v42, v27;
	v39 =	vadd.f32 v54, v37;
	v40 =	vadd.f32 v62, v49;
	v49 =	vld [tilespmem:s20+$0x30]  }
0x1e9: {  	v61 =	vld [tilespmem:s22+$0x40];
	v38 =	vadd.f32 v55, v41;
	v41 =	vadd.f32 v57, v50;
	v44 =	vmul.f32 v44, v45  }
0x1ea: {  	v37 =	vadd.f32 v42, v56;
	v63 =	vld [tilespmem:s22+$0x50];
	v59 =	vmul.f32 v40, v4;
	v60 =	vmul.f32 v40, v12  }
0x1eb: {  	v40 =	vmul.f32 v40, v20;
	v50 =	vmul.f32 v41, v5;
	v43 =	vadd.f32 v44, v43;
	v44 =	vld [tilespmem:s20+$0x50]  }
0x1ec: {  	v52 =	vmul.f32 v41, v13;
	v42 =	vadd.f32 v59, v28;
	v47 =	vadd.f32 v60, v29  }
0x1ed: {  	v41 =	vmul.f32 v41, v21;
	v40 =	vadd.f32 v40, v30;
	v46 =	vsub.f32 v58, v49  }
0x1ee: {  	v51 =	vld [tilespmem:s20+$0x60];
	v56 =	vmul.f32 v43, v6;
	v57 =	vmul.f32 v43, v14;
	v58 =	vsub.f32 v61, v48  }
0x1ef: {  	v59 =	vld [tilespmem:s22+$0x60];
	v42 =	vadd.f32 v50, v42;
	v47 =	vadd.f32 v52, v47;
	v62 =	vmul.f32 v46, v45  }
0x1f0: {  	v43 =	vmul.f32 v43, v22;
	v40 =	vadd.f32 v41, v40;
	v46 =	vsub.f32 v63, v44  }
0x1f1: {  	v54 =	vld [tilespmem:s20+$0x70];
	v42 =	vadd.f32 v56, v42;
	v41 =	vadd.f32 v62, v49;
	v49 =	vmul.f32 v58, v45  }
0x1f2: {  	v47 =	vadd.f32 v57, v47;
	v40 =	vadd.f32 v43, v40;
	v62 =	vld [tilespmem:s22+$0x70];
	v46 =	vmul.f32 v46, v45  }
0x1f3: {  	v60 =	vmul.f32 v41, v7;
	v61 =	vmul.f32 v41, v15;
	v48 =	vadd.f32 v49, v48  }
0x1f4: {  	v56 =	vld [tilespmem:s22+$0x80];
	v50 =	vsub.f32 v59, v51;
	v41 =	vmul.f32 v41, v23;
	v44 =	vadd.f32 v46, v44  }
0x1f5: {  	v46 =	vld.idx.msk [tilespmem:v53+s26+$0x0], $0xffff;
	v42 =	vadd.f32 v60, v42;
	v43 =	vadd.f32 v61, v47;
	v63 =	vmul.f32 v48, v8  }
0x1f6: {  	v47 =	vld [tilespmem:s20+$0x80];
	v55 =	vmul.f32 v48, v16;
	v40 =	vadd.f32 v41, v40;
	v59 =	vmul.f32 v48, v24  }
0x1f7: {  	v60 =	vmul.f32 v50, v45;
	v50 =	vld [tilespmem:s20+$0x90];
	v61 =	vmul.f32 v44, v9;
	v49 =	vsub.f32 v62, v54  }
0x1f8: {  	v62 =	vld [tilespmem:s22+$0x90];
	v42 =	vadd.f32 v63, v42;
	v43 =	vadd.f32 v55, v43;
	v63 =	vmul.f32 v44, v17  }
0x1f9: {  	v40 =	vadd.f32 v59, v40;
	v44 =	vmul.f32 v44, v25;
	v48 =	vadd.f32 v60, v51;
	v51 =	vld [tilespmem:s22+$0xA0]  }
0x1fa: {  	v57 =	vmul.f32 v49, v45;
	v49 =	vld [tilespmem:s20+$0xA0];
	v41 =	vadd.f32 v61, v42;
	v43 =	vadd.f32 v63, v43  }
0x1fb: {  	v40 =	vadd.f32 v44, v40;
	v59 =	vmul.f32 v48, v10;
	v58 =	vsub.f32 v56, v47  }
0x1fc: {  	v52 =	vld [tilespmem:s20+$0xB0];
	v60 =	vmul.f32 v48, v18;
	v61 =	vmul.f32 v48, v26;
	v42 =	vadd.f32 v57, v54  }
0x1fd: {  	v57 =	vld [tilespmem:s22+$0xB0];
	v41 =	vadd.f32 v59, v41;
	v62 =	vsub.f32 v62, v50;
	v45 =	vmul.f32 v58, v46  }
0x1fe: {  	v43 =	vadd.f32 v60, v43;
	v40 =	vadd.f32 v61, v40;
	v63 =	vmul.f32 v42, v11  }
0x1ff: {  	v55 =	vld [tilespmem:s22+$0xC0];
	v48 =	vmul.f32 v62, v46;
	v51 =	vsub.f32 v51, v49;
	v45 =	vadd.f32 v45, v47  }
0x200: {  	v54 =	vld [tilespmem:s20+$0xC0];
	v58 =	vmul.f32 v42, v19;
	v42 =	vmul.f32 v42, v27;
	v41 =	vadd.f32 v63, v41  }
0x201: {  	v48 =	vadd.f32 v48, v50;
	v51 =	vmul.f32 v51, v46;
	v59 =	vmul.f32 v45, v4  }
0x202: {  	v53 =	vld [tilespmem:s22+$0xE0];
	v47 =	vsub.f32 v57, v52;
	v60 =	vmul.f32 v45, v12;
	v45 =	vmul.f32 v45, v20  }
0x203: {  	v43 =	vadd.f32 v58, v43;
	v57 =	vld [tilespmem:s20+$0xE0];
	v62 =	vmul.f32 v48, v5;
	v63 =	vmul.f32 v48, v13  }
0x204: {  	v49 =	vadd.f32 v51, v49;
	v51 =	vld [tilespmem:s20+$0xD0];
	v47 =	vmul.f32 v47, v46;
	v61 =	vadd.f32 v59, v28  }
0x205: {  	v48 =	vmul.f32 v48, v21;
	v44 =	vadd.f32 v60, v29;
	v60 =	vsub.f32 v55, v54;
	v55 =	vld [tilespmem:s22+$0xD0]  }
0x206: {  	v45 =	vadd.f32 v45, v30;
	v50 =	vadd.f32 v62, v61;
	v61 =	vmul.f32 v49, v6  }
0x207: {  	v47 =	vadd.f32 v47, v52;
	v44 =	vadd.f32 v63, v44;
	v62 =	vmul.f32 v60, v46  }
0x208: {  	v58 =	vmul.f32 v49, v14;
	v45 =	vadd.f32 v48, v45;
	v63 =	vadd.f32 v61, v50;
	v50 =	vld [tilespmem:s20+$0xF0]  }
0x209: {  	v49 =	vmul.f32 v49, v22;
	v53 =	vsub.f32 v53, v57;
	v52 =	vadd.f32 v62, v54;
	v54 =	vld [tilespmem:s22+$0xF0]  }
0x20a: {  	v60 =	vmul.f32 v47, v7;
	v44 =	vadd.f32 v58, v44;
	v55 =	vsub.f32 v55, v51  }
0x20b: {  	v45 =	vadd.f32 v49, v45;
	v61 =	vmul.f32 v47, v15;
	v47 =	vmul.f32 v47, v23  }
0x20c: {  	v48 =	vadd.f32 v60, v63;
	v62 =	vmul.f32 v52, v8;
	v63 =	vmul.f32 v55, v46  }
0x20d: {  	v44 =	vadd.f32 v61, v44;
	v45 =	vadd.f32 v47, v45;
	v59 =	vmul.f32 v52, v16  }
0x20e: {  	(xrf2) =	vadd.scan.msk.f32 $0xffff, v34;
	v60 =	vmul.f32 v53, v46;
	v49 =	vadd.f32 v63, v51;
	v61 =	vsub.f32 v54, v50  }
0x20f: {  	(xrf2) =	vadd.scan.msk.f32 $0xffff, v36;
	v58 =	vadd.f32 v62, v48;
	v62 =	vadd.f32 v59, v44;
	v63 =	vmul.f32 v52, v24  }
0x210: {  	(xrf2) =	vadd.scan.msk.f32 $0xffff, v35;
	v52 =	vadd.f32 v60, v57;
	v46 =	vmul.f32 v61, v46;
	v54 =	vmul.f32 v49, v9  }
0x211: {  	(xrf2) =	vadd.scan.msk.f32 $0xffff, v39;
	v55 =	vadd.f32 v63, v45;
	v56 =	vmul.f32 v49, v17;
	v57 =	vmul.f32 v49, v25  }
0x212: {  	(xrf2) =	vadd.scan.msk.f32 $0xffff, v38;
	v59 =	vmul.f32 v52, v10;
	v58 =	vadd.f32 v54, v58;
	v46 =	vadd.f32 v46, v50  }
0x213: {  	(xrf2) =	vadd.scan.msk.f32 $0xffff, v37;
	v60 =	vmul.f32 v52, v18;
	v36 =	vmul.f32 v52, v26;
	v34 =	vadd.f32 v56, v62  }
0x214: {  	(xrf2) =	vadd.scan.msk.f32 $0xffff, v41;
	v35 =	vadd.f32 v57, v55;
	v61 =	vadd.f32 v59, v58;
	v62 =	vmul.f32 v46, v11  }
0x215: {  	v40 =	vadd.f32 v42, v40;
	v34 =	vadd.f32 v60, v34;
	v63 =	vmul.f32 v46, v19  }
0x216: {  	(xrf2) =	vadd.scan.msk.f32 $0xffff, v43;
	v35 =	vadd.f32 v36, v35;
	v42 =	vmul.f32 v46, v27;
	v41 =	vadd.f32 v62, v61  }
0x217: {  	(xrf2) =	vadd.scan.msk.f32 $0xffff, v40;
	v34 =	vadd.f32 v63, v34  }
0x218: {  	v43, _, _ =	vpop (xrf2);
	v35 =	vadd.f32 v42, v35;
	(xrf2) =	vadd.scan.msk.f32 $0xffff, v41  }
0x219: {  	s0 =	sand.u32 $0xC, s16;
	v44, _, _ =	vpop (xrf2);
	(xrf2) =	vadd.scan.msk.f32 $0xffff, v34  }
0x21a: {  	s5 =	sor.u32 $0x1, s0;
	v45, _, _ =	vpop (xrf2);
	(xrf2) =	vadd.scan.msk.f32 $0xffff, v35  }
0x21b: {  	v51 =	vmov s5;
	v47, _, _ =	vpop (xrf2)  }
0x21c: {  	s28 =	sor.u32 $0x2, s0;
	vm2 =	veq.s32 v51, v1;
	v48, _, _ =	vpop (xrf2)  }
0x21d: {  	v50 =	vbroadcast v45, $0xF;
	v53 =	vbroadcast v47, $0xF;
	v55 =	vmov s28;
	v49, _, _ =	vpop (xrf2)  }
0x21e: {  	s28 =	sor.u32 $0x3, s0;
	v37 =	vbroadcast v48, $0xF;
	v46 =	vmov s0;
	v36 =	vbroadcast v43, $0xF;
	v52, _, _ =	vpop (xrf2)  }
0x21f: {  	v60 =	vmov s28;
	vm1 =	veq.s32 v46, v1;
	v39 =	vbroadcast v52, $0xF  }
0x220: {  	v54, _, _ =	vpop (xrf2);
	v33 =	vsel vm1, v36, v33;
	v36 =	vbroadcast v49, $0xF;
	v34 =	vbroadcast v44, $0xF  }
0x221: {  	v56, _, _ =	vpop (xrf2);
	v31 =	vsel vm1, v50, v31;
	v59 =	vbroadcast v54, $0xF;
	v33 =	vsel vm2, v53, v33  }
0x222: {  	s16 =	sadd.s32 $0x4, s16;
	v62 =	vbroadcast v56, $0xF;
	v31 =	vsel vm2, v36, v31;
	v32 =	vsel vm1, v34, v32;
	v57, _, _ =	vpop (xrf2)  }
0x223: {  	p1 =	sne.s32 s16, $0x80;
	vm1 =	veq.s32 v55, v1;
	v32 =	vsel vm2, v37, v32;
	v58, _, _ =	vpop (xrf2);
	v34 =	vbroadcast v57, $0xF  }
.Ltmp3:
0x224: {  	v33 =	vsel vm1, v39, v33;
	vm2 =	veq.s32 v60, v1;
	v61, _, _ =	vpop (xrf2);
	v35 =	vbroadcast v58, $0xF;
	(pc) =	sbr.rel @p1 .LBB2_8-.Ltmp3, $4  }
0x225: {  	p0 =	sne.s32 s0, $0xC;
	v32 =	vsel vm1, v59, v32;
	v33 =	vsel vm2, v34, v33;
	v63 =	vbroadcast v61, $0xF  }
0x226: {  	v31 =	vsel vm1, v62, v31;
	v32 =	vsel vm2, v35, v32;
	[tilespmem:s18+$0xFFFFFC00] =	vst @!p0 v33  }
0x227: {  	v31 =	vsel vm2, v63, v31;
	[tilespmem:s18+$0xFFFFFE00] =	vst @!p0 v32  }
0x228: {  	s20 =	sadd.s32 $0x200, s20;
	s22 =	sadd.s32 $0x200, s22;
	v33 =	vpsel !p0, $0x0, v33;
	v32 =	vpsel !p0, $0x0, v32;
	[tilespmem:s18+$0x0] =	vst @!p0 v31;
	v31 =	vpsel !p0, $0x0, v31;
	s18 =	sadd.s32 $0x4, s18  }
0x229: {  	_ =	swait.ge [sflag:s30], $0x4000  }
0x22a: {  	[sflag:s30] =	ssyncset.done $0x0  }
0x22b: {  	[sflag:s30] =	ssyncadd.s32 $0xFFFFC000  }
0x22c: {  	_ =	swait.ge [sflag:s31], $0x4000  }
0x22d: {  	s16 =	simm.s32 $0x0;
	s18 =	simm.s32 $0x11104;
	[sflag:s31] =	ssyncset.done $0x0  }
0x22e: {  	s20 =	simm.s32 $0x8B00;
	s22 =	simm.s32 $0xCB00;
	v31 =	vmov v30;
	v32 =	vmov v29;
	v33 =	vmov v28;
	[sflag:s31] =	ssyncadd.s32 $0xFFFFC000  }
.LBB2_10:
0x22f: {  	v34 =	vmov s16;
	v35 =	vld [tilespmem:s20+$0xFFFFFF00]  }
0x230: {  	v36 =	vld [tilespmem:s22+$0xFFFFFF00];
	v34 =	vadd.s32 $0x180, v34  }
0x231: {  	v37 =	vld [tilespmem:s20+$0xFFFFFF10];
	v34 =	vand.u32 $0xFFFFFFFC, v34  }
0x232: {  	v38 =	vld [tilespmem:s22+$0xFFFFFF10];
	v34 =	vbroadcast v34, $0x0  }
0x233: {  	v39 =	vld [tilespmem:s20+$0xFFFFFF20]  }
0x234: {  	v40 =	vld [tilespmem:s22+$0xFFFFFF20]  }
0x235: {  	v51 =	vld [tilespmem:s20+$0xFFFFFF30]  }
0x236: {  	v53 =	vld [tilespmem:s20+$0xFFFFFF40]  }
0x237: {  	v44 =	vld [tilespmem:s22+$0xFFFFFF40]  }
0x238: {  	v34 =	vld.idx.msk [tilespmem:v34+s26+$0x0], $0xffff  }
0x239: {  	v41 =	vld [tilespmem:s22+$0xFFFFFF30];
	_ =	sdelay $0x1  }
0x23a: {  	v36 =	vsub.f32 v36, v35  }
0x23b: {  	v38 =	vsub.f32 v38, v37;
	v40 =	vsub.f32 v40, v39  }
0x23c: {  	v44 =	vsub.f32 v44, v53;
	v36 =	vmul.f32 v36, v34  }
0x23d: {  	v54 =	vsub.f32 v41, v51;
	v38 =	vmul.f32 v38, v34;
	v52 =	vmul.f32 v40, v34  }
0x23e: {  	v44 =	vmul.f32 v44, v34;
	v35 =	vadd.f32 v36, v35  }
0x23f: {  	v59 =	vld [tilespmem:s20+$0xFFFFFF60];
	v37 =	vadd.f32 v38, v37;
	v38 =	vadd.f32 v52, v39;
	v39 =	vmul.f32 v54, v34  }
0x240: {  	s0 =	sadd.s32 $0x1, s16;
	v60 =	vld [tilespmem:s22+$0xFFFFFF60];
	v42 =	vmul.f32 v35, v4;
	v43 =	vmul.f32 v35, v12  }
0x241: {  	v47 =	vmov s0;
	v35 =	vmul.f32 v35, v20;
	v45 =	vmul.f32 v37, v5  }
0x242: {  	v55 =	vld [tilespmem:s20+$0xFFFFFF50];
	v61 =	vadd.s32 $0x180, v47;
	v46 =	vmul.f32 v37, v13;
	v37 =	vmul.f32 v37, v21  }
0x243: {  	v57 =	vld [tilespmem:s22+$0xFFFFFF50];
	v40 =	vadd.f32 v44, v53;
	v56 =	vmul.f32 v38, v6;
	v58 =	vmul.f32 v38, v14  }
0x244: {  	v48 =	vld [tilespmem:s20+$0xFFFFFF70];
	v36 =	vadd.f32 v39, v51;
	v38 =	vmul.f32 v38, v22;
	v43 =	vadd.f32 v43, v29  }
0x245: {  	v49 =	vld [tilespmem:s22+$0xFFFFFF70];
	v50 =	vmul.f32 v40, v8;
	v39 =	vsub.f32 v60, v59;
	v52 =	vmul.f32 v40, v16  }
0x246: {  	v41 =	vld [tilespmem:s20+$0xFFFFFF80];
	v40 =	vmul.f32 v40, v24;
	v35 =	vadd.f32 v35, v30;
	v43 =	vadd.f32 v46, v43  }
0x247: {  	v53 =	vld [tilespmem:s22+$0xFFFFFF80];
	v42 =	vadd.f32 v42, v28;
	v62 =	vmul.f32 v36, v7;
	v39 =	vmul.f32 v39, v34  }
0x248: {  	v35 =	vadd.f32 v37, v35;
	v37 =	vadd.f32 v58, v43;
	v43 =	vand.u32 $0xFFFFFFFD, v61  }
0x249: {  	v42 =	vadd.f32 v45, v42;
	v46 =	vsub.f32 v57, v55;
	v43 =	vbroadcast v43, $0x0  }
0x24a: {  	v44 =	vsub.f32 v49, v48;
	v63 =	vmul.f32 v36, v15;
	v36 =	vmul.f32 v36, v23  }
0x24b: {  	v60 =	vld [tilespmem:s22+$0xFFFFFFA0];
	v39 =	vadd.f32 v39, v59;
	v42 =	vadd.f32 v56, v42;
	v46 =	vmul.f32 v46, v34  }
0x24c: {  	v45 =	vld [tilespmem:s20+$0xFFFFFF90];
	v59 =	vsub.f32 v53, v41;
	v35 =	vadd.f32 v38, v35;
	v34 =	vmul.f32 v44, v34  }
0x24d: {  	v56 =	vld [tilespmem:s22+$0xFFFFFF90];
	v57 =	vmul.f32 v39, v10;
	v42 =	vadd.f32 v62, v42;
	v51 =	vadd.f32 v46, v55  }
0x24e: {  	v44 =	vld [tilespmem:s20+$0xFFFFFFA0];
	v58 =	vmul.f32 v39, v18;
	v37 =	vadd.f32 v63, v37;
	v35 =	vadd.f32 v36, v35  }
0x24f: {  	v48 =	vadd.f32 v34, v48;
	v38 =	vadd.f32 v50, v42;
	v54 =	vmul.f32 v51, v9;
	v43 =	vld.idx.msk [tilespmem:v43+s26+$0x0], $0xffff  }
0x250: {  	v37 =	vadd.f32 v52, v37;
	v55 =	vmul.f32 v51, v17;
	v35 =	vadd.f32 v40, v35;
	v40 =	vld [tilespmem:s20+$0xFFFFFFB0]  }
0x251: {  	v62 =	vmul.f32 v39, v26;
	v36 =	vmul.f32 v51, v25;
	v38 =	vadd.f32 v54, v38;
	v54 =	vld [tilespmem:s22+$0xFFFFFFB0]  }
0x252: {  	v63 =	vmul.f32 v48, v11;
	v49 =	vsub.f32 v56, v45;
	v37 =	vadd.f32 v55, v37  }
0x253: {  	v50 =	vmul.f32 v48, v19;
	v35 =	vadd.f32 v36, v35;
	v61 =	vadd.f32 v57, v38  }
0x254: {  	v53 =	vsub.f32 v60, v44;
	v60 =	vld [tilespmem:s22+$0xFFFFFFC0];
	v37 =	vadd.f32 v58, v37;
	v47 =	vmul.f32 v59, v43  }
0x255: {  	v35 =	vadd.f32 v62, v35;
	v58 =	vld [tilespmem:s20+$0xFFFFFFC0];
	v34 =	vadd.f32 v63, v61;
	v38 =	vmul.f32 v49, v43  }
0x256: {  	v62 =	vsub.f32 v54, v40;
	v57 =	vmul.f32 v53, v43;
	v51 =	vadd.f32 v47, v41  }
0x257: {  	v52 =	vmul.f32 v48, v27;
	v36 =	vadd.f32 v50, v37;
	v38 =	vadd.f32 v38, v45  }
0x258: {  	v41 =	vadd.f32 v57, v44;
	v44 =	vmul.f32 v62, v43;
	v55 =	vmul.f32 v51, v4  }
0x259: {  	v35 =	vadd.f32 v52, v35;
	v56 =	vmul.f32 v51, v12;
	v39 =	vmul.f32 v51, v20  }
0x25a: {  	s28 =	sadd.s32 $0x2, s16;
	v63 =	vld [tilespmem:s20+$0xFFFFFFD0];
	v47 =	vsub.f32 v60, v58;
	v61 =	vmul.f32 v38, v5;
	v49 =	vmul.f32 v38, v13  }
0x25b: {  	v50 =	vmov s28;
	v53 =	vld [tilespmem:s22+$0xFFFFFFD0];
	v38 =	vmul.f32 v38, v21;
	v52 =	vmul.f32 v41, v6  }
0x25c: {  	v48 =	vld [tilespmem:s20+$0xFFFFFFE0];
	v54 =	vmul.f32 v41, v14;
	v40 =	vadd.f32 v44, v40;
	v47 =	vmul.f32 v47, v43  }
0x25d: {  	v42 =	vld [tilespmem:s20+$0xFFFFFFF0];
	v41 =	vmul.f32 v41, v22;
	v37 =	vadd.f32 v55, v28;
	v59 =	vadd.f32 v56, v29  }
0x25e: {  	v60 =	vld [tilespmem:s22+$0xFFFFFFF0];
	v39 =	vadd.f32 v39, v30;
	v56 =	vadd.s32 $0x180, v50;
	v58 =	vadd.f32 v47, v58  }
0x25f: {  	v55 =	vld [tilespmem:s22+$0xFFFFFFE0];
	v57 =	vmul.f32 v40, v7;
	v37 =	vadd.f32 v61, v37;
	v45 =	vadd.f32 v49, v59  }
0x260: {  	v49 =	vsub.f32 v53, v63;
	v59 =	vmul.f32 v40, v15;
	v40 =	vmul.f32 v40, v23  }
0x261: {  	v38 =	vadd.f32 v38, v39;
	v51 =	vmul.f32 v58, v8;
	v61 =	vmul.f32 v58, v16  }
0x262: {  	v39 =	vadd.f32 v54, v45;
	v45 =	vand.u32 $0xFFFFFFFE, v56;
	v49 =	vmul.f32 v49, v43  }
0x263: {  	s5 =	sadd.s32 $0x3, s16;
	v50 =	vld [tilespmem:s20+$0x10];
	v37 =	vadd.f32 v52, v37;
	v56 =	vsub.f32 v60, v42;
	v45 =	vbroadcast v45, $0x0  }
0x264: {  	v53 =	vmov s5;
	v44 =	vsub.f32 v55, v48;
	v46 =	vadd.f32 v49, v63;
	v49 =	vld [tilespmem:s20+$0x0]  }
0x265: {  	v38 =	vadd.f32 v41, v38;
	v41 =	vmul.f32 v58, v24;
	v37 =	vadd.f32 v57, v37;
	v63 =	vld [tilespmem:s22+$0x0]  }
0x266: {  	v58 =	vld [tilespmem:s22+$0x10];
	v39 =	vadd.f32 v59, v39;
	v62 =	vmul.f32 v44, v43;
	v43 =	vmul.f32 v56, v43  }
0x267: {  	v53 =	vadd.s32 $0x180, v53;
	v38 =	vadd.f32 v40, v38;
	v37 =	vadd.f32 v51, v37  }
0x268: {  	v53 =	vbroadcast v53, $0x0;
	v39 =	vadd.f32 v61, v39;
	v42 =	vadd.f32 v43, v42;
	v43 =	vld [tilespmem:s20+$0x20]  }
0x269: {  	v54 =	vmul.f32 v46, v9;
	v55 =	vmul.f32 v46, v17;
	v40 =	vadd.f32 v62, v48;
	v45 =	vld.idx.msk [tilespmem:v45+s26+$0x0], $0xffff  }
0x26a: {  	v38 =	vadd.f32 v41, v38;
	v57 =	vmul.f32 v46, v25;
	v44 =	vsub.f32 v63, v49;
	v63 =	vld [tilespmem:s22+$0x20]  }
0x26b: {  	v46 =	vsub.f32 v58, v50;
	v37 =	vadd.f32 v54, v37;
	v59 =	vmul.f32 v40, v10  }
0x26c: {  	v39 =	vadd.f32 v55, v39;
	v60 =	vmul.f32 v40, v18;
	v61 =	vmul.f32 v40, v26  }
0x26d: {  	v38 =	vadd.f32 v57, v38;
	v54 =	vmul.f32 v42, v11;
	v55 =	vmul.f32 v42, v19  }
0x26e: {  	v58 =	vld [tilespmem:s22+$0x30];
	v37 =	vadd.f32 v59, v37;
	v41 =	vadd.f32 v60, v39;
	v62 =	vmul.f32 v44, v45  }
0x26f: {  	v48 =	vld [tilespmem:s20+$0x40];
	v56 =	vadd.f32 v61, v38;
	v57 =	vmul.f32 v46, v45;
	v44 =	vsub.f32 v63, v43  }
0x270: {  	v42 =	vmul.f32 v42, v27;
	v39 =	vadd.f32 v54, v37;
	v40 =	vadd.f32 v62, v49;
	v49 =	vld [tilespmem:s20+$0x30]  }
0x271: {  	v61 =	vld [tilespmem:s22+$0x40];
	v38 =	vadd.f32 v55, v41;
	v41 =	vadd.f32 v57, v50;
	v44 =	vmul.f32 v44, v45  }
0x272: {  	v37 =	vadd.f32 v42, v56;
	v63 =	vld [tilespmem:s22+$0x50];
	v59 =	vmul.f32 v40, v4;
	v60 =	vmul.f32 v40, v12  }
0x273: {  	v40 =	vmul.f32 v40, v20;
	v50 =	vmul.f32 v41, v5;
	v43 =	vadd.f32 v44, v43;
	v44 =	vld [tilespmem:s20+$0x50]  }
0x274: {  	v52 =	vmul.f32 v41, v13;
	v42 =	vadd.f32 v59, v28;
	v47 =	vadd.f32 v60, v29  }
0x275: {  	v41 =	vmul.f32 v41, v21;
	v40 =	vadd.f32 v40, v30;
	v46 =	vsub.f32 v58, v49  }
0x276: {  	v51 =	vld [tilespmem:s20+$0x60];
	v56 =	vmul.f32 v43, v6;
	v57 =	vmul.f32 v43, v14;
	v58 =	vsub.f32 v61, v48  }
0x277: {  	v59 =	vld [tilespmem:s22+$0x60];
	v42 =	vadd.f32 v50, v42;
	v47 =	vadd.f32 v52, v47;
	v62 =	vmul.f32 v46, v45  }
0x278: {  	v43 =	vmul.f32 v43, v22;
	v40 =	vadd.f32 v41, v40;
	v46 =	vsub.f32 v63, v44  }
0x279: {  	v54 =	vld [tilespmem:s20+$0x70];
	v42 =	vadd.f32 v56, v42;
	v41 =	vadd.f32 v62, v49;
	v49 =	vmul.f32 v58, v45  }
0x27a: {  	v47 =	vadd.f32 v57, v47;
	v40 =	vadd.f32 v43, v40;
	v62 =	vld [tilespmem:s22+$0x70];
	v46 =	vmul.f32 v46, v45  }
0x27b: {  	v60 =	vmul.f32 v41, v7;
	v61 =	vmul.f32 v41, v15;
	v48 =	vadd.f32 v49, v48  }
0x27c: {  	v56 =	vld [tilespmem:s22+$0x80];
	v50 =	vsub.f32 v59, v51;
	v41 =	vmul.f32 v41, v23;
	v44 =	vadd.f32 v46, v44  }
0x27d: {  	v46 =	vld.idx.msk [tilespmem:v53+s26+$0x0], $0xffff;
	v42 =	vadd.f32 v60, v42;
	v43 =	vadd.f32 v61, v47;
	v63 =	vmul.f32 v48, v8  }
0x27e: {  	v47 =	vld [tilespmem:s20+$0x80];
	v55 =	vmul.f32 v48, v16;
	v40 =	vadd.f32 v41, v40;
	v59 =	vmul.f32 v48, v24  }
0x27f: {  	v60 =	vmul.f32 v50, v45;
	v50 =	vld [tilespmem:s20+$0x90];
	v61 =	vmul.f32 v44, v9;
	v49 =	vsub.f32 v62, v54  }
0x280: {  	v62 =	vld [tilespmem:s22+$0x90];
	v42 =	vadd.f32 v63, v42;
	v43 =	vadd.f32 v55, v43;
	v63 =	vmul.f32 v44, v17  }
0x281: {  	v40 =	vadd.f32 v59, v40;
	v44 =	vmul.f32 v44, v25;
	v48 =	vadd.f32 v60, v51;
	v51 =	vld [tilespmem:s22+$0xA0]  }
0x282: {  	v57 =	vmul.f32 v49, v45;
	v49 =	vld [tilespmem:s20+$0xA0];
	v41 =	vadd.f32 v61, v42;
	v43 =	vadd.f32 v63, v43  }
0x283: {  	v40 =	vadd.f32 v44, v40;
	v59 =	vmul.f32 v48, v10;
	v58 =	vsub.f32 v56, v47  }
0x284: {  	v52 =	vld [tilespmem:s20+$0xB0];
	v60 =	vmul.f32 v48, v18;
	v61 =	vmul.f32 v48, v26;
	v42 =	vadd.f32 v57, v54  }
0x285: {  	v57 =	vld [tilespmem:s22+$0xB0];
	v41 =	vadd.f32 v59, v41;
	v62 =	vsub.f32 v62, v50;
	v45 =	vmul.f32 v58, v46  }
0x286: {  	v43 =	vadd.f32 v60, v43;
	v40 =	vadd.f32 v61, v40;
	v63 =	vmul.f32 v42, v11  }
0x287: {  	v55 =	vld [tilespmem:s22+$0xC0];
	v48 =	vmul.f32 v62, v46;
	v51 =	vsub.f32 v51, v49;
	v45 =	vadd.f32 v45, v47  }
0x288: {  	v54 =	vld [tilespmem:s20+$0xC0];
	v58 =	vmul.f32 v42, v19;
	v42 =	vmul.f32 v42, v27;
	v41 =	vadd.f32 v63, v41  }
0x289: {  	v48 =	vadd.f32 v48, v50;
	v51 =	vmul.f32 v51, v46;
	v59 =	vmul.f32 v45, v4  }
0x28a: {  	v53 =	vld [tilespmem:s22+$0xE0];
	v47 =	vsub.f32 v57, v52;
	v60 =	vmul.f32 v45, v12;
	v45 =	vmul.f32 v45, v20  }
0x28b: {  	v43 =	vadd.f32 v58, v43;
	v57 =	vld [tilespmem:s20+$0xE0];
	v62 =	vmul.f32 v48, v5;
	v63 =	vmul.f32 v48, v13  }
0x28c: {  	v49 =	vadd.f32 v51, v49;
	v51 =	vld [tilespmem:s20+$0xD0];
	v47 =	vmul.f32 v47, v46;
	v61 =	vadd.f32 v59, v28  }
0x28d: {  	v48 =	vmul.f32 v48, v21;
	v44 =	vadd.f32 v60, v29;
	v60 =	vsub.f32 v55, v54;
	v55 =	vld [tilespmem:s22+$0xD0]  }
0x28e: {  	v45 =	vadd.f32 v45, v30;
	v50 =	vadd.f32 v62, v61;
	v61 =	vmul.f32 v49, v6  }
0x28f: {  	v47 =	vadd.f32 v47, v52;
	v44 =	vadd.f32 v63, v44;
	v62 =	vmul.f32 v60, v46  }
0x290: {  	v58 =	vmul.f32 v49, v14;
	v45 =	vadd.f32 v48, v45;
	v63 =	vadd.f32 v61, v50;
	v50 =	vld [tilespmem:s20+$0xF0]  }
0x291: {  	v49 =	vmul.f32 v49, v22;
	v53 =	vsub.f32 v53, v57;
	v52 =	vadd.f32 v62, v54;
	v54 =	vld [tilespmem:s22+$0xF0]  }
0x292: {  	v60 =	vmul.f32 v47, v7;
	v44 =	vadd.f32 v58, v44;
	v55 =	vsub.f32 v55, v51  }
0x293: {  	v45 =	vadd.f32 v49, v45;
	v61 =	vmul.f32 v47, v15;
	v47 =	vmul.f32 v47, v23  }
0x294: {  	v48 =	vadd.f32 v60, v63;
	v62 =	vmul.f32 v52, v8;
	v63 =	vmul.f32 v55, v46  }
0x295: {  	v44 =	vadd.f32 v61, v44;
	v45 =	vadd.f32 v47, v45;
	v59 =	vmul.f32 v52, v16  }
0x296: {  	(xrf2) =	vadd.scan.msk.f32 $0xffff, v34;
	v60 =	vmul.f32 v53, v46;
	v49 =	vadd.f32 v63, v51;
	v61 =	vsub.f32 v54, v50  }
0x297: {  	(xrf2) =	vadd.scan.msk.f32 $0xffff, v36;
	v58 =	vadd.f32 v62, v48;
	v62 =	vadd.f32 v59, v44;
	v63 =	vmul.f32 v52, v24  }
0x298: {  	(xrf2) =	vadd.scan.msk.f32 $0xffff, v35;
	v52 =	vadd.f32 v60, v57;
	v46 =	vmul.f32 v61, v46;
	v54 =	vmul.f32 v49, v9  }
0x299: {  	(xrf2) =	vadd.scan.msk.f32 $0xffff, v39;
	v55 =	vadd.f32 v63, v45;
	v56 =	vmul.f32 v49, v17;
	v57 =	vmul.f32 v49, v25  }
0x29a: {  	(xrf2) =	vadd.scan.msk.f32 $0xffff, v38;
	v59 =	vmul.f32 v52, v10;
	v58 =	vadd.f32 v54, v58;
	v46 =	vadd.f32 v46, v50  }
0x29b: {  	(xrf2) =	vadd.scan.msk.f32 $0xffff, v37;
	v60 =	vmul.f32 v52, v18;
	v36 =	vmul.f32 v52, v26;
	v34 =	vadd.f32 v56, v62  }
0x29c: {  	(xrf2) =	vadd.scan.msk.f32 $0xffff, v41;
	v35 =	vadd.f32 v57, v55;
	v61 =	vadd.f32 v59, v58;
	v62 =	vmul.f32 v46, v11  }
0x29d: {  	v40 =	vadd.f32 v42, v40;
	v34 =	vadd.f32 v60, v34;
	v63 =	vmul.f32 v46, v19  }
0x29e: {  	(xrf2) =	vadd.scan.msk.f32 $0xffff, v43;
	v35 =	vadd.f32 v36, v35;
	v42 =	vmul.f32 v46, v27;
	v41 =	vadd.f32 v62, v61  }
0x29f: {  	(xrf2) =	vadd.scan.msk.f32 $0xffff, v40;
	v34 =	vadd.f32 v63, v34  }
0x2a0: {  	v43, _, _ =	vpop (xrf2);
	v35 =	vadd.f32 v42, v35;
	(xrf2) =	vadd.scan.msk.f32 $0xffff, v41  }
0x2a1: {  	s0 =	sand.u32 $0xC, s16;
	v44, _, _ =	vpop (xrf2);
	(xrf2) =	vadd.scan.msk.f32 $0xffff, v34  }
0x2a2: {  	s5 =	sor.u32 $0x1, s0;
	v45, _, _ =	vpop (xrf2);
	(xrf2) =	vadd.scan.msk.f32 $0xffff, v35  }
0x2a3: {  	v51 =	vmov s5;
	v47, _, _ =	vpop (xrf2)  }
0x2a4: {  	s28 =	sor.u32 $0x2, s0;
	vm2 =	veq.s32 v51, v1;
	v48, _, _ =	vpop (xrf2)  }
0x2a5: {  	v50 =	vbroadcast v45, $0xF;
	v53 =	vbroadcast v47, $0xF;
	v55 =	vmov s28;
	v49, _, _ =	vpop (xrf2)  }
0x2a6: {  	s28 =	sor.u32 $0x3, s0;
	v37 =	vbroadcast v48, $0xF;
	v46 =	vmov s0;
	v36 =	vbroadcast v43, $0xF;
	v52, _, _ =	vpop (xrf2)  }
0x2a7: {  	v60 =	vmov s28;
	vm1 =	veq.s32 v46, v1;
	v39 =	vbroadcast v52, $0xF  }
0x2a8: {  	v54, _, _ =	vpop (xrf2);
	v33 =	vsel vm1, v36, v33;
	v36 =	vbroadcast v49, $0xF;
	v34 =	vbroadcast v44, $0xF  }
0x2a9: {  	v56, _, _ =	vpop (xrf2);
	v31 =	vsel vm1, v50, v31;
	v59 =	vbroadcast v54, $0xF;
	v33 =	vsel vm2, v53, v33  }
0x2aa: {  	s16 =	sadd.s32 $0x4, s16;
	v62 =	vbroadcast v56, $0xF;
	v31 =	vsel vm2, v36, v31;
	v32 =	vsel vm1, v34, v32;
	v57, _, _ =	vpop (xrf2)  }
0x2ab: {  	p1 =	sne.s32 s16, $0x80;
	vm1 =	veq.s32 v55, v1;
	v32 =	vsel vm2, v37, v32;
	v58, _, _ =	vpop (xrf2);
	v34 =	vbroadcast v57, $0xF  }
.Ltmp4:
0x2ac: {  	v33 =	vsel vm1, v39, v33;
	vm2 =	veq.s32 v60, v1;
	v61, _, _ =	vpop (xrf2);
	v35 =	vbroadcast v58, $0xF;
	(pc) =	sbr.rel @p1 .LBB2_10-.Ltmp4, $4  }
0x2ad: {  	p0 =	sne.s32 s0, $0xC;
	v32 =	vsel vm1, v59, v32;
	v33 =	vsel vm2, v34, v33;
	v63 =	vbroadcast v61, $0xF  }
0x2ae: {  	v31 =	vsel vm1, v62, v31;
	v32 =	vsel vm2, v35, v32;
	[tilespmem:s18+$0xFFFFFC00] =	vst @!p0 v33  }
0x2af: {  	v31 =	vsel vm2, v63, v31;
	[tilespmem:s18+$0xFFFFFE00] =	vst @!p0 v32  }
0x2b0: {  	s20 =	sadd.s32 $0x200, s20;
	s22 =	sadd.s32 $0x200, s22;
	v33 =	vpsel !p0, $0x0, v33;
	v32 =	vpsel !p0, $0x0, v32;
	[tilespmem:s18+$0x0] =	vst @!p0 v31;
	v31 =	vpsel !p0, $0x0, v31;
	s18 =	sadd.s32 $0x4, s18  }
0x2b1: {  	s13 =	sadd.s32 $0x1, s13  }
0x2b2: {  	p0 =	sne.s32 s13, s9  }
.Ltmp5:
0x2b3: {  	_ = 	snop;
	(pc) =	sbr.rel @p0 .LBB2_1-.Ltmp5, $4  }
0x2b4: {  	[hbm4b:s8+s10] =	stream.strided.scatter [tilespmem:s2], [sflag:$0x5], $0x600, s11, s10, $0x38;
	[tilespmem:$0x11190] =	vst v63  }
0x2b5: {  	_ =	swait.ge [sflag:s12], $0x600  }
0x2b6: {  	[sflag:s12] =	ssyncset.done $0x0  }
0x2b7: {  	[sflag:s12] =	ssyncadd.s32 $0xFFFFFA00  }
0x2b8: {  	_ =	sfence.sel $0x180000  }
0x2b9: {  	[bflag:$0x0] =	sbarrier.arrive $0xFFFF  }
0x2ba: {  	_ =	strace $0x90000047  }
0x2bb: {  	s0 =	stileid.u32;
	[bflag:$0x2] =	sbarrier.arrive $0xFFFF  }
0x2bc: {  	p0 =	sne.s32 s0, $0x0;
	s0 =	rddreg [dreg:$0x4]  }
0x2bd: {  	s0 =	sadd.s32 @!p0 $0x100000, s0  }
0x2be: {  	[sflag:s0] =	ssyncadd.tile.s32 @!p0 $0x1;
	_ =	shalt  }
.Lfunc_end2:
_tile_overlayer_lowered:
.L_overlay_start_2:
0x2bf: {  	(tag) =	ssettag $0x2  }
0x2c0: {  	s0 =	rddreg [dreg:$0x0];
	s2 =	stileid.u32  }
0x2c1: {  	s1 =	rddreg [dreg:$0x1];
	p0 =	sne.s32 s2, $0x0  }
0x2c2: {  	s3 =	rddreg [dreg:$0x2];
	[bflag:$0x3] =	sbarrier.arrive $0xFFFF;
	s2 =	simm.s32 @!p0 $0x1C05  }
0x2c3: {  	[timem:s3], [sflag:s2] =	dma.local @!p0 [hbm:s0], s1  }
0x2c4: {  	s0 =	simm.s32 @!p0 $0x5  }
0x2c5: {  	_ =	swait.ge @!p0 [sflag:s0], s1  }
0x2c6: {  	s1 =	ssub.s32 @!p0 $0x0, s1;
	[sflag:s0] =	ssyncset.done @!p0 $0x0  }
0x2c7: {  	[sflag:s0] =	ssyncadd.s32 @!p0 s1  }
0x2c8: {  	[bflag:$0x3] =	sbarrier.arrive $0xFFFF  }
0x2c9: {  	_ =	shalt  }

</sc_bundles>
